<compile_context>
chip_gen: v7x
topology: tpu7x:2x2x1
jax: 0.10.2.dev20260603
libtpu: 0.0.44.dev20260713+nightly
codegen_flags: <defaults>
</compile_context>

<pallas_src>
import jax
import jax.numpy as jnp
from jax import lax
from jax.experimental import pallas as pl
from jax.experimental.pallas import tpu as pltpu
from jax.experimental.pallas import tpu_sc as plsc

N = 10000
E = 160000
D = 256
DH = 128
K = 128
NTILES = 16
NCH = 80
EPT = NCH * K
E_PAD = NTILES * EPT
E_ALLOC = E_PAD + 2 * K
NCH_ALL = E_ALLOC // K
N_ACC = 10240
ROWS_PER_TILE = N_ACC // NTILES
HSEG = ROWS_PER_TILE // 2


def _make_sc_agg(with_deg):
    def body(*refs):
        if with_deg:
            (table, ei, zrows, out_sum, out_deg, out_stage,
             acc_sp, ei_a, ei_b, idx2_a, idx2_b, dsts_a, dsts_b,
             rows_a, rows_b, deg_loc, deg640, tmp640,
             semg_a, semg_b, sems_a, sems_b, semi_a, semi_b) = refs
        else:
            (table, ei, zrows, out_sum,
             acc_sp, ei_a, ei_b, idx2_a, idx2_b, dsts_a, dsts_b,
             rows_a, rows_b,
             semg_a, semg_b, sems_a, sems_b, semi_a, semi_b) = refs

        c = lax.axis_index("c")
        s = lax.axis_index("s")
        zero16 = jnp.zeros((16,), jnp.float32)
        ones16 = jnp.ones((16,), jnp.float32)
        trash16 = jnp.full((16,), N, jnp.int32)

        def compute_idx2(eib, idx2b):
            for i in range(K // 16):
                sl = pl.ds(i * 16, 16)
                idx2b[sl] = eib[0, sl] * 2 + c

        def copy_dst(eib, dstsb):
            for i in range(K // 16):
                sl = pl.ds(i * 16, 16)
                dstsb[0, sl] = eib[1, sl]

        def start_gather(idx2b, rowsb, sem):
            pltpu.async_copy(table.at[idx2b], rowsb, sem)

        def wait_gather(idx2b, rowsb, sem):
            pltpu.make_async_copy(table.at[idx2b], rowsb, sem).wait()

        def start_scatter(rowsb, dstsb, sem):
            pltpu.async_copy(rowsb, acc_sp.at[dstsb.at[0]], sem, add=True)

        def wait_scatter(rowsb, dstsb, sem):
            pltpu.make_async_copy(rowsb, acc_sp.at[dstsb.at[0]], sem).wait()

        def start_ei(g, eib, sem):
            pltpu.async_copy(ei.at[g], eib, sem)

        def wait_ei(g, eib, sem):
            pltpu.make_async_copy(ei.at[g], eib, sem).wait()

        def deg_add(dstsb):
            if with_deg:
                for i in range(K // 16):
                    sl = pl.ds(i * 16, 16)
                    plsc.addupdate_scatter(deg_loc, [dstsb[0, sl]], ones16)

        r0 = pl.multiple_of(s * ROWS_PER_TILE, ROWS_PER_TILE)
        co = pl.multiple_of(c * DH, DH)
        pltpu.sync_copy(zrows, rows_a)
        for k in range(ROWS_PER_TILE // K):
            pltpu.sync_copy(rows_a, acc_sp.at[pl.ds(r0 + k * K, K), :])
        if with_deg:
            def zbody(i, carry):
                deg_loc[pl.ds(i * 16, 16)] = zero16
                return carry

            lax.fori_loop(0, N_ACC // 16, zbody, 0)

        plsc.subcore_barrier()

        base_ch = s * NCH

        for i in range(K // 16):
            dsts_b[0, pl.ds(i * 16, 16)] = trash16
        start_scatter(rows_b, dsts_b, sems_b)
        pltpu.sync_copy(ei.at[base_ch], ei_a)
        compute_idx2(ei_a, idx2_a)
        copy_dst(ei_a, dsts_a)
        start_gather(idx2_a, rows_a, semg_a)
        start_ei(base_ch + 1, ei_b, semi_b)

        def pair(j, carry):
            a = base_ch + 2 * j
            b = a + 1
            wait_ei(b, ei_b, semi_b)
            compute_idx2(ei_b, idx2_b)
            wait_scatter(rows_b, dsts_b, sems_b)
            copy_dst(ei_b, dsts_b)
            start_gather(idx2_b, rows_b, semg_b)
            start_ei(a + 2, ei_a, semi_a)
            wait_gather(idx2_a, rows_a, semg_a)
            start_scatter(rows_a, dsts_a, sems_a)
            deg_add(dsts_a)
            wait_ei(a + 2, ei_a, semi_a)
            compute_idx2(ei_a, idx2_a)
            wait_scatter(rows_a, dsts_a, sems_a)
            copy_dst(ei_a, dsts_a)
            start_gather(idx2_a, rows_a, semg_a)
            start_ei(b + 2, ei_b, semi_b)
            wait_gather(idx2_b, rows_b, semg_b)
            start_scatter(rows_b, dsts_b, sems_b)
            deg_add(dsts_b)
            return carry

        lax.fori_loop(0, NCH // 2, pair, 0)

        wait_scatter(rows_b, dsts_b, sems_b)
        wait_gather(idx2_a, rows_a, semg_a)
        wait_ei(base_ch + NCH + 1, ei_b, semi_b)

        if with_deg:
            so = pl.multiple_of((c * NTILES + s) * N_ACC, N_ACC)
            pltpu.sync_copy(deg_loc, out_stage.at[pl.ds(so, N_ACC)])
            plsc.subcore_barrier()

            def z640(i, carry):
                deg640[pl.ds(i * 16, 16)] = zero16
                return carry

            lax.fori_loop(0, ROWS_PER_TILE // 16, z640, 0)
            for t in range(NTILES):
                to = pl.multiple_of((c * NTILES + t) * N_ACC + r0,
                                    ROWS_PER_TILE)
                pltpu.sync_copy(out_stage.at[pl.ds(to, ROWS_PER_TILE)],
                                tmp640)

                def a640(i, carry):
                    sl = pl.ds(i * 16, 16)
                    deg640[sl] = deg640[sl] + tmp640[sl]
                    return carry

                lax.fori_loop(0, ROWS_PER_TILE // 16, a640, 0)
            o0 = pl.multiple_of(s * ROWS_PER_TILE + c * HSEG, HSEG)
            pltpu.sync_copy(deg640.at[pl.ds(c * HSEG, HSEG)],
                            out_deg.at[pl.ds(o0, HSEG)])

        plsc.subcore_barrier()

        for k in range(ROWS_PER_TILE // K):
            rr = r0 + k * K
            pltpu.sync_copy(acc_sp.at[pl.ds(rr, K), :], rows_a)
            pltpu.sync_copy(rows_a, out_sum.at[pl.ds(rr, K), pl.ds(co, DH)])

    if with_deg:
        out_type = (jax.ShapeDtypeStruct((N_ACC, D), jnp.float32),
                    jax.ShapeDtypeStruct((N_ACC,), jnp.float32),
                    jax.ShapeDtypeStruct((2 * NTILES * N_ACC,), jnp.float32))
    else:
        out_type = jax.ShapeDtypeStruct((N_ACC, D), jnp.float32)
    scratch = [
        pltpu.VMEM_SHARED((N_ACC, DH), jnp.float32),
        pltpu.VMEM((2, K), jnp.int32),
        pltpu.VMEM((2, K), jnp.int32),
        pltpu.VMEM((K,), jnp.int32),
        pltpu.VMEM((K,), jnp.int32),
        pltpu.VMEM((1, K), jnp.int32),
        pltpu.VMEM((1, K), jnp.int32),
        pltpu.VMEM((K, DH), jnp.float32),
        pltpu.VMEM((K, DH), jnp.float32),
    ]
    if with_deg:
        scratch.append(pltpu.VMEM((N_ACC,), jnp.float32))
        scratch.append(pltpu.VMEM((ROWS_PER_TILE,), jnp.float32))
        scratch.append(pltpu.VMEM((ROWS_PER_TILE,), jnp.float32))
    scratch += [pltpu.SemaphoreType.DMA] * 6
    return pl.kernel(
        body,
        out_type=out_type,
        mesh=plsc.VectorSubcoreMesh(core_axis_name="c", subcore_axis_name="s"),
        scratch_types=scratch,
        compiler_params=pltpu.CompilerParams(needs_layout_passes=False),
    )


_sc_agg_deg = _make_sc_agg(with_deg=True)
_sc_agg = _make_sc_agg(with_deg=False)


BLK = 1000


def _tc1_body(deg_ref, s_ref, x_ref, wl_ref, wr_ref, bl_ref, o_ref):
    r = 1.0 / jnp.maximum(deg_ref[...], 1.0)
    mean = s_ref[...] * r
    acc = lax.dot_general(mean, wl_ref[...], (((1,), (1,)), ((), ())),
                          preferred_element_type=jnp.float32)
    acc = acc + lax.dot_general(x_ref[...], wr_ref[...], (((1,), (1,)), ((), ())),
                                preferred_element_type=jnp.float32)
    o_ref[...] = jnp.maximum(acc + bl_ref[...], 0.0)


def _tc2_body(deg_ref, s_ref, x1_ref, wl_ref, wr_ref, bl_ref, wlin_ref,
              blin_ref, o_ref):
    r = 1.0 / jnp.maximum(deg_ref[...], 1.0)
    mean = s_ref[...] * r
    acc = lax.dot_general(mean, wl_ref[...], (((1,), (1,)), ((), ())),
                          preferred_element_type=jnp.float32)
    acc = acc + lax.dot_general(x1_ref[...], wr_ref[...], (((1,), (1,)), ((), ())),
                                preferred_element_type=jnp.float32)
    x2 = jnp.maximum(acc + bl_ref[...], 0.0)
    z = lax.dot_general(x1_ref[...], wlin_ref[:, :D], (((1,), (1,)), ((), ())),
                        preferred_element_type=jnp.float32)
    z = z + lax.dot_general(x2, wlin_ref[:, D:], (((1,), (1,)), ((), ())),
                            preferred_element_type=jnp.float32)
    o_ref[...] = jax.nn.sigmoid(z + blin_ref[...])


def _tc_layer1(deg16, s, x, Wl, Wr, bl):
    return pl.pallas_call(
        _tc1_body,
        grid=(N // BLK,),
        in_specs=[
            pl.BlockSpec((BLK, 1), lambda i: (i, 0)),
            pl.BlockSpec((BLK, D), lambda i: (i, 0)),
            pl.BlockSpec((BLK, D), lambda i: (i, 0)),
            pl.BlockSpec((D, D), lambda i: (0, 0)),
            pl.BlockSpec((D, D), lambda i: (0, 0)),
            pl.BlockSpec((1, D), lambda i: (0, 0)),
        ],
        out_specs=pl.BlockSpec((BLK, D), lambda i: (i, 0)),
        out_shape=jax.ShapeDtypeStruct((N, D), jnp.float32),
    )(deg16, s, x, Wl, Wr, bl)


def _tc_layer2(deg16, s, x1, Wl, Wr, bl, Wlin, blin):
    return pl.pallas_call(
        _tc2_body,
        grid=(N // BLK,),
        in_specs=[
            pl.BlockSpec((BLK, 1), lambda i: (i, 0)),
            pl.BlockSpec((BLK, D), lambda i: (i, 0)),
            pl.BlockSpec((BLK, D), lambda i: (i, 0)),
            pl.BlockSpec((D, D), lambda i: (0, 0)),
            pl.BlockSpec((D, D), lambda i: (0, 0)),
            pl.BlockSpec((1, D), lambda i: (0, 0)),
            pl.BlockSpec((1, 2 * D), lambda i: (0, 0)),
            pl.BlockSpec((1, 1), lambda i: (0, 0)),
        ],
        out_specs=pl.BlockSpec((BLK, 1), lambda i: (i, 0)),
        out_shape=jax.ShapeDtypeStruct((N, 1), jnp.float32),
    )(deg16, s, x1, Wl, Wr, bl, Wlin, blin)


def kernel(x, edge_index, Wl1, bl1, Wr1, Wl2, bl2, Wr2, Wlin, blin):
    src = edge_index[0].astype(jnp.int32)
    dst = edge_index[1].astype(jnp.int32)
    pad = E_ALLOC - E
    srcp = jnp.concatenate([src, jnp.zeros((pad,), jnp.int32)])
    dstp = jnp.concatenate([dst, jnp.full((pad,), N, jnp.int32)])
    ei = jnp.stack([srcp.reshape(NCH_ALL, K), dstp.reshape(NCH_ALL, K)],
                   axis=1)
    zrows = jnp.zeros((K, DH), jnp.float32)

    bl1r = bl1.reshape(1, D)
    bl2r = bl2.reshape(1, D)
    blinr = blin.reshape(1, 1)

    sum1, deg, _stage = _sc_agg_deg(x.reshape(2 * N, DH), ei, zrows)
    degc = deg.reshape(N_ACC, 1)
    x1 = _tc_layer1(degc, sum1, x, Wl1, Wr1, bl1r)
    sum2 = _sc_agg(x1.reshape(2 * N, DH), ei, zrows)
    return _tc_layer2(degc, sum2, x1, Wl2, Wr2, bl2r, Wlin, blinr)

# --- scband reference (transcript-rebuilt; emitter-appended) ---
"""Pipeline reference for scband-filter-85933705658671 (READ-ONLY COPY).

The authoritative reference and input builder live on the scoring server;
editing this copy changes nothing except your own understanding.
"""

import jax, jax.numpy as jnp
import numpy as np

N_NODES = 10000
N_EDGES = 160000
D_IN = 256
D_HID = 256
D_OUT = 1


def setup_inputs(seed: int = 0) -> dict:
    key = jax.random.key(seed)
    ks = jax.random.split(key, 10)
    x = jax.random.normal(ks[0], (N_NODES, D_IN), dtype=jnp.float32)
    edge_index = jax.random.randint(ks[1], (2, N_EDGES), 0, N_NODES, dtype=jnp.int64)
    # SAGEConv1 params: lin_l (with bias) applied to aggregated neighbors, lin_r (no bias) applied to root
    Wl1 = jax.random.normal(ks[2], (D_HID, D_IN), dtype=jnp.float32) * 0.05
    bl1 = jnp.zeros((D_HID,), dtype=jnp.float32)
    Wr1 = jax.random.normal(ks[3], (D_HID, D_IN), dtype=jnp.float32) * 0.05
    # SAGEConv2 params
    Wl2 = jax.random.normal(ks[4], (D_HID, D_HID), dtype=jnp.float32) * 0.05
    bl2 = jnp.zeros((D_HID,), dtype=jnp.float32)
    Wr2 = jax.random.normal(ks[5], (D_HID, D_HID), dtype=jnp.float32) * 0.05
    # final linear: in=2*hidden, out=1, weights uniform(-1,1) as in the torch code
    Wlin = jax.random.uniform(ks[6], (D_OUT, 2 * D_HID), dtype=jnp.float32, minval=-1.0, maxval=1.0)
    blin = jnp.zeros((D_OUT,), dtype=jnp.float32)
    return {"x": x, "edge_index": edge_index, "Wl1": Wl1, "bl1": bl1, "Wr1": Wr1,
            "Wl2": Wl2, "bl2": bl2, "Wr2": Wr2, "Wlin": Wlin, "blin": blin}


def _sage_conv(x, edge_index, Wl, bl, Wr):
    # PyG SAGEConv (aggr='mean'): out = lin_l(mean_{j in N(i)} x_j) + lin_r(x_i)
    src = edge_index[0]
    dst = edge_index[1]
    n = x.shape[0]
    msg = x[src]
    summed = jax.ops.segment_sum(msg, dst, num_segments=n)
    deg = jax.ops.segment_sum(jnp.ones((edge_index.shape[1],), x.dtype), dst, num_segments=n)
    mean = summed / jnp.maximum(deg, 1.0)[:, None]
    return mean @ Wl.T + bl + x @ Wr.T


def reference(x, edge_index, Wl1, bl1, Wr1, Wl2, bl2, Wr2, Wlin, blin):
    temperature = 1.0
    x1 = jax.nn.relu(_sage_conv(x, edge_index, Wl1, bl1, Wr1))
    # dropout is identity in eval/reference mode
    x2 = jax.nn.relu(_sage_conv(x1, edge_index, Wl2, bl2, Wr2))
    h = jnp.concatenate([x1, x2], axis=-1)
    out = h @ Wlin.T + blin
    return jax.nn.sigmoid(out / temperature)

if __name__ == "__main__":
    import jax
    _d = setup_inputs()
    print(jax.jit(kernel)(*tuple(_d.values())))

</pallas_src>

<mosaic_0001>
#map = affine_map<(d0, d1) -> (0, 0)>
#map1 = affine_map<(d0, d1) -> (0, 0, 0)>
module attributes {stable_mosaic.version = 14 : i64} {
  func.func @body(%arg0: i32, %arg1: i32, %arg2: memref<20000x128xf32, #tpu.memory_space<hbm>>, %arg3: memref<1282x2x128xi32, #tpu.memory_space<hbm>>, %arg4: memref<128x128xf32, #tpu.memory_space<hbm>>, %arg5: memref<10240x256xf32, #tpu.memory_space<hbm>>, %arg6: memref<10240x128xf32, #tpu.memory_space<vmem_shared>>, %arg7: memref<2x128xi32, #tpu.memory_space<vmem>>, %arg8: memref<2x128xi32, #tpu.memory_space<vmem>>, %arg9: memref<128xi32, #tpu.memory_space<vmem>>, %arg10: memref<128xi32, #tpu.memory_space<vmem>>, %arg11: memref<1x128xi32, #tpu.memory_space<vmem>>, %arg12: memref<1x128xi32, #tpu.memory_space<vmem>>, %arg13: memref<128x128xf32, #tpu.memory_space<vmem>>, %arg14: memref<128x128xf32, #tpu.memory_space<vmem>>, %arg15: memref<!tpu.dma_semaphore, #tpu.memory_space<semaphore_mem>>, %arg16: memref<!tpu.dma_semaphore, #tpu.memory_space<semaphore_mem>>, %arg17: memref<!tpu.dma_semaphore, #tpu.memory_space<semaphore_mem>>, %arg18: memref<!tpu.dma_semaphore, #tpu.memory_space<semaphore_mem>>, %arg19: memref<!tpu.dma_semaphore, #tpu.memory_space<semaphore_mem>>, %arg20: memref<!tpu.dma_semaphore, #tpu.memory_space<semaphore_mem>>) attributes {dimension_semantics = [#tpu.dimension_semantics<core_parallel>, #tpu.dimension_semantics<subcore_parallel>], iteration_bounds = array<i64: 2, 16>, scalar_prefetch = 0 : i64, scratch_operands = 15 : i64, tpu.core_type = #tpu.core_type<sc_vector_subcore>, window_params = [{transform_indices = #map}, {transform_indices = #map1}, {transform_indices = #map}, {transform_indices = #map}]} {
    %broadcast_in_dim3A = arith.constant 0.000000e+00 : f32
    %broadcast_in_dim3A_0 = vector.broadcast %broadcast_in_dim3A : f32 to vector<16xf32>
    %broadcast_in_dim3A_1 = arith.constant 1.000000e+00 : f32
    %broadcast_in_dim3A_2 = vector.broadcast %broadcast_in_dim3A_1 : f32 to vector<16xf32>
    %broadcast_in_dim3A_3 = arith.constant 10000 : i32
    %broadcast_in_dim3A_4 = vector.broadcast %broadcast_in_dim3A_3 : i32 to vector<16xi32>
    %mul3A = arith.constant 640 : i32
    %mul3A_5 = arith.muli %arg1, %mul3A : i32
    %multiple_of3A = tpu.assume_multiple %mul3A_5, 640 : i32
    %mul3A_6 = arith.constant 128 : i32
    %mul3A_7 = arith.muli %arg0, %mul3A_6 : i32
    %multiple_of3A_8 = tpu.assume_multiple %mul3A_7, 128 : i32
    "tpu.region"() ({
      %run_scoped3A = tpu.sem_alloc : memref<!tpu.dma_semaphore, #tpu.memory_space<semaphore_mem>>
      tpu.enqueue_dma source(%arg4 : memref<128x128xf32, #tpu.memory_space<hbm>>) target(%arg13 : memref<128x128xf32, #tpu.memory_space<vmem>>) target_semaphore(%run_scoped3A : memref<!tpu.dma_semaphore, #tpu.memory_space<semaphore_mem>>)
      tpu.wait_dma2 semaphore(%run_scoped3A : memref<!tpu.dma_semaphore, #tpu.memory_space<semaphore_mem>>) src(%arg4 : memref<128x128xf32, #tpu.memory_space<hbm>>) dst(%arg13 : memref<128x128xf32, #tpu.memory_space<vmem>>)
      tpu.yield
    }) : () -> ()
    %add3A = arith.constant 0 : i32
    %add3A_9 = arith.addi %multiple_of3A, %add3A : i32
    "tpu.region"() ({
      %run_scoped3A = tpu.sem_alloc : memref<!tpu.dma_semaphore, #tpu.memory_space<semaphore_mem>>
      %dma_start3A_258 = arith.constant 0 : i32
      %dma_start3A_259 = tpu.memref_slice %arg6[%add3A_9, %dma_start3A_258] : memref<10240x128xf32, #tpu.memory_space<vmem_shared>> -> memref<128x128xf32, #tpu.memory_space<vmem_shared>>
      %dma_start3A_260 = arith.constant 0 : i32
      %dma_start3A_261 = tpu.memref_slice %arg6[%add3A_9, %dma_start3A_260] : memref<10240x128xf32, #tpu.memory_space<vmem_shared>> -> memref<128x128xf32, #tpu.memory_space<vmem_shared>>
      tpu.enqueue_dma source(%arg13 : memref<128x128xf32, #tpu.memory_space<vmem>>) target(%dma_start3A_261 : memref<128x128xf32, #tpu.memory_space<vmem_shared>>) target_semaphore(%run_scoped3A : memref<!tpu.dma_semaphore, #tpu.memory_space<semaphore_mem>>)
      %dma_wait3A_262 = arith.constant 0 : i32
      %dma_wait3A_263 = tpu.memref_slice %arg6[%add3A_9, %dma_wait3A_262] : memref<10240x128xf32, #tpu.memory_space<vmem_shared>> -> memref<128x128xf32, #tpu.memory_space<vmem_shared>>
      %dma_wait3A_264 = arith.constant 0 : i32
      %dma_wait3A_265 = tpu.memref_slice %arg6[%add3A_9, %dma_wait3A_264] : memref<10240x128xf32, #tpu.memory_space<vmem_shared>> -> memref<128x128xf32, #tpu.memory_space<vmem_shared>>
      tpu.wait_dma2 semaphore(%run_scoped3A : memref<!tpu.dma_semaphore, #tpu.memory_space<semaphore_mem>>) src(%arg13 : memref<128x128xf32, #tpu.memory_space<vmem>>) dst(%dma_wait3A_265 : memref<128x128xf32, #tpu.memory_space<vmem_shared>>)
      tpu.yield
    }) : () -> ()
    %add3A_10 = arith.constant 128 : i32
    %add3A_11 = arith.addi %multiple_of3A, %add3A_10 : i32
    "tpu.region"() ({
      %run_scoped3A = tpu.sem_alloc : memref<!tpu.dma_semaphore, #tpu.memory_space<semaphore_mem>>
      %dma_start3A_258 = arith.constant 0 : i32
      %dma_start3A_259 = tpu.memref_slice %arg6[%add3A_11, %dma_start3A_258] : memref<10240x128xf32, #tpu.memory_space<vmem_shared>> -> memref<128x128xf32, #tpu.memory_space<vmem_shared>>
      %dma_start3A_260 = arith.constant 0 : i32
      %dma_start3A_261 = tpu.memref_slice %arg6[%add3A_11, %dma_start3A_260] : memref<10240x128xf32, #tpu.memory_space<vmem_shared>> -> memref<128x128xf32, #tpu.memory_space<vmem_shared>>
      tpu.enqueue_dma source(%arg13 : memref<128x128xf32, #tpu.memory_space<vmem>>) target(%dma_start3A_261 : memref<128x128xf32, #tpu.memory_space<vmem_shared>>) target_semaphore(%run_scoped3A : memref<!tpu.dma_semaphore, #tpu.memory_space<semaphore_mem>>)
      %dma_wait3A_262 = arith.constant 0 : i32
      %dma_wait3A_263 = tpu.memref_slice %arg6[%add3A_11, %dma_wait3A_262] : memref<10240x128xf32, #tpu.memory_space<vmem_shared>> -> memref<128x128xf32, #tpu.memory_space<vmem_shared>>
      %dma_wait3A_264 = arith.constant 0 : i32
      %dma_wait3A_265 = tpu.memref_slice %arg6[%add3A_11, %dma_wait3A_264] : memref<10240x128xf32, #tpu.memory_space<vmem_shared>> -> memref<128x128xf32, #tpu.memory_space<vmem_shared>>
      tpu.wait_dma2 semaphore(%run_scoped3A : memref<!tpu.dma_semaphore, #tpu.memory_space<semaphore_mem>>) src(%arg13 : memref<128x128xf32, #tpu.memory_space<vmem>>) dst(%dma_wait3A_265 : memref<128x128xf32, #tpu.memory_space<vmem_shared>>)
      tpu.yield
    }) : () -> ()
    %add3A_12 = arith.constant 256 : i32
    %add3A_13 = arith.addi %multiple_of3A, %add3A_12 : i32
    "tpu.region"() ({
      %run_scoped3A = tpu.sem_alloc : memref<!tpu.dma_semaphore, #tpu.memory_space<semaphore_mem>>
      %dma_start3A_258 = arith.constant 0 : i32
      %dma_start3A_259 = tpu.memref_slice %arg6[%add3A_13, %dma_start3A_258] : memref<10240x128xf32, #tpu.memory_space<vmem_shared>> -> memref<128x128xf32, #tpu.memory_space<vmem_shared>>
      %dma_start3A_260 = arith.constant 0 : i32
      %dma_start3A_261 = tpu.memref_slice %arg6[%add3A_13, %dma_start3A_260] : memref<10240x128xf32, #tpu.memory_space<vmem_shared>> -> memref<128x128xf32, #tpu.memory_space<vmem_shared>>
      tpu.enqueue_dma source(%arg13 : memref<128x128xf32, #tpu.memory_space<vmem>>) target(%dma_start3A_261 : memref<128x128xf32, #tpu.memory_space<vmem_shared>>) target_semaphore(%run_scoped3A : memref<!tpu.dma_semaphore, #tpu.memory_space<semaphore_mem>>)
      %dma_wait3A_262 = arith.constant 0 : i32
      %dma_wait3A_263 = tpu.memref_slice %arg6[%add3A_13, %dma_wait3A_262] : memref<10240x128xf32, #tpu.memory_space<vmem_shared>> -> memref<128x128xf32, #tpu.memory_space<vmem_shared>>
      %dma_wait3A_264 = arith.constant 0 : i32
      %dma_wait3A_265 = tpu.memref_slice %arg6[%add3A_13, %dma_wait3A_264] : memref<10240x128xf32, #tpu.memory_space<vmem_shared>> -> memref<128x128xf32, #tpu.memory_space<vmem_shared>>
      tpu.wait_dma2 semaphore(%run_scoped3A : memref<!tpu.dma_semaphore, #tpu.memory_space<semaphore_mem>>) src(%arg13 : memref<128x128xf32, #tpu.memory_space<vmem>>) dst(%dma_wait3A_265 : memref<128x128xf32, #tpu.memory_space<vmem_shared>>)
      tpu.yield
    }) : () -> ()
    %add3A_14 = arith.constant 384 : i32
    %add3A_15 = arith.addi %multiple_of3A, %add3A_14 : i32
    "tpu.region"() ({
      %run_scoped3A = tpu.sem_alloc : memref<!tpu.dma_semaphore, #tpu.memory_space<semaphore_mem>>
      %dma_start3A_258 = arith.constant 0 : i32
      %dma_start3A_259 = tpu.memref_slice %arg6[%add3A_15, %dma_start3A_258] : memref<10240x128xf32, #tpu.memory_space<vmem_shared>> -> memref<128x128xf32, #tpu.memory_space<vmem_shared>>
      %dma_start3A_260 = arith.constant 0 : i32
      %dma_start3A_261 = tpu.memref_slice %arg6[%add3A_15, %dma_start3A_260] : memref<10240x128xf32, #tpu.memory_space<vmem_shared>> -> memref<128x128xf32, #tpu.memory_space<vmem_shared>>
      tpu.enqueue_dma source(%arg13 : memref<128x128xf32, #tpu.memory_space<vmem>>) target(%dma_start3A_261 : memref<128x128xf32, #tpu.memory_space<vmem_shared>>) target_semaphore(%run_scoped3A : memref<!tpu.dma_semaphore, #tpu.memory_space<semaphore_mem>>)
      %dma_wait3A_262 = arith.constant 0 : i32
      %dma_wait3A_263 = tpu.memref_slice %arg6[%add3A_15, %dma_wait3A_262] : memref<10240x128xf32, #tpu.memory_space<vmem_shared>> -> memref<128x128xf32, #tpu.memory_space<vmem_shared>>
      %dma_wait3A_264 = arith.constant 0 : i32
      %dma_wait3A_265 = tpu.memref_slice %arg6[%add3A_15, %dma_wait3A_264] : memref<10240x128xf32, #tpu.memory_space<vmem_shared>> -> memref<128x128xf32, #tpu.memory_space<vmem_shared>>
      tpu.wait_dma2 semaphore(%run_scoped3A : memref<!tpu.dma_semaphore, #tpu.memory_space<semaphore_mem>>) src(%arg13 : memref<128x128xf32, #tpu.memory_space<vmem>>) dst(%dma_wait3A_265 : memref<128x128xf32, #tpu.memory_space<vmem_shared>>)
      tpu.yield
    }) : () -> ()
    %add3A_16 = arith.constant 512 : i32
    %add3A_17 = arith.addi %multiple_of3A, %add3A_16 : i32
    "tpu.region"() ({
      %run_scoped3A = tpu.sem_alloc : memref<!tpu.dma_semaphore, #tpu.memory_space<semaphore_mem>>
      %dma_start3A_258 = arith.constant 0 : i32
      %dma_start3A_259 = tpu.memref_slice %arg6[%add3A_17, %dma_start3A_258] : memref<10240x128xf32, #tpu.memory_space<vmem_shared>> -> memref<128x128xf32, #tpu.memory_space<vmem_shared>>
      %dma_start3A_260 = arith.constant 0 : i32
      %dma_start3A_261 = tpu.memref_slice %arg6[%add3A_17, %dma_start3A_260] : memref<10240x128xf32, #tpu.memory_space<vmem_shared>> -> memref<128x128xf32, #tpu.memory_space<vmem_shared>>
      tpu.enqueue_dma source(%arg13 : memref<128x128xf32, #tpu.memory_space<vmem>>) target(%dma_start3A_261 : memref<128x128xf32, #tpu.memory_space<vmem_shared>>) target_semaphore(%run_scoped3A : memref<!tpu.dma_semaphore, #tpu.memory_space<semaphore_mem>>)
      %dma_wait3A_262 = arith.constant 0 : i32
      %dma_wait3A_263 = tpu.memref_slice %arg6[%add3A_17, %dma_wait3A_262] : memref<10240x128xf32, #tpu.memory_space<vmem_shared>> -> memref<128x128xf32, #tpu.memory_space<vmem_shared>>
      %dma_wait3A_264 = arith.constant 0 : i32
      %dma_wait3A_265 = tpu.memref_slice %arg6[%add3A_17, %dma_wait3A_264] : memref<10240x128xf32, #tpu.memory_space<vmem_shared>> -> memref<128x128xf32, #tpu.memory_space<vmem_shared>>
      tpu.wait_dma2 semaphore(%run_scoped3A : memref<!tpu.dma_semaphore, #tpu.memory_space<semaphore_mem>>) src(%arg13 : memref<128x128xf32, #tpu.memory_space<vmem>>) dst(%dma_wait3A_265 : memref<128x128xf32, #tpu.memory_space<vmem_shared>>)
      tpu.yield
    }) : () -> ()
    %barrier3A = arith.constant 0 : index
    tpu.barrier barrier_id(%barrier3A)
    %mul3A_18 = arith.constant 80 : i32
    %mul3A_19 = arith.muli %arg1, %mul3A_18 : i32
    %swap3A = arith.constant 0 : i32
    %swap3A_20 = arith.index_cast %swap3A : i32 to index
    %swap3A_21 = arith.constant 0 : index
    %swap3A_22 = tpu.vector_load %arg12[%swap3A_20, %swap3A_21] {strides = array<i32>} : memref<1x128xi32, #tpu.memory_space<vmem>>, vector<16xi32>,
    tpu.vector_store %arg12[%swap3A_20, %swap3A_21], %broadcast_in_dim3A_4 {strides = array<i32>} : memref<1x128xi32, #tpu.memory_space<vmem>>, vector<16xi32>,
    %swap3A_23 = arith.constant 0 : i32
    %swap3A_24 = arith.index_cast %swap3A_23 : i32 to index
    %swap3A_25 = arith.constant 16 : index
    %swap3A_26 = tpu.vector_load %arg12[%swap3A_24, %swap3A_25] {strides = array<i32>} : memref<1x128xi32, #tpu.memory_space<vmem>>, vector<16xi32>,
    tpu.vector_store %arg12[%swap3A_24, %swap3A_25], %broadcast_in_dim3A_4 {strides = array<i32>} : memref<1x128xi32, #tpu.memory_space<vmem>>, vector<16xi32>,
    %swap3A_27 = arith.constant 0 : i32
    %swap3A_28 = arith.index_cast %swap3A_27 : i32 to index
    %swap3A_29 = arith.constant 32 : index
    %swap3A_30 = tpu.vector_load %arg12[%swap3A_28, %swap3A_29] {strides = array<i32>} : memref<1x128xi32, #tpu.memory_space<vmem>>, vector<16xi32>,
    tpu.vector_store %arg12[%swap3A_28, %swap3A_29], %broadcast_in_dim3A_4 {strides = array<i32>} : memref<1x128xi32, #tpu.memory_space<vmem>>, vector<16xi32>,
    %swap3A_31 = arith.constant 0 : i32
    %swap3A_32 = arith.index_cast %swap3A_31 : i32 to index
    %swap3A_33 = arith.constant 48 : index
    %swap3A_34 = tpu.vector_load %arg12[%swap3A_32, %swap3A_33] {strides = array<i32>} : memref<1x128xi32, #tpu.memory_space<vmem>>, vector<16xi32>,
    tpu.vector_store %arg12[%swap3A_32, %swap3A_33], %broadcast_in_dim3A_4 {strides = array<i32>} : memref<1x128xi32, #tpu.memory_space<vmem>>, vector<16xi32>,
    %swap3A_35 = arith.constant 0 : i32
    %swap3A_36 = arith.index_cast %swap3A_35 : i32 to index
    %swap3A_37 = arith.constant 64 : index
    %swap3A_38 = tpu.vector_load %arg12[%swap3A_36, %swap3A_37] {strides = array<i32>} : memref<1x128xi32, #tpu.memory_space<vmem>>, vector<16xi32>,
    tpu.vector_store %arg12[%swap3A_36, %swap3A_37], %broadcast_in_dim3A_4 {strides = array<i32>} : memref<1x128xi32, #tpu.memory_space<vmem>>, vector<16xi32>,
    %swap3A_39 = arith.constant 0 : i32
    %swap3A_40 = arith.index_cast %swap3A_39 : i32 to index
    %swap3A_41 = arith.constant 80 : index
    %swap3A_42 = tpu.vector_load %arg12[%swap3A_40, %swap3A_41] {strides = array<i32>} : memref<1x128xi32, #tpu.memory_space<vmem>>, vector<16xi32>,
    tpu.vector_store %arg12[%swap3A_40, %swap3A_41], %broadcast_in_dim3A_4 {strides = array<i32>} : memref<1x128xi32, #tpu.memory_space<vmem>>, vector<16xi32>,
    %swap3A_43 = arith.constant 0 : i32
    %swap3A_44 = arith.index_cast %swap3A_43 : i32 to index
    %swap3A_45 = arith.constant 96 : index
    %swap3A_46 = tpu.vector_load %arg12[%swap3A_44, %swap3A_45] {strides = array<i32>} : memref<1x128xi32, #tpu.memory_space<vmem>>, vector<16xi32>,
    tpu.vector_store %arg12[%swap3A_44, %swap3A_45], %broadcast_in_dim3A_4 {strides = array<i32>} : memref<1x128xi32, #tpu.memory_space<vmem>>, vector<16xi32>,
    %swap3A_47 = arith.constant 0 : i32
    %swap3A_48 = arith.index_cast %swap3A_47 : i32 to index
    %swap3A_49 = arith.constant 112 : index
    %swap3A_50 = tpu.vector_load %arg12[%swap3A_48, %swap3A_49] {strides = array<i32>} : memref<1x128xi32, #tpu.memory_space<vmem>>, vector<16xi32>,
    tpu.vector_store %arg12[%swap3A_48, %swap3A_49], %broadcast_in_dim3A_4 {strides = array<i32>} : memref<1x128xi32, #tpu.memory_space<vmem>>, vector<16xi32>,
    %dma_start3A = arith.constant 0 : i32
    %dma_start3A_51 = arith.constant 0 : i32
    %dma_start3A_52 = tpu.memref_slice %arg12[%dma_start3A, %dma_start3A_51] : memref<1x128xi32, #tpu.memory_space<vmem>> -> memref<1x128xi32, #tpu.memory_space<vmem>>
    %dma_start3A_53 = tpu.memref_squeeze %dma_start3A_52 : memref<1x128xi32, #tpu.memory_space<vmem>> -> memref<128xi32, #tpu.memory_space<vmem>>
    %dma_start3A_54 = arith.constant 0 : i32
    %dma_start3A_55 = arith.constant 0 : i32
    %dma_start3A_56 = tpu.memref_slice %arg6[%dma_start3A_54, %dma_start3A_55] : memref<10240x128xf32, #tpu.memory_space<vmem_shared>> -> memref<10240x128xf32, #tpu.memory_space<vmem_shared>>
    tpu.enqueue_indirect_dma source(%arg14 : memref<128x128xf32, #tpu.memory_space<vmem>>) target(%dma_start3A_56 : memref<10240x128xf32, #tpu.memory_space<vmem_shared>>) offsets(%dma_start3A_53 : memref<128xi32, #tpu.memory_space<vmem>>) semaphore(%arg18 : memref<!tpu.dma_semaphore, #tpu.memory_space<semaphore_mem>>) {add = true}
    "tpu.region"() ({
      %run_scoped3A = tpu.sem_alloc : memref<!tpu.dma_semaphore, #tpu.memory_space<semaphore_mem>>
      %dma_start3A_258 = arith.constant 0 : i32
      %dma_start3A_259 = arith.constant 0 : i32
      %dma_start3A_260 = tpu.memref_slice %arg3[%mul3A_19, %dma_start3A_258, %dma_start3A_259] : memref<1282x2x128xi32, #tpu.memory_space<hbm>> -> memref<1x2x128xi32, #tpu.memory_space<hbm>>
      %dma_start3A_261 = tpu.memref_squeeze %dma_start3A_260 : memref<1x2x128xi32, #tpu.memory_space<hbm>> -> memref<2x128xi32, #tpu.memory_space<hbm>>
      %dma_start3A_262 = arith.constant 0 : i32
      %dma_start3A_263 = arith.constant 0 : i32
      %dma_start3A_264 = tpu.memref_slice %arg3[%mul3A_19, %dma_start3A_262, %dma_start3A_263] : memref<1282x2x128xi32, #tpu.memory_space<hbm>> -> memref<1x2x128xi32, #tpu.memory_space<hbm>>
      %dma_start3A_265 = tpu.memref_squeeze %dma_start3A_264 : memref<1x2x128xi32, #tpu.memory_space<hbm>> -> memref<2x128xi32, #tpu.memory_space<hbm>>
      tpu.enqueue_dma source(%dma_start3A_265 : memref<2x128xi32, #tpu.memory_space<hbm>>) target(%arg7 : memref<2x128xi32, #tpu.memory_space<vmem>>) target_semaphore(%run_scoped3A : memref<!tpu.dma_semaphore, #tpu.memory_space<semaphore_mem>>)
      %dma_wait3A_266 = arith.constant 0 : i32
      %dma_wait3A_267 = arith.constant 0 : i32
      %dma_wait3A_268 = tpu.memref_slice %arg3[%mul3A_19, %dma_wait3A_266, %dma_wait3A_267] : memref<1282x2x128xi32, #tpu.memory_space<hbm>> -> memref<1x2x128xi32, #tpu.memory_space<hbm>>
      %dma_wait3A_269 = tpu.memref_squeeze %dma_wait3A_268 : memref<1x2x128xi32, #tpu.memory_space<hbm>> -> memref<2x128xi32, #tpu.memory_space<hbm>>
      %dma_wait3A_270 = arith.constant 0 : i32
      %dma_wait3A_271 = arith.constant 0 : i32
      %dma_wait3A_272 = tpu.memref_slice %arg3[%mul3A_19, %dma_wait3A_270, %dma_wait3A_271] : memref<1282x2x128xi32, #tpu.memory_space<hbm>> -> memref<1x2x128xi32, #tpu.memory_space<hbm>>
      %dma_wait3A_273 = tpu.memref_squeeze %dma_wait3A_272 : memref<1x2x128xi32, #tpu.memory_space<hbm>> -> memref<2x128xi32, #tpu.memory_space<hbm>>
      tpu.wait_dma2 semaphore(%run_scoped3A : memref<!tpu.dma_semaphore, #tpu.memory_space<semaphore_mem>>) src(%dma_wait3A_273 : memref<2x128xi32, #tpu.memory_space<hbm>>) dst(%arg7 : memref<2x128xi32, #tpu.memory_space<vmem>>)
      tpu.yield
    }) : () -> ()
    %get3A = arith.constant 0 : i32
    %get3A_57 = arith.index_cast %get3A : i32 to index
    %get3A_58 = arith.constant 0 : index
    %get3A_59 = tpu.vector_load %arg7[%get3A_57, %get3A_58] {strides = array<i32>} : memref<2x128xi32, #tpu.memory_space<vmem>>, vector<16xi32>,
    %mul3A_60 = arith.constant 2 : i32
    %mul3A_61 = vector.broadcast %mul3A_60 : i32 to vector<16xi32>
    %mul3A_62 = arith.muli %get3A_59, %mul3A_61 : vector<16xi32>
    %add3A_63 = vector.broadcast %arg0 : i32 to vector<16xi32>
    %add3A_64 = arith.addi %mul3A_62, %add3A_63 : vector<16xi32>
    %swap3A_65 = arith.constant 0 : index
    %swap3A_66 = tpu.vector_load %arg9[%swap3A_65] {strides = array<i32>} : memref<128xi32, #tpu.memory_space<vmem>>, vector<16xi32>,
    tpu.vector_store %arg9[%swap3A_65], %add3A_64 {strides = array<i32>} : memref<128xi32, #tpu.memory_space<vmem>>, vector<16xi32>,
    %get3A_67 = arith.constant 0 : i32
    %get3A_68 = arith.index_cast %get3A_67 : i32 to index
    %get3A_69 = arith.constant 16 : index
    %get3A_70 = tpu.vector_load %arg7[%get3A_68, %get3A_69] {strides = array<i32>} : memref<2x128xi32, #tpu.memory_space<vmem>>, vector<16xi32>,
    %mul3A_71 = arith.constant 2 : i32
    %mul3A_72 = vector.broadcast %mul3A_71 : i32 to vector<16xi32>
    %mul3A_73 = arith.muli %get3A_70, %mul3A_72 : vector<16xi32>
    %add3A_74 = vector.broadcast %arg0 : i32 to vector<16xi32>
    %add3A_75 = arith.addi %mul3A_73, %add3A_74 : vector<16xi32>
    %swap3A_76 = arith.constant 16 : index
    %swap3A_77 = tpu.vector_load %arg9[%swap3A_76] {strides = array<i32>} : memref<128xi32, #tpu.memory_space<vmem>>, vector<16xi32>,
    tpu.vector_store %arg9[%swap3A_76], %add3A_75 {strides = array<i32>} : memref<128xi32, #tpu.memory_space<vmem>>, vector<16xi32>,
    %get3A_78 = arith.constant 0 : i32
    %get3A_79 = arith.index_cast %get3A_78 : i32 to index
    %get3A_80 = arith.constant 32 : index
    %get3A_81 = tpu.vector_load %arg7[%get3A_79, %get3A_80] {strides = array<i32>} : memref<2x128xi32, #tpu.memory_space<vmem>>, vector<16xi32>,
    %mul3A_82 = arith.constant 2 : i32
    %mul3A_83 = vector.broadcast %mul3A_82 : i32 to vector<16xi32>
    %mul3A_84 = arith.muli %get3A_81, %mul3A_83 : vector<16xi32>
    %add3A_85 = vector.broadcast %arg0 : i32 to vector<16xi32>
    %add3A_86 = arith.addi %mul3A_84, %add3A_85 : vector<16xi32>
    %swap3A_87 = arith.constant 32 : index
    %swap3A_88 = tpu.vector_load %arg9[%swap3A_87] {strides = array<i32>} : memref<128xi32, #tpu.memory_space<vmem>>, vector<16xi32>,
    tpu.vector_store %arg9[%swap3A_87], %add3A_86 {strides = array<i32>} : memref<128xi32, #tpu.memory_space<vmem>>, vector<16xi32>,
    %get3A_89 = arith.constant 0 : i32
    %get3A_90 = arith.index_cast %get3A_89 : i32 to index
    %get3A_91 = arith.constant 48 : index
    %get3A_92 = tpu.vector_load %arg7[%get3A_90, %get3A_91] {strides = array<i32>} : memref<2x128xi32, #tpu.memory_space<vmem>>, vector<16xi32>,
    %mul3A_93 = arith.constant 2 : i32
    %mul3A_94 = vector.broadcast %mul3A_93 : i32 to vector<16xi32>
    %mul3A_95 = arith.muli %get3A_92, %mul3A_94 : vector<16xi32>
    %add3A_96 = vector.broadcast %arg0 : i32 to vector<16xi32>
    %add3A_97 = arith.addi %mul3A_95, %add3A_96 : vector<16xi32>
    %swap3A_98 = arith.constant 48 : index
    %swap3A_99 = tpu.vector_load %arg9[%swap3A_98] {strides = array<i32>} : memref<128xi32, #tpu.memory_space<vmem>>, vector<16xi32>,
    tpu.vector_store %arg9[%swap3A_98], %add3A_97 {strides = array<i32>} : memref<128xi32, #tpu.memory_space<vmem>>, vector<16xi32>,
    %get3A_100 = arith.constant 0 : i32
    %get3A_101 = arith.index_cast %get3A_100 : i32 to index
    %get3A_102 = arith.constant 64 : index
    %get3A_103 = tpu.vector_load %arg7[%get3A_101, %get3A_102] {strides = array<i32>} : memref<2x128xi32, #tpu.memory_space<vmem>>, vector<16xi32>,
    %mul3A_104 = arith.constant 2 : i32
    %mul3A_105 = vector.broadcast %mul3A_104 : i32 to vector<16xi32>
    %mul3A_106 = arith.muli %get3A_103, %mul3A_105 : vector<16xi32>
    %add3A_107 = vector.broadcast %arg0 : i32 to vector<16xi32>
    %add3A_108 = arith.addi %mul3A_106, %add3A_107 : vector<16xi32>
    %swap3A_109 = arith.constant 64 : index
    %swap3A_110 = tpu.vector_load %arg9[%swap3A_109] {strides = array<i32>} : memref<128xi32, #tpu.memory_space<vmem>>, vector<16xi32>,
    tpu.vector_store %arg9[%swap3A_109], %add3A_108 {strides = array<i32>} : memref<128xi32, #tpu.memory_space<vmem>>, vector<16xi32>,
    %get3A_111 = arith.constant 0 : i32
    %get3A_112 = arith.index_cast %get3A_111 : i32 to index
    %get3A_113 = arith.constant 80 : index
    %get3A_114 = tpu.vector_load %arg7[%get3A_112, %get3A_113] {strides = array<i32>} : memref<2x128xi32, #tpu.memory_space<vmem>>, vector<16xi32>,
    %mul3A_115 = arith.constant 2 : i32
    %mul3A_116 = vector.broadcast %mul3A_115 : i32 to vector<16xi32>
    %mul3A_117 = arith.muli %get3A_114, %mul3A_116 : vector<16xi32>
    %add3A_118 = vector.broadcast %arg0 : i32 to vector<16xi32>
    %add3A_119 = arith.addi %mul3A_117, %add3A_118 : vector<16xi32>
    %swap3A_120 = arith.constant 80 : index
    %swap3A_121 = tpu.vector_load %arg9[%swap3A_120] {strides = array<i32>} : memref<128xi32, #tpu.memory_space<vmem>>, vector<16xi32>,
    tpu.vector_store %arg9[%swap3A_120], %add3A_119 {strides = array<i32>} : memref<128xi32, #tpu.memory_space<vmem>>, vector<16xi32>,
    %get3A_122 = arith.constant 0 : i32
    %get3A_123 = arith.index_cast %get3A_122 : i32 to index
    %get3A_124 = arith.constant 96 : index
    %get3A_125 = tpu.vector_load %arg7[%get3A_123, %get3A_124] {strides = array<i32>} : memref<2x128xi32, #tpu.memory_space<vmem>>, vector<16xi32>,
    %mul3A_126 = arith.constant 2 : i32
    %mul3A_127 = vector.broadcast %mul3A_126 : i32 to vector<16xi32>
    %mul3A_128 = arith.muli %get3A_125, %mul3A_127 : vector<16xi32>
    %add3A_129 = vector.broadcast %arg0 : i32 to vector<16xi32>
    %add3A_130 = arith.addi %mul3A_128, %add3A_129 : vector<16xi32>
    %swap3A_131 = arith.constant 96 : index
    %swap3A_132 = tpu.vector_load %arg9[%swap3A_131] {strides = array<i32>} : memref<128xi32, #tpu.memory_space<vmem>>, vector<16xi32>,
    tpu.vector_store %arg9[%swap3A_131], %add3A_130 {strides = array<i32>} : memref<128xi32, #tpu.memory_space<vmem>>, vector<16xi32>,
    %get3A_133 = arith.constant 0 : i32
    %get3A_134 = arith.index_cast %get3A_133 : i32 to index
    %get3A_135 = arith.constant 112 : index
    %get3A_136 = tpu.vector_load %arg7[%get3A_134, %get3A_135] {strides = array<i32>} : memref<2x128xi32, #tpu.memory_space<vmem>>, vector<16xi32>,
    %mul3A_137 = arith.constant 2 : i32
    %mul3A_138 = vector.broadcast %mul3A_137 : i32 to vector<16xi32>
    %mul3A_139 = arith.muli %get3A_136, %mul3A_138 : vector<16xi32>
    %add3A_140 = vector.broadcast %arg0 : i32 to vector<16xi32>
    %add3A_141 = arith.addi %mul3A_139, %add3A_140 : vector<16xi32>
    %swap3A_142 = arith.constant 112 : index
    %swap3A_143 = tpu.vector_load %arg9[%swap3A_142] {strides = array<i32>} : memref<128xi32, #tpu.memory_space<vmem>>, vector<16xi32>,
    tpu.vector_store %arg9[%swap3A_142], %add3A_141 {strides = array<i32>} : memref<128xi32, #tpu.memory_space<vmem>>, vector<16xi32>,
    %get3A_144 = arith.constant 1 : i32
    %get3A_145 = arith.index_cast %get3A_144 : i32 to index
    %get3A_146 = arith.constant 0 : index
    %get3A_147 = tpu.vector_load %arg7[%get3A_145, %get3A_146] {strides = array<i32>} : memref<2x128xi32, #tpu.memory_space<vmem>>, vector<16xi32>,
    %swap3A_148 = arith.constant 0 : i32
    %swap3A_149 = arith.index_cast %swap3A_148 : i32 to index
    %swap3A_150 = arith.constant 0 : index
    %swap3A_151 = tpu.vector_load %arg11[%swap3A_149, %swap3A_150] {strides = array<i32>} : memref<1x128xi32, #tpu.memory_space<vmem>>, vector<16xi32>,
    tpu.vector_store %arg11[%swap3A_149, %swap3A_150], %get3A_147 {strides = array<i32>} : memref<1x128xi32, #tpu.memory_space<vmem>>, vector<16xi32>,
    %get3A_152 = arith.constant 1 : i32
    %get3A_153 = arith.index_cast %get3A_152 : i32 to index
    %get3A_154 = arith.constant 16 : index
    %get3A_155 = tpu.vector_load %arg7[%get3A_153, %get3A_154] {strides = array<i32>} : memref<2x128xi32, #tpu.memory_space<vmem>>, vector<16xi32>,
    %swap3A_156 = arith.constant 0 : i32
    %swap3A_157 = arith.index_cast %swap3A_156 : i32 to index
    %swap3A_158 = arith.constant 16 : index
    %swap3A_159 = tpu.vector_load %arg11[%swap3A_157, %swap3A_158] {strides = array<i32>} : memref<1x128xi32, #tpu.memory_space<vmem>>, vector<16xi32>,
    tpu.vector_store %arg11[%swap3A_157, %swap3A_158], %get3A_155 {strides = array<i32>} : memref<1x128xi32, #tpu.memory_space<vmem>>, vector<16xi32>,
    %get3A_160 = arith.constant 1 : i32
    %get3A_161 = arith.index_cast %get3A_160 : i32 to index
    %get3A_162 = arith.constant 32 : index
    %get3A_163 = tpu.vector_load %arg7[%get3A_161, %get3A_162] {strides = array<i32>} : memref<2x128xi32, #tpu.memory_space<vmem>>, vector<16xi32>,
    %swap3A_164 = arith.constant 0 : i32
    %swap3A_165 = arith.index_cast %swap3A_164 : i32 to index
    %swap3A_166 = arith.constant 32 : index
    %swap3A_167 = tpu.vector_load %arg11[%swap3A_165, %swap3A_166] {strides = array<i32>} : memref<1x128xi32, #tpu.memory_space<vmem>>, vector<16xi32>,
    tpu.vector_store %arg11[%swap3A_165, %swap3A_166], %get3A_163 {strides = array<i32>} : memref<1x128xi32, #tpu.memory_space<vmem>>, vector<16xi32>,
    %get3A_168 = arith.constant 1 : i32
    %get3A_169 = arith.index_cast %get3A_168 : i32 to index
    %get3A_170 = arith.constant 48 : index
    %get3A_171 = tpu.vector_load %arg7[%get3A_169, %get3A_170] {strides = array<i32>} : memref<2x128xi32, #tpu.memory_space<vmem>>, vector<16xi32>,
    %swap3A_172 = arith.constant 0 : i32
    %swap3A_173 = arith.index_cast %swap3A_172 : i32 to index
    %swap3A_174 = arith.constant 48 : index
    %swap3A_175 = tpu.vector_load %arg11[%swap3A_173, %swap3A_174] {strides = array<i32>} : memref<1x128xi32, #tpu.memory_space<vmem>>, vector<16xi32>,
    tpu.vector_store %arg11[%swap3A_173, %swap3A_174], %get3A_171 {strides = array<i32>} : memref<1x128xi32, #tpu.memory_space<vmem>>, vector<16xi32>,
    %get3A_176 = arith.constant 1 : i32
    %get3A_177 = arith.index_cast %get3A_176 : i32 to index
    %get3A_178 = arith.constant 64 : index
    %get3A_179 = tpu.vector_load %arg7[%get3A_177, %get3A_178] {strides = array<i32>} : memref<2x128xi32, #tpu.memory_space<vmem>>, vector<16xi32>,
    %swap3A_180 = arith.constant 0 : i32
    %swap3A_181 = arith.index_cast %swap3A_180 : i32 to index
    %swap3A_182 = arith.constant 64 : index
    %swap3A_183 = tpu.vector_load %arg11[%swap3A_181, %swap3A_182] {strides = array<i32>} : memref<1x128xi32, #tpu.memory_space<vmem>>, vector<16xi32>,
    tpu.vector_store %arg11[%swap3A_181, %swap3A_182], %get3A_179 {strides = array<i32>} : memref<1x128xi32, #tpu.memory_space<vmem>>, vector<16xi32>,
    %get3A_184 = arith.constant 1 : i32
    %get3A_185 = arith.index_cast %get3A_184 : i32 to index
    %get3A_186 = arith.constant 80 : index
    %get3A_187 = tpu.vector_load %arg7[%get3A_185, %get3A_186] {strides = array<i32>} : memref<2x128xi32, #tpu.memory_space<vmem>>, vector<16xi32>,
    %swap3A_188 = arith.constant 0 : i32
    %swap3A_189 = arith.index_cast %swap3A_188 : i32 to index
    %swap3A_190 = arith.constant 80 : index
    %swap3A_191 = tpu.vector_load %arg11[%swap3A_189, %swap3A_190] {strides = array<i32>} : memref<1x128xi32, #tpu.memory_space<vmem>>, vector<16xi32>,
    tpu.vector_store %arg11[%swap3A_189, %swap3A_190], %get3A_187 {strides = array<i32>} : memref<1x128xi32, #tpu.memory_space<vmem>>, vector<16xi32>,
    %get3A_192 = arith.constant 1 : i32
    %get3A_193 = arith.index_cast %get3A_192 : i32 to index
    %get3A_194 = arith.constant 96 : index
    %get3A_195 = tpu.vector_load %arg7[%get3A_193, %get3A_194] {strides = array<i32>} : memref<2x128xi32, #tpu.memory_space<vmem>>, vector<16xi32>,
    %swap3A_196 = arith.constant 0 : i32
    %swap3A_197 = arith.index_cast %swap3A_196 : i32 to index
    %swap3A_198 = arith.constant 96 : index
    %swap3A_199 = tpu.vector_load %arg11[%swap3A_197, %swap3A_198] {strides = array<i32>} : memref<1x128xi32, #tpu.memory_space<vmem>>, vector<16xi32>,
    tpu.vector_store %arg11[%swap3A_197, %swap3A_198], %get3A_195 {strides = array<i32>} : memref<1x128xi32, #tpu.memory_space<vmem>>, vector<16xi32>,
    %get3A_200 = arith.constant 1 : i32
    %get3A_201 = arith.index_cast %get3A_200 : i32 to index
    %get3A_202 = arith.constant 112 : index
    %get3A_203 = tpu.vector_load %arg7[%get3A_201, %get3A_202] {strides = array<i32>} : memref<2x128xi32, #tpu.memory_space<vmem>>, vector<16xi32>,
    %swap3A_204 = arith.constant 0 : i32
    %swap3A_205 = arith.index_cast %swap3A_204 : i32 to index
    %swap3A_206 = arith.constant 112 : index
    %swap3A_207 = tpu.vector_load %arg11[%swap3A_205, %swap3A_206] {strides = array<i32>} : memref<1x128xi32, #tpu.memory_space<vmem>>, vector<16xi32>,
    tpu.vector_store %arg11[%swap3A_205, %swap3A_206], %get3A_203 {strides = array<i32>} : memref<1x128xi32, #tpu.memory_space<vmem>>, vector<16xi32>,
    %dma_start3A_208 = arith.constant 0 : i32
    %dma_start3A_209 = arith.constant 0 : i32
    %dma_start3A_210 = tpu.memref_slice %arg2[%dma_start3A_208, %dma_start3A_209] : memref<20000x128xf32, #tpu.memory_space<hbm>> -> memref<20000x128xf32, #tpu.memory_space<hbm>>
    tpu.enqueue_indirect_dma source(%dma_start3A_210 : memref<20000x128xf32, #tpu.memory_space<hbm>>) target(%arg13 : memref<128x128xf32, #tpu.memory_space<vmem>>) offsets(%arg9 : memref<128xi32, #tpu.memory_space<vmem>>) semaphore(%arg15 : memref<!tpu.dma_semaphore, #tpu.memory_space<semaphore_mem>>)
    %add3A_211 = arith.constant 1 : i32
    %add3A_212 = arith.addi %mul3A_19, %add3A_211 : i32
    %dma_start3A_213 = arith.constant 0 : i32
    %dma_start3A_214 = arith.constant 0 : i32
    %dma_start3A_215 = tpu.memref_slice %arg3[%add3A_212, %dma_start3A_213, %dma_start3A_214] : memref<1282x2x128xi32, #tpu.memory_space<hbm>> -> memref<1x2x128xi32, #tpu.memory_space<hbm>>
    %dma_start3A_216 = tpu.memref_squeeze %dma_start3A_215 : memref<1x2x128xi32, #tpu.memory_space<hbm>> -> memref<2x128xi32, #tpu.memory_space<hbm>>
    %dma_start3A_217 = arith.constant 0 : i32
    %dma_start3A_218 = arith.constant 0 : i32
    %dma_start3A_219 = tpu.memref_slice %arg3[%add3A_212, %dma_start3A_217, %dma_start3A_218] : memref<1282x2x128xi32, #tpu.memory_space<hbm>> -> memref<1x2x128xi32, #tpu.memory_space<hbm>>
    %dma_start3A_220 = tpu.memref_squeeze %dma_start3A_219 : memref<1x2x128xi32, #tpu.memory_space<hbm>> -> memref<2x128xi32, #tpu.memory_space<hbm>>
    tpu.enqueue_dma source(%dma_start3A_220 : memref<2x128xi32, #tpu.memory_space<hbm>>) target(%arg8 : memref<2x128xi32, #tpu.memory_space<vmem>>) target_semaphore(%arg20 : memref<!tpu.dma_semaphore, #tpu.memory_space<semaphore_mem>>)
    %scan3A = arith.constant 0 : i32
    %scan3A_221 = arith.constant 0 : i32
    %scan3A_222 = arith.constant 40 : i32
    %scan3A_223 = arith.addi %scan3A_221, %scan3A_222 : i32
    %scan3A_224 = arith.constant 1 : i32
    scf.for %scan3A_258 = %scan3A_221 to %scan3A_223 step %scan3A_224  : i32 {
      %mul3A_259 = arith.constant 2 : i32
      %mul3A_260 = arith.muli %mul3A_259, %scan3A_258 : i32
      %add3A_261 = arith.addi %mul3A_19, %mul3A_260 : i32
      %add3A_262 = arith.constant 1 : i32
      %add3A_263 = arith.addi %add3A_261, %add3A_262 : i32
      %dma_wait3A_264 = arith.constant 0 : i32
      %dma_wait3A_265 = arith.constant 0 : i32
      %dma_wait3A_266 = tpu.memref_slice %arg3[%add3A_263, %dma_wait3A_264, %dma_wait3A_265] : memref<1282x2x128xi32, #tpu.memory_space<hbm>> -> memref<1x2x128xi32, #tpu.memory_space<hbm>>
      %dma_wait3A_267 = tpu.memref_squeeze %dma_wait3A_266 : memref<1x2x128xi32, #tpu.memory_space<hbm>> -> memref<2x128xi32, #tpu.memory_space<hbm>>
      %dma_wait3A_268 = arith.constant 0 : i32
      %dma_wait3A_269 = arith.constant 0 : i32
      %dma_wait3A_270 = tpu.memref_slice %arg3[%add3A_263, %dma_wait3A_268, %dma_wait3A_269] : memref<1282x2x128xi32, #tpu.memory_space<hbm>> -> memref<1x2x128xi32, #tpu.memory_space<hbm>>
      %dma_wait3A_271 = tpu.memref_squeeze %dma_wait3A_270 : memref<1x2x128xi32, #tpu.memory_space<hbm>> -> memref<2x128xi32, #tpu.memory_space<hbm>>
      tpu.wait_dma2 semaphore(%arg20 : memref<!tpu.dma_semaphore, #tpu.memory_space<semaphore_mem>>) src(%dma_wait3A_271 : memref<2x128xi32, #tpu.memory_space<hbm>>) dst(%arg8 : memref<2x128xi32, #tpu.memory_space<vmem>>)
      %get3A_272 = arith.constant 0 : i32
      %get3A_273 = arith.index_cast %get3A_272 : i32 to index
      %get3A_274 = arith.constant 0 : index
      %get3A_275 = tpu.vector_load %arg8[%get3A_273, %get3A_274] {strides = array<i32>} : memref<2x128xi32, #tpu.memory_space<vmem>>, vector<16xi32>,
      %mul3A_276 = arith.constant 2 : i32
      %mul3A_277 = vector.broadcast %mul3A_276 : i32 to vector<16xi32>
      %mul3A_278 = arith.muli %get3A_275, %mul3A_277 : vector<16xi32>
      %add3A_279 = vector.broadcast %arg0 : i32 to vector<16xi32>
      %add3A_280 = arith.addi %mul3A_278, %add3A_279 : vector<16xi32>
      %swap3A_281 = arith.constant 0 : index
      %swap3A_282 = tpu.vector_load %arg10[%swap3A_281] {strides = array<i32>} : memref<128xi32, #tpu.memory_space<vmem>>, vector<16xi32>,
      tpu.vector_store %arg10[%swap3A_281], %add3A_280 {strides = array<i32>} : memref<128xi32, #tpu.memory_space<vmem>>, vector<16xi32>,
      %get3A_283 = arith.constant 0 : i32
      %get3A_284 = arith.index_cast %get3A_283 : i32 to index
      %get3A_285 = arith.constant 16 : index
      %get3A_286 = tpu.vector_load %arg8[%get3A_284, %get3A_285] {strides = array<i32>} : memref<2x128xi32, #tpu.memory_space<vmem>>, vector<16xi32>,
      %mul3A_287 = arith.constant 2 : i32
      %mul3A_288 = vector.broadcast %mul3A_287 : i32 to vector<16xi32>
      %mul3A_289 = arith.muli %get3A_286, %mul3A_288 : vector<16xi32>
      %add3A_290 = vector.broadcast %arg0 : i32 to vector<16xi32>
      %add3A_291 = arith.addi %mul3A_289, %add3A_290 : vector<16xi32>
      %swap3A_292 = arith.constant 16 : index
      %swap3A_293 = tpu.vector_load %arg10[%swap3A_292] {strides = array<i32>} : memref<128xi32, #tpu.memory_space<vmem>>, vector<16xi32>,
      tpu.vector_store %arg10[%swap3A_292], %add3A_291 {strides = array<i32>} : memref<128xi32, #tpu.memory_space<vmem>>, vector<16xi32>,
      %get3A_294 = arith.constant 0 : i32
      %get3A_295 = arith.index_cast %get3A_294 : i32 to index
      %get3A_296 = arith.constant 32 : index
      %get3A_297 = tpu.vector_load %arg8[%get3A_295, %get3A_296] {strides = array<i32>} : memref<2x128xi32, #tpu.memory_space<vmem>>, vector<16xi32>,
      %mul3A_298 = arith.constant 2 : i32
      %mul3A_299 = vector.broadcast %mul3A_298 : i32 to vector<16xi32>
      %mul3A_300 = arith.muli %get3A_297, %mul3A_299 : vector<16xi32>
      %add3A_301 = vector.broadcast %arg0 : i32 to vector<16xi32>
      %add3A_302 = arith.addi %mul3A_300, %add3A_301 : vector<16xi32>
      %swap3A_303 = arith.constant 32 : index
      %swap3A_304 = tpu.vector_load %arg10[%swap3A_303] {strides = array<i32>} : memref<128xi32, #tpu.memory_space<vmem>>, vector<16xi32>,
      tpu.vector_store %arg10[%swap3A_303], %add3A_302 {strides = array<i32>} : memref<128xi32, #tpu.memory_space<vmem>>, vector<16xi32>,
      %get3A_305 = arith.constant 0 : i32
      %get3A_306 = arith.index_cast %get3A_305 : i32 to index
      %get3A_307 = arith.constant 48 : index
      %get3A_308 = tpu.vector_load %arg8[%get3A_306, %get3A_307] {strides = array<i32>} : memref<2x128xi32, #tpu.memory_space<vmem>>, vector<16xi32>,
      %mul3A_309 = arith.constant 2 : i32
      %mul3A_310 = vector.broadcast %mul3A_309 : i32 to vector<16xi32>
      %mul3A_311 = arith.muli %get3A_308, %mul3A_310 : vector<16xi32>
      %add3A_312 = vector.broadcast %arg0 : i32 to vector<16xi32>
      %add3A_313 = arith.addi %mul3A_311, %add3A_312 : vector<16xi32>
      %swap3A_314 = arith.constant 48 : index
      %swap3A_315 = tpu.vector_load %arg10[%swap3A_314] {strides = array<i32>} : memref<128xi32, #tpu.memory_space<vmem>>, vector<16xi32>,
      tpu.vector_store %arg10[%swap3A_314], %add3A_313 {strides = array<i32>} : memref<128xi32, #tpu.memory_space<vmem>>, vector<16xi32>,
      %get3A_316 = arith.constant 0 : i32
      %get3A_317 = arith.index_cast %get3A_316 : i32 to index
      %get3A_318 = arith.constant 64 : index
      %get3A_319 = tpu.vector_load %arg8[%get3A_317, %get3A_318] {strides = array<i32>} : memref<2x128xi32, #tpu.memory_space<vmem>>, vector<16xi32>,
      %mul3A_320 = arith.constant 2 : i32
      %mul3A_321 = vector.broadcast %mul3A_320 : i32 to vector<16xi32>
      %mul3A_322 = arith.muli %get3A_319, %mul3A_321 : vector<16xi32>
      %add3A_323 = vector.broadcast %arg0 : i32 to vector<16xi32>
      %add3A_324 = arith.addi %mul3A_322, %add3A_323 : vector<16xi32>
      %swap3A_325 = arith.constant 64 : index
      %swap3A_326 = tpu.vector_load %arg10[%swap3A_325] {strides = array<i32>} : memref<128xi32, #tpu.memory_space<vmem>>, vector<16xi32>,
      tpu.vector_store %arg10[%swap3A_325], %add3A_324 {strides = array<i32>} : memref<128xi32, #tpu.memory_space<vmem>>, vector<16xi32>,
      %get3A_327 = arith.constant 0 : i32
      %get3A_328 = arith.index_cast %get3A_327 : i32 to index
      %get3A_329 = arith.constant 80 : index
      %get3A_330 = tpu.vector_load %arg8[%get3A_328, %get3A_329] {strides = array<i32>} : memref<2x128xi32, #tpu.memory_space<vmem>>, vector<16xi32>,
      %mul3A_331 = arith.constant 2 : i32
      %mul3A_332 = vector.broadcast %mul3A_331 : i32 to vector<16xi32>
      %mul3A_333 = arith.muli %get3A_330, %mul3A_332 : vector<16xi32>
      %add3A_334 = vector.broadcast %arg0 : i32 to vector<16xi32>
      %add3A_335 = arith.addi %mul3A_333, %add3A_334 : vector<16xi32>
      %swap3A_336 = arith.constant 80 : index
      %swap3A_337 = tpu.vector_load %arg10[%swap3A_336] {strides = array<i32>} : memref<128xi32, #tpu.memory_space<vmem>>, vector<16xi32>,
      tpu.vector_store %arg10[%swap3A_336], %add3A_335 {strides = array<i32>} : memref<128xi32, #tpu.memory_space<vmem>>, vector<16xi32>,
      %get3A_338 = arith.constant 0 : i32
      %get3A_339 = arith.index_cast %get3A_338 : i32 to index
      %get3A_340 = arith.constant 96 : index
      %get3A_341 = tpu.vector_load %arg8[%get3A_339, %get3A_340] {strides = array<i32>} : memref<2x128xi32, #tpu.memory_space<vmem>>, vector<16xi32>,
      %mul3A_342 = arith.constant 2 : i32
      %mul3A_343 = vector.broadcast %mul3A_342 : i32 to vector<16xi32>
      %mul3A_344 = arith.muli %get3A_341, %mul3A_343 : vector<16xi32>
      %add3A_345 = vector.broadcast %arg0 : i32 to vector<16xi32>
      %add3A_346 = arith.addi %mul3A_344, %add3A_345 : vector<16xi32>
      %swap3A_347 = arith.constant 96 : index
      %swap3A_348 = tpu.vector_load %arg10[%swap3A_347] {strides = array<i32>} : memref<128xi32, #tpu.memory_space<vmem>>, vector<16xi32>,
      tpu.vector_store %arg10[%swap3A_347], %add3A_346 {strides = array<i32>} : memref<128xi32, #tpu.memory_space<vmem>>, vector<16xi32>,
      %get3A_349 = arith.constant 0 : i32
      %get3A_350 = arith.index_cast %get3A_349 : i32 to index
      %get3A_351 = arith.constant 112 : index
      %get3A_352 = tpu.vector_load %arg8[%get3A_350, %get3A_351] {strides = array<i32>} : memref<2x128xi32, #tpu.memory_space<vmem>>, vector<16xi32>,
      %mul3A_353 = arith.constant 2 : i32
      %mul3A_354 = vector.broadcast %mul3A_353 : i32 to vector<16xi32>
      %mul3A_355 = arith.muli %get3A_352, %mul3A_354 : vector<16xi32>
      %add3A_356 = vector.broadcast %arg0 : i32 to vector<16xi32>
      %add3A_357 = arith.addi %mul3A_355, %add3A_356 : vector<16xi32>
      %swap3A_358 = arith.constant 112 : index
      %swap3A_359 = tpu.vector_load %arg10[%swap3A_358] {strides = array<i32>} : memref<128xi32, #tpu.memory_space<vmem>>, vector<16xi32>,
      tpu.vector_store %arg10[%swap3A_358], %add3A_357 {strides = array<i32>} : memref<128xi32, #tpu.memory_space<vmem>>, vector<16xi32>,
      %dma_wait3A_360 = arith.constant 0 : i32
      %dma_wait3A_361 = arith.constant 0 : i32
      %dma_wait3A_362 = tpu.memref_slice %arg12[%dma_wait3A_360, %dma_wait3A_361] : memref<1x128xi32, #tpu.memory_space<vmem>> -> memref<1x128xi32, #tpu.memory_space<vmem>>
      %dma_wait3A_363 = tpu.memref_squeeze %dma_wait3A_362 : memref<1x128xi32, #tpu.memory_space<vmem>> -> memref<128xi32, #tpu.memory_space<vmem>>
      %dma_wait3A_364 = arith.constant 0 : i32
      %dma_wait3A_365 = arith.constant 0 : i32
      %dma_wait3A_366 = tpu.memref_slice %arg6[%dma_wait3A_364, %dma_wait3A_365] : memref<10240x128xf32, #tpu.memory_space<vmem_shared>> -> memref<10240x128xf32, #tpu.memory_space<vmem_shared>>
      tpu.wait_indirect_dma semaphore(%arg18 : memref<!tpu.dma_semaphore, #tpu.memory_space<semaphore_mem>>) src(%arg14 : memref<128x128xf32, #tpu.memory_space<vmem>>) dst(%dma_wait3A_366 : memref<10240x128xf32, #tpu.memory_space<vmem_shared>>)
      %get3A_367 = arith.constant 1 : i32
      %get3A_368 = arith.index_cast %get3A_367 : i32 to index
      %get3A_369 = arith.constant 0 : index
      %get3A_370 = tpu.vector_load %arg8[%get3A_368, %get3A_369] {strides = array<i32>} : memref<2x128xi32, #tpu.memory_space<vmem>>, vector<16xi32>,
      %swap3A_371 = arith.constant 0 : i32
      %swap3A_372 = arith.index_cast %swap3A_371 : i32 to index
      %swap3A_373 = arith.constant 0 : index
      %swap3A_374 = tpu.vector_load %arg12[%swap3A_372, %swap3A_373] {strides = array<i32>} : memref<1x128xi32, #tpu.memory_space<vmem>>, vector<16xi32>,
      tpu.vector_store %arg12[%swap3A_372, %swap3A_373], %get3A_370 {strides = array<i32>} : memref<1x128xi32, #tpu.memory_space<vmem>>, vector<16xi32>,
      %get3A_375 = arith.constant 1 : i32
      %get3A_376 = arith.index_cast %get3A_375 : i32 to index
      %get3A_377 = arith.constant 16 : index
      %get3A_378 = tpu.vector_load %arg8[%get3A_376, %get3A_377] {strides = array<i32>} : memref<2x128xi32, #tpu.memory_space<vmem>>, vector<16xi32>,
      %swap3A_379 = arith.constant 0 : i32
      %swap3A_380 = arith.index_cast %swap3A_379 : i32 to index
      %swap3A_381 = arith.constant 16 : index
      %swap3A_382 = tpu.vector_load %arg12[%swap3A_380, %swap3A_381] {strides = array<i32>} : memref<1x128xi32, #tpu.memory_space<vmem>>, vector<16xi32>,
      tpu.vector_store %arg12[%swap3A_380, %swap3A_381], %get3A_378 {strides = array<i32>} : memref<1x128xi32, #tpu.memory_space<vmem>>, vector<16xi32>,
      %get3A_383 = arith.constant 1 : i32
      %get3A_384 = arith.index_cast %get3A_383 : i32 to index
      %get3A_385 = arith.constant 32 : index
      %get3A_386 = tpu.vector_load %arg8[%get3A_384, %get3A_385] {strides = array<i32>} : memref<2x128xi32, #tpu.memory_space<vmem>>, vector<16xi32>,
      %swap3A_387 = arith.constant 0 : i32
      %swap3A_388 = arith.index_cast %swap3A_387 : i32 to index
      %swap3A_389 = arith.constant 32 : index
      %swap3A_390 = tpu.vector_load %arg12[%swap3A_388, %swap3A_389] {strides = array<i32>} : memref<1x128xi32, #tpu.memory_space<vmem>>, vector<16xi32>,
      tpu.vector_store %arg12[%swap3A_388, %swap3A_389], %get3A_386 {strides = array<i32>} : memref<1x128xi32, #tpu.memory_space<vmem>>, vector<16xi32>,
      %get3A_391 = arith.constant 1 : i32
      %get3A_392 = arith.index_cast %get3A_391 : i32 to index
      %get3A_393 = arith.constant 48 : index
      %get3A_394 = tpu.vector_load %arg8[%get3A_392, %get3A_393] {strides = array<i32>} : memref<2x128xi32, #tpu.memory_space<vmem>>, vector<16xi32>,
      %swap3A_395 = arith.constant 0 : i32
      %swap3A_396 = arith.index_cast %swap3A_395 : i32 to index
      %swap3A_397 = arith.constant 48 : index
      %swap3A_398 = tpu.vector_load %arg12[%swap3A_396, %swap3A_397] {strides = array<i32>} : memref<1x128xi32, #tpu.memory_space<vmem>>, vector<16xi32>,
      tpu.vector_store %arg12[%swap3A_396, %swap3A_397], %get3A_394 {strides = array<i32>} : memref<1x128xi32, #tpu.memory_space<vmem>>, vector<16xi32>,
      %get3A_399 = arith.constant 1 : i32
      %get3A_400 = arith.index_cast %get3A_399 : i32 to index
      %get3A_401 = arith.constant 64 : index
      %get3A_402 = tpu.vector_load %arg8[%get3A_400, %get3A_401] {strides = array<i32>} : memref<2x128xi32, #tpu.memory_space<vmem>>, vector<16xi32>,
      %swap3A_403 = arith.constant 0 : i32
      %swap3A_404 = arith.index_cast %swap3A_403 : i32 to index
      %swap3A_405 = arith.constant 64 : index
      %swap3A_406 = tpu.vector_load %arg12[%swap3A_404, %swap3A_405] {strides = array<i32>} : memref<1x128xi32, #tpu.memory_space<vmem>>, vector<16xi32>,
      tpu.vector_store %arg12[%swap3A_404, %swap3A_405], %get3A_402 {strides = array<i32>} : memref<1x128xi32, #tpu.memory_space<vmem>>, vector<16xi32>,
      %get3A_407 = arith.constant 1 : i32
      %get3A_408 = arith.index_cast %get3A_407 : i32 to index
      %get3A_409 = arith.constant 80 : index
      %get3A_410 = tpu.vector_load %arg8[%get3A_408, %get3A_409] {strides = array<i32>} : memref<2x128xi32, #tpu.memory_space<vmem>>, vector<16xi32>,
      %swap3A_411 = arith.constant 0 : i32
      %swap3A_412 = arith.index_cast %swap3A_411 : i32 to index
      %swap3A_413 = arith.constant 80 : index
      %swap3A_414 = tpu.vector_load %arg12[%swap3A_412, %swap3A_413] {strides = array<i32>} : memref<1x128xi32, #tpu.memory_space<vmem>>, vector<16xi32>,
      tpu.vector_store %arg12[%swap3A_412, %swap3A_413], %get3A_410 {strides = array<i32>} : memref<1x128xi32, #tpu.memory_space<vmem>>, vector<16xi32>,
      %get3A_415 = arith.constant 1 : i32
      %get3A_416 = arith.index_cast %get3A_415 : i32 to index
      %get3A_417 = arith.constant 96 : index
      %get3A_418 = tpu.vector_load %arg8[%get3A_416, %get3A_417] {strides = array<i32>} : memref<2x128xi32, #tpu.memory_space<vmem>>, vector<16xi32>,
      %swap3A_419 = arith.constant 0 : i32
      %swap3A_420 = arith.index_cast %swap3A_419 : i32 to index
      %swap3A_421 = arith.constant 96 : index
      %swap3A_422 = tpu.vector_load %arg12[%swap3A_420, %swap3A_421] {strides = array<i32>} : memref<1x128xi32, #tpu.memory_space<vmem>>, vector<16xi32>,
      tpu.vector_store %arg12[%swap3A_420, %swap3A_421], %get3A_418 {strides = array<i32>} : memref<1x128xi32, #tpu.memory_space<vmem>>, vector<16xi32>,
      %get3A_423 = arith.constant 1 : i32
      %get3A_424 = arith.index_cast %get3A_423 : i32 to index
      %get3A_425 = arith.constant 112 : index
      %get3A_426 = tpu.vector_load %arg8[%get3A_424, %get3A_425] {strides = array<i32>} : memref<2x128xi32, #tpu.memory_space<vmem>>, vector<16xi32>,
      %swap3A_427 = arith.constant 0 : i32
      %swap3A_428 = arith.index_cast %swap3A_427 : i32 to index
      %swap3A_429 = arith.constant 112 : index
      %swap3A_430 = tpu.vector_load %arg12[%swap3A_428, %swap3A_429] {strides = array<i32>} : memref<1x128xi32, #tpu.memory_space<vmem>>, vector<16xi32>,
      tpu.vector_store %arg12[%swap3A_428, %swap3A_429], %get3A_426 {strides = array<i32>} : memref<1x128xi32, #tpu.memory_space<vmem>>, vector<16xi32>,
      %dma_start3A_431 = arith.constant 0 : i32
      %dma_start3A_432 = arith.constant 0 : i32
      %dma_start3A_433 = tpu.memref_slice %arg2[%dma_start3A_431, %dma_start3A_432] : memref<20000x128xf32, #tpu.memory_space<hbm>> -> memref<20000x128xf32, #tpu.memory_space<hbm>>
      tpu.enqueue_indirect_dma source(%dma_start3A_433 : memref<20000x128xf32, #tpu.memory_space<hbm>>) target(%arg14 : memref<128x128xf32, #tpu.memory_space<vmem>>) offsets(%arg10 : memref<128xi32, #tpu.memory_space<vmem>>) semaphore(%arg16 : memref<!tpu.dma_semaphore, #tpu.memory_space<semaphore_mem>>)
      %add3A_434 = arith.constant 2 : i32
      %add3A_435 = arith.addi %add3A_261, %add3A_434 : i32
      %dma_start3A_436 = arith.constant 0 : i32
      %dma_start3A_437 = arith.constant 0 : i32
      %dma_start3A_438 = tpu.memref_slice %arg3[%add3A_435, %dma_start3A_436, %dma_start3A_437] : memref<1282x2x128xi32, #tpu.memory_space<hbm>> -> memref<1x2x128xi32, #tpu.memory_space<hbm>>
      %dma_start3A_439 = tpu.memref_squeeze %dma_start3A_438 : memref<1x2x128xi32, #tpu.memory_space<hbm>> -> memref<2x128xi32, #tpu.memory_space<hbm>>
      %dma_start3A_440 = arith.constant 0 : i32
      %dma_start3A_441 = arith.constant 0 : i32
      %dma_start3A_442 = tpu.memref_slice %arg3[%add3A_435, %dma_start3A_440, %dma_start3A_441] : memref<1282x2x128xi32, #tpu.memory_space<hbm>> -> memref<1x2x128xi32, #tpu.memory_space<hbm>>
      %dma_start3A_443 = tpu.memref_squeeze %dma_start3A_442 : memref<1x2x128xi32, #tpu.memory_space<hbm>> -> memref<2x128xi32, #tpu.memory_space<hbm>>
      tpu.enqueue_dma source(%dma_start3A_443 : memref<2x128xi32, #tpu.memory_space<hbm>>) target(%arg7 : memref<2x128xi32, #tpu.memory_space<vmem>>) target_semaphore(%arg19 : memref<!tpu.dma_semaphore, #tpu.memory_space<semaphore_mem>>)
      %dma_wait3A_444 = arith.constant 0 : i32
      %dma_wait3A_445 = arith.constant 0 : i32
      %dma_wait3A_446 = tpu.memref_slice %arg2[%dma_wait3A_444, %dma_wait3A_445] : memref<20000x128xf32, #tpu.memory_space<hbm>> -> memref<20000x128xf32, #tpu.memory_space<hbm>>
      tpu.wait_indirect_dma semaphore(%arg15 : memref<!tpu.dma_semaphore, #tpu.memory_space<semaphore_mem>>) src(%dma_wait3A_446 : memref<20000x128xf32, #tpu.memory_space<hbm>>) dst(%arg13 : memref<128x128xf32, #tpu.memory_space<vmem>>)
      %dma_start3A_447 = arith.constant 0 : i32
      %dma_start3A_448 = arith.constant 0 : i32
      %dma_start3A_449 = tpu.memref_slice %arg11[%dma_start3A_447, %dma_start3A_448] : memref<1x128xi32, #tpu.memory_space<vmem>> -> memref<1x128xi32, #tpu.memory_space<vmem>>
      %dma_start3A_450 = tpu.memref_squeeze %dma_start3A_449 : memref<1x128xi32, #tpu.memory_space<vmem>> -> memref<128xi32, #tpu.memory_space<vmem>>
      %dma_start3A_451 = arith.constant 0 : i32
      %dma_start3A_452 = arith.constant 0 : i32
      %dma_start3A_453 = tpu.memref_slice %arg6[%dma_start3A_451, %dma_start3A_452] : memref<10240x128xf32, #tpu.memory_space<vmem_shared>> -> memref<10240x128xf32, #tpu.memory_space<vmem_shared>>
      tpu.enqueue_indirect_dma source(%arg13 : memref<128x128xf32, #tpu.memory_space<vmem>>) target(%dma_start3A_453 : memref<10240x128xf32, #tpu.memory_space<vmem_shared>>) offsets(%dma_start3A_450 : memref<128xi32, #tpu.memory_space<vmem>>) semaphore(%arg17 : memref<!tpu.dma_semaphore, #tpu.memory_space<semaphore_mem>>) {add = true}
      %add3A_454 = arith.constant 2 : i32
      %add3A_455 = arith.addi %add3A_261, %add3A_454 : i32
      %dma_wait3A_456 = arith.constant 0 : i32
      %dma_wait3A_457 = arith.constant 0 : i32
      %dma_wait3A_458 = tpu.memref_slice %arg3[%add3A_455, %dma_wait3A_456, %dma_wait3A_457] : memref<1282x2x128xi32, #tpu.memory_space<hbm>> -> memref<1x2x128xi32, #tpu.memory_space<hbm>>
      %dma_wait3A_459 = tpu.memref_squeeze %dma_wait3A_458 : memref<1x2x128xi32, #tpu.memory_space<hbm>> -> memref<2x128xi32, #tpu.memory_space<hbm>>
      %dma_wait3A_460 = arith.constant 0 : i32
      %dma_wait3A_461 = arith.constant 0 : i32
      %dma_wait3A_462 = tpu.memref_slice %arg3[%add3A_455, %dma_wait3A_460, %dma_wait3A_461] : memref<1282x2x128xi32, #tpu.memory_space<hbm>> -> memref<1x2x128xi32, #tpu.memory_space<hbm>>
      %dma_wait3A_463 = tpu.memref_squeeze %dma_wait3A_462 : memref<1x2x128xi32, #tpu.memory_space<hbm>> -> memref<2x128xi32, #tpu.memory_space<hbm>>
      tpu.wait_dma2 semaphore(%arg19 : memref<!tpu.dma_semaphore, #tpu.memory_space<semaphore_mem>>) src(%dma_wait3A_463 : memref<2x128xi32, #tpu.memory_space<hbm>>) dst(%arg7 : memref<2x128xi32, #tpu.memory_space<vmem>>)
      %get3A_464 = arith.constant 0 : i32
      %get3A_465 = arith.index_cast %get3A_464 : i32 to index
      %get3A_466 = arith.constant 0 : index
      %get3A_467 = tpu.vector_load %arg7[%get3A_465, %get3A_466] {strides = array<i32>} : memref<2x128xi32, #tpu.memory_space<vmem>>, vector<16xi32>,
      %mul3A_468 = arith.constant 2 : i32
      %mul3A_469 = vector.broadcast %mul3A_468 : i32 to vector<16xi32>
      %mul3A_470 = arith.muli %get3A_467, %mul3A_469 : vector<16xi32>
      %add3A_471 = vector.broadcast %arg0 : i32 to vector<16xi32>
      %add3A_472 = arith.addi %mul3A_470, %add3A_471 : vector<16xi32>
      %swap3A_473 = arith.constant 0 : index
      %swap3A_474 = tpu.vector_load %arg9[%swap3A_473] {strides = array<i32>} : memref<128xi32, #tpu.memory_space<vmem>>, vector<16xi32>,
      tpu.vector_store %arg9[%swap3A_473], %add3A_472 {strides = array<i32>} : memref<128xi32, #tpu.memory_space<vmem>>, vector<16xi32>,
      %get3A_475 = arith.constant 0 : i32
      %get3A_476 = arith.index_cast %get3A_475 : i32 to index
      %get3A_477 = arith.constant 16 : index
      %get3A_478 = tpu.vector_load %arg7[%get3A_476, %get3A_477] {strides = array<i32>} : memref<2x128xi32, #tpu.memory_space<vmem>>, vector<16xi32>,
      %mul3A_479 = arith.constant 2 : i32
      %mul3A_480 = vector.broadcast %mul3A_479 : i32 to vector<16xi32>
      %mul3A_481 = arith.muli %get3A_478, %mul3A_480 : vector<16xi32>
      %add3A_482 = vector.broadcast %arg0 : i32 to vector<16xi32>
      %add3A_483 = arith.addi %mul3A_481, %add3A_482 : vector<16xi32>
      %swap3A_484 = arith.constant 16 : index
      %swap3A_485 = tpu.vector_load %arg9[%swap3A_484] {strides = array<i32>} : memref<128xi32, #tpu.memory_space<vmem>>, vector<16xi32>,
      tpu.vector_store %arg9[%swap3A_484], %add3A_483 {strides = array<i32>} : memref<128xi32, #tpu.memory_space<vmem>>, vector<16xi32>,
      %get3A_486 = arith.constant 0 : i32
      %get3A_487 = arith.index_cast %get3A_486 : i32 to index
      %get3A_488 = arith.constant 32 : index
      %get3A_489 = tpu.vector_load %arg7[%get3A_487, %get3A_488] {strides = array<i32>} : memref<2x128xi32, #tpu.memory_space<vmem>>, vector<16xi32>,
      %mul3A_490 = arith.constant 2 : i32
      %mul3A_491 = vector.broadcast %mul3A_490 : i32 to vector<16xi32>
      %mul3A_492 = arith.muli %get3A_489, %mul3A_491 : vector<16xi32>
      %add3A_493 = vector.broadcast %arg0 : i32 to vector<16xi32>
      %add3A_494 = arith.addi %mul3A_492, %add3A_493 : vector<16xi32>
      %swap3A_495 = arith.constant 32 : index
      %swap3A_496 = tpu.vector_load %arg9[%swap3A_495] {strides = array<i32>} : memref<128xi32, #tpu.memory_space<vmem>>, vector<16xi32>,
      tpu.vector_store %arg9[%swap3A_495], %add3A_494 {strides = array<i32>} : memref<128xi32, #tpu.memory_space<vmem>>, vector<16xi32>,
      %get3A_497 = arith.constant 0 : i32
      %get3A_498 = arith.index_cast %get3A_497 : i32 to index
      %get3A_499 = arith.constant 48 : index
      %get3A_500 = tpu.vector_load %arg7[%get3A_498, %get3A_499] {strides = array<i32>} : memref<2x128xi32, #tpu.memory_space<vmem>>, vector<16xi32>,
      %mul3A_501 = arith.constant 2 : i32
      %mul3A_502 = vector.broadcast %mul3A_501 : i32 to vector<16xi32>
      %mul3A_503 = arith.muli %get3A_500, %mul3A_502 : vector<16xi32>
      %add3A_504 = vector.broadcast %arg0 : i32 to vector<16xi32>
      %add3A_505 = arith.addi %mul3A_503, %add3A_504 : vector<16xi32>
      %swap3A_506 = arith.constant 48 : index
      %swap3A_507 = tpu.vector_load %arg9[%swap3A_506] {strides = array<i32>} : memref<128xi32, #tpu.memory_space<vmem>>, vector<16xi32>,
      tpu.vector_store %arg9[%swap3A_506], %add3A_505 {strides = array<i32>} : memref<128xi32, #tpu.memory_space<vmem>>, vector<16xi32>,
      %get3A_508 = arith.constant 0 : i32
      %get3A_509 = arith.index_cast %get3A_508 : i32 to index
      %get3A_510 = arith.constant 64 : index
      %get3A_511 = tpu.vector_load %arg7[%get3A_509, %get3A_510] {strides = array<i32>} : memref<2x128xi32, #tpu.memory_space<vmem>>, vector<16xi32>,
      %mul3A_512 = arith.constant 2 : i32
      %mul3A_513 = vector.broadcast %mul3A_512 : i32 to vector<16xi32>
      %mul3A_514 = arith.muli %get3A_511, %mul3A_513 : vector<16xi32>
      %add3A_515 = vector.broadcast %arg0 : i32 to vector<16xi32>
      %add3A_516 = arith.addi %mul3A_514, %add3A_515 : vector<16xi32>
      %swap3A_517 = arith.constant 64 : index
      %swap3A_518 = tpu.vector_load %arg9[%swap3A_517] {strides = array<i32>} : memref<128xi32, #tpu.memory_space<vmem>>, vector<16xi32>,
      tpu.vector_store %arg9[%swap3A_517], %add3A_516 {strides = array<i32>} : memref<128xi32, #tpu.memory_space<vmem>>, vector<16xi32>,
      %get3A_519 = arith.constant 0 : i32
      %get3A_520 = arith.index_cast %get3A_519 : i32 to index
      %get3A_521 = arith.constant 80 : index
      %get3A_522 = tpu.vector_load %arg7[%get3A_520, %get3A_521] {strides = array<i32>} : memref<2x128xi32, #tpu.memory_space<vmem>>, vector<16xi32>,
      %mul3A_523 = arith.constant 2 : i32
      %mul3A_524 = vector.broadcast %mul3A_523 : i32 to vector<16xi32>
      %mul3A_525 = arith.muli %get3A_522, %mul3A_524 : vector<16xi32>
      %add3A_526 = vector.broadcast %arg0 : i32 to vector<16xi32>
      %add3A_527 = arith.addi %mul3A_525, %add3A_526 : vector<16xi32>
      %swap3A_528 = arith.constant 80 : index
      %swap3A_529 = tpu.vector_load %arg9[%swap3A_528] {strides = array<i32>} : memref<128xi32, #tpu.memory_space<vmem>>, vector<16xi32>,
      tpu.vector_store %arg9[%swap3A_528], %add3A_527 {strides = array<i32>} : memref<128xi32, #tpu.memory_space<vmem>>, vector<16xi32>,
      %get3A_530 = arith.constant 0 : i32
      %get3A_531 = arith.index_cast %get3A_530 : i32 to index
      %get3A_532 = arith.constant 96 : index
      %get3A_533 = tpu.vector_load %arg7[%get3A_531, %get3A_532] {strides = array<i32>} : memref<2x128xi32, #tpu.memory_space<vmem>>, vector<16xi32>,
      %mul3A_534 = arith.constant 2 : i32
      %mul3A_535 = vector.broadcast %mul3A_534 : i32 to vector<16xi32>
      %mul3A_536 = arith.muli %get3A_533, %mul3A_535 : vector<16xi32>
      %add3A_537 = vector.broadcast %arg0 : i32 to vector<16xi32>
      %add3A_538 = arith.addi %mul3A_536, %add3A_537 : vector<16xi32>
      %swap3A_539 = arith.constant 96 : index
      %swap3A_540 = tpu.vector_load %arg9[%swap3A_539] {strides = array<i32>} : memref<128xi32, #tpu.memory_space<vmem>>, vector<16xi32>,
      tpu.vector_store %arg9[%swap3A_539], %add3A_538 {strides = array<i32>} : memref<128xi32, #tpu.memory_space<vmem>>, vector<16xi32>,
      %get3A_541 = arith.constant 0 : i32
      %get3A_542 = arith.index_cast %get3A_541 : i32 to index
      %get3A_543 = arith.constant 112 : index
      %get3A_544 = tpu.vector_load %arg7[%get3A_542, %get3A_543] {strides = array<i32>} : memref<2x128xi32, #tpu.memory_space<vmem>>, vector<16xi32>,
      %mul3A_545 = arith.constant 2 : i32
      %mul3A_546 = vector.broadcast %mul3A_545 : i32 to vector<16xi32>
      %mul3A_547 = arith.muli %get3A_544, %mul3A_546 : vector<16xi32>
      %add3A_548 = vector.broadcast %arg0 : i32 to vector<16xi32>
      %add3A_549 = arith.addi %mul3A_547, %add3A_548 : vector<16xi32>
      %swap3A_550 = arith.constant 112 : index
      %swap3A_551 = tpu.vector_load %arg9[%swap3A_550] {strides = array<i32>} : memref<128xi32, #tpu.memory_space<vmem>>, vector<16xi32>,
      tpu.vector_store %arg9[%swap3A_550], %add3A_549 {strides = array<i32>} : memref<128xi32, #tpu.memory_space<vmem>>, vector<16xi32>,
      %dma_wait3A_552 = arith.constant 0 : i32
      %dma_wait3A_553 = arith.constant 0 : i32
      %dma_wait3A_554 = tpu.memref_slice %arg11[%dma_wait3A_552, %dma_wait3A_553] : memref<1x128xi32, #tpu.memory_space<vmem>> -> memref<1x128xi32, #tpu.memory_space<vmem>>
      %dma_wait3A_555 = tpu.memref_squeeze %dma_wait3A_554 : memref<1x128xi32, #tpu.memory_space<vmem>> -> memref<128xi32, #tpu.memory_space<vmem>>
      %dma_wait3A_556 = arith.constant 0 : i32
      %dma_wait3A_557 = arith.constant 0 : i32
      %dma_wait3A_558 = tpu.memref_slice %arg6[%dma_wait3A_556, %dma_wait3A_557] : memref<10240x128xf32, #tpu.memory_space<vmem_shared>> -> memref<10240x128xf32, #tpu.memory_space<vmem_shared>>
      tpu.wait_indirect_dma semaphore(%arg17 : memref<!tpu.dma_semaphore, #tpu.memory_space<semaphore_mem>>) src(%arg13 : memref<128x128xf32, #tpu.memory_space<vmem>>) dst(%dma_wait3A_558 : memref<10240x128xf32, #tpu.memory_space<vmem_shared>>)
      %get3A_559 = arith.constant 1 : i32
      %get3A_560 = arith.index_cast %get3A_559 : i32 to index
      %get3A_561 = arith.constant 0 : index
      %get3A_562 = tpu.vector_load %arg7[%get3A_560, %get3A_561] {strides = array<i32>} : memref<2x128xi32, #tpu.memory_space<vmem>>, vector<16xi32>,
      %swap3A_563 = arith.constant 0 : i32
      %swap3A_564 = arith.index_cast %swap3A_563 : i32 to index
      %swap3A_565 = arith.constant 0 : index
      %swap3A_566 = tpu.vector_load %arg11[%swap3A_564, %swap3A_565] {strides = array<i32>} : memref<1x128xi32, #tpu.memory_space<vmem>>, vector<16xi32>,
      tpu.vector_store %arg11[%swap3A_564, %swap3A_565], %get3A_562 {strides = array<i32>} : memref<1x128xi32, #tpu.memory_space<vmem>>, vector<16xi32>,
      %get3A_567 = arith.constant 1 : i32
      %get3A_568 = arith.index_cast %get3A_567 : i32 to index
      %get3A_569 = arith.constant 16 : index
      %get3A_570 = tpu.vector_load %arg7[%get3A_568, %get3A_569] {strides = array<i32>} : memref<2x128xi32, #tpu.memory_space<vmem>>, vector<16xi32>,
      %swap3A_571 = arith.constant 0 : i32
      %swap3A_572 = arith.index_cast %swap3A_571 : i32 to index
      %swap3A_573 = arith.constant 16 : index
      %swap3A_574 = tpu.vector_load %arg11[%swap3A_572, %swap3A_573] {strides = array<i32>} : memref<1x128xi32, #tpu.memory_space<vmem>>, vector<16xi32>,
      tpu.vector_store %arg11[%swap3A_572, %swap3A_573], %get3A_570 {strides = array<i32>} : memref<1x128xi32, #tpu.memory_space<vmem>>, vector<16xi32>,
      %get3A_575 = arith.constant 1 : i32
      %get3A_576 = arith.index_cast %get3A_575 : i32 to index
      %get3A_577 = arith.constant 32 : index
      %get3A_578 = tpu.vector_load %arg7[%get3A_576, %get3A_577] {strides = array<i32>} : memref<2x128xi32, #tpu.memory_space<vmem>>, vector<16xi32>,
      %swap3A_579 = arith.constant 0 : i32
      %swap3A_580 = arith.index_cast %swap3A_579 : i32 to index
      %swap3A_581 = arith.constant 32 : index
      %swap3A_582 = tpu.vector_load %arg11[%swap3A_580, %swap3A_581] {strides = array<i32>} : memref<1x128xi32, #tpu.memory_space<vmem>>, vector<16xi32>,
      tpu.vector_store %arg11[%swap3A_580, %swap3A_581], %get3A_578 {strides = array<i32>} : memref<1x128xi32, #tpu.memory_space<vmem>>, vector<16xi32>,
      %get3A_583 = arith.constant 1 : i32
      %get3A_584 = arith.index_cast %get3A_583 : i32 to index
      %get3A_585 = arith.constant 48 : index
      %get3A_586 = tpu.vector_load %arg7[%get3A_584, %get3A_585] {strides = array<i32>} : memref<2x128xi32, #tpu.memory_space<vmem>>, vector<16xi32>,
      %swap3A_587 = arith.constant 0 : i32
      %swap3A_588 = arith.index_cast %swap3A_587 : i32 to index
      %swap3A_589 = arith.constant 48 : index
      %swap3A_590 = tpu.vector_load %arg11[%swap3A_588, %swap3A_589] {strides = array<i32>} : memref<1x128xi32, #tpu.memory_space<vmem>>, vector<16xi32>,
      tpu.vector_store %arg11[%swap3A_588, %swap3A_589], %get3A_586 {strides = array<i32>} : memref<1x128xi32, #tpu.memory_space<vmem>>, vector<16xi32>,
      %get3A_591 = arith.constant 1 : i32
      %get3A_592 = arith.index_cast %get3A_591 : i32 to index
      %get3A_593 = arith.constant 64 : index
      %get3A_594 = tpu.vector_load %arg7[%get3A_592, %get3A_593] {strides = array<i32>} : memref<2x128xi32, #tpu.memory_space<vmem>>, vector<16xi32>,
      %swap3A_595 = arith.constant 0 : i32
      %swap3A_596 = arith.index_cast %swap3A_595 : i32 to index
      %swap3A_597 = arith.constant 64 : index
      %swap3A_598 = tpu.vector_load %arg11[%swap3A_596, %swap3A_597] {strides = array<i32>} : memref<1x128xi32, #tpu.memory_space<vmem>>, vector<16xi32>,
      tpu.vector_store %arg11[%swap3A_596, %swap3A_597], %get3A_594 {strides = array<i32>} : memref<1x128xi32, #tpu.memory_space<vmem>>, vector<16xi32>,
      %get3A_599 = arith.constant 1 : i32
      %get3A_600 = arith.index_cast %get3A_599 : i32 to index
      %get3A_601 = arith.constant 80 : index
      %get3A_602 = tpu.vector_load %arg7[%get3A_600, %get3A_601] {strides = array<i32>} : memref<2x128xi32, #tpu.memory_space<vmem>>, vector<16xi32>,
      %swap3A_603 = arith.constant 0 : i32
      %swap3A_604 = arith.index_cast %swap3A_603 : i32 to index
      %swap3A_605 = arith.constant 80 : index
      %swap3A_606 = tpu.vector_load %arg11[%swap3A_604, %swap3A_605] {strides = array<i32>} : memref<1x128xi32, #tpu.memory_space<vmem>>, vector<16xi32>,
      tpu.vector_store %arg11[%swap3A_604, %swap3A_605], %get3A_602 {strides = array<i32>} : memref<1x128xi32, #tpu.memory_space<vmem>>, vector<16xi32>,
      %get3A_607 = arith.constant 1 : i32
      %get3A_608 = arith.index_cast %get3A_607 : i32 to index
      %get3A_609 = arith.constant 96 : index
      %get3A_610 = tpu.vector_load %arg7[%get3A_608, %get3A_609] {strides = array<i32>} : memref<2x128xi32, #tpu.memory_space<vmem>>, vector<16xi32>,
      %swap3A_611 = arith.constant 0 : i32
      %swap3A_612 = arith.index_cast %swap3A_611 : i32 to index
      %swap3A_613 = arith.constant 96 : index
      %swap3A_614 = tpu.vector_load %arg11[%swap3A_612, %swap3A_613] {strides = array<i32>} : memref<1x128xi32, #tpu.memory_space<vmem>>, vector<16xi32>,
      tpu.vector_store %arg11[%swap3A_612, %swap3A_613], %get3A_610 {strides = array<i32>} : memref<1x128xi32, #tpu.memory_space<vmem>>, vector<16xi32>,
      %get3A_615 = arith.constant 1 : i32
      %get3A_616 = arith.index_cast %get3A_615 : i32 to index
      %get3A_617 = arith.constant 112 : index
      %get3A_618 = tpu.vector_load %arg7[%get3A_616, %get3A_617] {strides = array<i32>} : memref<2x128xi32, #tpu.memory_space<vmem>>, vector<16xi32>,
      %swap3A_619 = arith.constant 0 : i32
      %swap3A_620 = arith.index_cast %swap3A_619 : i32 to index
      %swap3A_621 = arith.constant 112 : index
      %swap3A_622 = tpu.vector_load %arg11[%swap3A_620, %swap3A_621] {strides = array<i32>} : memref<1x128xi32, #tpu.memory_space<vmem>>, vector<16xi32>,
      tpu.vector_store %arg11[%swap3A_620, %swap3A_621], %get3A_618 {strides = array<i32>} : memref<1x128xi32, #tpu.memory_space<vmem>>, vector<16xi32>,
      %dma_start3A_623 = arith.constant 0 : i32
      %dma_start3A_624 = arith.constant 0 : i32
      %dma_start3A_625 = tpu.memref_slice %arg2[%dma_start3A_623, %dma_start3A_624] : memref<20000x128xf32, #tpu.memory_space<hbm>> -> memref<20000x128xf32, #tpu.memory_space<hbm>>
      tpu.enqueue_indirect_dma source(%dma_start3A_625 : memref<20000x128xf32, #tpu.memory_space<hbm>>) target(%arg13 : memref<128x128xf32, #tpu.memory_space<vmem>>) offsets(%arg9 : memref<128xi32, #tpu.memory_space<vmem>>) semaphore(%arg15 : memref<!tpu.dma_semaphore, #tpu.memory_space<semaphore_mem>>)
      %add3A_626 = arith.constant 2 : i32
      %add3A_627 = arith.addi %add3A_263, %add3A_626 : i32
      %dma_start3A_628 = arith.constant 0 : i32
      %dma_start3A_629 = arith.constant 0 : i32
      %dma_start3A_630 = tpu.memref_slice %arg3[%add3A_627, %dma_start3A_628, %dma_start3A_629] : memref<1282x2x128xi32, #tpu.memory_space<hbm>> -> memref<1x2x128xi32, #tpu.memory_space<hbm>>
      %dma_start3A_631 = tpu.memref_squeeze %dma_start3A_630 : memref<1x2x128xi32, #tpu.memory_space<hbm>> -> memref<2x128xi32, #tpu.memory_space<hbm>>
      %dma_start3A_632 = arith.constant 0 : i32
      %dma_start3A_633 = arith.constant 0 : i32
      %dma_start3A_634 = tpu.memref_slice %arg3[%add3A_627, %dma_start3A_632, %dma_start3A_633] : memref<1282x2x128xi32, #tpu.memory_space<hbm>> -> memref<1x2x128xi32, #tpu.memory_space<hbm>>
      %dma_start3A_635 = tpu.memref_squeeze %dma_start3A_634 : memref<1x2x128xi32, #tpu.memory_space<hbm>> -> memref<2x128xi32, #tpu.memory_space<hbm>>
      tpu.enqueue_dma source(%dma_start3A_635 : memref<2x128xi32, #tpu.memory_space<hbm>>) target(%arg8 : memref<2x128xi32, #tpu.memory_space<vmem>>) target_semaphore(%arg20 : memref<!tpu.dma_semaphore, #tpu.memory_space<semaphore_mem>>)
      %dma_wait3A_636 = arith.constant 0 : i32
      %dma_wait3A_637 = arith.constant 0 : i32
      %dma_wait3A_638 = tpu.memref_slice %arg2[%dma_wait3A_636, %dma_wait3A_637] : memref<20000x128xf32, #tpu.memory_space<hbm>> -> memref<20000x128xf32, #tpu.memory_space<hbm>>
      tpu.wait_indirect_dma semaphore(%arg16 : memref<!tpu.dma_semaphore, #tpu.memory_space<semaphore_mem>>) src(%dma_wait3A_638 : memref<20000x128xf32, #tpu.memory_space<hbm>>) dst(%arg14 : memref<128x128xf32, #tpu.memory_space<vmem>>)
      %dma_start3A_639 = arith.constant 0 : i32
      %dma_start3A_640 = arith.constant 0 : i32
      %dma_start3A_641 = tpu.memref_slice %arg12[%dma_start3A_639, %dma_start3A_640] : memref<1x128xi32, #tpu.memory_space<vmem>> -> memref<1x128xi32, #tpu.memory_space<vmem>>
      %dma_start3A_642 = tpu.memref_squeeze %dma_start3A_641 : memref<1x128xi32, #tpu.memory_space<vmem>> -> memref<128xi32, #tpu.memory_space<vmem>>
      %dma_start3A_643 = arith.constant 0 : i32
      %dma_start3A_644 = arith.constant 0 : i32
      %dma_start3A_645 = tpu.memref_slice %arg6[%dma_start3A_643, %dma_start3A_644] : memref<10240x128xf32, #tpu.memory_space<vmem_shared>> -> memref<10240x128xf32, #tpu.memory_space<vmem_shared>>
      tpu.enqueue_indirect_dma source(%arg14 : memref<128x128xf32, #tpu.memory_space<vmem>>) target(%dma_start3A_645 : memref<10240x128xf32, #tpu.memory_space<vmem_shared>>) offsets(%dma_start3A_642 : memref<128xi32, #tpu.memory_space<vmem>>) semaphore(%arg18 : memref<!tpu.dma_semaphore, #tpu.memory_space<semaphore_mem>>) {add = true}
    }
    %scan3A_225 = arith.constant 40 : i32
    %dma_wait3A = arith.constant 0 : i32
    %dma_wait3A_226 = arith.constant 0 : i32
    %dma_wait3A_227 = tpu.memref_slice %arg12[%dma_wait3A, %dma_wait3A_226] : memref<1x128xi32, #tpu.memory_space<vmem>> -> memref<1x128xi32, #tpu.memory_space<vmem>>
    %dma_wait3A_228 = tpu.memref_squeeze %dma_wait3A_227 : memref<1x128xi32, #tpu.memory_space<vmem>> -> memref<128xi32, #tpu.memory_space<vmem>>
    %dma_wait3A_229 = arith.constant 0 : i32
    %dma_wait3A_230 = arith.constant 0 : i32
    %dma_wait3A_231 = tpu.memref_slice %arg6[%dma_wait3A_229, %dma_wait3A_230] : memref<10240x128xf32, #tpu.memory_space<vmem_shared>> -> memref<10240x128xf32, #tpu.memory_space<vmem_shared>>
    tpu.wait_indirect_dma semaphore(%arg18 : memref<!tpu.dma_semaphore, #tpu.memory_space<semaphore_mem>>) src(%arg14 : memref<128x128xf32, #tpu.memory_space<vmem>>) dst(%dma_wait3A_231 : memref<10240x128xf32, #tpu.memory_space<vmem_shared>>)
    %dma_wait3A_232 = arith.constant 0 : i32
    %dma_wait3A_233 = arith.constant 0 : i32
    %dma_wait3A_234 = tpu.memref_slice %arg2[%dma_wait3A_232, %dma_wait3A_233] : memref<20000x128xf32, #tpu.memory_space<hbm>> -> memref<20000x128xf32, #tpu.memory_space<hbm>>
    tpu.wait_indirect_dma semaphore(%arg15 : memref<!tpu.dma_semaphore, #tpu.memory_space<semaphore_mem>>) src(%dma_wait3A_234 : memref<20000x128xf32, #tpu.memory_space<hbm>>) dst(%arg13 : memref<128x128xf32, #tpu.memory_space<vmem>>)
    %add3A_235 = arith.constant 80 : i32
    %add3A_236 = arith.addi %mul3A_19, %add3A_235 : i32
    %add3A_237 = arith.constant 1 : i32
    %add3A_238 = arith.addi %add3A_236, %add3A_237 : i32
    %dma_wait3A_239 = arith.constant 0 : i32
    %dma_wait3A_240 = arith.constant 0 : i32
    %dma_wait3A_241 = tpu.memref_slice %arg3[%add3A_238, %dma_wait3A_239, %dma_wait3A_240] : memref<1282x2x128xi32, #tpu.memory_space<hbm>> -> memref<1x2x128xi32, #tpu.memory_space<hbm>>
    %dma_wait3A_242 = tpu.memref_squeeze %dma_wait3A_241 : memref<1x2x128xi32, #tpu.memory_space<hbm>> -> memref<2x128xi32, #tpu.memory_space<hbm>>
    %dma_wait3A_243 = arith.constant 0 : i32
    %dma_wait3A_244 = arith.constant 0 : i32
    %dma_wait3A_245 = tpu.memref_slice %arg3[%add3A_238, %dma_wait3A_243, %dma_wait3A_244] : memref<1282x2x128xi32, #tpu.memory_space<hbm>> -> memref<1x2x128xi32, #tpu.memory_space<hbm>>
    %dma_wait3A_246 = tpu.memref_squeeze %dma_wait3A_245 : memref<1x2x128xi32, #tpu.memory_space<hbm>> -> memref<2x128xi32, #tpu.memory_space<hbm>>
    tpu.wait_dma2 semaphore(%arg20 : memref<!tpu.dma_semaphore, #tpu.memory_space<semaphore_mem>>) src(%dma_wait3A_246 : memref<2x128xi32, #tpu.memory_space<hbm>>) dst(%arg8 : memref<2x128xi32, #tpu.memory_space<vmem>>)
    %barrier3A_247 = arith.constant 0 : index
    tpu.barrier barrier_id(%barrier3A_247)
    %add3A_248 = arith.constant 0 : i32
    %add3A_249 = arith.addi %multiple_of3A, %add3A_248 : i32
    "tpu.region"() ({
      %run_scoped3A = tpu.sem_alloc : memref<!tpu.dma_semaphore, #tpu.memory_space<semaphore_mem>>
      %dma_start3A_258 = arith.constant 0 : i32
      %dma_start3A_259 = tpu.memref_slice %arg6[%add3A_249, %dma_start3A_258] : memref<10240x128xf32, #tpu.memory_space<vmem_shared>> -> memref<128x128xf32, #tpu.memory_space<vmem_shared>>
      %dma_start3A_260 = arith.constant 0 : i32
      %dma_start3A_261 = tpu.memref_slice %arg6[%add3A_249, %dma_start3A_260] : memref<10240x128xf32, #tpu.memory_space<vmem_shared>> -> memref<128x128xf32, #tpu.memory_space<vmem_shared>>
      tpu.enqueue_dma source(%dma_start3A_261 : memref<128x128xf32, #tpu.memory_space<vmem_shared>>) target(%arg13 : memref<128x128xf32, #tpu.memory_space<vmem>>) target_semaphore(%run_scoped3A : memref<!tpu.dma_semaphore, #tpu.memory_space<semaphore_mem>>)
      %dma_wait3A_262 = arith.constant 0 : i32
      %dma_wait3A_263 = tpu.memref_slice %arg6[%add3A_249, %dma_wait3A_262] : memref<10240x128xf32, #tpu.memory_space<vmem_shared>> -> memref<128x128xf32, #tpu.memory_space<vmem_shared>>
      %dma_wait3A_264 = arith.constant 0 : i32
      %dma_wait3A_265 = tpu.memref_slice %arg6[%add3A_249, %dma_wait3A_264] : memref<10240x128xf32, #tpu.memory_space<vmem_shared>> -> memref<128x128xf32, #tpu.memory_space<vmem_shared>>
      tpu.wait_dma2 semaphore(%run_scoped3A : memref<!tpu.dma_semaphore, #tpu.memory_space<semaphore_mem>>) src(%dma_wait3A_265 : memref<128x128xf32, #tpu.memory_space<vmem_shared>>) dst(%arg13 : memref<128x128xf32, #tpu.memory_space<vmem>>)
      tpu.yield
    }) : () -> ()
    "tpu.region"() ({
      %run_scoped3A = tpu.sem_alloc : memref<!tpu.dma_semaphore, #tpu.memory_space<semaphore_mem>>
      %dma_start3A_258 = tpu.memref_slice %arg5[%add3A_249, %multiple_of3A_8] : memref<10240x256xf32, #tpu.memory_space<hbm>> -> memref<128x128xf32, #tpu.memory_space<hbm>>
      %dma_start3A_259 = tpu.memref_slice %arg5[%add3A_249, %multiple_of3A_8] : memref<10240x256xf32, #tpu.memory_space<hbm>> -> memref<128x128xf32, #tpu.memory_space<hbm>>
      tpu.enqueue_dma source(%arg13 : memref<128x128xf32, #tpu.memory_space<vmem>>) target(%dma_start3A_259 : memref<128x128xf32, #tpu.memory_space<hbm>>) target_semaphore(%run_scoped3A : memref<!tpu.dma_semaphore, #tpu.memory_space<semaphore_mem>>)
      %dma_wait3A_260 = tpu.memref_slice %arg5[%add3A_249, %multiple_of3A_8] : memref<10240x256xf32, #tpu.memory_space<hbm>> -> memref<128x128xf32, #tpu.memory_space<hbm>>
      %dma_wait3A_261 = tpu.memref_slice %arg5[%add3A_249, %multiple_of3A_8] : memref<10240x256xf32, #tpu.memory_space<hbm>> -> memref<128x128xf32, #tpu.memory_space<hbm>>
      tpu.wait_dma2 semaphore(%run_scoped3A : memref<!tpu.dma_semaphore, #tpu.memory_space<semaphore_mem>>) src(%arg13 : memref<128x128xf32, #tpu.memory_space<vmem>>) dst(%dma_wait3A_261 : memref<128x128xf32, #tpu.memory_space<hbm>>)
      tpu.yield
    }) : () -> ()
    %add3A_250 = arith.constant 128 : i32
    %add3A_251 = arith.addi %multiple_of3A, %add3A_250 : i32
    "tpu.region"() ({
      %run_scoped3A = tpu.sem_alloc : memref<!tpu.dma_semaphore, #tpu.memory_space<semaphore_mem>>
      %dma_start3A_258 = arith.constant 0 : i32
      %dma_start3A_259 = tpu.memref_slice %arg6[%add3A_251, %dma_start3A_258] : memref<10240x128xf32, #tpu.memory_space<vmem_shared>> -> memref<128x128xf32, #tpu.memory_space<vmem_shared>>
      %dma_start3A_260 = arith.constant 0 : i32
      %dma_start3A_261 = tpu.memref_slice %arg6[%add3A_251, %dma_start3A_260] : memref<10240x128xf32, #tpu.memory_space<vmem_shared>> -> memref<128x128xf32, #tpu.memory_space<vmem_shared>>
      tpu.enqueue_dma source(%dma_start3A_261 : memref<128x128xf32, #tpu.memory_space<vmem_shared>>) target(%arg13 : memref<128x128xf32, #tpu.memory_space<vmem>>) target_semaphore(%run_scoped3A : memref<!tpu.dma_semaphore, #tpu.memory_space<semaphore_mem>>)
      %dma_wait3A_262 = arith.constant 0 : i32
      %dma_wait3A_263 = tpu.memref_slice %arg6[%add3A_251, %dma_wait3A_262] : memref<10240x128xf32, #tpu.memory_space<vmem_shared>> -> memref<128x128xf32, #tpu.memory_space<vmem_shared>>
      %dma_wait3A_264 = arith.constant 0 : i32
      %dma_wait3A_265 = tpu.memref_slice %arg6[%add3A_251, %dma_wait3A_264] : memref<10240x128xf32, #tpu.memory_space<vmem_shared>> -> memref<128x128xf32, #tpu.memory_space<vmem_shared>>
      tpu.wait_dma2 semaphore(%run_scoped3A : memref<!tpu.dma_semaphore, #tpu.memory_space<semaphore_mem>>) src(%dma_wait3A_265 : memref<128x128xf32, #tpu.memory_space<vmem_shared>>) dst(%arg13 : memref<128x128xf32, #tpu.memory_space<vmem>>)
      tpu.yield
    }) : () -> ()
    "tpu.region"() ({
      %run_scoped3A = tpu.sem_alloc : memref<!tpu.dma_semaphore, #tpu.memory_space<semaphore_mem>>
      %dma_start3A_258 = tpu.memref_slice %arg5[%add3A_251, %multiple_of3A_8] : memref<10240x256xf32, #tpu.memory_space<hbm>> -> memref<128x128xf32, #tpu.memory_space<hbm>>
      %dma_start3A_259 = tpu.memref_slice %arg5[%add3A_251, %multiple_of3A_8] : memref<10240x256xf32, #tpu.memory_space<hbm>> -> memref<128x128xf32, #tpu.memory_space<hbm>>
      tpu.enqueue_dma source(%arg13 : memref<128x128xf32, #tpu.memory_space<vmem>>) target(%dma_start3A_259 : memref<128x128xf32, #tpu.memory_space<hbm>>) target_semaphore(%run_scoped3A : memref<!tpu.dma_semaphore, #tpu.memory_space<semaphore_mem>>)
      %dma_wait3A_260 = tpu.memref_slice %arg5[%add3A_251, %multiple_of3A_8] : memref<10240x256xf32, #tpu.memory_space<hbm>> -> memref<128x128xf32, #tpu.memory_space<hbm>>
      %dma_wait3A_261 = tpu.memref_slice %arg5[%add3A_251, %multiple_of3A_8] : memref<10240x256xf32, #tpu.memory_space<hbm>> -> memref<128x128xf32, #tpu.memory_space<hbm>>
      tpu.wait_dma2 semaphore(%run_scoped3A : memref<!tpu.dma_semaphore, #tpu.memory_space<semaphore_mem>>) src(%arg13 : memref<128x128xf32, #tpu.memory_space<vmem>>) dst(%dma_wait3A_261 : memref<128x128xf32, #tpu.memory_space<hbm>>)
      tpu.yield
    }) : () -> ()
    %add3A_252 = arith.constant 256 : i32
    %add3A_253 = arith.addi %multiple_of3A, %add3A_252 : i32
    "tpu.region"() ({
      %run_scoped3A = tpu.sem_alloc : memref<!tpu.dma_semaphore, #tpu.memory_space<semaphore_mem>>
      %dma_start3A_258 = arith.constant 0 : i32
      %dma_start3A_259 = tpu.memref_slice %arg6[%add3A_253, %dma_start3A_258] : memref<10240x128xf32, #tpu.memory_space<vmem_shared>> -> memref<128x128xf32, #tpu.memory_space<vmem_shared>>
      %dma_start3A_260 = arith.constant 0 : i32
      %dma_start3A_261 = tpu.memref_slice %arg6[%add3A_253, %dma_start3A_260] : memref<10240x128xf32, #tpu.memory_space<vmem_shared>> -> memref<128x128xf32, #tpu.memory_space<vmem_shared>>
      tpu.enqueue_dma source(%dma_start3A_261 : memref<128x128xf32, #tpu.memory_space<vmem_shared>>) target(%arg13 : memref<128x128xf32, #tpu.memory_space<vmem>>) target_semaphore(%run_scoped3A : memref<!tpu.dma_semaphore, #tpu.memory_space<semaphore_mem>>)
      %dma_wait3A_262 = arith.constant 0 : i32
      %dma_wait3A_263 = tpu.memref_slice %arg6[%add3A_253, %dma_wait3A_262] : memref<10240x128xf32, #tpu.memory_space<vmem_shared>> -> memref<128x128xf32, #tpu.memory_space<vmem_shared>>
      %dma_wait3A_264 = arith.constant 0 : i32
      %dma_wait3A_265 = tpu.memref_slice %arg6[%add3A_253, %dma_wait3A_264] : memref<10240x128xf32, #tpu.memory_space<vmem_shared>> -> memref<128x128xf32, #tpu.memory_space<vmem_shared>>
      tpu.wait_dma2 semaphore(%run_scoped3A : memref<!tpu.dma_semaphore, #tpu.memory_space<semaphore_mem>>) src(%dma_wait3A_265 : memref<128x128xf32, #tpu.memory_space<vmem_shared>>) dst(%arg13 : memref<128x128xf32, #tpu.memory_space<vmem>>)
      tpu.yield
    }) : () -> ()
    "tpu.region"() ({
      %run_scoped3A = tpu.sem_alloc : memref<!tpu.dma_semaphore, #tpu.memory_space<semaphore_mem>>
      %dma_start3A_258 = tpu.memref_slice %arg5[%add3A_253, %multiple_of3A_8] : memref<10240x256xf32, #tpu.memory_space<hbm>> -> memref<128x128xf32, #tpu.memory_space<hbm>>
      %dma_start3A_259 = tpu.memref_slice %arg5[%add3A_253, %multiple_of3A_8] : memref<10240x256xf32, #tpu.memory_space<hbm>> -> memref<128x128xf32, #tpu.memory_space<hbm>>
      tpu.enqueue_dma source(%arg13 : memref<128x128xf32, #tpu.memory_space<vmem>>) target(%dma_start3A_259 : memref<128x128xf32, #tpu.memory_space<hbm>>) target_semaphore(%run_scoped3A : memref<!tpu.dma_semaphore, #tpu.memory_space<semaphore_mem>>)
      %dma_wait3A_260 = tpu.memref_slice %arg5[%add3A_253, %multiple_of3A_8] : memref<10240x256xf32, #tpu.memory_space<hbm>> -> memref<128x128xf32, #tpu.memory_space<hbm>>
      %dma_wait3A_261 = tpu.memref_slice %arg5[%add3A_253, %multiple_of3A_8] : memref<10240x256xf32, #tpu.memory_space<hbm>> -> memref<128x128xf32, #tpu.memory_space<hbm>>
      tpu.wait_dma2 semaphore(%run_scoped3A : memref<!tpu.dma_semaphore, #tpu.memory_space<semaphore_mem>>) src(%arg13 : memref<128x128xf32, #tpu.memory_space<vmem>>) dst(%dma_wait3A_261 : memref<128x128xf32, #tpu.memory_space<hbm>>)
      tpu.yield
    }) : () -> ()
    %add3A_254 = arith.constant 384 : i32
    %add3A_255 = arith.addi %multiple_of3A, %add3A_254 : i32
    "tpu.region"() ({
      %run_scoped3A = tpu.sem_alloc : memref<!tpu.dma_semaphore, #tpu.memory_space<semaphore_mem>>
      %dma_start3A_258 = arith.constant 0 : i32
      %dma_start3A_259 = tpu.memref_slice %arg6[%add3A_255, %dma_start3A_258] : memref<10240x128xf32, #tpu.memory_space<vmem_shared>> -> memref<128x128xf32, #tpu.memory_space<vmem_shared>>
      %dma_start3A_260 = arith.constant 0 : i32
      %dma_start3A_261 = tpu.memref_slice %arg6[%add3A_255, %dma_start3A_260] : memref<10240x128xf32, #tpu.memory_space<vmem_shared>> -> memref<128x128xf32, #tpu.memory_space<vmem_shared>>
      tpu.enqueue_dma source(%dma_start3A_261 : memref<128x128xf32, #tpu.memory_space<vmem_shared>>) target(%arg13 : memref<128x128xf32, #tpu.memory_space<vmem>>) target_semaphore(%run_scoped3A : memref<!tpu.dma_semaphore, #tpu.memory_space<semaphore_mem>>)
      %dma_wait3A_262 = arith.constant 0 : i32
      %dma_wait3A_263 = tpu.memref_slice %arg6[%add3A_255, %dma_wait3A_262] : memref<10240x128xf32, #tpu.memory_space<vmem_shared>> -> memref<128x128xf32, #tpu.memory_space<vmem_shared>>
      %dma_wait3A_264 = arith.constant 0 : i32
      %dma_wait3A_265 = tpu.memref_slice %arg6[%add3A_255, %dma_wait3A_264] : memref<10240x128xf32, #tpu.memory_space<vmem_shared>> -> memref<128x128xf32, #tpu.memory_space<vmem_shared>>
      tpu.wait_dma2 semaphore(%run_scoped3A : memref<!tpu.dma_semaphore, #tpu.memory_space<semaphore_mem>>) src(%dma_wait3A_265 : memref<128x128xf32, #tpu.memory_space<vmem_shared>>) dst(%arg13 : memref<128x128xf32, #tpu.memory_space<vmem>>)
      tpu.yield
    }) : () -> ()
    "tpu.region"() ({
      %run_scoped3A = tpu.sem_alloc : memref<!tpu.dma_semaphore, #tpu.memory_space<semaphore_mem>>
      %dma_start3A_258 = tpu.memref_slice %arg5[%add3A_255, %multiple_of3A_8] : memref<10240x256xf32, #tpu.memory_space<hbm>> -> memref<128x128xf32, #tpu.memory_space<hbm>>
      %dma_start3A_259 = tpu.memref_slice %arg5[%add3A_255, %multiple_of3A_8] : memref<10240x256xf32, #tpu.memory_space<hbm>> -> memref<128x128xf32, #tpu.memory_space<hbm>>
      tpu.enqueue_dma source(%arg13 : memref<128x128xf32, #tpu.memory_space<vmem>>) target(%dma_start3A_259 : memref<128x128xf32, #tpu.memory_space<hbm>>) target_semaphore(%run_scoped3A : memref<!tpu.dma_semaphore, #tpu.memory_space<semaphore_mem>>)
      %dma_wait3A_260 = tpu.memref_slice %arg5[%add3A_255, %multiple_of3A_8] : memref<10240x256xf32, #tpu.memory_space<hbm>> -> memref<128x128xf32, #tpu.memory_space<hbm>>
      %dma_wait3A_261 = tpu.memref_slice %arg5[%add3A_255, %multiple_of3A_8] : memref<10240x256xf32, #tpu.memory_space<hbm>> -> memref<128x128xf32, #tpu.memory_space<hbm>>
      tpu.wait_dma2 semaphore(%run_scoped3A : memref<!tpu.dma_semaphore, #tpu.memory_space<semaphore_mem>>) src(%arg13 : memref<128x128xf32, #tpu.memory_space<vmem>>) dst(%dma_wait3A_261 : memref<128x128xf32, #tpu.memory_space<hbm>>)
      tpu.yield
    }) : () -> ()
    %add3A_256 = arith.constant 512 : i32
    %add3A_257 = arith.addi %multiple_of3A, %add3A_256 : i32
    "tpu.region"() ({
      %run_scoped3A = tpu.sem_alloc : memref<!tpu.dma_semaphore, #tpu.memory_space<semaphore_mem>>
      %dma_start3A_258 = arith.constant 0 : i32
      %dma_start3A_259 = tpu.memref_slice %arg6[%add3A_257, %dma_start3A_258] : memref<10240x128xf32, #tpu.memory_space<vmem_shared>> -> memref<128x128xf32, #tpu.memory_space<vmem_shared>>
      %dma_start3A_260 = arith.constant 0 : i32
      %dma_start3A_261 = tpu.memref_slice %arg6[%add3A_257, %dma_start3A_260] : memref<10240x128xf32, #tpu.memory_space<vmem_shared>> -> memref<128x128xf32, #tpu.memory_space<vmem_shared>>
      tpu.enqueue_dma source(%dma_start3A_261 : memref<128x128xf32, #tpu.memory_space<vmem_shared>>) target(%arg13 : memref<128x128xf32, #tpu.memory_space<vmem>>) target_semaphore(%run_scoped3A : memref<!tpu.dma_semaphore, #tpu.memory_space<semaphore_mem>>)
      %dma_wait3A_262 = arith.constant 0 : i32
      %dma_wait3A_263 = tpu.memref_slice %arg6[%add3A_257, %dma_wait3A_262] : memref<10240x128xf32, #tpu.memory_space<vmem_shared>> -> memref<128x128xf32, #tpu.memory_space<vmem_shared>>
      %dma_wait3A_264 = arith.constant 0 : i32
      %dma_wait3A_265 = tpu.memref_slice %arg6[%add3A_257, %dma_wait3A_264] : memref<10240x128xf32, #tpu.memory_space<vmem_shared>> -> memref<128x128xf32, #tpu.memory_space<vmem_shared>>
      tpu.wait_dma2 semaphore(%run_scoped3A : memref<!tpu.dma_semaphore, #tpu.memory_space<semaphore_mem>>) src(%dma_wait3A_265 : memref<128x128xf32, #tpu.memory_space<vmem_shared>>) dst(%arg13 : memref<128x128xf32, #tpu.memory_space<vmem>>)
      tpu.yield
    }) : () -> ()
    "tpu.region"() ({
      %run_scoped3A = tpu.sem_alloc : memref<!tpu.dma_semaphore, #tpu.memory_space<semaphore_mem>>
      %dma_start3A_258 = tpu.memref_slice %arg5[%add3A_257, %multiple_of3A_8] : memref<10240x256xf32, #tpu.memory_space<hbm>> -> memref<128x128xf32, #tpu.memory_space<hbm>>
      %dma_start3A_259 = tpu.memref_slice %arg5[%add3A_257, %multiple_of3A_8] : memref<10240x256xf32, #tpu.memory_space<hbm>> -> memref<128x128xf32, #tpu.memory_space<hbm>>
      tpu.enqueue_dma source(%arg13 : memref<128x128xf32, #tpu.memory_space<vmem>>) target(%dma_start3A_259 : memref<128x128xf32, #tpu.memory_space<hbm>>) target_semaphore(%run_scoped3A : memref<!tpu.dma_semaphore, #tpu.memory_space<semaphore_mem>>)
      %dma_wait3A_260 = tpu.memref_slice %arg5[%add3A_257, %multiple_of3A_8] : memref<10240x256xf32, #tpu.memory_space<hbm>> -> memref<128x128xf32, #tpu.memory_space<hbm>>
      %dma_wait3A_261 = tpu.memref_slice %arg5[%add3A_257, %multiple_of3A_8] : memref<10240x256xf32, #tpu.memory_space<hbm>> -> memref<128x128xf32, #tpu.memory_space<hbm>>
      tpu.wait_dma2 semaphore(%run_scoped3A : memref<!tpu.dma_semaphore, #tpu.memory_space<semaphore_mem>>) src(%arg13 : memref<128x128xf32, #tpu.memory_space<vmem>>) dst(%dma_wait3A_261 : memref<128x128xf32, #tpu.memory_space<hbm>>)
      tpu.yield
    }) : () -> ()
    return
  }
}

#map = affine_map<(d0, d1) -> (0, 0)>
#map1 = affine_map<(d0, d1) -> (0, 0, 0)>
#map2 = affine_map<(d0, d1) -> (0)>
module attributes {stable_mosaic.version = 14 : i64} {
  func.func @body(%arg0: i32, %arg1: i32, %arg2: memref<20000x128xf32, #tpu.memory_space<hbm>>, %arg3: memref<1282x2x128xi32, #tpu.memory_space<hbm>>, %arg4: memref<128x128xf32, #tpu.memory_space<hbm>>, %arg5: memref<10240x256xf32, #tpu.memory_space<hbm>>, %arg6: memref<10240xf32, #tpu.memory_space<hbm>>, %arg7: memref<327680xf32, #tpu.memory_space<hbm>>, %arg8: memref<10240x128xf32, #tpu.memory_space<vmem_shared>>, %arg9: memref<2x128xi32, #tpu.memory_space<vmem>>, %arg10: memref<2x128xi32, #tpu.memory_space<vmem>>, %arg11: memref<128xi32, #tpu.memory_space<vmem>>, %arg12: memref<128xi32, #tpu.memory_space<vmem>>, %arg13: memref<1x128xi32, #tpu.memory_space<vmem>>, %arg14: memref<1x128xi32, #tpu.memory_space<vmem>>, %arg15: memref<128x128xf32, #tpu.memory_space<vmem>>, %arg16: memref<128x128xf32, #tpu.memory_space<vmem>>, %arg17: memref<10240xf32, #tpu.memory_space<vmem>>, %arg18: memref<640xf32, #tpu.memory_space<vmem>>, %arg19: memref<640xf32, #tpu.memory_space<vmem>>, %arg20: memref<!tpu.dma_semaphore, #tpu.memory_space<semaphore_mem>>, %arg21: memref<!tpu.dma_semaphore, #tpu.memory_space<semaphore_mem>>, %arg22: memref<!tpu.dma_semaphore, #tpu.memory_space<semaphore_mem>>, %arg23: memref<!tpu.dma_semaphore, #tpu.memory_space<semaphore_mem>>, %arg24: memref<!tpu.dma_semaphore, #tpu.memory_space<semaphore_mem>>, %arg25: memref<!tpu.dma_semaphore, #tpu.memory_space<semaphore_mem>>) attributes {dimension_semantics = [#tpu.dimension_semantics<core_parallel>, #tpu.dimension_semantics<subcore_parallel>], iteration_bounds = array<i64: 2, 16>, scalar_prefetch = 0 : i64, scratch_operands = 18 : i64, tpu.core_type = #tpu.core_type<sc_vector_subcore>, window_params = [{transform_indices = #map}, {transform_indices = #map1}, {transform_indices = #map}, {transform_indices = #map}, {transform_indices = #map2}, {transform_indices = #map2}]} {
    %broadcast_in_dim3A = arith.constant 0.000000e+00 : f32
    %broadcast_in_dim3A_0 = vector.broadcast %broadcast_in_dim3A : f32 to vector<16xf32>
    %broadcast_in_dim3A_1 = arith.constant 1.000000e+00 : f32
    %broadcast_in_dim3A_2 = vector.broadcast %broadcast_in_dim3A_1 : f32 to vector<16xf32>
    %broadcast_in_dim3A_3 = arith.constant 10000 : i32
    %broadcast_in_dim3A_4 = vector.broadcast %broadcast_in_dim3A_3 : i32 to vector<16xi32>
    %mul3A = arith.constant 640 : i32
    %mul3A_5 = arith.muli %arg1, %mul3A : i32
    %multiple_of3A = tpu.assume_multiple %mul3A_5, 640 : i32
    %mul3A_6 = arith.constant 128 : i32
    %mul3A_7 = arith.muli %arg0, %mul3A_6 : i32
    %multiple_of3A_8 = tpu.assume_multiple %mul3A_7, 128 : i32
    "tpu.region"() ({
      %run_scoped3A = tpu.sem_alloc : memref<!tpu.dma_semaphore, #tpu.memory_space<semaphore_mem>>
      tpu.enqueue_dma source(%arg4 : memref<128x128xf32, #tpu.memory_space<hbm>>) target(%arg15 : memref<128x128xf32, #tpu.memory_space<vmem>>) target_semaphore(%run_scoped3A : memref<!tpu.dma_semaphore, #tpu.memory_space<semaphore_mem>>)
      tpu.wait_dma2 semaphore(%run_scoped3A : memref<!tpu.dma_semaphore, #tpu.memory_space<semaphore_mem>>) src(%arg4 : memref<128x128xf32, #tpu.memory_space<hbm>>) dst(%arg15 : memref<128x128xf32, #tpu.memory_space<vmem>>)
      tpu.yield
    }) : () -> ()
    %add3A = arith.constant 0 : i32
    %add3A_9 = arith.addi %multiple_of3A, %add3A : i32
    "tpu.region"() ({
      %run_scoped3A = tpu.sem_alloc : memref<!tpu.dma_semaphore, #tpu.memory_space<semaphore_mem>>
      %dma_start3A_509 = arith.constant 0 : i32
      %dma_start3A_510 = tpu.memref_slice %arg8[%add3A_9, %dma_start3A_509] : memref<10240x128xf32, #tpu.memory_space<vmem_shared>> -> memref<128x128xf32, #tpu.memory_space<vmem_shared>>
      %dma_start3A_511 = arith.constant 0 : i32
      %dma_start3A_512 = tpu.memref_slice %arg8[%add3A_9, %dma_start3A_511] : memref<10240x128xf32, #tpu.memory_space<vmem_shared>> -> memref<128x128xf32, #tpu.memory_space<vmem_shared>>
      tpu.enqueue_dma source(%arg15 : memref<128x128xf32, #tpu.memory_space<vmem>>) target(%dma_start3A_512 : memref<128x128xf32, #tpu.memory_space<vmem_shared>>) target_semaphore(%run_scoped3A : memref<!tpu.dma_semaphore, #tpu.memory_space<semaphore_mem>>)
      %dma_wait3A_513 = arith.constant 0 : i32
      %dma_wait3A_514 = tpu.memref_slice %arg8[%add3A_9, %dma_wait3A_513] : memref<10240x128xf32, #tpu.memory_space<vmem_shared>> -> memref<128x128xf32, #tpu.memory_space<vmem_shared>>
      %dma_wait3A_515 = arith.constant 0 : i32
      %dma_wait3A_516 = tpu.memref_slice %arg8[%add3A_9, %dma_wait3A_515] : memref<10240x128xf32, #tpu.memory_space<vmem_shared>> -> memref<128x128xf32, #tpu.memory_space<vmem_shared>>
      tpu.wait_dma2 semaphore(%run_scoped3A : memref<!tpu.dma_semaphore, #tpu.memory_space<semaphore_mem>>) src(%arg15 : memref<128x128xf32, #tpu.memory_space<vmem>>) dst(%dma_wait3A_516 : memref<128x128xf32, #tpu.memory_space<vmem_shared>>)
      tpu.yield
    }) : () -> ()
    %add3A_10 = arith.constant 128 : i32
    %add3A_11 = arith.addi %multiple_of3A, %add3A_10 : i32
    "tpu.region"() ({
      %run_scoped3A = tpu.sem_alloc : memref<!tpu.dma_semaphore, #tpu.memory_space<semaphore_mem>>
      %dma_start3A_509 = arith.constant 0 : i32
      %dma_start3A_510 = tpu.memref_slice %arg8[%add3A_11, %dma_start3A_509] : memref<10240x128xf32, #tpu.memory_space<vmem_shared>> -> memref<128x128xf32, #tpu.memory_space<vmem_shared>>
      %dma_start3A_511 = arith.constant 0 : i32
      %dma_start3A_512 = tpu.memref_slice %arg8[%add3A_11, %dma_start3A_511] : memref<10240x128xf32, #tpu.memory_space<vmem_shared>> -> memref<128x128xf32, #tpu.memory_space<vmem_shared>>
      tpu.enqueue_dma source(%arg15 : memref<128x128xf32, #tpu.memory_space<vmem>>) target(%dma_start3A_512 : memref<128x128xf32, #tpu.memory_space<vmem_shared>>) target_semaphore(%run_scoped3A : memref<!tpu.dma_semaphore, #tpu.memory_space<semaphore_mem>>)
      %dma_wait3A_513 = arith.constant 0 : i32
      %dma_wait3A_514 = tpu.memref_slice %arg8[%add3A_11, %dma_wait3A_513] : memref<10240x128xf32, #tpu.memory_space<vmem_shared>> -> memref<128x128xf32, #tpu.memory_space<vmem_shared>>
      %dma_wait3A_515 = arith.constant 0 : i32
      %dma_wait3A_516 = tpu.memref_slice %arg8[%add3A_11, %dma_wait3A_515] : memref<10240x128xf32, #tpu.memory_space<vmem_shared>> -> memref<128x128xf32, #tpu.memory_space<vmem_shared>>
      tpu.wait_dma2 semaphore(%run_scoped3A : memref<!tpu.dma_semaphore, #tpu.memory_space<semaphore_mem>>) src(%arg15 : memref<128x128xf32, #tpu.memory_space<vmem>>) dst(%dma_wait3A_516 : memref<128x128xf32, #tpu.memory_space<vmem_shared>>)
      tpu.yield
    }) : () -> ()
    %add3A_12 = arith.constant 256 : i32
    %add3A_13 = arith.addi %multiple_of3A, %add3A_12 : i32
    "tpu.region"() ({
      %run_scoped3A = tpu.sem_alloc : memref<!tpu.dma_semaphore, #tpu.memory_space<semaphore_mem>>
      %dma_start3A_509 = arith.constant 0 : i32
      %dma_start3A_510 = tpu.memref_slice %arg8[%add3A_13, %dma_start3A_509] : memref<10240x128xf32, #tpu.memory_space<vmem_shared>> -> memref<128x128xf32, #tpu.memory_space<vmem_shared>>
      %dma_start3A_511 = arith.constant 0 : i32
      %dma_start3A_512 = tpu.memref_slice %arg8[%add3A_13, %dma_start3A_511] : memref<10240x128xf32, #tpu.memory_space<vmem_shared>> -> memref<128x128xf32, #tpu.memory_space<vmem_shared>>
      tpu.enqueue_dma source(%arg15 : memref<128x128xf32, #tpu.memory_space<vmem>>) target(%dma_start3A_512 : memref<128x128xf32, #tpu.memory_space<vmem_shared>>) target_semaphore(%run_scoped3A : memref<!tpu.dma_semaphore, #tpu.memory_space<semaphore_mem>>)
      %dma_wait3A_513 = arith.constant 0 : i32
      %dma_wait3A_514 = tpu.memref_slice %arg8[%add3A_13, %dma_wait3A_513] : memref<10240x128xf32, #tpu.memory_space<vmem_shared>> -> memref<128x128xf32, #tpu.memory_space<vmem_shared>>
      %dma_wait3A_515 = arith.constant 0 : i32
      %dma_wait3A_516 = tpu.memref_slice %arg8[%add3A_13, %dma_wait3A_515] : memref<10240x128xf32, #tpu.memory_space<vmem_shared>> -> memref<128x128xf32, #tpu.memory_space<vmem_shared>>
      tpu.wait_dma2 semaphore(%run_scoped3A : memref<!tpu.dma_semaphore, #tpu.memory_space<semaphore_mem>>) src(%arg15 : memref<128x128xf32, #tpu.memory_space<vmem>>) dst(%dma_wait3A_516 : memref<128x128xf32, #tpu.memory_space<vmem_shared>>)
      tpu.yield
    }) : () -> ()
    %add3A_14 = arith.constant 384 : i32
    %add3A_15 = arith.addi %multiple_of3A, %add3A_14 : i32
    "tpu.region"() ({
      %run_scoped3A = tpu.sem_alloc : memref<!tpu.dma_semaphore, #tpu.memory_space<semaphore_mem>>
      %dma_start3A_509 = arith.constant 0 : i32
      %dma_start3A_510 = tpu.memref_slice %arg8[%add3A_15, %dma_start3A_509] : memref<10240x128xf32, #tpu.memory_space<vmem_shared>> -> memref<128x128xf32, #tpu.memory_space<vmem_shared>>
      %dma_start3A_511 = arith.constant 0 : i32
      %dma_start3A_512 = tpu.memref_slice %arg8[%add3A_15, %dma_start3A_511] : memref<10240x128xf32, #tpu.memory_space<vmem_shared>> -> memref<128x128xf32, #tpu.memory_space<vmem_shared>>
      tpu.enqueue_dma source(%arg15 : memref<128x128xf32, #tpu.memory_space<vmem>>) target(%dma_start3A_512 : memref<128x128xf32, #tpu.memory_space<vmem_shared>>) target_semaphore(%run_scoped3A : memref<!tpu.dma_semaphore, #tpu.memory_space<semaphore_mem>>)
      %dma_wait3A_513 = arith.constant 0 : i32
      %dma_wait3A_514 = tpu.memref_slice %arg8[%add3A_15, %dma_wait3A_513] : memref<10240x128xf32, #tpu.memory_space<vmem_shared>> -> memref<128x128xf32, #tpu.memory_space<vmem_shared>>
      %dma_wait3A_515 = arith.constant 0 : i32
      %dma_wait3A_516 = tpu.memref_slice %arg8[%add3A_15, %dma_wait3A_515] : memref<10240x128xf32, #tpu.memory_space<vmem_shared>> -> memref<128x128xf32, #tpu.memory_space<vmem_shared>>
      tpu.wait_dma2 semaphore(%run_scoped3A : memref<!tpu.dma_semaphore, #tpu.memory_space<semaphore_mem>>) src(%arg15 : memref<128x128xf32, #tpu.memory_space<vmem>>) dst(%dma_wait3A_516 : memref<128x128xf32, #tpu.memory_space<vmem_shared>>)
      tpu.yield
    }) : () -> ()
    %add3A_16 = arith.constant 512 : i32
    %add3A_17 = arith.addi %multiple_of3A, %add3A_16 : i32
    "tpu.region"() ({
      %run_scoped3A = tpu.sem_alloc : memref<!tpu.dma_semaphore, #tpu.memory_space<semaphore_mem>>
      %dma_start3A_509 = arith.constant 0 : i32
      %dma_start3A_510 = tpu.memref_slice %arg8[%add3A_17, %dma_start3A_509] : memref<10240x128xf32, #tpu.memory_space<vmem_shared>> -> memref<128x128xf32, #tpu.memory_space<vmem_shared>>
      %dma_start3A_511 = arith.constant 0 : i32
      %dma_start3A_512 = tpu.memref_slice %arg8[%add3A_17, %dma_start3A_511] : memref<10240x128xf32, #tpu.memory_space<vmem_shared>> -> memref<128x128xf32, #tpu.memory_space<vmem_shared>>
      tpu.enqueue_dma source(%arg15 : memref<128x128xf32, #tpu.memory_space<vmem>>) target(%dma_start3A_512 : memref<128x128xf32, #tpu.memory_space<vmem_shared>>) target_semaphore(%run_scoped3A : memref<!tpu.dma_semaphore, #tpu.memory_space<semaphore_mem>>)
      %dma_wait3A_513 = arith.constant 0 : i32
      %dma_wait3A_514 = tpu.memref_slice %arg8[%add3A_17, %dma_wait3A_513] : memref<10240x128xf32, #tpu.memory_space<vmem_shared>> -> memref<128x128xf32, #tpu.memory_space<vmem_shared>>
      %dma_wait3A_515 = arith.constant 0 : i32
      %dma_wait3A_516 = tpu.memref_slice %arg8[%add3A_17, %dma_wait3A_515] : memref<10240x128xf32, #tpu.memory_space<vmem_shared>> -> memref<128x128xf32, #tpu.memory_space<vmem_shared>>
      tpu.wait_dma2 semaphore(%run_scoped3A : memref<!tpu.dma_semaphore, #tpu.memory_space<semaphore_mem>>) src(%arg15 : memref<128x128xf32, #tpu.memory_space<vmem>>) dst(%dma_wait3A_516 : memref<128x128xf32, #tpu.memory_space<vmem_shared>>)
      tpu.yield
    }) : () -> ()
    %scan3A = arith.constant 0 : i32
    %scan3A_18 = arith.constant 0 : i32
    %scan3A_19 = arith.constant 640 : i32
    %scan3A_20 = arith.addi %scan3A_18, %scan3A_19 : i32
    %scan3A_21 = arith.constant 1 : i32
    scf.for %scan3A_509 = %scan3A_18 to %scan3A_20 step %scan3A_21  : i32 {
      %mul3A_510 = arith.constant 16 : i32
      %mul3A_511 = arith.muli %scan3A_509, %mul3A_510 : i32
      %swap3A_512 = arith.index_cast %mul3A_511 : i32 to index
      %swap3A_513 = tpu.vector_load %arg17[%swap3A_512] {strides = array<i32>} : memref<10240xf32, #tpu.memory_space<vmem>>, vector<16xf32>,
      tpu.vector_store %arg17[%swap3A_512], %broadcast_in_dim3A_0 {strides = array<i32>} : memref<10240xf32, #tpu.memory_space<vmem>>, vector<16xf32>,
    }
    %scan3A_22 = arith.constant 640 : i32
    %barrier3A = arith.constant 0 : index
    tpu.barrier barrier_id(%barrier3A)
    %mul3A_23 = arith.constant 80 : i32
    %mul3A_24 = arith.muli %arg1, %mul3A_23 : i32
    %swap3A = arith.constant 0 : i32
    %swap3A_25 = arith.index_cast %swap3A : i32 to index
    %swap3A_26 = arith.constant 0 : index
    %swap3A_27 = tpu.vector_load %arg14[%swap3A_25, %swap3A_26] {strides = array<i32>} : memref<1x128xi32, #tpu.memory_space<vmem>>, vector<16xi32>,
    tpu.vector_store %arg14[%swap3A_25, %swap3A_26], %broadcast_in_dim3A_4 {strides = array<i32>} : memref<1x128xi32, #tpu.memory_space<vmem>>, vector<16xi32>,
    %swap3A_28 = arith.constant 0 : i32
    %swap3A_29 = arith.index_cast %swap3A_28 : i32 to index
    %swap3A_30 = arith.constant 16 : index
    %swap3A_31 = tpu.vector_load %arg14[%swap3A_29, %swap3A_30] {strides = array<i32>} : memref<1x128xi32, #tpu.memory_space<vmem>>, vector<16xi32>,
    tpu.vector_store %arg14[%swap3A_29, %swap3A_30], %broadcast_in_dim3A_4 {strides = array<i32>} : memref<1x128xi32, #tpu.memory_space<vmem>>, vector<16xi32>,
    %swap3A_32 = arith.constant 0 : i32
    %swap3A_33 = arith.index_cast %swap3A_32 : i32 to index
    %swap3A_34 = arith.constant 32 : index
    %swap3A_35 = tpu.vector_load %arg14[%swap3A_33, %swap3A_34] {strides = array<i32>} : memref<1x128xi32, #tpu.memory_space<vmem>>, vector<16xi32>,
    tpu.vector_store %arg14[%swap3A_33, %swap3A_34], %broadcast_in_dim3A_4 {strides = array<i32>} : memref<1x128xi32, #tpu.memory_space<vmem>>, vector<16xi32>,
    %swap3A_36 = arith.constant 0 : i32
    %swap3A_37 = arith.index_cast %swap3A_36 : i32 to index
    %swap3A_38 = arith.constant 48 : index
    %swap3A_39 = tpu.vector_load %arg14[%swap3A_37, %swap3A_38] {strides = array<i32>} : memref<1x128xi32, #tpu.memory_space<vmem>>, vector<16xi32>,
    tpu.vector_store %arg14[%swap3A_37, %swap3A_38], %broadcast_in_dim3A_4 {strides = array<i32>} : memref<1x128xi32, #tpu.memory_space<vmem>>, vector<16xi32>,
    %swap3A_40 = arith.constant 0 : i32
    %swap3A_41 = arith.index_cast %swap3A_40 : i32 to index
    %swap3A_42 = arith.constant 64 : index
    %swap3A_43 = tpu.vector_load %arg14[%swap3A_41, %swap3A_42] {strides = array<i32>} : memref<1x128xi32, #tpu.memory_space<vmem>>, vector<16xi32>,
    tpu.vector_store %arg14[%swap3A_41, %swap3A_42], %broadcast_in_dim3A_4 {strides = array<i32>} : memref<1x128xi32, #tpu.memory_space<vmem>>, vector<16xi32>,
    %swap3A_44 = arith.constant 0 : i32
    %swap3A_45 = arith.index_cast %swap3A_44 : i32 to index
    %swap3A_46 = arith.constant 80 : index
    %swap3A_47 = tpu.vector_load %arg14[%swap3A_45, %swap3A_46] {strides = array<i32>} : memref<1x128xi32, #tpu.memory_space<vmem>>, vector<16xi32>,
    tpu.vector_store %arg14[%swap3A_45, %swap3A_46], %broadcast_in_dim3A_4 {strides = array<i32>} : memref<1x128xi32, #tpu.memory_space<vmem>>, vector<16xi32>,
    %swap3A_48 = arith.constant 0 : i32
    %swap3A_49 = arith.index_cast %swap3A_48 : i32 to index
    %swap3A_50 = arith.constant 96 : index
    %swap3A_51 = tpu.vector_load %arg14[%swap3A_49, %swap3A_50] {strides = array<i32>} : memref<1x128xi32, #tpu.memory_space<vmem>>, vector<16xi32>,
    tpu.vector_store %arg14[%swap3A_49, %swap3A_50], %broadcast_in_dim3A_4 {strides = array<i32>} : memref<1x128xi32, #tpu.memory_space<vmem>>, vector<16xi32>,
    %swap3A_52 = arith.constant 0 : i32
    %swap3A_53 = arith.index_cast %swap3A_52 : i32 to index
    %swap3A_54 = arith.constant 112 : index
    %swap3A_55 = tpu.vector_load %arg14[%swap3A_53, %swap3A_54] {strides = array<i32>} : memref<1x128xi32, #tpu.memory_space<vmem>>, vector<16xi32>,
    tpu.vector_store %arg14[%swap3A_53, %swap3A_54], %broadcast_in_dim3A_4 {strides = array<i32>} : memref<1x128xi32, #tpu.memory_space<vmem>>, vector<16xi32>,
    %dma_start3A = arith.constant 0 : i32
    %dma_start3A_56 = arith.constant 0 : i32
    %dma_start3A_57 = tpu.memref_slice %arg14[%dma_start3A, %dma_start3A_56] : memref<1x128xi32, #tpu.memory_space<vmem>> -> memref<1x128xi32, #tpu.memory_space<vmem>>
    %dma_start3A_58 = tpu.memref_squeeze %dma_start3A_57 : memref<1x128xi32, #tpu.memory_space<vmem>> -> memref<128xi32, #tpu.memory_space<vmem>>
    %dma_start3A_59 = arith.constant 0 : i32
    %dma_start3A_60 = arith.constant 0 : i32
    %dma_start3A_61 = tpu.memref_slice %arg8[%dma_start3A_59, %dma_start3A_60] : memref<10240x128xf32, #tpu.memory_space<vmem_shared>> -> memref<10240x128xf32, #tpu.memory_space<vmem_shared>>
    tpu.enqueue_indirect_dma source(%arg16 : memref<128x128xf32, #tpu.memory_space<vmem>>) target(%dma_start3A_61 : memref<10240x128xf32, #tpu.memory_space<vmem_shared>>) offsets(%dma_start3A_58 : memref<128xi32, #tpu.memory_space<vmem>>) semaphore(%arg23 : memref<!tpu.dma_semaphore, #tpu.memory_space<semaphore_mem>>) {add = true}
    "tpu.region"() ({
      %run_scoped3A = tpu.sem_alloc : memref<!tpu.dma_semaphore, #tpu.memory_space<semaphore_mem>>
      %dma_start3A_509 = arith.constant 0 : i32
      %dma_start3A_510 = arith.constant 0 : i32
      %dma_start3A_511 = tpu.memref_slice %arg3[%mul3A_24, %dma_start3A_509, %dma_start3A_510] : memref<1282x2x128xi32, #tpu.memory_space<hbm>> -> memref<1x2x128xi32, #tpu.memory_space<hbm>>
      %dma_start3A_512 = tpu.memref_squeeze %dma_start3A_511 : memref<1x2x128xi32, #tpu.memory_space<hbm>> -> memref<2x128xi32, #tpu.memory_space<hbm>>
      %dma_start3A_513 = arith.constant 0 : i32
      %dma_start3A_514 = arith.constant 0 : i32
      %dma_start3A_515 = tpu.memref_slice %arg3[%mul3A_24, %dma_start3A_513, %dma_start3A_514] : memref<1282x2x128xi32, #tpu.memory_space<hbm>> -> memref<1x2x128xi32, #tpu.memory_space<hbm>>
      %dma_start3A_516 = tpu.memref_squeeze %dma_start3A_515 : memref<1x2x128xi32, #tpu.memory_space<hbm>> -> memref<2x128xi32, #tpu.memory_space<hbm>>
      tpu.enqueue_dma source(%dma_start3A_516 : memref<2x128xi32, #tpu.memory_space<hbm>>) target(%arg9 : memref<2x128xi32, #tpu.memory_space<vmem>>) target_semaphore(%run_scoped3A : memref<!tpu.dma_semaphore, #tpu.memory_space<semaphore_mem>>)
      %dma_wait3A_517 = arith.constant 0 : i32
      %dma_wait3A_518 = arith.constant 0 : i32
      %dma_wait3A_519 = tpu.memref_slice %arg3[%mul3A_24, %dma_wait3A_517, %dma_wait3A_518] : memref<1282x2x128xi32, #tpu.memory_space<hbm>> -> memref<1x2x128xi32, #tpu.memory_space<hbm>>
      %dma_wait3A_520 = tpu.memref_squeeze %dma_wait3A_519 : memref<1x2x128xi32, #tpu.memory_space<hbm>> -> memref<2x128xi32, #tpu.memory_space<hbm>>
      %dma_wait3A_521 = arith.constant 0 : i32
      %dma_wait3A_522 = arith.constant 0 : i32
      %dma_wait3A_523 = tpu.memref_slice %arg3[%mul3A_24, %dma_wait3A_521, %dma_wait3A_522] : memref<1282x2x128xi32, #tpu.memory_space<hbm>> -> memref<1x2x128xi32, #tpu.memory_space<hbm>>
      %dma_wait3A_524 = tpu.memref_squeeze %dma_wait3A_523 : memref<1x2x128xi32, #tpu.memory_space<hbm>> -> memref<2x128xi32, #tpu.memory_space<hbm>>
      tpu.wait_dma2 semaphore(%run_scoped3A : memref<!tpu.dma_semaphore, #tpu.memory_space<semaphore_mem>>) src(%dma_wait3A_524 : memref<2x128xi32, #tpu.memory_space<hbm>>) dst(%arg9 : memref<2x128xi32, #tpu.memory_space<vmem>>)
      tpu.yield
    }) : () -> ()
    %get3A = arith.constant 0 : i32
    %get3A_62 = arith.index_cast %get3A : i32 to index
    %get3A_63 = arith.constant 0 : index
    %get3A_64 = tpu.vector_load %arg9[%get3A_62, %get3A_63] {strides = array<i32>} : memref<2x128xi32, #tpu.memory_space<vmem>>, vector<16xi32>,
    %mul3A_65 = arith.constant 2 : i32
    %mul3A_66 = vector.broadcast %mul3A_65 : i32 to vector<16xi32>
    %mul3A_67 = arith.muli %get3A_64, %mul3A_66 : vector<16xi32>
    %add3A_68 = vector.broadcast %arg0 : i32 to vector<16xi32>
    %add3A_69 = arith.addi %mul3A_67, %add3A_68 : vector<16xi32>
    %swap3A_70 = arith.constant 0 : index
    %swap3A_71 = tpu.vector_load %arg11[%swap3A_70] {strides = array<i32>} : memref<128xi32, #tpu.memory_space<vmem>>, vector<16xi32>,
    tpu.vector_store %arg11[%swap3A_70], %add3A_69 {strides = array<i32>} : memref<128xi32, #tpu.memory_space<vmem>>, vector<16xi32>,
    %get3A_72 = arith.constant 0 : i32
    %get3A_73 = arith.index_cast %get3A_72 : i32 to index
    %get3A_74 = arith.constant 16 : index
    %get3A_75 = tpu.vector_load %arg9[%get3A_73, %get3A_74] {strides = array<i32>} : memref<2x128xi32, #tpu.memory_space<vmem>>, vector<16xi32>,
    %mul3A_76 = arith.constant 2 : i32
    %mul3A_77 = vector.broadcast %mul3A_76 : i32 to vector<16xi32>
    %mul3A_78 = arith.muli %get3A_75, %mul3A_77 : vector<16xi32>
    %add3A_79 = vector.broadcast %arg0 : i32 to vector<16xi32>
    %add3A_80 = arith.addi %mul3A_78, %add3A_79 : vector<16xi32>
    %swap3A_81 = arith.constant 16 : index
    %swap3A_82 = tpu.vector_load %arg11[%swap3A_81] {strides = array<i32>} : memref<128xi32, #tpu.memory_space<vmem>>, vector<16xi32>,
    tpu.vector_store %arg11[%swap3A_81], %add3A_80 {strides = array<i32>} : memref<128xi32, #tpu.memory_space<vmem>>, vector<16xi32>,
    %get3A_83 = arith.constant 0 : i32
    %get3A_84 = arith.index_cast %get3A_83 : i32 to index
    %get3A_85 = arith.constant 32 : index
    %get3A_86 = tpu.vector_load %arg9[%get3A_84, %get3A_85] {strides = array<i32>} : memref<2x128xi32, #tpu.memory_space<vmem>>, vector<16xi32>,
    %mul3A_87 = arith.constant 2 : i32
    %mul3A_88 = vector.broadcast %mul3A_87 : i32 to vector<16xi32>
    %mul3A_89 = arith.muli %get3A_86, %mul3A_88 : vector<16xi32>
    %add3A_90 = vector.broadcast %arg0 : i32 to vector<16xi32>
    %add3A_91 = arith.addi %mul3A_89, %add3A_90 : vector<16xi32>
    %swap3A_92 = arith.constant 32 : index
    %swap3A_93 = tpu.vector_load %arg11[%swap3A_92] {strides = array<i32>} : memref<128xi32, #tpu.memory_space<vmem>>, vector<16xi32>,
    tpu.vector_store %arg11[%swap3A_92], %add3A_91 {strides = array<i32>} : memref<128xi32, #tpu.memory_space<vmem>>, vector<16xi32>,
    %get3A_94 = arith.constant 0 : i32
    %get3A_95 = arith.index_cast %get3A_94 : i32 to index
    %get3A_96 = arith.constant 48 : index
    %get3A_97 = tpu.vector_load %arg9[%get3A_95, %get3A_96] {strides = array<i32>} : memref<2x128xi32, #tpu.memory_space<vmem>>, vector<16xi32>,
    %mul3A_98 = arith.constant 2 : i32
    %mul3A_99 = vector.broadcast %mul3A_98 : i32 to vector<16xi32>
    %mul3A_100 = arith.muli %get3A_97, %mul3A_99 : vector<16xi32>
    %add3A_101 = vector.broadcast %arg0 : i32 to vector<16xi32>
    %add3A_102 = arith.addi %mul3A_100, %add3A_101 : vector<16xi32>
    %swap3A_103 = arith.constant 48 : index
    %swap3A_104 = tpu.vector_load %arg11[%swap3A_103] {strides = array<i32>} : memref<128xi32, #tpu.memory_space<vmem>>, vector<16xi32>,
    tpu.vector_store %arg11[%swap3A_103], %add3A_102 {strides = array<i32>} : memref<128xi32, #tpu.memory_space<vmem>>, vector<16xi32>,
    %get3A_105 = arith.constant 0 : i32
    %get3A_106 = arith.index_cast %get3A_105 : i32 to index
    %get3A_107 = arith.constant 64 : index
    %get3A_108 = tpu.vector_load %arg9[%get3A_106, %get3A_107] {strides = array<i32>} : memref<2x128xi32, #tpu.memory_space<vmem>>, vector<16xi32>,
    %mul3A_109 = arith.constant 2 : i32
    %mul3A_110 = vector.broadcast %mul3A_109 : i32 to vector<16xi32>
    %mul3A_111 = arith.muli %get3A_108, %mul3A_110 : vector<16xi32>
    %add3A_112 = vector.broadcast %arg0 : i32 to vector<16xi32>
    %add3A_113 = arith.addi %mul3A_111, %add3A_112 : vector<16xi32>
    %swap3A_114 = arith.constant 64 : index
    %swap3A_115 = tpu.vector_load %arg11[%swap3A_114] {strides = array<i32>} : memref<128xi32, #tpu.memory_space<vmem>>, vector<16xi32>,
    tpu.vector_store %arg11[%swap3A_114], %add3A_113 {strides = array<i32>} : memref<128xi32, #tpu.memory_space<vmem>>, vector<16xi32>,
    %get3A_116 = arith.constant 0 : i32
    %get3A_117 = arith.index_cast %get3A_116 : i32 to index
    %get3A_118 = arith.constant 80 : index
    %get3A_119 = tpu.vector_load %arg9[%get3A_117, %get3A_118] {strides = array<i32>} : memref<2x128xi32, #tpu.memory_space<vmem>>, vector<16xi32>,
    %mul3A_120 = arith.constant 2 : i32
    %mul3A_121 = vector.broadcast %mul3A_120 : i32 to vector<16xi32>
    %mul3A_122 = arith.muli %get3A_119, %mul3A_121 : vector<16xi32>
    %add3A_123 = vector.broadcast %arg0 : i32 to vector<16xi32>
    %add3A_124 = arith.addi %mul3A_122, %add3A_123 : vector<16xi32>
    %swap3A_125 = arith.constant 80 : index
    %swap3A_126 = tpu.vector_load %arg11[%swap3A_125] {strides = array<i32>} : memref<128xi32, #tpu.memory_space<vmem>>, vector<16xi32>,
    tpu.vector_store %arg11[%swap3A_125], %add3A_124 {strides = array<i32>} : memref<128xi32, #tpu.memory_space<vmem>>, vector<16xi32>,
    %get3A_127 = arith.constant 0 : i32
    %get3A_128 = arith.index_cast %get3A_127 : i32 to index
    %get3A_129 = arith.constant 96 : index
    %get3A_130 = tpu.vector_load %arg9[%get3A_128, %get3A_129] {strides = array<i32>} : memref<2x128xi32, #tpu.memory_space<vmem>>, vector<16xi32>,
    %mul3A_131 = arith.constant 2 : i32
    %mul3A_132 = vector.broadcast %mul3A_131 : i32 to vector<16xi32>
    %mul3A_133 = arith.muli %get3A_130, %mul3A_132 : vector<16xi32>
    %add3A_134 = vector.broadcast %arg0 : i32 to vector<16xi32>
    %add3A_135 = arith.addi %mul3A_133, %add3A_134 : vector<16xi32>
    %swap3A_136 = arith.constant 96 : index
    %swap3A_137 = tpu.vector_load %arg11[%swap3A_136] {strides = array<i32>} : memref<128xi32, #tpu.memory_space<vmem>>, vector<16xi32>,
    tpu.vector_store %arg11[%swap3A_136], %add3A_135 {strides = array<i32>} : memref<128xi32, #tpu.memory_space<vmem>>, vector<16xi32>,
    %get3A_138 = arith.constant 0 : i32
    %get3A_139 = arith.index_cast %get3A_138 : i32 to index
    %get3A_140 = arith.constant 112 : index
    %get3A_141 = tpu.vector_load %arg9[%get3A_139, %get3A_140] {strides = array<i32>} : memref<2x128xi32, #tpu.memory_space<vmem>>, vector<16xi32>,
    %mul3A_142 = arith.constant 2 : i32
    %mul3A_143 = vector.broadcast %mul3A_142 : i32 to vector<16xi32>
    %mul3A_144 = arith.muli %get3A_141, %mul3A_143 : vector<16xi32>
    %add3A_145 = vector.broadcast %arg0 : i32 to vector<16xi32>
    %add3A_146 = arith.addi %mul3A_144, %add3A_145 : vector<16xi32>
    %swap3A_147 = arith.constant 112 : index
    %swap3A_148 = tpu.vector_load %arg11[%swap3A_147] {strides = array<i32>} : memref<128xi32, #tpu.memory_space<vmem>>, vector<16xi32>,
    tpu.vector_store %arg11[%swap3A_147], %add3A_146 {strides = array<i32>} : memref<128xi32, #tpu.memory_space<vmem>>, vector<16xi32>,
    %get3A_149 = arith.constant 1 : i32
    %get3A_150 = arith.index_cast %get3A_149 : i32 to index
    %get3A_151 = arith.constant 0 : index
    %get3A_152 = tpu.vector_load %arg9[%get3A_150, %get3A_151] {strides = array<i32>} : memref<2x128xi32, #tpu.memory_space<vmem>>, vector<16xi32>,
    %swap3A_153 = arith.constant 0 : i32
    %swap3A_154 = arith.index_cast %swap3A_153 : i32 to index
    %swap3A_155 = arith.constant 0 : index
    %swap3A_156 = tpu.vector_load %arg13[%swap3A_154, %swap3A_155] {strides = array<i32>} : memref<1x128xi32, #tpu.memory_space<vmem>>, vector<16xi32>,
    tpu.vector_store %arg13[%swap3A_154, %swap3A_155], %get3A_152 {strides = array<i32>} : memref<1x128xi32, #tpu.memory_space<vmem>>, vector<16xi32>,
    %get3A_157 = arith.constant 1 : i32
    %get3A_158 = arith.index_cast %get3A_157 : i32 to index
    %get3A_159 = arith.constant 16 : index
    %get3A_160 = tpu.vector_load %arg9[%get3A_158, %get3A_159] {strides = array<i32>} : memref<2x128xi32, #tpu.memory_space<vmem>>, vector<16xi32>,
    %swap3A_161 = arith.constant 0 : i32
    %swap3A_162 = arith.index_cast %swap3A_161 : i32 to index
    %swap3A_163 = arith.constant 16 : index
    %swap3A_164 = tpu.vector_load %arg13[%swap3A_162, %swap3A_163] {strides = array<i32>} : memref<1x128xi32, #tpu.memory_space<vmem>>, vector<16xi32>,
    tpu.vector_store %arg13[%swap3A_162, %swap3A_163], %get3A_160 {strides = array<i32>} : memref<1x128xi32, #tpu.memory_space<vmem>>, vector<16xi32>,
    %get3A_165 = arith.constant 1 : i32
    %get3A_166 = arith.index_cast %get3A_165 : i32 to index
    %get3A_167 = arith.constant 32 : index
    %get3A_168 = tpu.vector_load %arg9[%get3A_166, %get3A_167] {strides = array<i32>} : memref<2x128xi32, #tpu.memory_space<vmem>>, vector<16xi32>,
    %swap3A_169 = arith.constant 0 : i32
    %swap3A_170 = arith.index_cast %swap3A_169 : i32 to index
    %swap3A_171 = arith.constant 32 : index
    %swap3A_172 = tpu.vector_load %arg13[%swap3A_170, %swap3A_171] {strides = array<i32>} : memref<1x128xi32, #tpu.memory_space<vmem>>, vector<16xi32>,
    tpu.vector_store %arg13[%swap3A_170, %swap3A_171], %get3A_168 {strides = array<i32>} : memref<1x128xi32, #tpu.memory_space<vmem>>, vector<16xi32>,
    %get3A_173 = arith.constant 1 : i32
    %get3A_174 = arith.index_cast %get3A_173 : i32 to index
    %get3A_175 = arith.constant 48 : index
    %get3A_176 = tpu.vector_load %arg9[%get3A_174, %get3A_175] {strides = array<i32>} : memref<2x128xi32, #tpu.memory_space<vmem>>, vector<16xi32>,
    %swap3A_177 = arith.constant 0 : i32
    %swap3A_178 = arith.index_cast %swap3A_177 : i32 to index
    %swap3A_179 = arith.constant 48 : index
    %swap3A_180 = tpu.vector_load %arg13[%swap3A_178, %swap3A_179] {strides = array<i32>} : memref<1x128xi32, #tpu.memory_space<vmem>>, vector<16xi32>,
    tpu.vector_store %arg13[%swap3A_178, %swap3A_179], %get3A_176 {strides = array<i32>} : memref<1x128xi32, #tpu.memory_space<vmem>>, vector<16xi32>,
    %get3A_181 = arith.constant 1 : i32
    %get3A_182 = arith.index_cast %get3A_181 : i32 to index
    %get3A_183 = arith.constant 64 : index
    %get3A_184 = tpu.vector_load %arg9[%get3A_182, %get3A_183] {strides = array<i32>} : memref<2x128xi32, #tpu.memory_space<vmem>>, vector<16xi32>,
    %swap3A_185 = arith.constant 0 : i32
    %swap3A_186 = arith.index_cast %swap3A_185 : i32 to index
    %swap3A_187 = arith.constant 64 : index
    %swap3A_188 = tpu.vector_load %arg13[%swap3A_186, %swap3A_187] {strides = array<i32>} : memref<1x128xi32, #tpu.memory_space<vmem>>, vector<16xi32>,
    tpu.vector_store %arg13[%swap3A_186, %swap3A_187], %get3A_184 {strides = array<i32>} : memref<1x128xi32, #tpu.memory_space<vmem>>, vector<16xi32>,
    %get3A_189 = arith.constant 1 : i32
    %get3A_190 = arith.index_cast %get3A_189 : i32 to index
    %get3A_191 = arith.constant 80 : index
    %get3A_192 = tpu.vector_load %arg9[%get3A_190, %get3A_191] {strides = array<i32>} : memref<2x128xi32, #tpu.memory_space<vmem>>, vector<16xi32>,
    %swap3A_193 = arith.constant 0 : i32
    %swap3A_194 = arith.index_cast %swap3A_193 : i32 to index
    %swap3A_195 = arith.constant 80 : index
    %swap3A_196 = tpu.vector_load %arg13[%swap3A_194, %swap3A_195] {strides = array<i32>} : memref<1x128xi32, #tpu.memory_space<vmem>>, vector<16xi32>,
    tpu.vector_store %arg13[%swap3A_194, %swap3A_195], %get3A_192 {strides = array<i32>} : memref<1x128xi32, #tpu.memory_space<vmem>>, vector<16xi32>,
    %get3A_197 = arith.constant 1 : i32
    %get3A_198 = arith.index_cast %get3A_197 : i32 to index
    %get3A_199 = arith.constant 96 : index
    %get3A_200 = tpu.vector_load %arg9[%get3A_198, %get3A_199] {strides = array<i32>} : memref<2x128xi32, #tpu.memory_space<vmem>>, vector<16xi32>,
    %swap3A_201 = arith.constant 0 : i32
    %swap3A_202 = arith.index_cast %swap3A_201 : i32 to index
    %swap3A_203 = arith.constant 96 : index
    %swap3A_204 = tpu.vector_load %arg13[%swap3A_202, %swap3A_203] {strides = array<i32>} : memref<1x128xi32, #tpu.memory_space<vmem>>, vector<16xi32>,
    tpu.vector_store %arg13[%swap3A_202, %swap3A_203], %get3A_200 {strides = array<i32>} : memref<1x128xi32, #tpu.memory_space<vmem>>, vector<16xi32>,
    %get3A_205 = arith.constant 1 : i32
    %get3A_206 = arith.index_cast %get3A_205 : i32 to index
    %get3A_207 = arith.constant 112 : index
    %get3A_208 = tpu.vector_load %arg9[%get3A_206, %get3A_207] {strides = array<i32>} : memref<2x128xi32, #tpu.memory_space<vmem>>, vector<16xi32>,
    %swap3A_209 = arith.constant 0 : i32
    %swap3A_210 = arith.index_cast %swap3A_209 : i32 to index
    %swap3A_211 = arith.constant 112 : index
    %swap3A_212 = tpu.vector_load %arg13[%swap3A_210, %swap3A_211] {strides = array<i32>} : memref<1x128xi32, #tpu.memory_space<vmem>>, vector<16xi32>,
    tpu.vector_store %arg13[%swap3A_210, %swap3A_211], %get3A_208 {strides = array<i32>} : memref<1x128xi32, #tpu.memory_space<vmem>>, vector<16xi32>,
    %dma_start3A_213 = arith.constant 0 : i32
    %dma_start3A_214 = arith.constant 0 : i32
    %dma_start3A_215 = tpu.memref_slice %arg2[%dma_start3A_213, %dma_start3A_214] : memref<20000x128xf32, #tpu.memory_space<hbm>> -> memref<20000x128xf32, #tpu.memory_space<hbm>>
    tpu.enqueue_indirect_dma source(%dma_start3A_215 : memref<20000x128xf32, #tpu.memory_space<hbm>>) target(%arg15 : memref<128x128xf32, #tpu.memory_space<vmem>>) offsets(%arg11 : memref<128xi32, #tpu.memory_space<vmem>>) semaphore(%arg20 : memref<!tpu.dma_semaphore, #tpu.memory_space<semaphore_mem>>)
    %add3A_216 = arith.constant 1 : i32
    %add3A_217 = arith.addi %mul3A_24, %add3A_216 : i32
    %dma_start3A_218 = arith.constant 0 : i32
    %dma_start3A_219 = arith.constant 0 : i32
    %dma_start3A_220 = tpu.memref_slice %arg3[%add3A_217, %dma_start3A_218, %dma_start3A_219] : memref<1282x2x128xi32, #tpu.memory_space<hbm>> -> memref<1x2x128xi32, #tpu.memory_space<hbm>>
    %dma_start3A_221 = tpu.memref_squeeze %dma_start3A_220 : memref<1x2x128xi32, #tpu.memory_space<hbm>> -> memref<2x128xi32, #tpu.memory_space<hbm>>
    %dma_start3A_222 = arith.constant 0 : i32
    %dma_start3A_223 = arith.constant 0 : i32
    %dma_start3A_224 = tpu.memref_slice %arg3[%add3A_217, %dma_start3A_222, %dma_start3A_223] : memref<1282x2x128xi32, #tpu.memory_space<hbm>> -> memref<1x2x128xi32, #tpu.memory_space<hbm>>
    %dma_start3A_225 = tpu.memref_squeeze %dma_start3A_224 : memref<1x2x128xi32, #tpu.memory_space<hbm>> -> memref<2x128xi32, #tpu.memory_space<hbm>>
    tpu.enqueue_dma source(%dma_start3A_225 : memref<2x128xi32, #tpu.memory_space<hbm>>) target(%arg10 : memref<2x128xi32, #tpu.memory_space<vmem>>) target_semaphore(%arg25 : memref<!tpu.dma_semaphore, #tpu.memory_space<semaphore_mem>>)
    %scan3A_226 = arith.constant 0 : i32
    %scan3A_227 = arith.constant 0 : i32
    %scan3A_228 = arith.constant 40 : i32
    %scan3A_229 = arith.addi %scan3A_227, %scan3A_228 : i32
    %scan3A_230 = arith.constant 1 : i32
    scf.for %scan3A_509 = %scan3A_227 to %scan3A_229 step %scan3A_230  : i32 {
      %mul3A_510 = arith.constant 2 : i32
      %mul3A_511 = arith.muli %mul3A_510, %scan3A_509 : i32
      %add3A_512 = arith.addi %mul3A_24, %mul3A_511 : i32
      %add3A_513 = arith.constant 1 : i32
      %add3A_514 = arith.addi %add3A_512, %add3A_513 : i32
      %dma_wait3A_515 = arith.constant 0 : i32
      %dma_wait3A_516 = arith.constant 0 : i32
      %dma_wait3A_517 = tpu.memref_slice %arg3[%add3A_514, %dma_wait3A_515, %dma_wait3A_516] : memref<1282x2x128xi32, #tpu.memory_space<hbm>> -> memref<1x2x128xi32, #tpu.memory_space<hbm>>
      %dma_wait3A_518 = tpu.memref_squeeze %dma_wait3A_517 : memref<1x2x128xi32, #tpu.memory_space<hbm>> -> memref<2x128xi32, #tpu.memory_space<hbm>>
      %dma_wait3A_519 = arith.constant 0 : i32
      %dma_wait3A_520 = arith.constant 0 : i32
      %dma_wait3A_521 = tpu.memref_slice %arg3[%add3A_514, %dma_wait3A_519, %dma_wait3A_520] : memref<1282x2x128xi32, #tpu.memory_space<hbm>> -> memref<1x2x128xi32, #tpu.memory_space<hbm>>
      %dma_wait3A_522 = tpu.memref_squeeze %dma_wait3A_521 : memref<1x2x128xi32, #tpu.memory_space<hbm>> -> memref<2x128xi32, #tpu.memory_space<hbm>>
      tpu.wait_dma2 semaphore(%arg25 : memref<!tpu.dma_semaphore, #tpu.memory_space<semaphore_mem>>) src(%dma_wait3A_522 : memref<2x128xi32, #tpu.memory_space<hbm>>) dst(%arg10 : memref<2x128xi32, #tpu.memory_space<vmem>>)
      %get3A_523 = arith.constant 0 : i32
      %get3A_524 = arith.index_cast %get3A_523 : i32 to index
      %get3A_525 = arith.constant 0 : index
      %get3A_526 = tpu.vector_load %arg10[%get3A_524, %get3A_525] {strides = array<i32>} : memref<2x128xi32, #tpu.memory_space<vmem>>, vector<16xi32>,
      %mul3A_527 = arith.constant 2 : i32
      %mul3A_528 = vector.broadcast %mul3A_527 : i32 to vector<16xi32>
      %mul3A_529 = arith.muli %get3A_526, %mul3A_528 : vector<16xi32>
      %add3A_530 = vector.broadcast %arg0 : i32 to vector<16xi32>
      %add3A_531 = arith.addi %mul3A_529, %add3A_530 : vector<16xi32>
      %swap3A_532 = arith.constant 0 : index
      %swap3A_533 = tpu.vector_load %arg12[%swap3A_532] {strides = array<i32>} : memref<128xi32, #tpu.memory_space<vmem>>, vector<16xi32>,
      tpu.vector_store %arg12[%swap3A_532], %add3A_531 {strides = array<i32>} : memref<128xi32, #tpu.memory_space<vmem>>, vector<16xi32>,
      %get3A_534 = arith.constant 0 : i32
      %get3A_535 = arith.index_cast %get3A_534 : i32 to index
      %get3A_536 = arith.constant 16 : index
      %get3A_537 = tpu.vector_load %arg10[%get3A_535, %get3A_536] {strides = array<i32>} : memref<2x128xi32, #tpu.memory_space<vmem>>, vector<16xi32>,
      %mul3A_538 = arith.constant 2 : i32
      %mul3A_539 = vector.broadcast %mul3A_538 : i32 to vector<16xi32>
      %mul3A_540 = arith.muli %get3A_537, %mul3A_539 : vector<16xi32>
      %add3A_541 = vector.broadcast %arg0 : i32 to vector<16xi32>
      %add3A_542 = arith.addi %mul3A_540, %add3A_541 : vector<16xi32>
      %swap3A_543 = arith.constant 16 : index
      %swap3A_544 = tpu.vector_load %arg12[%swap3A_543] {strides = array<i32>} : memref<128xi32, #tpu.memory_space<vmem>>, vector<16xi32>,
      tpu.vector_store %arg12[%swap3A_543], %add3A_542 {strides = array<i32>} : memref<128xi32, #tpu.memory_space<vmem>>, vector<16xi32>,
      %get3A_545 = arith.constant 0 : i32
      %get3A_546 = arith.index_cast %get3A_545 : i32 to index
      %get3A_547 = arith.constant 32 : index
      %get3A_548 = tpu.vector_load %arg10[%get3A_546, %get3A_547] {strides = array<i32>} : memref<2x128xi32, #tpu.memory_space<vmem>>, vector<16xi32>,
      %mul3A_549 = arith.constant 2 : i32
      %mul3A_550 = vector.broadcast %mul3A_549 : i32 to vector<16xi32>
      %mul3A_551 = arith.muli %get3A_548, %mul3A_550 : vector<16xi32>
      %add3A_552 = vector.broadcast %arg0 : i32 to vector<16xi32>
      %add3A_553 = arith.addi %mul3A_551, %add3A_552 : vector<16xi32>
      %swap3A_554 = arith.constant 32 : index
      %swap3A_555 = tpu.vector_load %arg12[%swap3A_554] {strides = array<i32>} : memref<128xi32, #tpu.memory_space<vmem>>, vector<16xi32>,
      tpu.vector_store %arg12[%swap3A_554], %add3A_553 {strides = array<i32>} : memref<128xi32, #tpu.memory_space<vmem>>, vector<16xi32>,
      %get3A_556 = arith.constant 0 : i32
      %get3A_557 = arith.index_cast %get3A_556 : i32 to index
      %get3A_558 = arith.constant 48 : index
      %get3A_559 = tpu.vector_load %arg10[%get3A_557, %get3A_558] {strides = array<i32>} : memref<2x128xi32, #tpu.memory_space<vmem>>, vector<16xi32>,
      %mul3A_560 = arith.constant 2 : i32
      %mul3A_561 = vector.broadcast %mul3A_560 : i32 to vector<16xi32>
      %mul3A_562 = arith.muli %get3A_559, %mul3A_561 : vector<16xi32>
      %add3A_563 = vector.broadcast %arg0 : i32 to vector<16xi32>
      %add3A_564 = arith.addi %mul3A_562, %add3A_563 : vector<16xi32>
      %swap3A_565 = arith.constant 48 : index
      %swap3A_566 = tpu.vector_load %arg12[%swap3A_565] {strides = array<i32>} : memref<128xi32, #tpu.memory_space<vmem>>, vector<16xi32>,
      tpu.vector_store %arg12[%swap3A_565], %add3A_564 {strides = array<i32>} : memref<128xi32, #tpu.memory_space<vmem>>, vector<16xi32>,
      %get3A_567 = arith.constant 0 : i32
      %get3A_568 = arith.index_cast %get3A_567 : i32 to index
      %get3A_569 = arith.constant 64 : index
      %get3A_570 = tpu.vector_load %arg10[%get3A_568, %get3A_569] {strides = array<i32>} : memref<2x128xi32, #tpu.memory_space<vmem>>, vector<16xi32>,
      %mul3A_571 = arith.constant 2 : i32
      %mul3A_572 = vector.broadcast %mul3A_571 : i32 to vector<16xi32>
      %mul3A_573 = arith.muli %get3A_570, %mul3A_572 : vector<16xi32>
      %add3A_574 = vector.broadcast %arg0 : i32 to vector<16xi32>
      %add3A_575 = arith.addi %mul3A_573, %add3A_574 : vector<16xi32>
      %swap3A_576 = arith.constant 64 : index
      %swap3A_577 = tpu.vector_load %arg12[%swap3A_576] {strides = array<i32>} : memref<128xi32, #tpu.memory_space<vmem>>, vector<16xi32>,
      tpu.vector_store %arg12[%swap3A_576], %add3A_575 {strides = array<i32>} : memref<128xi32, #tpu.memory_space<vmem>>, vector<16xi32>,
      %get3A_578 = arith.constant 0 : i32
      %get3A_579 = arith.index_cast %get3A_578 : i32 to index
      %get3A_580 = arith.constant 80 : index
      %get3A_581 = tpu.vector_load %arg10[%get3A_579, %get3A_580] {strides = array<i32>} : memref<2x128xi32, #tpu.memory_space<vmem>>, vector<16xi32>,
      %mul3A_582 = arith.constant 2 : i32
      %mul3A_583 = vector.broadcast %mul3A_582 : i32 to vector<16xi32>
      %mul3A_584 = arith.muli %get3A_581, %mul3A_583 : vector<16xi32>
      %add3A_585 = vector.broadcast %arg0 : i32 to vector<16xi32>
      %add3A_586 = arith.addi %mul3A_584, %add3A_585 : vector<16xi32>
      %swap3A_587 = arith.constant 80 : index
      %swap3A_588 = tpu.vector_load %arg12[%swap3A_587] {strides = array<i32>} : memref<128xi32, #tpu.memory_space<vmem>>, vector<16xi32>,
      tpu.vector_store %arg12[%swap3A_587], %add3A_586 {strides = array<i32>} : memref<128xi32, #tpu.memory_space<vmem>>, vector<16xi32>,
      %get3A_589 = arith.constant 0 : i32
      %get3A_590 = arith.index_cast %get3A_589 : i32 to index
      %get3A_591 = arith.constant 96 : index
      %get3A_592 = tpu.vector_load %arg10[%get3A_590, %get3A_591] {strides = array<i32>} : memref<2x128xi32, #tpu.memory_space<vmem>>, vector<16xi32>,
      %mul3A_593 = arith.constant 2 : i32
      %mul3A_594 = vector.broadcast %mul3A_593 : i32 to vector<16xi32>
      %mul3A_595 = arith.muli %get3A_592, %mul3A_594 : vector<16xi32>
      %add3A_596 = vector.broadcast %arg0 : i32 to vector<16xi32>
      %add3A_597 = arith.addi %mul3A_595, %add3A_596 : vector<16xi32>
      %swap3A_598 = arith.constant 96 : index
      %swap3A_599 = tpu.vector_load %arg12[%swap3A_598] {strides = array<i32>} : memref<128xi32, #tpu.memory_space<vmem>>, vector<16xi32>,
      tpu.vector_store %arg12[%swap3A_598], %add3A_597 {strides = array<i32>} : memref<128xi32, #tpu.memory_space<vmem>>, vector<16xi32>,
      %get3A_600 = arith.constant 0 : i32
      %get3A_601 = arith.index_cast %get3A_600 : i32 to index
      %get3A_602 = arith.constant 112 : index
      %get3A_603 = tpu.vector_load %arg10[%get3A_601, %get3A_602] {strides = array<i32>} : memref<2x128xi32, #tpu.memory_space<vmem>>, vector<16xi32>,
      %mul3A_604 = arith.constant 2 : i32
      %mul3A_605 = vector.broadcast %mul3A_604 : i32 to vector<16xi32>
      %mul3A_606 = arith.muli %get3A_603, %mul3A_605 : vector<16xi32>
      %add3A_607 = vector.broadcast %arg0 : i32 to vector<16xi32>
      %add3A_608 = arith.addi %mul3A_606, %add3A_607 : vector<16xi32>
      %swap3A_609 = arith.constant 112 : index
      %swap3A_610 = tpu.vector_load %arg12[%swap3A_609] {strides = array<i32>} : memref<128xi32, #tpu.memory_space<vmem>>, vector<16xi32>,
      tpu.vector_store %arg12[%swap3A_609], %add3A_608 {strides = array<i32>} : memref<128xi32, #tpu.memory_space<vmem>>, vector<16xi32>,
      %dma_wait3A_611 = arith.constant 0 : i32
      %dma_wait3A_612 = arith.constant 0 : i32
      %dma_wait3A_613 = tpu.memref_slice %arg14[%dma_wait3A_611, %dma_wait3A_612] : memref<1x128xi32, #tpu.memory_space<vmem>> -> memref<1x128xi32, #tpu.memory_space<vmem>>
      %dma_wait3A_614 = tpu.memref_squeeze %dma_wait3A_613 : memref<1x128xi32, #tpu.memory_space<vmem>> -> memref<128xi32, #tpu.memory_space<vmem>>
      %dma_wait3A_615 = arith.constant 0 : i32
      %dma_wait3A_616 = arith.constant 0 : i32
      %dma_wait3A_617 = tpu.memref_slice %arg8[%dma_wait3A_615, %dma_wait3A_616] : memref<10240x128xf32, #tpu.memory_space<vmem_shared>> -> memref<10240x128xf32, #tpu.memory_space<vmem_shared>>
      tpu.wait_indirect_dma semaphore(%arg23 : memref<!tpu.dma_semaphore, #tpu.memory_space<semaphore_mem>>) src(%arg16 : memref<128x128xf32, #tpu.memory_space<vmem>>) dst(%dma_wait3A_617 : memref<10240x128xf32, #tpu.memory_space<vmem_shared>>)
      %get3A_618 = arith.constant 1 : i32
      %get3A_619 = arith.index_cast %get3A_618 : i32 to index
      %get3A_620 = arith.constant 0 : index
      %get3A_621 = tpu.vector_load %arg10[%get3A_619, %get3A_620] {strides = array<i32>} : memref<2x128xi32, #tpu.memory_space<vmem>>, vector<16xi32>,
      %swap3A_622 = arith.constant 0 : i32
      %swap3A_623 = arith.index_cast %swap3A_622 : i32 to index
      %swap3A_624 = arith.constant 0 : index
      %swap3A_625 = tpu.vector_load %arg14[%swap3A_623, %swap3A_624] {strides = array<i32>} : memref<1x128xi32, #tpu.memory_space<vmem>>, vector<16xi32>,
      tpu.vector_store %arg14[%swap3A_623, %swap3A_624], %get3A_621 {strides = array<i32>} : memref<1x128xi32, #tpu.memory_space<vmem>>, vector<16xi32>,
      %get3A_626 = arith.constant 1 : i32
      %get3A_627 = arith.index_cast %get3A_626 : i32 to index
      %get3A_628 = arith.constant 16 : index
      %get3A_629 = tpu.vector_load %arg10[%get3A_627, %get3A_628] {strides = array<i32>} : memref<2x128xi32, #tpu.memory_space<vmem>>, vector<16xi32>,
      %swap3A_630 = arith.constant 0 : i32
      %swap3A_631 = arith.index_cast %swap3A_630 : i32 to index
      %swap3A_632 = arith.constant 16 : index
      %swap3A_633 = tpu.vector_load %arg14[%swap3A_631, %swap3A_632] {strides = array<i32>} : memref<1x128xi32, #tpu.memory_space<vmem>>, vector<16xi32>,
      tpu.vector_store %arg14[%swap3A_631, %swap3A_632], %get3A_629 {strides = array<i32>} : memref<1x128xi32, #tpu.memory_space<vmem>>, vector<16xi32>,
      %get3A_634 = arith.constant 1 : i32
      %get3A_635 = arith.index_cast %get3A_634 : i32 to index
      %get3A_636 = arith.constant 32 : index
      %get3A_637 = tpu.vector_load %arg10[%get3A_635, %get3A_636] {strides = array<i32>} : memref<2x128xi32, #tpu.memory_space<vmem>>, vector<16xi32>,
      %swap3A_638 = arith.constant 0 : i32
      %swap3A_639 = arith.index_cast %swap3A_638 : i32 to index
      %swap3A_640 = arith.constant 32 : index
      %swap3A_641 = tpu.vector_load %arg14[%swap3A_639, %swap3A_640] {strides = array<i32>} : memref<1x128xi32, #tpu.memory_space<vmem>>, vector<16xi32>,
      tpu.vector_store %arg14[%swap3A_639, %swap3A_640], %get3A_637 {strides = array<i32>} : memref<1x128xi32, #tpu.memory_space<vmem>>, vector<16xi32>,
      %get3A_642 = arith.constant 1 : i32
      %get3A_643 = arith.index_cast %get3A_642 : i32 to index
      %get3A_644 = arith.constant 48 : index
      %get3A_645 = tpu.vector_load %arg10[%get3A_643, %get3A_644] {strides = array<i32>} : memref<2x128xi32, #tpu.memory_space<vmem>>, vector<16xi32>,
      %swap3A_646 = arith.constant 0 : i32
      %swap3A_647 = arith.index_cast %swap3A_646 : i32 to index
      %swap3A_648 = arith.constant 48 : index
      %swap3A_649 = tpu.vector_load %arg14[%swap3A_647, %swap3A_648] {strides = array<i32>} : memref<1x128xi32, #tpu.memory_space<vmem>>, vector<16xi32>,
      tpu.vector_store %arg14[%swap3A_647, %swap3A_648], %get3A_645 {strides = array<i32>} : memref<1x128xi32, #tpu.memory_space<vmem>>, vector<16xi32>,
      %get3A_650 = arith.constant 1 : i32
      %get3A_651 = arith.index_cast %get3A_650 : i32 to index
      %get3A_652 = arith.constant 64 : index
      %get3A_653 = tpu.vector_load %arg10[%get3A_651, %get3A_652] {strides = array<i32>} : memref<2x128xi32, #tpu.memory_space<vmem>>, vector<16xi32>,
      %swap3A_654 = arith.constant 0 : i32
      %swap3A_655 = arith.index_cast %swap3A_654 : i32 to index
      %swap3A_656 = arith.constant 64 : index
      %swap3A_657 = tpu.vector_load %arg14[%swap3A_655, %swap3A_656] {strides = array<i32>} : memref<1x128xi32, #tpu.memory_space<vmem>>, vector<16xi32>,
      tpu.vector_store %arg14[%swap3A_655, %swap3A_656], %get3A_653 {strides = array<i32>} : memref<1x128xi32, #tpu.memory_space<vmem>>, vector<16xi32>,
      %get3A_658 = arith.constant 1 : i32
      %get3A_659 = arith.index_cast %get3A_658 : i32 to index
      %get3A_660 = arith.constant 80 : index
      %get3A_661 = tpu.vector_load %arg10[%get3A_659, %get3A_660] {strides = array<i32>} : memref<2x128xi32, #tpu.memory_space<vmem>>, vector<16xi32>,
      %swap3A_662 = arith.constant 0 : i32
      %swap3A_663 = arith.index_cast %swap3A_662 : i32 to index
      %swap3A_664 = arith.constant 80 : index
      %swap3A_665 = tpu.vector_load %arg14[%swap3A_663, %swap3A_664] {strides = array<i32>} : memref<1x128xi32, #tpu.memory_space<vmem>>, vector<16xi32>,
      tpu.vector_store %arg14[%swap3A_663, %swap3A_664], %get3A_661 {strides = array<i32>} : memref<1x128xi32, #tpu.memory_space<vmem>>, vector<16xi32>,
      %get3A_666 = arith.constant 1 : i32
      %get3A_667 = arith.index_cast %get3A_666 : i32 to index
      %get3A_668 = arith.constant 96 : index
      %get3A_669 = tpu.vector_load %arg10[%get3A_667, %get3A_668] {strides = array<i32>} : memref<2x128xi32, #tpu.memory_space<vmem>>, vector<16xi32>,
      %swap3A_670 = arith.constant 0 : i32
      %swap3A_671 = arith.index_cast %swap3A_670 : i32 to index
      %swap3A_672 = arith.constant 96 : index
      %swap3A_673 = tpu.vector_load %arg14[%swap3A_671, %swap3A_672] {strides = array<i32>} : memref<1x128xi32, #tpu.memory_space<vmem>>, vector<16xi32>,
      tpu.vector_store %arg14[%swap3A_671, %swap3A_672], %get3A_669 {strides = array<i32>} : memref<1x128xi32, #tpu.memory_space<vmem>>, vector<16xi32>,
      %get3A_674 = arith.constant 1 : i32
      %get3A_675 = arith.index_cast %get3A_674 : i32 to index
      %get3A_676 = arith.constant 112 : index
      %get3A_677 = tpu.vector_load %arg10[%get3A_675, %get3A_676] {strides = array<i32>} : memref<2x128xi32, #tpu.memory_space<vmem>>, vector<16xi32>,
      %swap3A_678 = arith.constant 0 : i32
      %swap3A_679 = arith.index_cast %swap3A_678 : i32 to index
      %swap3A_680 = arith.constant 112 : index
      %swap3A_681 = tpu.vector_load %arg14[%swap3A_679, %swap3A_680] {strides = array<i32>} : memref<1x128xi32, #tpu.memory_space<vmem>>, vector<16xi32>,
      tpu.vector_store %arg14[%swap3A_679, %swap3A_680], %get3A_677 {strides = array<i32>} : memref<1x128xi32, #tpu.memory_space<vmem>>, vector<16xi32>,
      %dma_start3A_682 = arith.constant 0 : i32
      %dma_start3A_683 = arith.constant 0 : i32
      %dma_start3A_684 = tpu.memref_slice %arg2[%dma_start3A_682, %dma_start3A_683] : memref<20000x128xf32, #tpu.memory_space<hbm>> -> memref<20000x128xf32, #tpu.memory_space<hbm>>
      tpu.enqueue_indirect_dma source(%dma_start3A_684 : memref<20000x128xf32, #tpu.memory_space<hbm>>) target(%arg16 : memref<128x128xf32, #tpu.memory_space<vmem>>) offsets(%arg12 : memref<128xi32, #tpu.memory_space<vmem>>) semaphore(%arg21 : memref<!tpu.dma_semaphore, #tpu.memory_space<semaphore_mem>>)
      %add3A_685 = arith.constant 2 : i32
      %add3A_686 = arith.addi %add3A_512, %add3A_685 : i32
      %dma_start3A_687 = arith.constant 0 : i32
      %dma_start3A_688 = arith.constant 0 : i32
      %dma_start3A_689 = tpu.memref_slice %arg3[%add3A_686, %dma_start3A_687, %dma_start3A_688] : memref<1282x2x128xi32, #tpu.memory_space<hbm>> -> memref<1x2x128xi32, #tpu.memory_space<hbm>>
      %dma_start3A_690 = tpu.memref_squeeze %dma_start3A_689 : memref<1x2x128xi32, #tpu.memory_space<hbm>> -> memref<2x128xi32, #tpu.memory_space<hbm>>
      %dma_start3A_691 = arith.constant 0 : i32
      %dma_start3A_692 = arith.constant 0 : i32
      %dma_start3A_693 = tpu.memref_slice %arg3[%add3A_686, %dma_start3A_691, %dma_start3A_692] : memref<1282x2x128xi32, #tpu.memory_space<hbm>> -> memref<1x2x128xi32, #tpu.memory_space<hbm>>
      %dma_start3A_694 = tpu.memref_squeeze %dma_start3A_693 : memref<1x2x128xi32, #tpu.memory_space<hbm>> -> memref<2x128xi32, #tpu.memory_space<hbm>>
      tpu.enqueue_dma source(%dma_start3A_694 : memref<2x128xi32, #tpu.memory_space<hbm>>) target(%arg9 : memref<2x128xi32, #tpu.memory_space<vmem>>) target_semaphore(%arg24 : memref<!tpu.dma_semaphore, #tpu.memory_space<semaphore_mem>>)
      %dma_wait3A_695 = arith.constant 0 : i32
      %dma_wait3A_696 = arith.constant 0 : i32
      %dma_wait3A_697 = tpu.memref_slice %arg2[%dma_wait3A_695, %dma_wait3A_696] : memref<20000x128xf32, #tpu.memory_space<hbm>> -> memref<20000x128xf32, #tpu.memory_space<hbm>>
      tpu.wait_indirect_dma semaphore(%arg20 : memref<!tpu.dma_semaphore, #tpu.memory_space<semaphore_mem>>) src(%dma_wait3A_697 : memref<20000x128xf32, #tpu.memory_space<hbm>>) dst(%arg15 : memref<128x128xf32, #tpu.memory_space<vmem>>)
      %dma_start3A_698 = arith.constant 0 : i32
      %dma_start3A_699 = arith.constant 0 : i32
      %dma_start3A_700 = tpu.memref_slice %arg13[%dma_start3A_698, %dma_start3A_699] : memref<1x128xi32, #tpu.memory_space<vmem>> -> memref<1x128xi32, #tpu.memory_space<vmem>>
      %dma_start3A_701 = tpu.memref_squeeze %dma_start3A_700 : memref<1x128xi32, #tpu.memory_space<vmem>> -> memref<128xi32, #tpu.memory_space<vmem>>
      %dma_start3A_702 = arith.constant 0 : i32
      %dma_start3A_703 = arith.constant 0 : i32
      %dma_start3A_704 = tpu.memref_slice %arg8[%dma_start3A_702, %dma_start3A_703] : memref<10240x128xf32, #tpu.memory_space<vmem_shared>> -> memref<10240x128xf32, #tpu.memory_space<vmem_shared>>
      tpu.enqueue_indirect_dma source(%arg15 : memref<128x128xf32, #tpu.memory_space<vmem>>) target(%dma_start3A_704 : memref<10240x128xf32, #tpu.memory_space<vmem_shared>>) offsets(%dma_start3A_701 : memref<128xi32, #tpu.memory_space<vmem>>) semaphore(%arg22 : memref<!tpu.dma_semaphore, #tpu.memory_space<semaphore_mem>>) {add = true}
      %get3A_705 = arith.constant 0 : i32
      %get3A_706 = arith.index_cast %get3A_705 : i32 to index
      %get3A_707 = arith.constant 0 : index
      %get3A_708 = tpu.vector_load %arg13[%get3A_706, %get3A_707] {strides = array<i32>} : memref<1x128xi32, #tpu.memory_space<vmem>>, vector<16xi32>,
      tpu.vector_store_idx %arg17[%get3A_708], %broadcast_in_dim3A_2 {add = true} : memref<10240xf32, #tpu.memory_space<vmem>>[vector<16xi32>], vector<16xf32>,
      %get3A_709 = arith.constant 0 : i32
      %get3A_710 = arith.index_cast %get3A_709 : i32 to index
      %get3A_711 = arith.constant 16 : index
      %get3A_712 = tpu.vector_load %arg13[%get3A_710, %get3A_711] {strides = array<i32>} : memref<1x128xi32, #tpu.memory_space<vmem>>, vector<16xi32>,
      tpu.vector_store_idx %arg17[%get3A_712], %broadcast_in_dim3A_2 {add = true} : memref<10240xf32, #tpu.memory_space<vmem>>[vector<16xi32>], vector<16xf32>,
      %get3A_713 = arith.constant 0 : i32
      %get3A_714 = arith.index_cast %get3A_713 : i32 to index
      %get3A_715 = arith.constant 32 : index
      %get3A_716 = tpu.vector_load %arg13[%get3A_714, %get3A_715] {strides = array<i32>} : memref<1x128xi32, #tpu.memory_space<vmem>>, vector<16xi32>,
      tpu.vector_store_idx %arg17[%get3A_716], %broadcast_in_dim3A_2 {add = true} : memref<10240xf32, #tpu.memory_space<vmem>>[vector<16xi32>], vector<16xf32>,
      %get3A_717 = arith.constant 0 : i32
      %get3A_718 = arith.index_cast %get3A_717 : i32 to index
      %get3A_719 = arith.constant 48 : index
      %get3A_720 = tpu.vector_load %arg13[%get3A_718, %get3A_719] {strides = array<i32>} : memref<1x128xi32, #tpu.memory_space<vmem>>, vector<16xi32>,
      tpu.vector_store_idx %arg17[%get3A_720], %broadcast_in_dim3A_2 {add = true} : memref<10240xf32, #tpu.memory_space<vmem>>[vector<16xi32>], vector<16xf32>,
      %get3A_721 = arith.constant 0 : i32
      %get3A_722 = arith.index_cast %get3A_721 : i32 to index
      %get3A_723 = arith.constant 64 : index
      %get3A_724 = tpu.vector_load %arg13[%get3A_722, %get3A_723] {strides = array<i32>} : memref<1x128xi32, #tpu.memory_space<vmem>>, vector<16xi32>,
      tpu.vector_store_idx %arg17[%get3A_724], %broadcast_in_dim3A_2 {add = true} : memref<10240xf32, #tpu.memory_space<vmem>>[vector<16xi32>], vector<16xf32>,
      %get3A_725 = arith.constant 0 : i32
      %get3A_726 = arith.index_cast %get3A_725 : i32 to index
      %get3A_727 = arith.constant 80 : index
      %get3A_728 = tpu.vector_load %arg13[%get3A_726, %get3A_727] {strides = array<i32>} : memref<1x128xi32, #tpu.memory_space<vmem>>, vector<16xi32>,
      tpu.vector_store_idx %arg17[%get3A_728], %broadcast_in_dim3A_2 {add = true} : memref<10240xf32, #tpu.memory_space<vmem>>[vector<16xi32>], vector<16xf32>,
      %get3A_729 = arith.constant 0 : i32
      %get3A_730 = arith.index_cast %get3A_729 : i32 to index
      %get3A_731 = arith.constant 96 : index
      %get3A_732 = tpu.vector_load %arg13[%get3A_730, %get3A_731] {strides = array<i32>} : memref<1x128xi32, #tpu.memory_space<vmem>>, vector<16xi32>,
      tpu.vector_store_idx %arg17[%get3A_732], %broadcast_in_dim3A_2 {add = true} : memref<10240xf32, #tpu.memory_space<vmem>>[vector<16xi32>], vector<16xf32>,
      %get3A_733 = arith.constant 0 : i32
      %get3A_734 = arith.index_cast %get3A_733 : i32 to index
      %get3A_735 = arith.constant 112 : index
      %get3A_736 = tpu.vector_load %arg13[%get3A_734, %get3A_735] {strides = array<i32>} : memref<1x128xi32, #tpu.memory_space<vmem>>, vector<16xi32>,
      tpu.vector_store_idx %arg17[%get3A_736], %broadcast_in_dim3A_2 {add = true} : memref<10240xf32, #tpu.memory_space<vmem>>[vector<16xi32>], vector<16xf32>,
      %add3A_737 = arith.constant 2 : i32
      %add3A_738 = arith.addi %add3A_512, %add3A_737 : i32
      %dma_wait3A_739 = arith.constant 0 : i32
      %dma_wait3A_740 = arith.constant 0 : i32
      %dma_wait3A_741 = tpu.memref_slice %arg3[%add3A_738, %dma_wait3A_739, %dma_wait3A_740] : memref<1282x2x128xi32, #tpu.memory_space<hbm>> -> memref<1x2x128xi32, #tpu.memory_space<hbm>>
      %dma_wait3A_742 = tpu.memref_squeeze %dma_wait3A_741 : memref<1x2x128xi32, #tpu.memory_space<hbm>> -> memref<2x128xi32, #tpu.memory_space<hbm>>
      %dma_wait3A_743 = arith.constant 0 : i32
      %dma_wait3A_744 = arith.constant 0 : i32
      %dma_wait3A_745 = tpu.memref_slice %arg3[%add3A_738, %dma_wait3A_743, %dma_wait3A_744] : memref<1282x2x128xi32, #tpu.memory_space<hbm>> -> memref<1x2x128xi32, #tpu.memory_space<hbm>>
      %dma_wait3A_746 = tpu.memref_squeeze %dma_wait3A_745 : memref<1x2x128xi32, #tpu.memory_space<hbm>> -> memref<2x128xi32, #tpu.memory_space<hbm>>
      tpu.wait_dma2 semaphore(%arg24 : memref<!tpu.dma_semaphore, #tpu.memory_space<semaphore_mem>>) src(%dma_wait3A_746 : memref<2x128xi32, #tpu.memory_space<hbm>>) dst(%arg9 : memref<2x128xi32, #tpu.memory_space<vmem>>)
      %get3A_747 = arith.constant 0 : i32
      %get3A_748 = arith.index_cast %get3A_747 : i32 to index
      %get3A_749 = arith.constant 0 : index
      %get3A_750 = tpu.vector_load %arg9[%get3A_748, %get3A_749] {strides = array<i32>} : memref<2x128xi32, #tpu.memory_space<vmem>>, vector<16xi32>,
      %mul3A_751 = arith.constant 2 : i32
      %mul3A_752 = vector.broadcast %mul3A_751 : i32 to vector<16xi32>
      %mul3A_753 = arith.muli %get3A_750, %mul3A_752 : vector<16xi32>
      %add3A_754 = vector.broadcast %arg0 : i32 to vector<16xi32>
      %add3A_755 = arith.addi %mul3A_753, %add3A_754 : vector<16xi32>
      %swap3A_756 = arith.constant 0 : index
      %swap3A_757 = tpu.vector_load %arg11[%swap3A_756] {strides = array<i32>} : memref<128xi32, #tpu.memory_space<vmem>>, vector<16xi32>,
      tpu.vector_store %arg11[%swap3A_756], %add3A_755 {strides = array<i32>} : memref<128xi32, #tpu.memory_space<vmem>>, vector<16xi32>,
      %get3A_758 = arith.constant 0 : i32
      %get3A_759 = arith.index_cast %get3A_758 : i32 to index
      %get3A_760 = arith.constant 16 : index
      %get3A_761 = tpu.vector_load %arg9[%get3A_759, %get3A_760] {strides = array<i32>} : memref<2x128xi32, #tpu.memory_space<vmem>>, vector<16xi32>,
      %mul3A_762 = arith.constant 2 : i32
      %mul3A_763 = vector.broadcast %mul3A_762 : i32 to vector<16xi32>
      %mul3A_764 = arith.muli %get3A_761, %mul3A_763 : vector<16xi32>
      %add3A_765 = vector.broadcast %arg0 : i32 to vector<16xi32>
      %add3A_766 = arith.addi %mul3A_764, %add3A_765 : vector<16xi32>
      %swap3A_767 = arith.constant 16 : index
      %swap3A_768 = tpu.vector_load %arg11[%swap3A_767] {strides = array<i32>} : memref<128xi32, #tpu.memory_space<vmem>>, vector<16xi32>,
      tpu.vector_store %arg11[%swap3A_767], %add3A_766 {strides = array<i32>} : memref<128xi32, #tpu.memory_space<vmem>>, vector<16xi32>,
      %get3A_769 = arith.constant 0 : i32
      %get3A_770 = arith.index_cast %get3A_769 : i32 to index
      %get3A_771 = arith.constant 32 : index
      %get3A_772 = tpu.vector_load %arg9[%get3A_770, %get3A_771] {strides = array<i32>} : memref<2x128xi32, #tpu.memory_space<vmem>>, vector<16xi32>,
      %mul3A_773 = arith.constant 2 : i32
      %mul3A_774 = vector.broadcast %mul3A_773 : i32 to vector<16xi32>
      %mul3A_775 = arith.muli %get3A_772, %mul3A_774 : vector<16xi32>
      %add3A_776 = vector.broadcast %arg0 : i32 to vector<16xi32>
      %add3A_777 = arith.addi %mul3A_775, %add3A_776 : vector<16xi32>
      %swap3A_778 = arith.constant 32 : index
      %swap3A_779 = tpu.vector_load %arg11[%swap3A_778] {strides = array<i32>} : memref<128xi32, #tpu.memory_space<vmem>>, vector<16xi32>,
      tpu.vector_store %arg11[%swap3A_778], %add3A_777 {strides = array<i32>} : memref<128xi32, #tpu.memory_space<vmem>>, vector<16xi32>,
      %get3A_780 = arith.constant 0 : i32
      %get3A_781 = arith.index_cast %get3A_780 : i32 to index
      %get3A_782 = arith.constant 48 : index
      %get3A_783 = tpu.vector_load %arg9[%get3A_781, %get3A_782] {strides = array<i32>} : memref<2x128xi32, #tpu.memory_space<vmem>>, vector<16xi32>,
      %mul3A_784 = arith.constant 2 : i32
      %mul3A_785 = vector.broadcast %mul3A_784 : i32 to vector<16xi32>
      %mul3A_786 = arith.muli %get3A_783, %mul3A_785 : vector<16xi32>
      %add3A_787 = vector.broadcast %arg0 : i32 to vector<16xi32>
      %add3A_788 = arith.addi %mul3A_786, %add3A_787 : vector<16xi32>
      %swap3A_789 = arith.constant 48 : index
      %swap3A_790 = tpu.vector_load %arg11[%swap3A_789] {strides = array<i32>} : memref<128xi32, #tpu.memory_space<vmem>>, vector<16xi32>,
      tpu.vector_store %arg11[%swap3A_789], %add3A_788 {strides = array<i32>} : memref<128xi32, #tpu.memory_space<vmem>>, vector<16xi32>,
      %get3A_791 = arith.constant 0 : i32
      %get3A_792 = arith.index_cast %get3A_791 : i32 to index
      %get3A_793 = arith.constant 64 : index
      %get3A_794 = tpu.vector_load %arg9[%get3A_792, %get3A_793] {strides = array<i32>} : memref<2x128xi32, #tpu.memory_space<vmem>>, vector<16xi32>,
      %mul3A_795 = arith.constant 2 : i32
      %mul3A_796 = vector.broadcast %mul3A_795 : i32 to vector<16xi32>
      %mul3A_797 = arith.muli %get3A_794, %mul3A_796 : vector<16xi32>
      %add3A_798 = vector.broadcast %arg0 : i32 to vector<16xi32>
      %add3A_799 = arith.addi %mul3A_797, %add3A_798 : vector<16xi32>
      %swap3A_800 = arith.constant 64 : index
      %swap3A_801 = tpu.vector_load %arg11[%swap3A_800] {strides = array<i32>} : memref<128xi32, #tpu.memory_space<vmem>>, vector<16xi32>,
      tpu.vector_store %arg11[%swap3A_800], %add3A_799 {strides = array<i32>} : memref<128xi32, #tpu.memory_space<vmem>>, vector<16xi32>,
      %get3A_802 = arith.constant 0 : i32
      %get3A_803 = arith.index_cast %get3A_802 : i32 to index
      %get3A_804 = arith.constant 80 : index
      %get3A_805 = tpu.vector_load %arg9[%get3A_803, %get3A_804] {strides = array<i32>} : memref<2x128xi32, #tpu.memory_space<vmem>>, vector<16xi32>,
      %mul3A_806 = arith.constant 2 : i32
      %mul3A_807 = vector.broadcast %mul3A_806 : i32 to vector<16xi32>
      %mul3A_808 = arith.muli %get3A_805, %mul3A_807 : vector<16xi32>
      %add3A_809 = vector.broadcast %arg0 : i32 to vector<16xi32>
      %add3A_810 = arith.addi %mul3A_808, %add3A_809 : vector<16xi32>
      %swap3A_811 = arith.constant 80 : index
      %swap3A_812 = tpu.vector_load %arg11[%swap3A_811] {strides = array<i32>} : memref<128xi32, #tpu.memory_space<vmem>>, vector<16xi32>,
      tpu.vector_store %arg11[%swap3A_811], %add3A_810 {strides = array<i32>} : memref<128xi32, #tpu.memory_space<vmem>>, vector<16xi32>,
      %get3A_813 = arith.constant 0 : i32
      %get3A_814 = arith.index_cast %get3A_813 : i32 to index
      %get3A_815 = arith.constant 96 : index
      %get3A_816 = tpu.vector_load %arg9[%get3A_814, %get3A_815] {strides = array<i32>} : memref<2x128xi32, #tpu.memory_space<vmem>>, vector<16xi32>,
      %mul3A_817 = arith.constant 2 : i32
      %mul3A_818 = vector.broadcast %mul3A_817 : i32 to vector<16xi32>
      %mul3A_819 = arith.muli %get3A_816, %mul3A_818 : vector<16xi32>
      %add3A_820 = vector.broadcast %arg0 : i32 to vector<16xi32>
      %add3A_821 = arith.addi %mul3A_819, %add3A_820 : vector<16xi32>
      %swap3A_822 = arith.constant 96 : index
      %swap3A_823 = tpu.vector_load %arg11[%swap3A_822] {strides = array<i32>} : memref<128xi32, #tpu.memory_space<vmem>>, vector<16xi32>,
      tpu.vector_store %arg11[%swap3A_822], %add3A_821 {strides = array<i32>} : memref<128xi32, #tpu.memory_space<vmem>>, vector<16xi32>,
      %get3A_824 = arith.constant 0 : i32
      %get3A_825 = arith.index_cast %get3A_824 : i32 to index
      %get3A_826 = arith.constant 112 : index
      %get3A_827 = tpu.vector_load %arg9[%get3A_825, %get3A_826] {strides = array<i32>} : memref<2x128xi32, #tpu.memory_space<vmem>>, vector<16xi32>,
      %mul3A_828 = arith.constant 2 : i32
      %mul3A_829 = vector.broadcast %mul3A_828 : i32 to vector<16xi32>
      %mul3A_830 = arith.muli %get3A_827, %mul3A_829 : vector<16xi32>
      %add3A_831 = vector.broadcast %arg0 : i32 to vector<16xi32>
      %add3A_832 = arith.addi %mul3A_830, %add3A_831 : vector<16xi32>
      %swap3A_833 = arith.constant 112 : index
      %swap3A_834 = tpu.vector_load %arg11[%swap3A_833] {strides = array<i32>} : memref<128xi32, #tpu.memory_space<vmem>>, vector<16xi32>,
      tpu.vector_store %arg11[%swap3A_833], %add3A_832 {strides = array<i32>} : memref<128xi32, #tpu.memory_space<vmem>>, vector<16xi32>,
      %dma_wait3A_835 = arith.constant 0 : i32
      %dma_wait3A_836 = arith.constant 0 : i32
      %dma_wait3A_837 = tpu.memref_slice %arg13[%dma_wait3A_835, %dma_wait3A_836] : memref<1x128xi32, #tpu.memory_space<vmem>> -> memref<1x128xi32, #tpu.memory_space<vmem>>
      %dma_wait3A_838 = tpu.memref_squeeze %dma_wait3A_837 : memref<1x128xi32, #tpu.memory_space<vmem>> -> memref<128xi32, #tpu.memory_space<vmem>>
      %dma_wait3A_839 = arith.constant 0 : i32
      %dma_wait3A_840 = arith.constant 0 : i32
      %dma_wait3A_841 = tpu.memref_slice %arg8[%dma_wait3A_839, %dma_wait3A_840] : memref<10240x128xf32, #tpu.memory_space<vmem_shared>> -> memref<10240x128xf32, #tpu.memory_space<vmem_shared>>
      tpu.wait_indirect_dma semaphore(%arg22 : memref<!tpu.dma_semaphore, #tpu.memory_space<semaphore_mem>>) src(%arg15 : memref<128x128xf32, #tpu.memory_space<vmem>>) dst(%dma_wait3A_841 : memref<10240x128xf32, #tpu.memory_space<vmem_shared>>)
      %get3A_842 = arith.constant 1 : i32
      %get3A_843 = arith.index_cast %get3A_842 : i32 to index
      %get3A_844 = arith.constant 0 : index
      %get3A_845 = tpu.vector_load %arg9[%get3A_843, %get3A_844] {strides = array<i32>} : memref<2x128xi32, #tpu.memory_space<vmem>>, vector<16xi32>,
      %swap3A_846 = arith.constant 0 : i32
      %swap3A_847 = arith.index_cast %swap3A_846 : i32 to index
      %swap3A_848 = arith.constant 0 : index
      %swap3A_849 = tpu.vector_load %arg13[%swap3A_847, %swap3A_848] {strides = array<i32>} : memref<1x128xi32, #tpu.memory_space<vmem>>, vector<16xi32>,
      tpu.vector_store %arg13[%swap3A_847, %swap3A_848], %get3A_845 {strides = array<i32>} : memref<1x128xi32, #tpu.memory_space<vmem>>, vector<16xi32>,
      %get3A_850 = arith.constant 1 : i32
      %get3A_851 = arith.index_cast %get3A_850 : i32 to index
      %get3A_852 = arith.constant 16 : index
      %get3A_853 = tpu.vector_load %arg9[%get3A_851, %get3A_852] {strides = array<i32>} : memref<2x128xi32, #tpu.memory_space<vmem>>, vector<16xi32>,
      %swap3A_854 = arith.constant 0 : i32
      %swap3A_855 = arith.index_cast %swap3A_854 : i32 to index
      %swap3A_856 = arith.constant 16 : index
      %swap3A_857 = tpu.vector_load %arg13[%swap3A_855, %swap3A_856] {strides = array<i32>} : memref<1x128xi32, #tpu.memory_space<vmem>>, vector<16xi32>,
      tpu.vector_store %arg13[%swap3A_855, %swap3A_856], %get3A_853 {strides = array<i32>} : memref<1x128xi32, #tpu.memory_space<vmem>>, vector<16xi32>,
      %get3A_858 = arith.constant 1 : i32
      %get3A_859 = arith.index_cast %get3A_858 : i32 to index
      %get3A_860 = arith.constant 32 : index
      %get3A_861 = tpu.vector_load %arg9[%get3A_859, %get3A_860] {strides = array<i32>} : memref<2x128xi32, #tpu.memory_space<vmem>>, vector<16xi32>,
      %swap3A_862 = arith.constant 0 : i32
      %swap3A_863 = arith.index_cast %swap3A_862 : i32 to index
      %swap3A_864 = arith.constant 32 : index
      %swap3A_865 = tpu.vector_load %arg13[%swap3A_863, %swap3A_864] {strides = array<i32>} : memref<1x128xi32, #tpu.memory_space<vmem>>, vector<16xi32>,
      tpu.vector_store %arg13[%swap3A_863, %swap3A_864], %get3A_861 {strides = array<i32>} : memref<1x128xi32, #tpu.memory_space<vmem>>, vector<16xi32>,
      %get3A_866 = arith.constant 1 : i32
      %get3A_867 = arith.index_cast %get3A_866 : i32 to index
      %get3A_868 = arith.constant 48 : index
      %get3A_869 = tpu.vector_load %arg9[%get3A_867, %get3A_868] {strides = array<i32>} : memref<2x128xi32, #tpu.memory_space<vmem>>, vector<16xi32>,
      %swap3A_870 = arith.constant 0 : i32
      %swap3A_871 = arith.index_cast %swap3A_870 : i32 to index
      %swap3A_872 = arith.constant 48 : index
      %swap3A_873 = tpu.vector_load %arg13[%swap3A_871, %swap3A_872] {strides = array<i32>} : memref<1x128xi32, #tpu.memory_space<vmem>>, vector<16xi32>,
      tpu.vector_store %arg13[%swap3A_871, %swap3A_872], %get3A_869 {strides = array<i32>} : memref<1x128xi32, #tpu.memory_space<vmem>>, vector<16xi32>,
      %get3A_874 = arith.constant 1 : i32
      %get3A_875 = arith.index_cast %get3A_874 : i32 to index
      %get3A_876 = arith.constant 64 : index
      %get3A_877 = tpu.vector_load %arg9[%get3A_875, %get3A_876] {strides = array<i32>} : memref<2x128xi32, #tpu.memory_space<vmem>>, vector<16xi32>,
      %swap3A_878 = arith.constant 0 : i32
      %swap3A_879 = arith.index_cast %swap3A_878 : i32 to index
      %swap3A_880 = arith.constant 64 : index
      %swap3A_881 = tpu.vector_load %arg13[%swap3A_879, %swap3A_880] {strides = array<i32>} : memref<1x128xi32, #tpu.memory_space<vmem>>, vector<16xi32>,
      tpu.vector_store %arg13[%swap3A_879, %swap3A_880], %get3A_877 {strides = array<i32>} : memref<1x128xi32, #tpu.memory_space<vmem>>, vector<16xi32>,
      %get3A_882 = arith.constant 1 : i32
      %get3A_883 = arith.index_cast %get3A_882 : i32 to index
      %get3A_884 = arith.constant 80 : index
      %get3A_885 = tpu.vector_load %arg9[%get3A_883, %get3A_884] {strides = array<i32>} : memref<2x128xi32, #tpu.memory_space<vmem>>, vector<16xi32>,
      %swap3A_886 = arith.constant 0 : i32
      %swap3A_887 = arith.index_cast %swap3A_886 : i32 to index
      %swap3A_888 = arith.constant 80 : index
      %swap3A_889 = tpu.vector_load %arg13[%swap3A_887, %swap3A_888] {strides = array<i32>} : memref<1x128xi32, #tpu.memory_space<vmem>>, vector<16xi32>,
      tpu.vector_store %arg13[%swap3A_887, %swap3A_888], %get3A_885 {strides = array<i32>} : memref<1x128xi32, #tpu.memory_space<vmem>>, vector<16xi32>,
      %get3A_890 = arith.constant 1 : i32
      %get3A_891 = arith.index_cast %get3A_890 : i32 to index
      %get3A_892 = arith.constant 96 : index
      %get3A_893 = tpu.vector_load %arg9[%get3A_891, %get3A_892] {strides = array<i32>} : memref<2x128xi32, #tpu.memory_space<vmem>>, vector<16xi32>,
      %swap3A_894 = arith.constant 0 : i32
      %swap3A_895 = arith.index_cast %swap3A_894 : i32 to index
      %swap3A_896 = arith.constant 96 : index
      %swap3A_897 = tpu.vector_load %arg13[%swap3A_895, %swap3A_896] {strides = array<i32>} : memref<1x128xi32, #tpu.memory_space<vmem>>, vector<16xi32>,
      tpu.vector_store %arg13[%swap3A_895, %swap3A_896], %get3A_893 {strides = array<i32>} : memref<1x128xi32, #tpu.memory_space<vmem>>, vector<16xi32>,
      %get3A_898 = arith.constant 1 : i32
      %get3A_899 = arith.index_cast %get3A_898 : i32 to index
      %get3A_900 = arith.constant 112 : index
      %get3A_901 = tpu.vector_load %arg9[%get3A_899, %get3A_900] {strides = array<i32>} : memref<2x128xi32, #tpu.memory_space<vmem>>, vector<16xi32>,
      %swap3A_902 = arith.constant 0 : i32
      %swap3A_903 = arith.index_cast %swap3A_902 : i32 to index
      %swap3A_904 = arith.constant 112 : index
      %swap3A_905 = tpu.vector_load %arg13[%swap3A_903, %swap3A_904] {strides = array<i32>} : memref<1x128xi32, #tpu.memory_space<vmem>>, vector<16xi32>,
      tpu.vector_store %arg13[%swap3A_903, %swap3A_904], %get3A_901 {strides = array<i32>} : memref<1x128xi32, #tpu.memory_space<vmem>>, vector<16xi32>,
      %dma_start3A_906 = arith.constant 0 : i32
      %dma_start3A_907 = arith.constant 0 : i32
      %dma_start3A_908 = tpu.memref_slice %arg2[%dma_start3A_906, %dma_start3A_907] : memref<20000x128xf32, #tpu.memory_space<hbm>> -> memref<20000x128xf32, #tpu.memory_space<hbm>>
      tpu.enqueue_indirect_dma source(%dma_start3A_908 : memref<20000x128xf32, #tpu.memory_space<hbm>>) target(%arg15 : memref<128x128xf32, #tpu.memory_space<vmem>>) offsets(%arg11 : memref<128xi32, #tpu.memory_space<vmem>>) semaphore(%arg20 : memref<!tpu.dma_semaphore, #tpu.memory_space<semaphore_mem>>)
      %add3A_909 = arith.constant 2 : i32
      %add3A_910 = arith.addi %add3A_514, %add3A_909 : i32
      %dma_start3A_911 = arith.constant 0 : i32
      %dma_start3A_912 = arith.constant 0 : i32
      %dma_start3A_913 = tpu.memref_slice %arg3[%add3A_910, %dma_start3A_911, %dma_start3A_912] : memref<1282x2x128xi32, #tpu.memory_space<hbm>> -> memref<1x2x128xi32, #tpu.memory_space<hbm>>
      %dma_start3A_914 = tpu.memref_squeeze %dma_start3A_913 : memref<1x2x128xi32, #tpu.memory_space<hbm>> -> memref<2x128xi32, #tpu.memory_space<hbm>>
      %dma_start3A_915 = arith.constant 0 : i32
      %dma_start3A_916 = arith.constant 0 : i32
      %dma_start3A_917 = tpu.memref_slice %arg3[%add3A_910, %dma_start3A_915, %dma_start3A_916] : memref<1282x2x128xi32, #tpu.memory_space<hbm>> -> memref<1x2x128xi32, #tpu.memory_space<hbm>>
      %dma_start3A_918 = tpu.memref_squeeze %dma_start3A_917 : memref<1x2x128xi32, #tpu.memory_space<hbm>> -> memref<2x128xi32, #tpu.memory_space<hbm>>
      tpu.enqueue_dma source(%dma_start3A_918 : memref<2x128xi32, #tpu.memory_space<hbm>>) target(%arg10 : memref<2x128xi32, #tpu.memory_space<vmem>>) target_semaphore(%arg25 : memref<!tpu.dma_semaphore, #tpu.memory_space<semaphore_mem>>)
      %dma_wait3A_919 = arith.constant 0 : i32
      %dma_wait3A_920 = arith.constant 0 : i32
      %dma_wait3A_921 = tpu.memref_slice %arg2[%dma_wait3A_919, %dma_wait3A_920] : memref<20000x128xf32, #tpu.memory_space<hbm>> -> memref<20000x128xf32, #tpu.memory_space<hbm>>
      tpu.wait_indirect_dma semaphore(%arg21 : memref<!tpu.dma_semaphore, #tpu.memory_space<semaphore_mem>>) src(%dma_wait3A_921 : memref<20000x128xf32, #tpu.memory_space<hbm>>) dst(%arg16 : memref<128x128xf32, #tpu.memory_space<vmem>>)
      %dma_start3A_922 = arith.constant 0 : i32
      %dma_start3A_923 = arith.constant 0 : i32
      %dma_start3A_924 = tpu.memref_slice %arg14[%dma_start3A_922, %dma_start3A_923] : memref<1x128xi32, #tpu.memory_space<vmem>> -> memref<1x128xi32, #tpu.memory_space<vmem>>
      %dma_start3A_925 = tpu.memref_squeeze %dma_start3A_924 : memref<1x128xi32, #tpu.memory_space<vmem>> -> memref<128xi32, #tpu.memory_space<vmem>>
      %dma_start3A_926 = arith.constant 0 : i32
      %dma_start3A_927 = arith.constant 0 : i32
      %dma_start3A_928 = tpu.memref_slice %arg8[%dma_start3A_926, %dma_start3A_927] : memref<10240x128xf32, #tpu.memory_space<vmem_shared>> -> memref<10240x128xf32, #tpu.memory_space<vmem_shared>>
      tpu.enqueue_indirect_dma source(%arg16 : memref<128x128xf32, #tpu.memory_space<vmem>>) target(%dma_start3A_928 : memref<10240x128xf32, #tpu.memory_space<vmem_shared>>) offsets(%dma_start3A_925 : memref<128xi32, #tpu.memory_space<vmem>>) semaphore(%arg23 : memref<!tpu.dma_semaphore, #tpu.memory_space<semaphore_mem>>) {add = true}
      %get3A_929 = arith.constant 0 : i32
      %get3A_930 = arith.index_cast %get3A_929 : i32 to index
      %get3A_931 = arith.constant 0 : index
      %get3A_932 = tpu.vector_load %arg14[%get3A_930, %get3A_931] {strides = array<i32>} : memref<1x128xi32, #tpu.memory_space<vmem>>, vector<16xi32>,
      tpu.vector_store_idx %arg17[%get3A_932], %broadcast_in_dim3A_2 {add = true} : memref<10240xf32, #tpu.memory_space<vmem>>[vector<16xi32>], vector<16xf32>,
      %get3A_933 = arith.constant 0 : i32
      %get3A_934 = arith.index_cast %get3A_933 : i32 to index
      %get3A_935 = arith.constant 16 : index
      %get3A_936 = tpu.vector_load %arg14[%get3A_934, %get3A_935] {strides = array<i32>} : memref<1x128xi32, #tpu.memory_space<vmem>>, vector<16xi32>,
      tpu.vector_store_idx %arg17[%get3A_936], %broadcast_in_dim3A_2 {add = true} : memref<10240xf32, #tpu.memory_space<vmem>>[vector<16xi32>], vector<16xf32>,
      %get3A_937 = arith.constant 0 : i32
      %get3A_938 = arith.index_cast %get3A_937 : i32 to index
      %get3A_939 = arith.constant 32 : index
      %get3A_940 = tpu.vector_load %arg14[%get3A_938, %get3A_939] {strides = array<i32>} : memref<1x128xi32, #tpu.memory_space<vmem>>, vector<16xi32>,
      tpu.vector_store_idx %arg17[%get3A_940], %broadcast_in_dim3A_2 {add = true} : memref<10240xf32, #tpu.memory_space<vmem>>[vector<16xi32>], vector<16xf32>,
      %get3A_941 = arith.constant 0 : i32
      %get3A_942 = arith.index_cast %get3A_941 : i32 to index
      %get3A_943 = arith.constant 48 : index
      %get3A_944 = tpu.vector_load %arg14[%get3A_942, %get3A_943] {strides = array<i32>} : memref<1x128xi32, #tpu.memory_space<vmem>>, vector<16xi32>,
      tpu.vector_store_idx %arg17[%get3A_944], %broadcast_in_dim3A_2 {add = true} : memref<10240xf32, #tpu.memory_space<vmem>>[vector<16xi32>], vector<16xf32>,
      %get3A_945 = arith.constant 0 : i32
      %get3A_946 = arith.index_cast %get3A_945 : i32 to index
      %get3A_947 = arith.constant 64 : index
      %get3A_948 = tpu.vector_load %arg14[%get3A_946, %get3A_947] {strides = array<i32>} : memref<1x128xi32, #tpu.memory_space<vmem>>, vector<16xi32>,
      tpu.vector_store_idx %arg17[%get3A_948], %broadcast_in_dim3A_2 {add = true} : memref<10240xf32, #tpu.memory_space<vmem>>[vector<16xi32>], vector<16xf32>,
      %get3A_949 = arith.constant 0 : i32
      %get3A_950 = arith.index_cast %get3A_949 : i32 to index
      %get3A_951 = arith.constant 80 : index
      %get3A_952 = tpu.vector_load %arg14[%get3A_950, %get3A_951] {strides = array<i32>} : memref<1x128xi32, #tpu.memory_space<vmem>>, vector<16xi32>,
      tpu.vector_store_idx %arg17[%get3A_952], %broadcast_in_dim3A_2 {add = true} : memref<10240xf32, #tpu.memory_space<vmem>>[vector<16xi32>], vector<16xf32>,
      %get3A_953 = arith.constant 0 : i32
      %get3A_954 = arith.index_cast %get3A_953 : i32 to index
      %get3A_955 = arith.constant 96 : index
      %get3A_956 = tpu.vector_load %arg14[%get3A_954, %get3A_955] {strides = array<i32>} : memref<1x128xi32, #tpu.memory_space<vmem>>, vector<16xi32>,
      tpu.vector_store_idx %arg17[%get3A_956], %broadcast_in_dim3A_2 {add = true} : memref<10240xf32, #tpu.memory_space<vmem>>[vector<16xi32>], vector<16xf32>,
      %get3A_957 = arith.constant 0 : i32
      %get3A_958 = arith.index_cast %get3A_957 : i32 to index
      %get3A_959 = arith.constant 112 : index
      %get3A_960 = tpu.vector_load %arg14[%get3A_958, %get3A_959] {strides = array<i32>} : memref<1x128xi32, #tpu.memory_space<vmem>>, vector<16xi32>,
      tpu.vector_store_idx %arg17[%get3A_960], %broadcast_in_dim3A_2 {add = true} : memref<10240xf32, #tpu.memory_space<vmem>>[vector<16xi32>], vector<16xf32>,
    }
    %scan3A_231 = arith.constant 40 : i32
    %dma_wait3A = arith.constant 0 : i32
    %dma_wait3A_232 = arith.constant 0 : i32
    %dma_wait3A_233 = tpu.memref_slice %arg14[%dma_wait3A, %dma_wait3A_232] : memref<1x128xi32, #tpu.memory_space<vmem>> -> memref<1x128xi32, #tpu.memory_space<vmem>>
    %dma_wait3A_234 = tpu.memref_squeeze %dma_wait3A_233 : memref<1x128xi32, #tpu.memory_space<vmem>> -> memref<128xi32, #tpu.memory_space<vmem>>
    %dma_wait3A_235 = arith.constant 0 : i32
    %dma_wait3A_236 = arith.constant 0 : i32
    %dma_wait3A_237 = tpu.memref_slice %arg8[%dma_wait3A_235, %dma_wait3A_236] : memref<10240x128xf32, #tpu.memory_space<vmem_shared>> -> memref<10240x128xf32, #tpu.memory_space<vmem_shared>>
    tpu.wait_indirect_dma semaphore(%arg23 : memref<!tpu.dma_semaphore, #tpu.memory_space<semaphore_mem>>) src(%arg16 : memref<128x128xf32, #tpu.memory_space<vmem>>) dst(%dma_wait3A_237 : memref<10240x128xf32, #tpu.memory_space<vmem_shared>>)
    %dma_wait3A_238 = arith.constant 0 : i32
    %dma_wait3A_239 = arith.constant 0 : i32
    %dma_wait3A_240 = tpu.memref_slice %arg2[%dma_wait3A_238, %dma_wait3A_239] : memref<20000x128xf32, #tpu.memory_space<hbm>> -> memref<20000x128xf32, #tpu.memory_space<hbm>>
    tpu.wait_indirect_dma semaphore(%arg20 : memref<!tpu.dma_semaphore, #tpu.memory_space<semaphore_mem>>) src(%dma_wait3A_240 : memref<20000x128xf32, #tpu.memory_space<hbm>>) dst(%arg15 : memref<128x128xf32, #tpu.memory_space<vmem>>)
    %add3A_241 = arith.constant 80 : i32
    %add3A_242 = arith.addi %mul3A_24, %add3A_241 : i32
    %add3A_243 = arith.constant 1 : i32
    %add3A_244 = arith.addi %add3A_242, %add3A_243 : i32
    %dma_wait3A_245 = arith.constant 0 : i32
    %dma_wait3A_246 = arith.constant 0 : i32
    %dma_wait3A_247 = tpu.memref_slice %arg3[%add3A_244, %dma_wait3A_245, %dma_wait3A_246] : memref<1282x2x128xi32, #tpu.memory_space<hbm>> -> memref<1x2x128xi32, #tpu.memory_space<hbm>>
    %dma_wait3A_248 = tpu.memref_squeeze %dma_wait3A_247 : memref<1x2x128xi32, #tpu.memory_space<hbm>> -> memref<2x128xi32, #tpu.memory_space<hbm>>
    %dma_wait3A_249 = arith.constant 0 : i32
    %dma_wait3A_250 = arith.constant 0 : i32
    %dma_wait3A_251 = tpu.memref_slice %arg3[%add3A_244, %dma_wait3A_249, %dma_wait3A_250] : memref<1282x2x128xi32, #tpu.memory_space<hbm>> -> memref<1x2x128xi32, #tpu.memory_space<hbm>>
    %dma_wait3A_252 = tpu.memref_squeeze %dma_wait3A_251 : memref<1x2x128xi32, #tpu.memory_space<hbm>> -> memref<2x128xi32, #tpu.memory_space<hbm>>
    tpu.wait_dma2 semaphore(%arg25 : memref<!tpu.dma_semaphore, #tpu.memory_space<semaphore_mem>>) src(%dma_wait3A_252 : memref<2x128xi32, #tpu.memory_space<hbm>>) dst(%arg10 : memref<2x128xi32, #tpu.memory_space<vmem>>)
    %mul3A_253 = arith.constant 16 : i32
    %mul3A_254 = arith.muli %arg0, %mul3A_253 : i32
    %add3A_255 = arith.addi %mul3A_254, %arg1 : i32
    %mul3A_256 = arith.constant 10240 : i32
    %mul3A_257 = arith.muli %add3A_255, %mul3A_256 : i32
    %multiple_of3A_258 = tpu.assume_multiple %mul3A_257, 10240 : i32
    "tpu.region"() ({
      %run_scoped3A = tpu.sem_alloc : memref<!tpu.dma_semaphore, #tpu.memory_space<semaphore_mem>>
      %dma_start3A_509 = tpu.memref_slice %arg7[%multiple_of3A_258] : memref<327680xf32, #tpu.memory_space<hbm>> -> memref<10240xf32, #tpu.memory_space<hbm>>
      %dma_start3A_510 = tpu.memref_slice %arg7[%multiple_of3A_258] : memref<327680xf32, #tpu.memory_space<hbm>> -> memref<10240xf32, #tpu.memory_space<hbm>>
      tpu.enqueue_dma source(%arg17 : memref<10240xf32, #tpu.memory_space<vmem>>) target(%dma_start3A_510 : memref<10240xf32, #tpu.memory_space<hbm>>) target_semaphore(%run_scoped3A : memref<!tpu.dma_semaphore, #tpu.memory_space<semaphore_mem>>)
      %dma_wait3A_511 = tpu.memref_slice %arg7[%multiple_of3A_258] : memref<327680xf32, #tpu.memory_space<hbm>> -> memref<10240xf32, #tpu.memory_space<hbm>>
      %dma_wait3A_512 = tpu.memref_slice %arg7[%multiple_of3A_258] : memref<327680xf32, #tpu.memory_space<hbm>> -> memref<10240xf32, #tpu.memory_space<hbm>>
      tpu.wait_dma2 semaphore(%run_scoped3A : memref<!tpu.dma_semaphore, #tpu.memory_space<semaphore_mem>>) src(%arg17 : memref<10240xf32, #tpu.memory_space<vmem>>) dst(%dma_wait3A_512 : memref<10240xf32, #tpu.memory_space<hbm>>)
      tpu.yield
    }) : () -> ()
    %barrier3A_259 = arith.constant 0 : index
    tpu.barrier barrier_id(%barrier3A_259)
    %scan3A_260 = arith.constant 0 : i32
    %scan3A_261 = arith.constant 0 : i32
    %scan3A_262 = arith.constant 40 : i32
    %scan3A_263 = arith.addi %scan3A_261, %scan3A_262 : i32
    %scan3A_264 = arith.constant 1 : i32
    scf.for %scan3A_509 = %scan3A_261 to %scan3A_263 step %scan3A_264  : i32 {
      %mul3A_510 = arith.constant 16 : i32
      %mul3A_511 = arith.muli %scan3A_509, %mul3A_510 : i32
      %swap3A_512 = arith.index_cast %mul3A_511 : i32 to index
      %swap3A_513 = tpu.vector_load %arg18[%swap3A_512] {strides = array<i32>} : memref<640xf32, #tpu.memory_space<vmem>>, vector<16xf32>,
      tpu.vector_store %arg18[%swap3A_512], %broadcast_in_dim3A_0 {strides = array<i32>} : memref<640xf32, #tpu.memory_space<vmem>>, vector<16xf32>,
    }
    %scan3A_265 = arith.constant 40 : i32
    %mul3A_266 = arith.constant 16 : i32
    %mul3A_267 = arith.muli %arg0, %mul3A_266 : i32
    %add3A_268 = arith.constant 0 : i32
    %add3A_269 = arith.addi %mul3A_267, %add3A_268 : i32
    %mul3A_270 = arith.constant 10240 : i32
    %mul3A_271 = arith.muli %add3A_269, %mul3A_270 : i32
    %add3A_272 = arith.addi %mul3A_271, %multiple_of3A : i32
    %multiple_of3A_273 = tpu.assume_multiple %add3A_272, 640 : i32
    "tpu.region"() ({
      %run_scoped3A = tpu.sem_alloc : memref<!tpu.dma_semaphore, #tpu.memory_space<semaphore_mem>>
      %dma_start3A_509 = tpu.memref_slice %arg7[%multiple_of3A_273] : memref<327680xf32, #tpu.memory_space<hbm>> -> memref<640xf32, #tpu.memory_space<hbm>>
      %dma_start3A_510 = tpu.memref_slice %arg7[%multiple_of3A_273] : memref<327680xf32, #tpu.memory_space<hbm>> -> memref<640xf32, #tpu.memory_space<hbm>>
      tpu.enqueue_dma source(%dma_start3A_510 : memref<640xf32, #tpu.memory_space<hbm>>) target(%arg19 : memref<640xf32, #tpu.memory_space<vmem>>) target_semaphore(%run_scoped3A : memref<!tpu.dma_semaphore, #tpu.memory_space<semaphore_mem>>)
      %dma_wait3A_511 = tpu.memref_slice %arg7[%multiple_of3A_273] : memref<327680xf32, #tpu.memory_space<hbm>> -> memref<640xf32, #tpu.memory_space<hbm>>
      %dma_wait3A_512 = tpu.memref_slice %arg7[%multiple_of3A_273] : memref<327680xf32, #tpu.memory_space<hbm>> -> memref<640xf32, #tpu.memory_space<hbm>>
      tpu.wait_dma2 semaphore(%run_scoped3A : memref<!tpu.dma_semaphore, #tpu.memory_space<semaphore_mem>>) src(%dma_wait3A_512 : memref<640xf32, #tpu.memory_space<hbm>>) dst(%arg19 : memref<640xf32, #tpu.memory_space<vmem>>)
      tpu.yield
    }) : () -> ()
    %scan3A_274 = arith.constant 0 : i32
    %scan3A_275 = arith.constant 0 : i32
    %scan3A_276 = arith.constant 40 : i32
    %scan3A_277 = arith.addi %scan3A_275, %scan3A_276 : i32
    %scan3A_278 = arith.constant 1 : i32
    scf.for %scan3A_509 = %scan3A_275 to %scan3A_277 step %scan3A_278  : i32 {
      %mul3A_510 = arith.constant 16 : i32
      %mul3A_511 = arith.muli %scan3A_509, %mul3A_510 : i32
      %get3A_512 = arith.index_cast %mul3A_511 : i32 to index
      %get3A_513 = tpu.vector_load %arg18[%get3A_512] {strides = array<i32>} : memref<640xf32, #tpu.memory_space<vmem>>, vector<16xf32>,
      %get3A_514 = arith.index_cast %mul3A_511 : i32 to index
      %get3A_515 = tpu.vector_load %arg19[%get3A_514] {strides = array<i32>} : memref<640xf32, #tpu.memory_space<vmem>>, vector<16xf32>,
      %add3A_516 = arith.addf %get3A_513, %get3A_515 : vector<16xf32>
      %swap3A_517 = arith.index_cast %mul3A_511 : i32 to index
      %swap3A_518 = tpu.vector_load %arg18[%swap3A_517] {strides = array<i32>} : memref<640xf32, #tpu.memory_space<vmem>>, vector<16xf32>,
      tpu.vector_store %arg18[%swap3A_517], %add3A_516 {strides = array<i32>} : memref<640xf32, #tpu.memory_space<vmem>>, vector<16xf32>,
    }
    %scan3A_279 = arith.constant 40 : i32
    %mul3A_280 = arith.constant 16 : i32
    %mul3A_281 = arith.muli %arg0, %mul3A_280 : i32
    %add3A_282 = arith.constant 1 : i32
    %add3A_283 = arith.addi %mul3A_281, %add3A_282 : i32
    %mul3A_284 = arith.constant 10240 : i32
    %mul3A_285 = arith.muli %add3A_283, %mul3A_284 : i32
    %add3A_286 = arith.addi %mul3A_285, %multiple_of3A : i32
    %multiple_of3A_287 = tpu.assume_multiple %add3A_286, 640 : i32
    "tpu.region"() ({
      %run_scoped3A = tpu.sem_alloc : memref<!tpu.dma_semaphore, #tpu.memory_space<semaphore_mem>>
      %dma_start3A_509 = tpu.memref_slice %arg7[%multiple_of3A_287] : memref<327680xf32, #tpu.memory_space<hbm>> -> memref<640xf32, #tpu.memory_space<hbm>>
      %dma_start3A_510 = tpu.memref_slice %arg7[%multiple_of3A_287] : memref<327680xf32, #tpu.memory_space<hbm>> -> memref<640xf32, #tpu.memory_space<hbm>>
      tpu.enqueue_dma source(%dma_start3A_510 : memref<640xf32, #tpu.memory_space<hbm>>) target(%arg19 : memref<640xf32, #tpu.memory_space<vmem>>) target_semaphore(%run_scoped3A : memref<!tpu.dma_semaphore, #tpu.memory_space<semaphore_mem>>)
      %dma_wait3A_511 = tpu.memref_slice %arg7[%multiple_of3A_287] : memref<327680xf32, #tpu.memory_space<hbm>> -> memref<640xf32, #tpu.memory_space<hbm>>
      %dma_wait3A_512 = tpu.memref_slice %arg7[%multiple_of3A_287] : memref<327680xf32, #tpu.memory_space<hbm>> -> memref<640xf32, #tpu.memory_space<hbm>>
      tpu.wait_dma2 semaphore(%run_scoped3A : memref<!tpu.dma_semaphore, #tpu.memory_space<semaphore_mem>>) src(%dma_wait3A_512 : memref<640xf32, #tpu.memory_space<hbm>>) dst(%arg19 : memref<640xf32, #tpu.memory_space<vmem>>)
      tpu.yield
    }) : () -> ()
    %scan3A_288 = arith.constant 0 : i32
    %scan3A_289 = arith.constant 0 : i32
    %scan3A_290 = arith.constant 40 : i32
    %scan3A_291 = arith.addi %scan3A_289, %scan3A_290 : i32
    %scan3A_292 = arith.constant 1 : i32
    scf.for %scan3A_509 = %scan3A_289 to %scan3A_291 step %scan3A_292  : i32 {
      %mul3A_510 = arith.constant 16 : i32
      %mul3A_511 = arith.muli %scan3A_509, %mul3A_510 : i32
      %get3A_512 = arith.index_cast %mul3A_511 : i32 to index
      %get3A_513 = tpu.vector_load %arg18[%get3A_512] {strides = array<i32>} : memref<640xf32, #tpu.memory_space<vmem>>, vector<16xf32>,
      %get3A_514 = arith.index_cast %mul3A_511 : i32 to index
      %get3A_515 = tpu.vector_load %arg19[%get3A_514] {strides = array<i32>} : memref<640xf32, #tpu.memory_space<vmem>>, vector<16xf32>,
      %add3A_516 = arith.addf %get3A_513, %get3A_515 : vector<16xf32>
      %swap3A_517 = arith.index_cast %mul3A_511 : i32 to index
      %swap3A_518 = tpu.vector_load %arg18[%swap3A_517] {strides = array<i32>} : memref<640xf32, #tpu.memory_space<vmem>>, vector<16xf32>,
      tpu.vector_store %arg18[%swap3A_517], %add3A_516 {strides = array<i32>} : memref<640xf32, #tpu.memory_space<vmem>>, vector<16xf32>,
    }
    %scan3A_293 = arith.constant 40 : i32
    %mul3A_294 = arith.constant 16 : i32
    %mul3A_295 = arith.muli %arg0, %mul3A_294 : i32
    %add3A_296 = arith.constant 2 : i32
    %add3A_297 = arith.addi %mul3A_295, %add3A_296 : i32
    %mul3A_298 = arith.constant 10240 : i32
    %mul3A_299 = arith.muli %add3A_297, %mul3A_298 : i32
    %add3A_300 = arith.addi %mul3A_299, %multiple_of3A : i32
    %multiple_of3A_301 = tpu.assume_multiple %add3A_300, 640 : i32
    "tpu.region"() ({
      %run_scoped3A = tpu.sem_alloc : memref<!tpu.dma_semaphore, #tpu.memory_space<semaphore_mem>>
      %dma_start3A_509 = tpu.memref_slice %arg7[%multiple_of3A_301] : memref<327680xf32, #tpu.memory_space<hbm>> -> memref<640xf32, #tpu.memory_space<hbm>>
      %dma_start3A_510 = tpu.memref_slice %arg7[%multiple_of3A_301] : memref<327680xf32, #tpu.memory_space<hbm>> -> memref<640xf32, #tpu.memory_space<hbm>>
      tpu.enqueue_dma source(%dma_start3A_510 : memref<640xf32, #tpu.memory_space<hbm>>) target(%arg19 : memref<640xf32, #tpu.memory_space<vmem>>) target_semaphore(%run_scoped3A : memref<!tpu.dma_semaphore, #tpu.memory_space<semaphore_mem>>)
      %dma_wait3A_511 = tpu.memref_slice %arg7[%multiple_of3A_301] : memref<327680xf32, #tpu.memory_space<hbm>> -> memref<640xf32, #tpu.memory_space<hbm>>
      %dma_wait3A_512 = tpu.memref_slice %arg7[%multiple_of3A_301] : memref<327680xf32, #tpu.memory_space<hbm>> -> memref<640xf32, #tpu.memory_space<hbm>>
      tpu.wait_dma2 semaphore(%run_scoped3A : memref<!tpu.dma_semaphore, #tpu.memory_space<semaphore_mem>>) src(%dma_wait3A_512 : memref<640xf32, #tpu.memory_space<hbm>>) dst(%arg19 : memref<640xf32, #tpu.memory_space<vmem>>)
      tpu.yield
    }) : () -> ()
    %scan3A_302 = arith.constant 0 : i32
    %scan3A_303 = arith.constant 0 : i32
    %scan3A_304 = arith.constant 40 : i32
    %scan3A_305 = arith.addi %scan3A_303, %scan3A_304 : i32
    %scan3A_306 = arith.constant 1 : i32
    scf.for %scan3A_509 = %scan3A_303 to %scan3A_305 step %scan3A_306  : i32 {
      %mul3A_510 = arith.constant 16 : i32
      %mul3A_511 = arith.muli %scan3A_509, %mul3A_510 : i32
      %get3A_512 = arith.index_cast %mul3A_511 : i32 to index
      %get3A_513 = tpu.vector_load %arg18[%get3A_512] {strides = array<i32>} : memref<640xf32, #tpu.memory_space<vmem>>, vector<16xf32>,
      %get3A_514 = arith.index_cast %mul3A_511 : i32 to index
      %get3A_515 = tpu.vector_load %arg19[%get3A_514] {strides = array<i32>} : memref<640xf32, #tpu.memory_space<vmem>>, vector<16xf32>,
      %add3A_516 = arith.addf %get3A_513, %get3A_515 : vector<16xf32>
      %swap3A_517 = arith.index_cast %mul3A_511 : i32 to index
      %swap3A_518 = tpu.vector_load %arg18[%swap3A_517] {strides = array<i32>} : memref<640xf32, #tpu.memory_space<vmem>>, vector<16xf32>,
      tpu.vector_store %arg18[%swap3A_517], %add3A_516 {strides = array<i32>} : memref<640xf32, #tpu.memory_space<vmem>>, vector<16xf32>,
    }
    %scan3A_307 = arith.constant 40 : i32
    %mul3A_308 = arith.constant 16 : i32
    %mul3A_309 = arith.muli %arg0, %mul3A_308 : i32
    %add3A_310 = arith.constant 3 : i32
    %add3A_311 = arith.addi %mul3A_309, %add3A_310 : i32
    %mul3A_312 = arith.constant 10240 : i32
    %mul3A_313 = arith.muli %add3A_311, %mul3A_312 : i32
    %add3A_314 = arith.addi %mul3A_313, %multiple_of3A : i32
    %multiple_of3A_315 = tpu.assume_multiple %add3A_314, 640 : i32
    "tpu.region"() ({
      %run_scoped3A = tpu.sem_alloc : memref<!tpu.dma_semaphore, #tpu.memory_space<semaphore_mem>>
      %dma_start3A_509 = tpu.memref_slice %arg7[%multiple_of3A_315] : memref<327680xf32, #tpu.memory_space<hbm>> -> memref<640xf32, #tpu.memory_space<hbm>>
      %dma_start3A_510 = tpu.memref_slice %arg7[%multiple_of3A_315] : memref<327680xf32, #tpu.memory_space<hbm>> -> memref<640xf32, #tpu.memory_space<hbm>>
      tpu.enqueue_dma source(%dma_start3A_510 : memref<640xf32, #tpu.memory_space<hbm>>) target(%arg19 : memref<640xf32, #tpu.memory_space<vmem>>) target_semaphore(%run_scoped3A : memref<!tpu.dma_semaphore, #tpu.memory_space<semaphore_mem>>)
      %dma_wait3A_511 = tpu.memref_slice %arg7[%multiple_of3A_315] : memref<327680xf32, #tpu.memory_space<hbm>> -> memref<640xf32, #tpu.memory_space<hbm>>
      %dma_wait3A_512 = tpu.memref_slice %arg7[%multiple_of3A_315] : memref<327680xf32, #tpu.memory_space<hbm>> -> memref<640xf32, #tpu.memory_space<hbm>>
      tpu.wait_dma2 semaphore(%run_scoped3A : memref<!tpu.dma_semaphore, #tpu.memory_space<semaphore_mem>>) src(%dma_wait3A_512 : memref<640xf32, #tpu.memory_space<hbm>>) dst(%arg19 : memref<640xf32, #tpu.memory_space<vmem>>)
      tpu.yield
    }) : () -> ()
    %scan3A_316 = arith.constant 0 : i32
    %scan3A_317 = arith.constant 0 : i32
    %scan3A_318 = arith.constant 40 : i32
    %scan3A_319 = arith.addi %scan3A_317, %scan3A_318 : i32
    %scan3A_320 = arith.constant 1 : i32
    scf.for %scan3A_509 = %scan3A_317 to %scan3A_319 step %scan3A_320  : i32 {
      %mul3A_510 = arith.constant 16 : i32
      %mul3A_511 = arith.muli %scan3A_509, %mul3A_510 : i32
      %get3A_512 = arith.index_cast %mul3A_511 : i32 to index
      %get3A_513 = tpu.vector_load %arg18[%get3A_512] {strides = array<i32>} : memref<640xf32, #tpu.memory_space<vmem>>, vector<16xf32>,
      %get3A_514 = arith.index_cast %mul3A_511 : i32 to index
      %get3A_515 = tpu.vector_load %arg19[%get3A_514] {strides = array<i32>} : memref<640xf32, #tpu.memory_space<vmem>>, vector<16xf32>,
      %add3A_516 = arith.addf %get3A_513, %get3A_515 : vector<16xf32>
      %swap3A_517 = arith.index_cast %mul3A_511 : i32 to index
      %swap3A_518 = tpu.vector_load %arg18[%swap3A_517] {strides = array<i32>} : memref<640xf32, #tpu.memory_space<vmem>>, vector<16xf32>,
      tpu.vector_store %arg18[%swap3A_517], %add3A_516 {strides = array<i32>} : memref<640xf32, #tpu.memory_space<vmem>>, vector<16xf32>,
    }
    %scan3A_321 = arith.constant 40 : i32
    %mul3A_322 = arith.constant 16 : i32
    %mul3A_323 = arith.muli %arg0, %mul3A_322 : i32
    %add3A_324 = arith.constant 4 : i32
    %add3A_325 = arith.addi %mul3A_323, %add3A_324 : i32
    %mul3A_326 = arith.constant 10240 : i32
    %mul3A_327 = arith.muli %add3A_325, %mul3A_326 : i32
    %add3A_328 = arith.addi %mul3A_327, %multiple_of3A : i32
    %multiple_of3A_329 = tpu.assume_multiple %add3A_328, 640 : i32
    "tpu.region"() ({
      %run_scoped3A = tpu.sem_alloc : memref<!tpu.dma_semaphore, #tpu.memory_space<semaphore_mem>>
      %dma_start3A_509 = tpu.memref_slice %arg7[%multiple_of3A_329] : memref<327680xf32, #tpu.memory_space<hbm>> -> memref<640xf32, #tpu.memory_space<hbm>>
      %dma_start3A_510 = tpu.memref_slice %arg7[%multiple_of3A_329] : memref<327680xf32, #tpu.memory_space<hbm>> -> memref<640xf32, #tpu.memory_space<hbm>>
      tpu.enqueue_dma source(%dma_start3A_510 : memref<640xf32, #tpu.memory_space<hbm>>) target(%arg19 : memref<640xf32, #tpu.memory_space<vmem>>) target_semaphore(%run_scoped3A : memref<!tpu.dma_semaphore, #tpu.memory_space<semaphore_mem>>)
      %dma_wait3A_511 = tpu.memref_slice %arg7[%multiple_of3A_329] : memref<327680xf32, #tpu.memory_space<hbm>> -> memref<640xf32, #tpu.memory_space<hbm>>
      %dma_wait3A_512 = tpu.memref_slice %arg7[%multiple_of3A_329] : memref<327680xf32, #tpu.memory_space<hbm>> -> memref<640xf32, #tpu.memory_space<hbm>>
      tpu.wait_dma2 semaphore(%run_scoped3A : memref<!tpu.dma_semaphore, #tpu.memory_space<semaphore_mem>>) src(%dma_wait3A_512 : memref<640xf32, #tpu.memory_space<hbm>>) dst(%arg19 : memref<640xf32, #tpu.memory_space<vmem>>)
      tpu.yield
    }) : () -> ()
    %scan3A_330 = arith.constant 0 : i32
    %scan3A_331 = arith.constant 0 : i32
    %scan3A_332 = arith.constant 40 : i32
    %scan3A_333 = arith.addi %scan3A_331, %scan3A_332 : i32
    %scan3A_334 = arith.constant 1 : i32
    scf.for %scan3A_509 = %scan3A_331 to %scan3A_333 step %scan3A_334  : i32 {
      %mul3A_510 = arith.constant 16 : i32
      %mul3A_511 = arith.muli %scan3A_509, %mul3A_510 : i32
      %get3A_512 = arith.index_cast %mul3A_511 : i32 to index
      %get3A_513 = tpu.vector_load %arg18[%get3A_512] {strides = array<i32>} : memref<640xf32, #tpu.memory_space<vmem>>, vector<16xf32>,
      %get3A_514 = arith.index_cast %mul3A_511 : i32 to index
      %get3A_515 = tpu.vector_load %arg19[%get3A_514] {strides = array<i32>} : memref<640xf32, #tpu.memory_space<vmem>>, vector<16xf32>,
      %add3A_516 = arith.addf %get3A_513, %get3A_515 : vector<16xf32>
      %swap3A_517 = arith.index_cast %mul3A_511 : i32 to index
      %swap3A_518 = tpu.vector_load %arg18[%swap3A_517] {strides = array<i32>} : memref<640xf32, #tpu.memory_space<vmem>>, vector<16xf32>,
      tpu.vector_store %arg18[%swap3A_517], %add3A_516 {strides = array<i32>} : memref<640xf32, #tpu.memory_space<vmem>>, vector<16xf32>,
    }
    %scan3A_335 = arith.constant 40 : i32
    %mul3A_336 = arith.constant 16 : i32
    %mul3A_337 = arith.muli %arg0, %mul3A_336 : i32
    %add3A_338 = arith.constant 5 : i32
    %add3A_339 = arith.addi %mul3A_337, %add3A_338 : i32
    %mul3A_340 = arith.constant 10240 : i32
    %mul3A_341 = arith.muli %add3A_339, %mul3A_340 : i32
    %add3A_342 = arith.addi %mul3A_341, %multiple_of3A : i32
    %multiple_of3A_343 = tpu.assume_multiple %add3A_342, 640 : i32
    "tpu.region"() ({
      %run_scoped3A = tpu.sem_alloc : memref<!tpu.dma_semaphore, #tpu.memory_space<semaphore_mem>>
      %dma_start3A_509 = tpu.memref_slice %arg7[%multiple_of3A_343] : memref<327680xf32, #tpu.memory_space<hbm>> -> memref<640xf32, #tpu.memory_space<hbm>>
      %dma_start3A_510 = tpu.memref_slice %arg7[%multiple_of3A_343] : memref<327680xf32, #tpu.memory_space<hbm>> -> memref<640xf32, #tpu.memory_space<hbm>>
      tpu.enqueue_dma source(%dma_start3A_510 : memref<640xf32, #tpu.memory_space<hbm>>) target(%arg19 : memref<640xf32, #tpu.memory_space<vmem>>) target_semaphore(%run_scoped3A : memref<!tpu.dma_semaphore, #tpu.memory_space<semaphore_mem>>)
      %dma_wait3A_511 = tpu.memref_slice %arg7[%multiple_of3A_343] : memref<327680xf32, #tpu.memory_space<hbm>> -> memref<640xf32, #tpu.memory_space<hbm>>
      %dma_wait3A_512 = tpu.memref_slice %arg7[%multiple_of3A_343] : memref<327680xf32, #tpu.memory_space<hbm>> -> memref<640xf32, #tpu.memory_space<hbm>>
      tpu.wait_dma2 semaphore(%run_scoped3A : memref<!tpu.dma_semaphore, #tpu.memory_space<semaphore_mem>>) src(%dma_wait3A_512 : memref<640xf32, #tpu.memory_space<hbm>>) dst(%arg19 : memref<640xf32, #tpu.memory_space<vmem>>)
      tpu.yield
    }) : () -> ()
    %scan3A_344 = arith.constant 0 : i32
    %scan3A_345 = arith.constant 0 : i32
    %scan3A_346 = arith.constant 40 : i32
    %scan3A_347 = arith.addi %scan3A_345, %scan3A_346 : i32
    %scan3A_348 = arith.constant 1 : i32
    scf.for %scan3A_509 = %scan3A_345 to %scan3A_347 step %scan3A_348  : i32 {
      %mul3A_510 = arith.constant 16 : i32
      %mul3A_511 = arith.muli %scan3A_509, %mul3A_510 : i32
      %get3A_512 = arith.index_cast %mul3A_511 : i32 to index
      %get3A_513 = tpu.vector_load %arg18[%get3A_512] {strides = array<i32>} : memref<640xf32, #tpu.memory_space<vmem>>, vector<16xf32>,
      %get3A_514 = arith.index_cast %mul3A_511 : i32 to index
      %get3A_515 = tpu.vector_load %arg19[%get3A_514] {strides = array<i32>} : memref<640xf32, #tpu.memory_space<vmem>>, vector<16xf32>,
      %add3A_516 = arith.addf %get3A_513, %get3A_515 : vector<16xf32>
      %swap3A_517 = arith.index_cast %mul3A_511 : i32 to index
      %swap3A_518 = tpu.vector_load %arg18[%swap3A_517] {strides = array<i32>} : memref<640xf32, #tpu.memory_space<vmem>>, vector<16xf32>,
      tpu.vector_store %arg18[%swap3A_517], %add3A_516 {strides = array<i32>} : memref<640xf32, #tpu.memory_space<vmem>>, vector<16xf32>,
    }
    %scan3A_349 = arith.constant 40 : i32
    %mul3A_350 = arith.constant 16 : i32
    %mul3A_351 = arith.muli %arg0, %mul3A_350 : i32
    %add3A_352 = arith.constant 6 : i32
    %add3A_353 = arith.addi %mul3A_351, %add3A_352 : i32
    %mul3A_354 = arith.constant 10240 : i32
    %mul3A_355 = arith.muli %add3A_353, %mul3A_354 : i32
    %add3A_356 = arith.addi %mul3A_355, %multiple_of3A : i32
    %multiple_of3A_357 = tpu.assume_multiple %add3A_356, 640 : i32
    "tpu.region"() ({
      %run_scoped3A = tpu.sem_alloc : memref<!tpu.dma_semaphore, #tpu.memory_space<semaphore_mem>>
      %dma_start3A_509 = tpu.memref_slice %arg7[%multiple_of3A_357] : memref<327680xf32, #tpu.memory_space<hbm>> -> memref<640xf32, #tpu.memory_space<hbm>>
      %dma_start3A_510 = tpu.memref_slice %arg7[%multiple_of3A_357] : memref<327680xf32, #tpu.memory_space<hbm>> -> memref<640xf32, #tpu.memory_space<hbm>>
      tpu.enqueue_dma source(%dma_start3A_510 : memref<640xf32, #tpu.memory_space<hbm>>) target(%arg19 : memref<640xf32, #tpu.memory_space<vmem>>) target_semaphore(%run_scoped3A : memref<!tpu.dma_semaphore, #tpu.memory_space<semaphore_mem>>)
      %dma_wait3A_511 = tpu.memref_slice %arg7[%multiple_of3A_357] : memref<327680xf32, #tpu.memory_space<hbm>> -> memref<640xf32, #tpu.memory_space<hbm>>
      %dma_wait3A_512 = tpu.memref_slice %arg7[%multiple_of3A_357] : memref<327680xf32, #tpu.memory_space<hbm>> -> memref<640xf32, #tpu.memory_space<hbm>>
      tpu.wait_dma2 semaphore(%run_scoped3A : memref<!tpu.dma_semaphore, #tpu.memory_space<semaphore_mem>>) src(%dma_wait3A_512 : memref<640xf32, #tpu.memory_space<hbm>>) dst(%arg19 : memref<640xf32, #tpu.memory_space<vmem>>)
      tpu.yield
    }) : () -> ()
    %scan3A_358 = arith.constant 0 : i32
    %scan3A_359 = arith.constant 0 : i32
    %scan3A_360 = arith.constant 40 : i32
    %scan3A_361 = arith.addi %scan3A_359, %scan3A_360 : i32
    %scan3A_362 = arith.constant 1 : i32
    scf.for %scan3A_509 = %scan3A_359 to %scan3A_361 step %scan3A_362  : i32 {
      %mul3A_510 = arith.constant 16 : i32
      %mul3A_511 = arith.muli %scan3A_509, %mul3A_510 : i32
      %get3A_512 = arith.index_cast %mul3A_511 : i32 to index
      %get3A_513 = tpu.vector_load %arg18[%get3A_512] {strides = array<i32>} : memref<640xf32, #tpu.memory_space<vmem>>, vector<16xf32>,
      %get3A_514 = arith.index_cast %mul3A_511 : i32 to index
      %get3A_515 = tpu.vector_load %arg19[%get3A_514] {strides = array<i32>} : memref<640xf32, #tpu.memory_space<vmem>>, vector<16xf32>,
      %add3A_516 = arith.addf %get3A_513, %get3A_515 : vector<16xf32>
      %swap3A_517 = arith.index_cast %mul3A_511 : i32 to index
      %swap3A_518 = tpu.vector_load %arg18[%swap3A_517] {strides = array<i32>} : memref<640xf32, #tpu.memory_space<vmem>>, vector<16xf32>,
      tpu.vector_store %arg18[%swap3A_517], %add3A_516 {strides = array<i32>} : memref<640xf32, #tpu.memory_space<vmem>>, vector<16xf32>,
    }
    %scan3A_363 = arith.constant 40 : i32
    %mul3A_364 = arith.constant 16 : i32
    %mul3A_365 = arith.muli %arg0, %mul3A_364 : i32
    %add3A_366 = arith.constant 7 : i32
    %add3A_367 = arith.addi %mul3A_365, %add3A_366 : i32
    %mul3A_368 = arith.constant 10240 : i32
    %mul3A_369 = arith.muli %add3A_367, %mul3A_368 : i32
    %add3A_370 = arith.addi %mul3A_369, %multiple_of3A : i32
    %multiple_of3A_371 = tpu.assume_multiple %add3A_370, 640 : i32
    "tpu.region"() ({
      %run_scoped3A = tpu.sem_alloc : memref<!tpu.dma_semaphore, #tpu.memory_space<semaphore_mem>>
      %dma_start3A_509 = tpu.memref_slice %arg7[%multiple_of3A_371] : memref<327680xf32, #tpu.memory_space<hbm>> -> memref<640xf32, #tpu.memory_space<hbm>>
      %dma_start3A_510 = tpu.memref_slice %arg7[%multiple_of3A_371] : memref<327680xf32, #tpu.memory_space<hbm>> -> memref<640xf32, #tpu.memory_space<hbm>>
      tpu.enqueue_dma source(%dma_start3A_510 : memref<640xf32, #tpu.memory_space<hbm>>) target(%arg19 : memref<640xf32, #tpu.memory_space<vmem>>) target_semaphore(%run_scoped3A : memref<!tpu.dma_semaphore, #tpu.memory_space<semaphore_mem>>)
      %dma_wait3A_511 = tpu.memref_slice %arg7[%multiple_of3A_371] : memref<327680xf32, #tpu.memory_space<hbm>> -> memref<640xf32, #tpu.memory_space<hbm>>
      %dma_wait3A_512 = tpu.memref_slice %arg7[%multiple_of3A_371] : memref<327680xf32, #tpu.memory_space<hbm>> -> memref<640xf32, #tpu.memory_space<hbm>>
      tpu.wait_dma2 semaphore(%run_scoped3A : memref<!tpu.dma_semaphore, #tpu.memory_space<semaphore_mem>>) src(%dma_wait3A_512 : memref<640xf32, #tpu.memory_space<hbm>>) dst(%arg19 : memref<640xf32, #tpu.memory_space<vmem>>)
      tpu.yield
    }) : () -> ()
    %scan3A_372 = arith.constant 0 : i32
    %scan3A_373 = arith.constant 0 : i32
    %scan3A_374 = arith.constant 40 : i32
    %scan3A_375 = arith.addi %scan3A_373, %scan3A_374 : i32
    %scan3A_376 = arith.constant 1 : i32
    scf.for %scan3A_509 = %scan3A_373 to %scan3A_375 step %scan3A_376  : i32 {
      %mul3A_510 = arith.constant 16 : i32
      %mul3A_511 = arith.muli %scan3A_509, %mul3A_510 : i32
      %get3A_512 = arith.index_cast %mul3A_511 : i32 to index
      %get3A_513 = tpu.vector_load %arg18[%get3A_512] {strides = array<i32>} : memref<640xf32, #tpu.memory_space<vmem>>, vector<16xf32>,
      %get3A_514 = arith.index_cast %mul3A_511 : i32 to index
      %get3A_515 = tpu.vector_load %arg19[%get3A_514] {strides = array<i32>} : memref<640xf32, #tpu.memory_space<vmem>>, vector<16xf32>,
      %add3A_516 = arith.addf %get3A_513, %get3A_515 : vector<16xf32>
      %swap3A_517 = arith.index_cast %mul3A_511 : i32 to index
      %swap3A_518 = tpu.vector_load %arg18[%swap3A_517] {strides = array<i32>} : memref<640xf32, #tpu.memory_space<vmem>>, vector<16xf32>,
      tpu.vector_store %arg18[%swap3A_517], %add3A_516 {strides = array<i32>} : memref<640xf32, #tpu.memory_space<vmem>>, vector<16xf32>,
    }
    %scan3A_377 = arith.constant 40 : i32
    %mul3A_378 = arith.constant 16 : i32
    %mul3A_379 = arith.muli %arg0, %mul3A_378 : i32
    %add3A_380 = arith.constant 8 : i32
    %add3A_381 = arith.addi %mul3A_379, %add3A_380 : i32
    %mul3A_382 = arith.constant 10240 : i32
    %mul3A_383 = arith.muli %add3A_381, %mul3A_382 : i32
    %add3A_384 = arith.addi %mul3A_383, %multiple_of3A : i32
    %multiple_of3A_385 = tpu.assume_multiple %add3A_384, 640 : i32
    "tpu.region"() ({
      %run_scoped3A = tpu.sem_alloc : memref<!tpu.dma_semaphore, #tpu.memory_space<semaphore_mem>>
      %dma_start3A_509 = tpu.memref_slice %arg7[%multiple_of3A_385] : memref<327680xf32, #tpu.memory_space<hbm>> -> memref<640xf32, #tpu.memory_space<hbm>>
      %dma_start3A_510 = tpu.memref_slice %arg7[%multiple_of3A_385] : memref<327680xf32, #tpu.memory_space<hbm>> -> memref<640xf32, #tpu.memory_space<hbm>>
      tpu.enqueue_dma source(%dma_start3A_510 : memref<640xf32, #tpu.memory_space<hbm>>) target(%arg19 : memref<640xf32, #tpu.memory_space<vmem>>) target_semaphore(%run_scoped3A : memref<!tpu.dma_semaphore, #tpu.memory_space<semaphore_mem>>)
      %dma_wait3A_511 = tpu.memref_slice %arg7[%multiple_of3A_385] : memref<327680xf32, #tpu.memory_space<hbm>> -> memref<640xf32, #tpu.memory_space<hbm>>
      %dma_wait3A_512 = tpu.memref_slice %arg7[%multiple_of3A_385] : memref<327680xf32, #tpu.memory_space<hbm>> -> memref<640xf32, #tpu.memory_space<hbm>>
      tpu.wait_dma2 semaphore(%run_scoped3A : memref<!tpu.dma_semaphore, #tpu.memory_space<semaphore_mem>>) src(%dma_wait3A_512 : memref<640xf32, #tpu.memory_space<hbm>>) dst(%arg19 : memref<640xf32, #tpu.memory_space<vmem>>)
      tpu.yield
    }) : () -> ()
    %scan3A_386 = arith.constant 0 : i32
    %scan3A_387 = arith.constant 0 : i32
    %scan3A_388 = arith.constant 40 : i32
    %scan3A_389 = arith.addi %scan3A_387, %scan3A_388 : i32
    %scan3A_390 = arith.constant 1 : i32
    scf.for %scan3A_509 = %scan3A_387 to %scan3A_389 step %scan3A_390  : i32 {
      %mul3A_510 = arith.constant 16 : i32
      %mul3A_511 = arith.muli %scan3A_509, %mul3A_510 : i32
      %get3A_512 = arith.index_cast %mul3A_511 : i32 to index
      %get3A_513 = tpu.vector_load %arg18[%get3A_512] {strides = array<i32>} : memref<640xf32, #tpu.memory_space<vmem>>, vector<16xf32>,
      %get3A_514 = arith.index_cast %mul3A_511 : i32 to index
      %get3A_515 = tpu.vector_load %arg19[%get3A_514] {strides = array<i32>} : memref<640xf32, #tpu.memory_space<vmem>>, vector<16xf32>,
      %add3A_516 = arith.addf %get3A_513, %get3A_515 : vector<16xf32>
      %swap3A_517 = arith.index_cast %mul3A_511 : i32 to index
      %swap3A_518 = tpu.vector_load %arg18[%swap3A_517] {strides = array<i32>} : memref<640xf32, #tpu.memory_space<vmem>>, vector<16xf32>,
      tpu.vector_store %arg18[%swap3A_517], %add3A_516 {strides = array<i32>} : memref<640xf32, #tpu.memory_space<vmem>>, vector<16xf32>,
    }
    %scan3A_391 = arith.constant 40 : i32
    %mul3A_392 = arith.constant 16 : i32
    %mul3A_393 = arith.muli %arg0, %mul3A_392 : i32
    %add3A_394 = arith.constant 9 : i32
    %add3A_395 = arith.addi %mul3A_393, %add3A_394 : i32
    %mul3A_396 = arith.constant 10240 : i32
    %mul3A_397 = arith.muli %add3A_395, %mul3A_396 : i32
    %add3A_398 = arith.addi %mul3A_397, %multiple_of3A : i32
    %multiple_of3A_399 = tpu.assume_multiple %add3A_398, 640 : i32
    "tpu.region"() ({
      %run_scoped3A = tpu.sem_alloc : memref<!tpu.dma_semaphore, #tpu.memory_space<semaphore_mem>>
      %dma_start3A_509 = tpu.memref_slice %arg7[%multiple_of3A_399] : memref<327680xf32, #tpu.memory_space<hbm>> -> memref<640xf32, #tpu.memory_space<hbm>>
      %dma_start3A_510 = tpu.memref_slice %arg7[%multiple_of3A_399] : memref<327680xf32, #tpu.memory_space<hbm>> -> memref<640xf32, #tpu.memory_space<hbm>>
      tpu.enqueue_dma source(%dma_start3A_510 : memref<640xf32, #tpu.memory_space<hbm>>) target(%arg19 : memref<640xf32, #tpu.memory_space<vmem>>) target_semaphore(%run_scoped3A : memref<!tpu.dma_semaphore, #tpu.memory_space<semaphore_mem>>)
      %dma_wait3A_511 = tpu.memref_slice %arg7[%multiple_of3A_399] : memref<327680xf32, #tpu.memory_space<hbm>> -> memref<640xf32, #tpu.memory_space<hbm>>
      %dma_wait3A_512 = tpu.memref_slice %arg7[%multiple_of3A_399] : memref<327680xf32, #tpu.memory_space<hbm>> -> memref<640xf32, #tpu.memory_space<hbm>>
      tpu.wait_dma2 semaphore(%run_scoped3A : memref<!tpu.dma_semaphore, #tpu.memory_space<semaphore_mem>>) src(%dma_wait3A_512 : memref<640xf32, #tpu.memory_space<hbm>>) dst(%arg19 : memref<640xf32, #tpu.memory_space<vmem>>)
      tpu.yield
    }) : () -> ()
    %scan3A_400 = arith.constant 0 : i32
    %scan3A_401 = arith.constant 0 : i32
    %scan3A_402 = arith.constant 40 : i32
    %scan3A_403 = arith.addi %scan3A_401, %scan3A_402 : i32
    %scan3A_404 = arith.constant 1 : i32
    scf.for %scan3A_509 = %scan3A_401 to %scan3A_403 step %scan3A_404  : i32 {
      %mul3A_510 = arith.constant 16 : i32
      %mul3A_511 = arith.muli %scan3A_509, %mul3A_510 : i32
      %get3A_512 = arith.index_cast %mul3A_511 : i32 to index
      %get3A_513 = tpu.vector_load %arg18[%get3A_512] {strides = array<i32>} : memref<640xf32, #tpu.memory_space<vmem>>, vector<16xf32>,
      %get3A_514 = arith.index_cast %mul3A_511 : i32 to index
      %get3A_515 = tpu.vector_load %arg19[%get3A_514] {strides = array<i32>} : memref<640xf32, #tpu.memory_space<vmem>>, vector<16xf32>,
      %add3A_516 = arith.addf %get3A_513, %get3A_515 : vector<16xf32>
      %swap3A_517 = arith.index_cast %mul3A_511 : i32 to index
      %swap3A_518 = tpu.vector_load %arg18[%swap3A_517] {strides = array<i32>} : memref<640xf32, #tpu.memory_space<vmem>>, vector<16xf32>,
      tpu.vector_store %arg18[%swap3A_517], %add3A_516 {strides = array<i32>} : memref<640xf32, #tpu.memory_space<vmem>>, vector<16xf32>,
    }
    %scan3A_405 = arith.constant 40 : i32
    %mul3A_406 = arith.constant 16 : i32
    %mul3A_407 = arith.muli %arg0, %mul3A_406 : i32
    %add3A_408 = arith.constant 10 : i32
    %add3A_409 = arith.addi %mul3A_407, %add3A_408 : i32
    %mul3A_410 = arith.constant 10240 : i32
    %mul3A_411 = arith.muli %add3A_409, %mul3A_410 : i32
    %add3A_412 = arith.addi %mul3A_411, %multiple_of3A : i32
    %multiple_of3A_413 = tpu.assume_multiple %add3A_412, 640 : i32
    "tpu.region"() ({
      %run_scoped3A = tpu.sem_alloc : memref<!tpu.dma_semaphore, #tpu.memory_space<semaphore_mem>>
      %dma_start3A_509 = tpu.memref_slice %arg7[%multiple_of3A_413] : memref<327680xf32, #tpu.memory_space<hbm>> -> memref<640xf32, #tpu.memory_space<hbm>>
      %dma_start3A_510 = tpu.memref_slice %arg7[%multiple_of3A_413] : memref<327680xf32, #tpu.memory_space<hbm>> -> memref<640xf32, #tpu.memory_space<hbm>>
      tpu.enqueue_dma source(%dma_start3A_510 : memref<640xf32, #tpu.memory_space<hbm>>) target(%arg19 : memref<640xf32, #tpu.memory_space<vmem>>) target_semaphore(%run_scoped3A : memref<!tpu.dma_semaphore, #tpu.memory_space<semaphore_mem>>)
      %dma_wait3A_511 = tpu.memref_slice %arg7[%multiple_of3A_413] : memref<327680xf32, #tpu.memory_space<hbm>> -> memref<640xf32, #tpu.memory_space<hbm>>
      %dma_wait3A_512 = tpu.memref_slice %arg7[%multiple_of3A_413] : memref<327680xf32, #tpu.memory_space<hbm>> -> memref<640xf32, #tpu.memory_space<hbm>>
      tpu.wait_dma2 semaphore(%run_scoped3A : memref<!tpu.dma_semaphore, #tpu.memory_space<semaphore_mem>>) src(%dma_wait3A_512 : memref<640xf32, #tpu.memory_space<hbm>>) dst(%arg19 : memref<640xf32, #tpu.memory_space<vmem>>)
      tpu.yield
    }) : () -> ()
    %scan3A_414 = arith.constant 0 : i32
    %scan3A_415 = arith.constant 0 : i32
    %scan3A_416 = arith.constant 40 : i32
    %scan3A_417 = arith.addi %scan3A_415, %scan3A_416 : i32
    %scan3A_418 = arith.constant 1 : i32
    scf.for %scan3A_509 = %scan3A_415 to %scan3A_417 step %scan3A_418  : i32 {
      %mul3A_510 = arith.constant 16 : i32
      %mul3A_511 = arith.muli %scan3A_509, %mul3A_510 : i32
      %get3A_512 = arith.index_cast %mul3A_511 : i32 to index
      %get3A_513 = tpu.vector_load %arg18[%get3A_512] {strides = array<i32>} : memref<640xf32, #tpu.memory_space<vmem>>, vector<16xf32>,
      %get3A_514 = arith.index_cast %mul3A_511 : i32 to index
      %get3A_515 = tpu.vector_load %arg19[%get3A_514] {strides = array<i32>} : memref<640xf32, #tpu.memory_space<vmem>>, vector<16xf32>,
      %add3A_516 = arith.addf %get3A_513, %get3A_515 : vector<16xf32>
      %swap3A_517 = arith.index_cast %mul3A_511 : i32 to index
      %swap3A_518 = tpu.vector_load %arg18[%swap3A_517] {strides = array<i32>} : memref<640xf32, #tpu.memory_space<vmem>>, vector<16xf32>,
      tpu.vector_store %arg18[%swap3A_517], %add3A_516 {strides = array<i32>} : memref<640xf32, #tpu.memory_space<vmem>>, vector<16xf32>,
    }
    %scan3A_419 = arith.constant 40 : i32
    %mul3A_420 = arith.constant 16 : i32
    %mul3A_421 = arith.muli %arg0, %mul3A_420 : i32
    %add3A_422 = arith.constant 11 : i32
    %add3A_423 = arith.addi %mul3A_421, %add3A_422 : i32
    %mul3A_424 = arith.constant 10240 : i32
    %mul3A_425 = arith.muli %add3A_423, %mul3A_424 : i32
    %add3A_426 = arith.addi %mul3A_425, %multiple_of3A : i32
    %multiple_of3A_427 = tpu.assume_multiple %add3A_426, 640 : i32
    "tpu.region"() ({
      %run_scoped3A = tpu.sem_alloc : memref<!tpu.dma_semaphore, #tpu.memory_space<semaphore_mem>>
      %dma_start3A_509 = tpu.memref_slice %arg7[%multiple_of3A_427] : memref<327680xf32, #tpu.memory_space<hbm>> -> memref<640xf32, #tpu.memory_space<hbm>>
      %dma_start3A_510 = tpu.memref_slice %arg7[%multiple_of3A_427] : memref<327680xf32, #tpu.memory_space<hbm>> -> memref<640xf32, #tpu.memory_space<hbm>>
      tpu.enqueue_dma source(%dma_start3A_510 : memref<640xf32, #tpu.memory_space<hbm>>) target(%arg19 : memref<640xf32, #tpu.memory_space<vmem>>) target_semaphore(%run_scoped3A : memref<!tpu.dma_semaphore, #tpu.memory_space<semaphore_mem>>)
      %dma_wait3A_511 = tpu.memref_slice %arg7[%multiple_of3A_427] : memref<327680xf32, #tpu.memory_space<hbm>> -> memref<640xf32, #tpu.memory_space<hbm>>
      %dma_wait3A_512 = tpu.memref_slice %arg7[%multiple_of3A_427] : memref<327680xf32, #tpu.memory_space<hbm>> -> memref<640xf32, #tpu.memory_space<hbm>>
      tpu.wait_dma2 semaphore(%run_scoped3A : memref<!tpu.dma_semaphore, #tpu.memory_space<semaphore_mem>>) src(%dma_wait3A_512 : memref<640xf32, #tpu.memory_space<hbm>>) dst(%arg19 : memref<640xf32, #tpu.memory_space<vmem>>)
      tpu.yield
    }) : () -> ()
    %scan3A_428 = arith.constant 0 : i32
    %scan3A_429 = arith.constant 0 : i32
    %scan3A_430 = arith.constant 40 : i32
    %scan3A_431 = arith.addi %scan3A_429, %scan3A_430 : i32
    %scan3A_432 = arith.constant 1 : i32
    scf.for %scan3A_509 = %scan3A_429 to %scan3A_431 step %scan3A_432  : i32 {
      %mul3A_510 = arith.constant 16 : i32
      %mul3A_511 = arith.muli %scan3A_509, %mul3A_510 : i32
      %get3A_512 = arith.index_cast %mul3A_511 : i32 to index
      %get3A_513 = tpu.vector_load %arg18[%get3A_512] {strides = array<i32>} : memref<640xf32, #tpu.memory_space<vmem>>, vector<16xf32>,
      %get3A_514 = arith.index_cast %mul3A_511 : i32 to index
      %get3A_515 = tpu.vector_load %arg19[%get3A_514] {strides = array<i32>} : memref<640xf32, #tpu.memory_space<vmem>>, vector<16xf32>,
      %add3A_516 = arith.addf %get3A_513, %get3A_515 : vector<16xf32>
      %swap3A_517 = arith.index_cast %mul3A_511 : i32 to index
      %swap3A_518 = tpu.vector_load %arg18[%swap3A_517] {strides = array<i32>} : memref<640xf32, #tpu.memory_space<vmem>>, vector<16xf32>,
      tpu.vector_store %arg18[%swap3A_517], %add3A_516 {strides = array<i32>} : memref<640xf32, #tpu.memory_space<vmem>>, vector<16xf32>,
    }
    %scan3A_433 = arith.constant 40 : i32
    %mul3A_434 = arith.constant 16 : i32
    %mul3A_435 = arith.muli %arg0, %mul3A_434 : i32
    %add3A_436 = arith.constant 12 : i32
    %add3A_437 = arith.addi %mul3A_435, %add3A_436 : i32
    %mul3A_438 = arith.constant 10240 : i32
    %mul3A_439 = arith.muli %add3A_437, %mul3A_438 : i32
    %add3A_440 = arith.addi %mul3A_439, %multiple_of3A : i32
    %multiple_of3A_441 = tpu.assume_multiple %add3A_440, 640 : i32
    "tpu.region"() ({
      %run_scoped3A = tpu.sem_alloc : memref<!tpu.dma_semaphore, #tpu.memory_space<semaphore_mem>>
      %dma_start3A_509 = tpu.memref_slice %arg7[%multiple_of3A_441] : memref<327680xf32, #tpu.memory_space<hbm>> -> memref<640xf32, #tpu.memory_space<hbm>>
      %dma_start3A_510 = tpu.memref_slice %arg7[%multiple_of3A_441] : memref<327680xf32, #tpu.memory_space<hbm>> -> memref<640xf32, #tpu.memory_space<hbm>>
      tpu.enqueue_dma source(%dma_start3A_510 : memref<640xf32, #tpu.memory_space<hbm>>) target(%arg19 : memref<640xf32, #tpu.memory_space<vmem>>) target_semaphore(%run_scoped3A : memref<!tpu.dma_semaphore, #tpu.memory_space<semaphore_mem>>)
      %dma_wait3A_511 = tpu.memref_slice %arg7[%multiple_of3A_441] : memref<327680xf32, #tpu.memory_space<hbm>> -> memref<640xf32, #tpu.memory_space<hbm>>
      %dma_wait3A_512 = tpu.memref_slice %arg7[%multiple_of3A_441] : memref<327680xf32, #tpu.memory_space<hbm>> -> memref<640xf32, #tpu.memory_space<hbm>>
      tpu.wait_dma2 semaphore(%run_scoped3A : memref<!tpu.dma_semaphore, #tpu.memory_space<semaphore_mem>>) src(%dma_wait3A_512 : memref<640xf32, #tpu.memory_space<hbm>>) dst(%arg19 : memref<640xf32, #tpu.memory_space<vmem>>)
      tpu.yield
    }) : () -> ()
    %scan3A_442 = arith.constant 0 : i32
    %scan3A_443 = arith.constant 0 : i32
    %scan3A_444 = arith.constant 40 : i32
    %scan3A_445 = arith.addi %scan3A_443, %scan3A_444 : i32
    %scan3A_446 = arith.constant 1 : i32
    scf.for %scan3A_509 = %scan3A_443 to %scan3A_445 step %scan3A_446  : i32 {
      %mul3A_510 = arith.constant 16 : i32
      %mul3A_511 = arith.muli %scan3A_509, %mul3A_510 : i32
      %get3A_512 = arith.index_cast %mul3A_511 : i32 to index
      %get3A_513 = tpu.vector_load %arg18[%get3A_512] {strides = array<i32>} : memref<640xf32, #tpu.memory_space<vmem>>, vector<16xf32>,
      %get3A_514 = arith.index_cast %mul3A_511 : i32 to index
      %get3A_515 = tpu.vector_load %arg19[%get3A_514] {strides = array<i32>} : memref<640xf32, #tpu.memory_space<vmem>>, vector<16xf32>,
      %add3A_516 = arith.addf %get3A_513, %get3A_515 : vector<16xf32>
      %swap3A_517 = arith.index_cast %mul3A_511 : i32 to index
      %swap3A_518 = tpu.vector_load %arg18[%swap3A_517] {strides = array<i32>} : memref<640xf32, #tpu.memory_space<vmem>>, vector<16xf32>,
      tpu.vector_store %arg18[%swap3A_517], %add3A_516 {strides = array<i32>} : memref<640xf32, #tpu.memory_space<vmem>>, vector<16xf32>,
    }
    %scan3A_447 = arith.constant 40 : i32
    %mul3A_448 = arith.constant 16 : i32
    %mul3A_449 = arith.muli %arg0, %mul3A_448 : i32
    %add3A_450 = arith.constant 13 : i32
    %add3A_451 = arith.addi %mul3A_449, %add3A_450 : i32
    %mul3A_452 = arith.constant 10240 : i32
    %mul3A_453 = arith.muli %add3A_451, %mul3A_452 : i32
    %add3A_454 = arith.addi %mul3A_453, %multiple_of3A : i32
    %multiple_of3A_455 = tpu.assume_multiple %add3A_454, 640 : i32
    "tpu.region"() ({
      %run_scoped3A = tpu.sem_alloc : memref<!tpu.dma_semaphore, #tpu.memory_space<semaphore_mem>>
      %dma_start3A_509 = tpu.memref_slice %arg7[%multiple_of3A_455] : memref<327680xf32, #tpu.memory_space<hbm>> -> memref<640xf32, #tpu.memory_space<hbm>>
      %dma_start3A_510 = tpu.memref_slice %arg7[%multiple_of3A_455] : memref<327680xf32, #tpu.memory_space<hbm>> -> memref<640xf32, #tpu.memory_space<hbm>>
      tpu.enqueue_dma source(%dma_start3A_510 : memref<640xf32, #tpu.memory_space<hbm>>) target(%arg19 : memref<640xf32, #tpu.memory_space<vmem>>) target_semaphore(%run_scoped3A : memref<!tpu.dma_semaphore, #tpu.memory_space<semaphore_mem>>)
      %dma_wait3A_511 = tpu.memref_slice %arg7[%multiple_of3A_455] : memref<327680xf32, #tpu.memory_space<hbm>> -> memref<640xf32, #tpu.memory_space<hbm>>
      %dma_wait3A_512 = tpu.memref_slice %arg7[%multiple_of3A_455] : memref<327680xf32, #tpu.memory_space<hbm>> -> memref<640xf32, #tpu.memory_space<hbm>>
      tpu.wait_dma2 semaphore(%run_scoped3A : memref<!tpu.dma_semaphore, #tpu.memory_space<semaphore_mem>>) src(%dma_wait3A_512 : memref<640xf32, #tpu.memory_space<hbm>>) dst(%arg19 : memref<640xf32, #tpu.memory_space<vmem>>)
      tpu.yield
    }) : () -> ()
    %scan3A_456 = arith.constant 0 : i32
    %scan3A_457 = arith.constant 0 : i32
    %scan3A_458 = arith.constant 40 : i32
    %scan3A_459 = arith.addi %scan3A_457, %scan3A_458 : i32
    %scan3A_460 = arith.constant 1 : i32
    scf.for %scan3A_509 = %scan3A_457 to %scan3A_459 step %scan3A_460  : i32 {
      %mul3A_510 = arith.constant 16 : i32
      %mul3A_511 = arith.muli %scan3A_509, %mul3A_510 : i32
      %get3A_512 = arith.index_cast %mul3A_511 : i32 to index
      %get3A_513 = tpu.vector_load %arg18[%get3A_512] {strides = array<i32>} : memref<640xf32, #tpu.memory_space<vmem>>, vector<16xf32>,
      %get3A_514 = arith.index_cast %mul3A_511 : i32 to index
      %get3A_515 = tpu.vector_load %arg19[%get3A_514] {strides = array<i32>} : memref<640xf32, #tpu.memory_space<vmem>>, vector<16xf32>,
      %add3A_516 = arith.addf %get3A_513, %get3A_515 : vector<16xf32>
      %swap3A_517 = arith.index_cast %mul3A_511 : i32 to index
      %swap3A_518 = tpu.vector_load %arg18[%swap3A_517] {strides = array<i32>} : memref<640xf32, #tpu.memory_space<vmem>>, vector<16xf32>,
      tpu.vector_store %arg18[%swap3A_517], %add3A_516 {strides = array<i32>} : memref<640xf32, #tpu.memory_space<vmem>>, vector<16xf32>,
    }
    %scan3A_461 = arith.constant 40 : i32
    %mul3A_462 = arith.constant 16 : i32
    %mul3A_463 = arith.muli %arg0, %mul3A_462 : i32
    %add3A_464 = arith.constant 14 : i32
    %add3A_465 = arith.addi %mul3A_463, %add3A_464 : i32
    %mul3A_466 = arith.constant 10240 : i32
    %mul3A_467 = arith.muli %add3A_465, %mul3A_466 : i32
    %add3A_468 = arith.addi %mul3A_467, %multiple_of3A : i32
    %multiple_of3A_469 = tpu.assume_multiple %add3A_468, 640 : i32
    "tpu.region"() ({
      %run_scoped3A = tpu.sem_alloc : memref<!tpu.dma_semaphore, #tpu.memory_space<semaphore_mem>>
      %dma_start3A_509 = tpu.memref_slice %arg7[%multiple_of3A_469] : memref<327680xf32, #tpu.memory_space<hbm>> -> memref<640xf32, #tpu.memory_space<hbm>>
      %dma_start3A_510 = tpu.memref_slice %arg7[%multiple_of3A_469] : memref<327680xf32, #tpu.memory_space<hbm>> -> memref<640xf32, #tpu.memory_space<hbm>>
      tpu.enqueue_dma source(%dma_start3A_510 : memref<640xf32, #tpu.memory_space<hbm>>) target(%arg19 : memref<640xf32, #tpu.memory_space<vmem>>) target_semaphore(%run_scoped3A : memref<!tpu.dma_semaphore, #tpu.memory_space<semaphore_mem>>)
      %dma_wait3A_511 = tpu.memref_slice %arg7[%multiple_of3A_469] : memref<327680xf32, #tpu.memory_space<hbm>> -> memref<640xf32, #tpu.memory_space<hbm>>
      %dma_wait3A_512 = tpu.memref_slice %arg7[%multiple_of3A_469] : memref<327680xf32, #tpu.memory_space<hbm>> -> memref<640xf32, #tpu.memory_space<hbm>>
      tpu.wait_dma2 semaphore(%run_scoped3A : memref<!tpu.dma_semaphore, #tpu.memory_space<semaphore_mem>>) src(%dma_wait3A_512 : memref<640xf32, #tpu.memory_space<hbm>>) dst(%arg19 : memref<640xf32, #tpu.memory_space<vmem>>)
      tpu.yield
    }) : () -> ()
    %scan3A_470 = arith.constant 0 : i32
    %scan3A_471 = arith.constant 0 : i32
    %scan3A_472 = arith.constant 40 : i32
    %scan3A_473 = arith.addi %scan3A_471, %scan3A_472 : i32
    %scan3A_474 = arith.constant 1 : i32
    scf.for %scan3A_509 = %scan3A_471 to %scan3A_473 step %scan3A_474  : i32 {
      %mul3A_510 = arith.constant 16 : i32
      %mul3A_511 = arith.muli %scan3A_509, %mul3A_510 : i32
      %get3A_512 = arith.index_cast %mul3A_511 : i32 to index
      %get3A_513 = tpu.vector_load %arg18[%get3A_512] {strides = array<i32>} : memref<640xf32, #tpu.memory_space<vmem>>, vector<16xf32>,
      %get3A_514 = arith.index_cast %mul3A_511 : i32 to index
      %get3A_515 = tpu.vector_load %arg19[%get3A_514] {strides = array<i32>} : memref<640xf32, #tpu.memory_space<vmem>>, vector<16xf32>,
      %add3A_516 = arith.addf %get3A_513, %get3A_515 : vector<16xf32>
      %swap3A_517 = arith.index_cast %mul3A_511 : i32 to index
      %swap3A_518 = tpu.vector_load %arg18[%swap3A_517] {strides = array<i32>} : memref<640xf32, #tpu.memory_space<vmem>>, vector<16xf32>,
      tpu.vector_store %arg18[%swap3A_517], %add3A_516 {strides = array<i32>} : memref<640xf32, #tpu.memory_space<vmem>>, vector<16xf32>,
    }
    %scan3A_475 = arith.constant 40 : i32
    %mul3A_476 = arith.constant 16 : i32
    %mul3A_477 = arith.muli %arg0, %mul3A_476 : i32
    %add3A_478 = arith.constant 15 : i32
    %add3A_479 = arith.addi %mul3A_477, %add3A_478 : i32
    %mul3A_480 = arith.constant 10240 : i32
    %mul3A_481 = arith.muli %add3A_479, %mul3A_480 : i32
    %add3A_482 = arith.addi %mul3A_481, %multiple_of3A : i32
    %multiple_of3A_483 = tpu.assume_multiple %add3A_482, 640 : i32
    "tpu.region"() ({
      %run_scoped3A = tpu.sem_alloc : memref<!tpu.dma_semaphore, #tpu.memory_space<semaphore_mem>>
      %dma_start3A_509 = tpu.memref_slice %arg7[%multiple_of3A_483] : memref<327680xf32, #tpu.memory_space<hbm>> -> memref<640xf32, #tpu.memory_space<hbm>>
      %dma_start3A_510 = tpu.memref_slice %arg7[%multiple_of3A_483] : memref<327680xf32, #tpu.memory_space<hbm>> -> memref<640xf32, #tpu.memory_space<hbm>>
      tpu.enqueue_dma source(%dma_start3A_510 : memref<640xf32, #tpu.memory_space<hbm>>) target(%arg19 : memref<640xf32, #tpu.memory_space<vmem>>) target_semaphore(%run_scoped3A : memref<!tpu.dma_semaphore, #tpu.memory_space<semaphore_mem>>)
      %dma_wait3A_511 = tpu.memref_slice %arg7[%multiple_of3A_483] : memref<327680xf32, #tpu.memory_space<hbm>> -> memref<640xf32, #tpu.memory_space<hbm>>
      %dma_wait3A_512 = tpu.memref_slice %arg7[%multiple_of3A_483] : memref<327680xf32, #tpu.memory_space<hbm>> -> memref<640xf32, #tpu.memory_space<hbm>>
      tpu.wait_dma2 semaphore(%run_scoped3A : memref<!tpu.dma_semaphore, #tpu.memory_space<semaphore_mem>>) src(%dma_wait3A_512 : memref<640xf32, #tpu.memory_space<hbm>>) dst(%arg19 : memref<640xf32, #tpu.memory_space<vmem>>)
      tpu.yield
    }) : () -> ()
    %scan3A_484 = arith.constant 0 : i32
    %scan3A_485 = arith.constant 0 : i32
    %scan3A_486 = arith.constant 40 : i32
    %scan3A_487 = arith.addi %scan3A_485, %scan3A_486 : i32
    %scan3A_488 = arith.constant 1 : i32
    scf.for %scan3A_509 = %scan3A_485 to %scan3A_487 step %scan3A_488  : i32 {
      %mul3A_510 = arith.constant 16 : i32
      %mul3A_511 = arith.muli %scan3A_509, %mul3A_510 : i32
      %get3A_512 = arith.index_cast %mul3A_511 : i32 to index
      %get3A_513 = tpu.vector_load %arg18[%get3A_512] {strides = array<i32>} : memref<640xf32, #tpu.memory_space<vmem>>, vector<16xf32>,
      %get3A_514 = arith.index_cast %mul3A_511 : i32 to index
      %get3A_515 = tpu.vector_load %arg19[%get3A_514] {strides = array<i32>} : memref<640xf32, #tpu.memory_space<vmem>>, vector<16xf32>,
      %add3A_516 = arith.addf %get3A_513, %get3A_515 : vector<16xf32>
      %swap3A_517 = arith.index_cast %mul3A_511 : i32 to index
      %swap3A_518 = tpu.vector_load %arg18[%swap3A_517] {strides = array<i32>} : memref<640xf32, #tpu.memory_space<vmem>>, vector<16xf32>,
      tpu.vector_store %arg18[%swap3A_517], %add3A_516 {strides = array<i32>} : memref<640xf32, #tpu.memory_space<vmem>>, vector<16xf32>,
    }
    %scan3A_489 = arith.constant 40 : i32
    %mul3A_490 = arith.constant 640 : i32
    %mul3A_491 = arith.muli %arg1, %mul3A_490 : i32
    %mul3A_492 = arith.constant 320 : i32
    %mul3A_493 = arith.muli %arg0, %mul3A_492 : i32
    %add3A_494 = arith.addi %mul3A_491, %mul3A_493 : i32
    %multiple_of3A_495 = tpu.assume_multiple %add3A_494, 320 : i32
    %mul3A_496 = arith.constant 320 : i32
    %mul3A_497 = arith.muli %arg0, %mul3A_496 : i32
    "tpu.region"() ({
      %run_scoped3A = tpu.sem_alloc : memref<!tpu.dma_semaphore, #tpu.memory_space<semaphore_mem>>
      %dma_start3A_509 = tpu.memref_slice %arg18[%mul3A_497] : memref<640xf32, #tpu.memory_space<vmem>> -> memref<320xf32, #tpu.memory_space<vmem>>
      %dma_start3A_510 = tpu.memref_slice %arg6[%multiple_of3A_495] : memref<10240xf32, #tpu.memory_space<hbm>> -> memref<320xf32, #tpu.memory_space<hbm>>
      %dma_start3A_511 = tpu.memref_slice %arg6[%multiple_of3A_495] : memref<10240xf32, #tpu.memory_space<hbm>> -> memref<320xf32, #tpu.memory_space<hbm>>
      %dma_start3A_512 = tpu.memref_slice %arg18[%mul3A_497] : memref<640xf32, #tpu.memory_space<vmem>> -> memref<320xf32, #tpu.memory_space<vmem>>
      tpu.enqueue_dma source(%dma_start3A_512 : memref<320xf32, #tpu.memory_space<vmem>>) target(%dma_start3A_511 : memref<320xf32, #tpu.memory_space<hbm>>) target_semaphore(%run_scoped3A : memref<!tpu.dma_semaphore, #tpu.memory_space<semaphore_mem>>)
      %dma_wait3A_513 = tpu.memref_slice %arg18[%mul3A_497] : memref<640xf32, #tpu.memory_space<vmem>> -> memref<320xf32, #tpu.memory_space<vmem>>
      %dma_wait3A_514 = tpu.memref_slice %arg6[%multiple_of3A_495] : memref<10240xf32, #tpu.memory_space<hbm>> -> memref<320xf32, #tpu.memory_space<hbm>>
      %dma_wait3A_515 = tpu.memref_slice %arg6[%multiple_of3A_495] : memref<10240xf32, #tpu.memory_space<hbm>> -> memref<320xf32, #tpu.memory_space<hbm>>
      %dma_wait3A_516 = tpu.memref_slice %arg18[%mul3A_497] : memref<640xf32, #tpu.memory_space<vmem>> -> memref<320xf32, #tpu.memory_space<vmem>>
      tpu.wait_dma2 semaphore(%run_scoped3A : memref<!tpu.dma_semaphore, #tpu.memory_space<semaphore_mem>>) src(%dma_wait3A_516 : memref<320xf32, #tpu.memory_space<vmem>>) dst(%dma_wait3A_515 : memref<320xf32, #tpu.memory_space<hbm>>)
      tpu.yield
    }) : () -> ()
    %barrier3A_498 = arith.constant 0 : index
    tpu.barrier barrier_id(%barrier3A_498)
    %add3A_499 = arith.constant 0 : i32
    %add3A_500 = arith.addi %multiple_of3A, %add3A_499 : i32
    "tpu.region"() ({
      %run_scoped3A = tpu.sem_alloc : memref<!tpu.dma_semaphore, #tpu.memory_space<semaphore_mem>>
      %dma_start3A_509 = arith.constant 0 : i32
      %dma_start3A_510 = tpu.memref_slice %arg8[%add3A_500, %dma_start3A_509] : memref<10240x128xf32, #tpu.memory_space<vmem_shared>> -> memref<128x128xf32, #tpu.memory_space<vmem_shared>>
      %dma_start3A_511 = arith.constant 0 : i32
      %dma_start3A_512 = tpu.memref_slice %arg8[%add3A_500, %dma_start3A_511] : memref<10240x128xf32, #tpu.memory_space<vmem_shared>> -> memref<128x128xf32, #tpu.memory_space<vmem_shared>>
      tpu.enqueue_dma source(%dma_start3A_512 : memref<128x128xf32, #tpu.memory_space<vmem_shared>>) target(%arg15 : memref<128x128xf32, #tpu.memory_space<vmem>>) target_semaphore(%run_scoped3A : memref<!tpu.dma_semaphore, #tpu.memory_space<semaphore_mem>>)
      %dma_wait3A_513 = arith.constant 0 : i32
      %dma_wait3A_514 = tpu.memref_slice %arg8[%add3A_500, %dma_wait3A_513] : memref<10240x128xf32, #tpu.memory_space<vmem_shared>> -> memref<128x128xf32, #tpu.memory_space<vmem_shared>>
      %dma_wait3A_515 = arith.constant 0 : i32
      %dma_wait3A_516 = tpu.memref_slice %arg8[%add3A_500, %dma_wait3A_515] : memref<10240x128xf32, #tpu.memory_space<vmem_shared>> -> memref<128x128xf32, #tpu.memory_space<vmem_shared>>
      tpu.wait_dma2 semaphore(%run_scoped3A : memref<!tpu.dma_semaphore, #tpu.memory_space<semaphore_mem>>) src(%dma_wait3A_516 : memref<128x128xf32, #tpu.memory_space<vmem_shared>>) dst(%arg15 : memref<128x128xf32, #tpu.memory_space<vmem>>)
      tpu.yield
    }) : () -> ()
    "tpu.region"() ({
      %run_scoped3A = tpu.sem_alloc : memref<!tpu.dma_semaphore, #tpu.memory_space<semaphore_mem>>
      %dma_start3A_509 = tpu.memref_slice %arg5[%add3A_500, %multiple_of3A_8] : memref<10240x256xf32, #tpu.memory_space<hbm>> -> memref<128x128xf32, #tpu.memory_space<hbm>>
      %dma_start3A_510 = tpu.memref_slice %arg5[%add3A_500, %multiple_of3A_8] : memref<10240x256xf32, #tpu.memory_space<hbm>> -> memref<128x128xf32, #tpu.memory_space<hbm>>
      tpu.enqueue_dma source(%arg15 : memref<128x128xf32, #tpu.memory_space<vmem>>) target(%dma_start3A_510 : memref<128x128xf32, #tpu.memory_space<hbm>>) target_semaphore(%run_scoped3A : memref<!tpu.dma_semaphore, #tpu.memory_space<semaphore_mem>>)
      %dma_wait3A_511 = tpu.memref_slice %arg5[%add3A_500, %multiple_of3A_8] : memref<10240x256xf32, #tpu.memory_space<hbm>> -> memref<128x128xf32, #tpu.memory_space<hbm>>
      %dma_wait3A_512 = tpu.memref_slice %arg5[%add3A_500, %multiple_of3A_8] : memref<10240x256xf32, #tpu.memory_space<hbm>> -> memref<128x128xf32, #tpu.memory_space<hbm>>
      tpu.wait_dma2 semaphore(%run_scoped3A : memref<!tpu.dma_semaphore, #tpu.memory_space<semaphore_mem>>) src(%arg15 : memref<128x128xf32, #tpu.memory_space<vmem>>) dst(%dma_wait3A_512 : memref<128x128xf32, #tpu.memory_space<hbm>>)
      tpu.yield
    }) : () -> ()
    %add3A_501 = arith.constant 128 : i32
    %add3A_502 = arith.addi %multiple_of3A, %add3A_501 : i32
    "tpu.region"() ({
      %run_scoped3A = tpu.sem_alloc : memref<!tpu.dma_semaphore, #tpu.memory_space<semaphore_mem>>
      %dma_start3A_509 = arith.constant 0 : i32
      %dma_start3A_510 = tpu.memref_slice %arg8[%add3A_502, %dma_start3A_509] : memref<10240x128xf32, #tpu.memory_space<vmem_shared>> -> memref<128x128xf32, #tpu.memory_space<vmem_shared>>
      %dma_start3A_511 = arith.constant 0 : i32
      %dma_start3A_512 = tpu.memref_slice %arg8[%add3A_502, %dma_start3A_511] : memref<10240x128xf32, #tpu.memory_space<vmem_shared>> -> memref<128x128xf32, #tpu.memory_space<vmem_shared>>
      tpu.enqueue_dma source(%dma_start3A_512 : memref<128x128xf32, #tpu.memory_space<vmem_shared>>) target(%arg15 : memref<128x128xf32, #tpu.memory_space<vmem>>) target_semaphore(%run_scoped3A : memref<!tpu.dma_semaphore, #tpu.memory_space<semaphore_mem>>)
      %dma_wait3A_513 = arith.constant 0 : i32
      %dma_wait3A_514 = tpu.memref_slice %arg8[%add3A_502, %dma_wait3A_513] : memref<10240x128xf32, #tpu.memory_space<vmem_shared>> -> memref<128x128xf32, #tpu.memory_space<vmem_shared>>
      %dma_wait3A_515 = arith.constant 0 : i32
      %dma_wait3A_516 = tpu.memref_slice %arg8[%add3A_502, %dma_wait3A_515] : memref<10240x128xf32, #tpu.memory_space<vmem_shared>> -> memref<128x128xf32, #tpu.memory_space<vmem_shared>>
      tpu.wait_dma2 semaphore(%run_scoped3A : memref<!tpu.dma_semaphore, #tpu.memory_space<semaphore_mem>>) src(%dma_wait3A_516 : memref<128x128xf32, #tpu.memory_space<vmem_shared>>) dst(%arg15 : memref<128x128xf32, #tpu.memory_space<vmem>>)
      tpu.yield
    }) : () -> ()
    "tpu.region"() ({
      %run_scoped3A = tpu.sem_alloc : memref<!tpu.dma_semaphore, #tpu.memory_space<semaphore_mem>>
      %dma_start3A_509 = tpu.memref_slice %arg5[%add3A_502, %multiple_of3A_8] : memref<10240x256xf32, #tpu.memory_space<hbm>> -> memref<128x128xf32, #tpu.memory_space<hbm>>
      %dma_start3A_510 = tpu.memref_slice %arg5[%add3A_502, %multiple_of3A_8] : memref<10240x256xf32, #tpu.memory_space<hbm>> -> memref<128x128xf32, #tpu.memory_space<hbm>>
      tpu.enqueue_dma source(%arg15 : memref<128x128xf32, #tpu.memory_space<vmem>>) target(%dma_start3A_510 : memref<128x128xf32, #tpu.memory_space<hbm>>) target_semaphore(%run_scoped3A : memref<!tpu.dma_semaphore, #tpu.memory_space<semaphore_mem>>)
      %dma_wait3A_511 = tpu.memref_slice %arg5[%add3A_502, %multiple_of3A_8] : memref<10240x256xf32, #tpu.memory_space<hbm>> -> memref<128x128xf32, #tpu.memory_space<hbm>>
      %dma_wait3A_512 = tpu.memref_slice %arg5[%add3A_502, %multiple_of3A_8] : memref<10240x256xf32, #tpu.memory_space<hbm>> -> memref<128x128xf32, #tpu.memory_space<hbm>>
      tpu.wait_dma2 semaphore(%run_scoped3A : memref<!tpu.dma_semaphore, #tpu.memory_space<semaphore_mem>>) src(%arg15 : memref<128x128xf32, #tpu.memory_space<vmem>>) dst(%dma_wait3A_512 : memref<128x128xf32, #tpu.memory_space<hbm>>)
      tpu.yield
    }) : () -> ()
    %add3A_503 = arith.constant 256 : i32
    %add3A_504 = arith.addi %multiple_of3A, %add3A_503 : i32
    "tpu.region"() ({
      %run_scoped3A = tpu.sem_alloc : memref<!tpu.dma_semaphore, #tpu.memory_space<semaphore_mem>>
      %dma_start3A_509 = arith.constant 0 : i32
      %dma_start3A_510 = tpu.memref_slice %arg8[%add3A_504, %dma_start3A_509] : memref<10240x128xf32, #tpu.memory_space<vmem_shared>> -> memref<128x128xf32, #tpu.memory_space<vmem_shared>>
      %dma_start3A_511 = arith.constant 0 : i32
      %dma_start3A_512 = tpu.memref_slice %arg8[%add3A_504, %dma_start3A_511] : memref<10240x128xf32, #tpu.memory_space<vmem_shared>> -> memref<128x128xf32, #tpu.memory_space<vmem_shared>>
      tpu.enqueue_dma source(%dma_start3A_512 : memref<128x128xf32, #tpu.memory_space<vmem_shared>>) target(%arg15 : memref<128x128xf32, #tpu.memory_space<vmem>>) target_semaphore(%run_scoped3A : memref<!tpu.dma_semaphore, #tpu.memory_space<semaphore_mem>>)
      %dma_wait3A_513 = arith.constant 0 : i32
      %dma_wait3A_514 = tpu.memref_slice %arg8[%add3A_504, %dma_wait3A_513] : memref<10240x128xf32, #tpu.memory_space<vmem_shared>> -> memref<128x128xf32, #tpu.memory_space<vmem_shared>>
      %dma_wait3A_515 = arith.constant 0 : i32
      %dma_wait3A_516 = tpu.memref_slice %arg8[%add3A_504, %dma_wait3A_515] : memref<10240x128xf32, #tpu.memory_space<vmem_shared>> -> memref<128x128xf32, #tpu.memory_space<vmem_shared>>
      tpu.wait_dma2 semaphore(%run_scoped3A : memref<!tpu.dma_semaphore, #tpu.memory_space<semaphore_mem>>) src(%dma_wait3A_516 : memref<128x128xf32, #tpu.memory_space<vmem_shared>>) dst(%arg15 : memref<128x128xf32, #tpu.memory_space<vmem>>)
      tpu.yield
    }) : () -> ()
    "tpu.region"() ({
      %run_scoped3A = tpu.sem_alloc : memref<!tpu.dma_semaphore, #tpu.memory_space<semaphore_mem>>
      %dma_start3A_509 = tpu.memref_slice %arg5[%add3A_504, %multiple_of3A_8] : memref<10240x256xf32, #tpu.memory_space<hbm>> -> memref<128x128xf32, #tpu.memory_space<hbm>>
      %dma_start3A_510 = tpu.memref_slice %arg5[%add3A_504, %multiple_of3A_8] : memref<10240x256xf32, #tpu.memory_space<hbm>> -> memref<128x128xf32, #tpu.memory_space<hbm>>
      tpu.enqueue_dma source(%arg15 : memref<128x128xf32, #tpu.memory_space<vmem>>) target(%dma_start3A_510 : memref<128x128xf32, #tpu.memory_space<hbm>>) target_semaphore(%run_scoped3A : memref<!tpu.dma_semaphore, #tpu.memory_space<semaphore_mem>>)
      %dma_wait3A_511 = tpu.memref_slice %arg5[%add3A_504, %multiple_of3A_8] : memref<10240x256xf32, #tpu.memory_space<hbm>> -> memref<128x128xf32, #tpu.memory_space<hbm>>
      %dma_wait3A_512 = tpu.memref_slice %arg5[%add3A_504, %multiple_of3A_8] : memref<10240x256xf32, #tpu.memory_space<hbm>> -> memref<128x128xf32, #tpu.memory_space<hbm>>
      tpu.wait_dma2 semaphore(%run_scoped3A : memref<!tpu.dma_semaphore, #tpu.memory_space<semaphore_mem>>) src(%arg15 : memref<128x128xf32, #tpu.memory_space<vmem>>) dst(%dma_wait3A_512 : memref<128x128xf32, #tpu.memory_space<hbm>>)
      tpu.yield
    }) : () -> ()
    %add3A_505 = arith.constant 384 : i32
    %add3A_506 = arith.addi %multiple_of3A, %add3A_505 : i32
    "tpu.region"() ({
      %run_scoped3A = tpu.sem_alloc : memref<!tpu.dma_semaphore, #tpu.memory_space<semaphore_mem>>
      %dma_start3A_509 = arith.constant 0 : i32
      %dma_start3A_510 = tpu.memref_slice %arg8[%add3A_506, %dma_start3A_509] : memref<10240x128xf32, #tpu.memory_space<vmem_shared>> -> memref<128x128xf32, #tpu.memory_space<vmem_shared>>
      %dma_start3A_511 = arith.constant 0 : i32
      %dma_start3A_512 = tpu.memref_slice %arg8[%add3A_506, %dma_start3A_511] : memref<10240x128xf32, #tpu.memory_space<vmem_shared>> -> memref<128x128xf32, #tpu.memory_space<vmem_shared>>
      tpu.enqueue_dma source(%dma_start3A_512 : memref<128x128xf32, #tpu.memory_space<vmem_shared>>) target(%arg15 : memref<128x128xf32, #tpu.memory_space<vmem>>) target_semaphore(%run_scoped3A : memref<!tpu.dma_semaphore, #tpu.memory_space<semaphore_mem>>)
      %dma_wait3A_513 = arith.constant 0 : i32
      %dma_wait3A_514 = tpu.memref_slice %arg8[%add3A_506, %dma_wait3A_513] : memref<10240x128xf32, #tpu.memory_space<vmem_shared>> -> memref<128x128xf32, #tpu.memory_space<vmem_shared>>
      %dma_wait3A_515 = arith.constant 0 : i32
      %dma_wait3A_516 = tpu.memref_slice %arg8[%add3A_506, %dma_wait3A_515] : memref<10240x128xf32, #tpu.memory_space<vmem_shared>> -> memref<128x128xf32, #tpu.memory_space<vmem_shared>>
      tpu.wait_dma2 semaphore(%run_scoped3A : memref<!tpu.dma_semaphore, #tpu.memory_space<semaphore_mem>>) src(%dma_wait3A_516 : memref<128x128xf32, #tpu.memory_space<vmem_shared>>) dst(%arg15 : memref<128x128xf32, #tpu.memory_space<vmem>>)
      tpu.yield
    }) : () -> ()
    "tpu.region"() ({
      %run_scoped3A = tpu.sem_alloc : memref<!tpu.dma_semaphore, #tpu.memory_space<semaphore_mem>>
      %dma_start3A_509 = tpu.memref_slice %arg5[%add3A_506, %multiple_of3A_8] : memref<10240x256xf32, #tpu.memory_space<hbm>> -> memref<128x128xf32, #tpu.memory_space<hbm>>
      %dma_start3A_510 = tpu.memref_slice %arg5[%add3A_506, %multiple_of3A_8] : memref<10240x256xf32, #tpu.memory_space<hbm>> -> memref<128x128xf32, #tpu.memory_space<hbm>>
      tpu.enqueue_dma source(%arg15 : memref<128x128xf32, #tpu.memory_space<vmem>>) target(%dma_start3A_510 : memref<128x128xf32, #tpu.memory_space<hbm>>) target_semaphore(%run_scoped3A : memref<!tpu.dma_semaphore, #tpu.memory_space<semaphore_mem>>)
      %dma_wait3A_511 = tpu.memref_slice %arg5[%add3A_506, %multiple_of3A_8] : memref<10240x256xf32, #tpu.memory_space<hbm>> -> memref<128x128xf32, #tpu.memory_space<hbm>>
      %dma_wait3A_512 = tpu.memref_slice %arg5[%add3A_506, %multiple_of3A_8] : memref<10240x256xf32, #tpu.memory_space<hbm>> -> memref<128x128xf32, #tpu.memory_space<hbm>>
      tpu.wait_dma2 semaphore(%run_scoped3A : memref<!tpu.dma_semaphore, #tpu.memory_space<semaphore_mem>>) src(%arg15 : memref<128x128xf32, #tpu.memory_space<vmem>>) dst(%dma_wait3A_512 : memref<128x128xf32, #tpu.memory_space<hbm>>)
      tpu.yield
    }) : () -> ()
    %add3A_507 = arith.constant 512 : i32
    %add3A_508 = arith.addi %multiple_of3A, %add3A_507 : i32
    "tpu.region"() ({
      %run_scoped3A = tpu.sem_alloc : memref<!tpu.dma_semaphore, #tpu.memory_space<semaphore_mem>>
      %dma_start3A_509 = arith.constant 0 : i32
      %dma_start3A_510 = tpu.memref_slice %arg8[%add3A_508, %dma_start3A_509] : memref<10240x128xf32, #tpu.memory_space<vmem_shared>> -> memref<128x128xf32, #tpu.memory_space<vmem_shared>>
      %dma_start3A_511 = arith.constant 0 : i32
      %dma_start3A_512 = tpu.memref_slice %arg8[%add3A_508, %dma_start3A_511] : memref<10240x128xf32, #tpu.memory_space<vmem_shared>> -> memref<128x128xf32, #tpu.memory_space<vmem_shared>>
      tpu.enqueue_dma source(%dma_start3A_512 : memref<128x128xf32, #tpu.memory_space<vmem_shared>>) target(%arg15 : memref<128x128xf32, #tpu.memory_space<vmem>>) target_semaphore(%run_scoped3A : memref<!tpu.dma_semaphore, #tpu.memory_space<semaphore_mem>>)
      %dma_wait3A_513 = arith.constant 0 : i32
      %dma_wait3A_514 = tpu.memref_slice %arg8[%add3A_508, %dma_wait3A_513] : memref<10240x128xf32, #tpu.memory_space<vmem_shared>> -> memref<128x128xf32, #tpu.memory_space<vmem_shared>>
      %dma_wait3A_515 = arith.constant 0 : i32
      %dma_wait3A_516 = tpu.memref_slice %arg8[%add3A_508, %dma_wait3A_515] : memref<10240x128xf32, #tpu.memory_space<vmem_shared>> -> memref<128x128xf32, #tpu.memory_space<vmem_shared>>
      tpu.wait_dma2 semaphore(%run_scoped3A : memref<!tpu.dma_semaphore, #tpu.memory_space<semaphore_mem>>) src(%dma_wait3A_516 : memref<128x128xf32, #tpu.memory_space<vmem_shared>>) dst(%arg15 : memref<128x128xf32, #tpu.memory_space<vmem>>)
      tpu.yield
    }) : () -> ()
    "tpu.region"() ({
      %run_scoped3A = tpu.sem_alloc : memref<!tpu.dma_semaphore, #tpu.memory_space<semaphore_mem>>
      %dma_start3A_509 = tpu.memref_slice %arg5[%add3A_508, %multiple_of3A_8] : memref<10240x256xf32, #tpu.memory_space<hbm>> -> memref<128x128xf32, #tpu.memory_space<hbm>>
      %dma_start3A_510 = tpu.memref_slice %arg5[%add3A_508, %multiple_of3A_8] : memref<10240x256xf32, #tpu.memory_space<hbm>> -> memref<128x128xf32, #tpu.memory_space<hbm>>
      tpu.enqueue_dma source(%arg15 : memref<128x128xf32, #tpu.memory_space<vmem>>) target(%dma_start3A_510 : memref<128x128xf32, #tpu.memory_space<hbm>>) target_semaphore(%run_scoped3A : memref<!tpu.dma_semaphore, #tpu.memory_space<semaphore_mem>>)
      %dma_wait3A_511 = tpu.memref_slice %arg5[%add3A_508, %multiple_of3A_8] : memref<10240x256xf32, #tpu.memory_space<hbm>> -> memref<128x128xf32, #tpu.memory_space<hbm>>
      %dma_wait3A_512 = tpu.memref_slice %arg5[%add3A_508, %multiple_of3A_8] : memref<10240x256xf32, #tpu.memory_space<hbm>> -> memref<128x128xf32, #tpu.memory_space<hbm>>
      tpu.wait_dma2 semaphore(%run_scoped3A : memref<!tpu.dma_semaphore, #tpu.memory_space<semaphore_mem>>) src(%arg15 : memref<128x128xf32, #tpu.memory_space<vmem>>) dst(%dma_wait3A_512 : memref<128x128xf32, #tpu.memory_space<hbm>>)
      tpu.yield
    }) : () -> ()
    return
  }
}

module attributes {stable_mosaic.version = 14 : i64} {
  func.func @_tc1_body(%arg0: i32, %arg1: memref<1000x1xf32, #tpu.memory_space<vmem>>, %arg2: memref<1000x256xf32, #tpu.memory_space<vmem>>, %arg3: memref<1000x256xf32, #tpu.memory_space<vmem>>, %arg4: memref<256x256xf32, #tpu.memory_space<vmem>>, %arg5: memref<256x256xf32, #tpu.memory_space<vmem>>, %arg6: memref<1x256xf32, #tpu.memory_space<vmem>>, %arg7: memref<1000x256xf32, #tpu.memory_space<vmem>>) attributes {dimension_semantics = [#tpu.dimension_semantics<arbitrary>], iteration_bounds = array<i64: 10>, scalar_prefetch = 0 : i64, scratch_operands = 0 : i64, tpu.core_type = #tpu.core_type<tc>, window_params = [{transform_indices = @transform_0, window_bounds = array<i64: 1000, 1>}, {transform_indices = @transform_1, window_bounds = array<i64: 1000, 256>}, {transform_indices = @transform_2, window_bounds = array<i64: 1000, 256>}, {pipeline_mode = #tpu.pipeline_mode<synchronous>, transform_indices = @transform_3, window_bounds = array<i64: 256, 256>}, {pipeline_mode = #tpu.pipeline_mode<synchronous>, transform_indices = @transform_4, window_bounds = array<i64: 256, 256>}, {pipeline_mode = #tpu.pipeline_mode<synchronous>, transform_indices = @transform_5, window_bounds = array<i64: 1, 256>}, {transform_indices = @transform_6, window_bounds = array<i64: 1000, 256>}]} {
    %get3A = arith.constant 0 : index
    %get3A_0 = arith.constant 0 : index
    %get3A_1 = vector.load %arg1[%get3A, %get3A_0] : memref<1000x1xf32, #tpu.memory_space<vmem>>, vector<1000x1xf32>
    %max3A = arith.constant 1.000000e+00 : f32
    %max3A_2 = vector.broadcast %max3A : f32 to vector<1000x1xf32>
    %max3A_3 = arith.maximumf %get3A_1, %max3A_2 : vector<1000x1xf32>
    %div3A = arith.constant 1.000000e+00 : f32
    %div3A_4 = vector.broadcast %div3A : f32 to vector<1000x1xf32>
    %div3A_5 = arith.divf %div3A_4, %max3A_3 : vector<1000x1xf32>
    %get3A_6 = arith.constant 0 : index
    %get3A_7 = arith.constant 0 : index
    %get3A_8 = vector.load %arg2[%get3A_6, %get3A_7] : memref<1000x256xf32, #tpu.memory_space<vmem>>, vector<1000x256xf32>
    %mul3A = vector.broadcast %div3A_5 : vector<1000x1xf32> to vector<1000x256xf32>
    %mul3A_9 = arith.mulf %get3A_8, %mul3A : vector<1000x256xf32>
    %get3A_10 = arith.constant 0 : index
    %get3A_11 = arith.constant 0 : index
    %get3A_12 = vector.load %arg4[%get3A_10, %get3A_11] : memref<256x256xf32, #tpu.memory_space<vmem>>, vector<256x256xf32>
    %dot_general3A = arith.constant dense<0.000000e+00> : vector<1000x256xf32>
    %dot_general3A_13 = tpu.matmul %mul3A_9, %get3A_12, %dot_general3A {dimension_numbers = #tpu.dot_dimension_numbers<[1], [1], [0], [0], [0, 0, 1, 0], [], []>, transpose_lhs_hint = false} : vector<1000x256xf32>, vector<256x256xf32>, vector<1000x256xf32> -> vector<1000x256xf32>
    %get3A_14 = arith.constant 0 : index
    %get3A_15 = arith.constant 0 : index
    %get3A_16 = vector.load %arg3[%get3A_14, %get3A_15] : memref<1000x256xf32, #tpu.memory_space<vmem>>, vector<1000x256xf32>
    %get3A_17 = arith.constant 0 : index
    %get3A_18 = arith.constant 0 : index
    %get3A_19 = vector.load %arg5[%get3A_17, %get3A_18] : memref<256x256xf32, #tpu.memory_space<vmem>>, vector<256x256xf32>
    %dot_general3A_20 = arith.constant dense<0.000000e+00> : vector<1000x256xf32>
    %dot_general3A_21 = tpu.matmul %get3A_16, %get3A_19, %dot_general3A_20 {dimension_numbers = #tpu.dot_dimension_numbers<[1], [1], [0], [0], [0, 0, 1, 0], [], []>, transpose_lhs_hint = false} : vector<1000x256xf32>, vector<256x256xf32>, vector<1000x256xf32> -> vector<1000x256xf32>
    %add3A = arith.addf %dot_general3A_13, %dot_general3A_21 : vector<1000x256xf32>
    %get3A_22 = arith.constant 0 : index
    %get3A_23 = arith.constant 0 : index
    %get3A_24 = vector.load %arg6[%get3A_22, %get3A_23] : memref<1x256xf32, #tpu.memory_space<vmem>>, vector<1x256xf32>
    %add3A_25 = vector.broadcast %get3A_24 : vector<1x256xf32> to vector<1000x256xf32>
    %add3A_26 = arith.addf %add3A, %add3A_25 : vector<1000x256xf32>
    %max3A_27 = arith.constant 0.000000e+00 : f32
    %max3A_28 = vector.broadcast %max3A_27 : f32 to vector<1000x256xf32>
    %max3A_29 = arith.maximumf %add3A_26, %max3A_28 : vector<1000x256xf32>
    %swap3A = arith.constant 0 : index
    %swap3A_30 = arith.constant 0 : index
    %swap3A_31 = vector.load %arg7[%swap3A, %swap3A_30] : memref<1000x256xf32, #tpu.memory_space<vmem>>, vector<1000x256xf32>
    tpu.vector_store %arg7[%swap3A, %swap3A_30], %max3A_29 {strides = array<i32>} : memref<1000x256xf32, #tpu.memory_space<vmem>>, vector<1000x256xf32>,
    return
  }
  func.func @transform_0(%arg0: i32) -> (i32, i32) {
    %c0_i32 = arith.constant 0 : i32
    %c0_i32_0 = arith.constant 0 : i32
    return %arg0, %c0_i32 : i32, i32
  }
  func.func @transform_1(%arg0: i32) -> (i32, i32) {
    %c0_i32 = arith.constant 0 : i32
    %c0_i32_0 = arith.constant 0 : i32
    return %arg0, %c0_i32 : i32, i32
  }
  func.func @transform_2(%arg0: i32) -> (i32, i32) {
    %c0_i32 = arith.constant 0 : i32
    %c0_i32_0 = arith.constant 0 : i32
    return %arg0, %c0_i32 : i32, i32
  }
  func.func @transform_3(%arg0: i32) -> (i32, i32) {
    %c0_i32 = arith.constant 0 : i32
    %c0_i32_0 = arith.constant 0 : i32
    %c0_i32_1 = arith.constant 0 : i32
    return %c0_i32, %c0_i32_0 : i32, i32
  }
  func.func @transform_4(%arg0: i32) -> (i32, i32) {
    %c0_i32 = arith.constant 0 : i32
    %c0_i32_0 = arith.constant 0 : i32
    %c0_i32_1 = arith.constant 0 : i32
    return %c0_i32, %c0_i32_0 : i32, i32
  }
  func.func @transform_5(%arg0: i32) -> (i32, i32) {
    %c0_i32 = arith.constant 0 : i32
    %c0_i32_0 = arith.constant 0 : i32
    %c0_i32_1 = arith.constant 0 : i32
    return %c0_i32, %c0_i32_0 : i32, i32
  }
  func.func @transform_6(%arg0: i32) -> (i32, i32) {
    %c0_i32 = arith.constant 0 : i32
    %c0_i32_0 = arith.constant 0 : i32
    return %arg0, %c0_i32 : i32, i32
  }
}

module attributes {stable_mosaic.version = 14 : i64} {
  func.func @_tc2_body(%arg0: i32, %arg1: memref<1000x1xf32, #tpu.memory_space<vmem>>, %arg2: memref<1000x256xf32, #tpu.memory_space<vmem>>, %arg3: memref<1000x256xf32, #tpu.memory_space<vmem>>, %arg4: memref<256x256xf32, #tpu.memory_space<vmem>>, %arg5: memref<256x256xf32, #tpu.memory_space<vmem>>, %arg6: memref<1x256xf32, #tpu.memory_space<vmem>>, %arg7: memref<1x512xf32, #tpu.memory_space<vmem>>, %arg8: memref<1x1xf32, #tpu.memory_space<vmem>>, %arg9: memref<1000x1xf32, #tpu.memory_space<vmem>>) attributes {dimension_semantics = [#tpu.dimension_semantics<arbitrary>], iteration_bounds = array<i64: 10>, scalar_prefetch = 0 : i64, scratch_operands = 0 : i64, tpu.core_type = #tpu.core_type<tc>, window_params = [{transform_indices = @transform_0, window_bounds = array<i64: 1000, 1>}, {transform_indices = @transform_1, window_bounds = array<i64: 1000, 256>}, {transform_indices = @transform_2, window_bounds = array<i64: 1000, 256>}, {pipeline_mode = #tpu.pipeline_mode<synchronous>, transform_indices = @transform_3, window_bounds = array<i64: 256, 256>}, {pipeline_mode = #tpu.pipeline_mode<synchronous>, transform_indices = @transform_4, window_bounds = array<i64: 256, 256>}, {pipeline_mode = #tpu.pipeline_mode<synchronous>, transform_indices = @transform_5, window_bounds = array<i64: 1, 256>}, {pipeline_mode = #tpu.pipeline_mode<synchronous>, transform_indices = @transform_6, window_bounds = array<i64: 1, 512>}, {pipeline_mode = #tpu.pipeline_mode<synchronous>, transform_indices = @transform_7, window_bounds = array<i64: 1, 1>}, {transform_indices = @transform_8, window_bounds = array<i64: 1000, 1>}]} {
    %get3A = arith.constant 0 : index
    %get3A_0 = arith.constant 0 : index
    %get3A_1 = vector.load %arg1[%get3A, %get3A_0] : memref<1000x1xf32, #tpu.memory_space<vmem>>, vector<1000x1xf32>
    %max3A = arith.constant 1.000000e+00 : f32
    %max3A_2 = vector.broadcast %max3A : f32 to vector<1000x1xf32>
    %max3A_3 = arith.maximumf %get3A_1, %max3A_2 : vector<1000x1xf32>
    %div3A = arith.constant 1.000000e+00 : f32
    %div3A_4 = vector.broadcast %div3A : f32 to vector<1000x1xf32>
    %div3A_5 = arith.divf %div3A_4, %max3A_3 : vector<1000x1xf32>
    %get3A_6 = arith.constant 0 : index
    %get3A_7 = arith.constant 0 : index
    %get3A_8 = vector.load %arg2[%get3A_6, %get3A_7] : memref<1000x256xf32, #tpu.memory_space<vmem>>, vector<1000x256xf32>
    %mul3A = vector.broadcast %div3A_5 : vector<1000x1xf32> to vector<1000x256xf32>
    %mul3A_9 = arith.mulf %get3A_8, %mul3A : vector<1000x256xf32>
    %get3A_10 = arith.constant 0 : index
    %get3A_11 = arith.constant 0 : index
    %get3A_12 = vector.load %arg4[%get3A_10, %get3A_11] : memref<256x256xf32, #tpu.memory_space<vmem>>, vector<256x256xf32>
    %dot_general3A = arith.constant dense<0.000000e+00> : vector<1000x256xf32>
    %dot_general3A_13 = tpu.matmul %mul3A_9, %get3A_12, %dot_general3A {dimension_numbers = #tpu.dot_dimension_numbers<[1], [1], [0], [0], [0, 0, 1, 0], [], []>, transpose_lhs_hint = false} : vector<1000x256xf32>, vector<256x256xf32>, vector<1000x256xf32> -> vector<1000x256xf32>
    %get3A_14 = arith.constant 0 : index
    %get3A_15 = arith.constant 0 : index
    %get3A_16 = vector.load %arg3[%get3A_14, %get3A_15] : memref<1000x256xf32, #tpu.memory_space<vmem>>, vector<1000x256xf32>
    %get3A_17 = arith.constant 0 : index
    %get3A_18 = arith.constant 0 : index
    %get3A_19 = vector.load %arg5[%get3A_17, %get3A_18] : memref<256x256xf32, #tpu.memory_space<vmem>>, vector<256x256xf32>
    %dot_general3A_20 = arith.constant dense<0.000000e+00> : vector<1000x256xf32>
    %dot_general3A_21 = tpu.matmul %get3A_16, %get3A_19, %dot_general3A_20 {dimension_numbers = #tpu.dot_dimension_numbers<[1], [1], [0], [0], [0, 0, 1, 0], [], []>, transpose_lhs_hint = false} : vector<1000x256xf32>, vector<256x256xf32>, vector<1000x256xf32> -> vector<1000x256xf32>
    %add3A = arith.addf %dot_general3A_13, %dot_general3A_21 : vector<1000x256xf32>
    %get3A_22 = arith.constant 0 : index
    %get3A_23 = arith.constant 0 : index
    %get3A_24 = vector.load %arg6[%get3A_22, %get3A_23] : memref<1x256xf32, #tpu.memory_space<vmem>>, vector<1x256xf32>
    %add3A_25 = vector.broadcast %get3A_24 : vector<1x256xf32> to vector<1000x256xf32>
    %add3A_26 = arith.addf %add3A, %add3A_25 : vector<1000x256xf32>
    %max3A_27 = arith.constant 0.000000e+00 : f32
    %max3A_28 = vector.broadcast %max3A_27 : f32 to vector<1000x256xf32>
    %max3A_29 = arith.maximumf %add3A_26, %max3A_28 : vector<1000x256xf32>
    %get3A_30 = arith.constant 0 : index
    %get3A_31 = arith.constant 0 : index
    %get3A_32 = vector.load %arg3[%get3A_30, %get3A_31] : memref<1000x256xf32, #tpu.memory_space<vmem>>, vector<1000x256xf32>
    %get3A_33 = arith.constant 0 : index
    %get3A_34 = arith.constant 0 : index
    %get3A_35 = vector.load %arg7[%get3A_33, %get3A_34] : memref<1x512xf32, #tpu.memory_space<vmem>>, vector<1x256xf32>
    %dot_general3A_36 = arith.constant dense<0.000000e+00> : vector<1000x1xf32>
    %dot_general3A_37 = tpu.matmul %get3A_32, %get3A_35, %dot_general3A_36 {dimension_numbers = #tpu.dot_dimension_numbers<[1], [1], [0], [0], [0, 0, 1, 0], [], []>, transpose_lhs_hint = false} : vector<1000x256xf32>, vector<1x256xf32>, vector<1000x1xf32> -> vector<1000x1xf32>
    %get3A_38 = arith.constant 0 : index
    %get3A_39 = arith.constant 256 : index
    %get3A_40 = vector.load %arg7[%get3A_38, %get3A_39] : memref<1x512xf32, #tpu.memory_space<vmem>>, vector<1x256xf32>
    %dot_general3A_41 = arith.constant dense<0.000000e+00> : vector<1000x1xf32>
    %dot_general3A_42 = tpu.matmul %max3A_29, %get3A_40, %dot_general3A_41 {dimension_numbers = #tpu.dot_dimension_numbers<[1], [1], [0], [0], [0, 0, 1, 0], [], []>, transpose_lhs_hint = false} : vector<1000x256xf32>, vector<1x256xf32>, vector<1000x1xf32> -> vector<1000x1xf32>
    %add3A_43 = arith.addf %dot_general3A_37, %dot_general3A_42 : vector<1000x1xf32>
    %get3A_44 = arith.constant 0 : index
    %get3A_45 = arith.constant 0 : index
    %get3A_46 = vector.load %arg8[%get3A_44, %get3A_45] : memref<1x1xf32, #tpu.memory_space<vmem>>, vector<1x1xf32>
    %add3A_47 = vector.broadcast %get3A_46 : vector<1x1xf32> to vector<1000x1xf32>
    %add3A_48 = arith.addf %add3A_43, %add3A_47 : vector<1000x1xf32>
    %logistic3A = arith.negf %add3A_48 : vector<1000x1xf32>
    %logistic3A_49 = math.exp %logistic3A : vector<1000x1xf32>
    %logistic3A_50 = arith.constant 1.000000e+00 : f32
    %logistic3A_51 = vector.broadcast %logistic3A_50 : f32 to vector<1000x1xf32>
    %logistic3A_52 = arith.addf %logistic3A_51, %logistic3A_49 : vector<1000x1xf32>
    %logistic3A_53 = arith.divf %logistic3A_51, %logistic3A_52 : vector<1000x1xf32>
    %swap3A = arith.constant 0 : index
    %swap3A_54 = arith.constant 0 : index
    %swap3A_55 = vector.load %arg9[%swap3A, %swap3A_54] : memref<1000x1xf32, #tpu.memory_space<vmem>>, vector<1000x1xf32>
    tpu.vector_store %arg9[%swap3A, %swap3A_54], %logistic3A_53 {strides = array<i32>} : memref<1000x1xf32, #tpu.memory_space<vmem>>, vector<1000x1xf32>,
    return
  }
  func.func @transform_0(%arg0: i32) -> (i32, i32) {
    %c0_i32 = arith.constant 0 : i32
    %c0_i32_0 = arith.constant 0 : i32
    return %arg0, %c0_i32 : i32, i32
  }
  func.func @transform_1(%arg0: i32) -> (i32, i32) {
    %c0_i32 = arith.constant 0 : i32
    %c0_i32_0 = arith.constant 0 : i32
    return %arg0, %c0_i32 : i32, i32
  }
  func.func @transform_2(%arg0: i32) -> (i32, i32) {
    %c0_i32 = arith.constant 0 : i32
    %c0_i32_0 = arith.constant 0 : i32
    return %arg0, %c0_i32 : i32, i32
  }
  func.func @transform_3(%arg0: i32) -> (i32, i32) {
    %c0_i32 = arith.constant 0 : i32
    %c0_i32_0 = arith.constant 0 : i32
    %c0_i32_1 = arith.constant 0 : i32
    return %c0_i32, %c0_i32_0 : i32, i32
  }
  func.func @transform_4(%arg0: i32) -> (i32, i32) {
    %c0_i32 = arith.constant 0 : i32
    %c0_i32_0 = arith.constant 0 : i32
    %c0_i32_1 = arith.constant 0 : i32
    return %c0_i32, %c0_i32_0 : i32, i32
  }
  func.func @transform_5(%arg0: i32) -> (i32, i32) {
    %c0_i32 = arith.constant 0 : i32
    %c0_i32_0 = arith.constant 0 : i32
    %c0_i32_1 = arith.constant 0 : i32
    return %c0_i32, %c0_i32_0 : i32, i32
  }
  func.func @transform_6(%arg0: i32) -> (i32, i32) {
    %c0_i32 = arith.constant 0 : i32
    %c0_i32_0 = arith.constant 0 : i32
    %c0_i32_1 = arith.constant 0 : i32
    return %c0_i32, %c0_i32_0 : i32, i32
  }
  func.func @transform_7(%arg0: i32) -> (i32, i32) {
    %c0_i32 = arith.constant 0 : i32
    %c0_i32_0 = arith.constant 0 : i32
    %c0_i32_1 = arith.constant 0 : i32
    return %c0_i32, %c0_i32_0 : i32, i32
  }
  func.func @transform_8(%arg0: i32) -> (i32, i32) {
    %c0_i32 = arith.constant 0 : i32
    %c0_i32_0 = arith.constant 0 : i32
    return %arg0, %c0_i32 : i32, i32
  }
}

</mosaic_0001>

<sc_bundles>
// kernel: kernel.6.cloned.1.call-start
scs
__scs_entry_jumppad:
0x0: {  	(pc) =	sbr.rel $0x88, $3  }
0x1: {  	(tag) =	ssettag $0x0;
	lr =	simm.s32 $0x1  }
0x2: {  	[smem:$0x3F97] =	sst lr;
	_ =	strace $0xD0000000  }
0x3: {  	_ = 	snop  }
0x4: {  	_ = 	snop  }
0x5: {  	_ = 	snop  }
0x6: {  	_ = 	snop  }
0x7: {  	_ = 	snop  }
__scs_overlays_trampoline_lowered:
0x8: {  	[smem:$0x3FA6] =	sst s0  }
0x9: {  	[smem:$0x3FA7] =	sst s1  }
0xa: {  	[smem:$0x3FA8] =	sst s2  }
0xb: {  	[smem:$0x3FA9] =	sst s3  }
0xc: {  	[smem:$0x3FAA] =	sst s4  }
0xd: {  	[smem:$0x3FAB] =	sst s5  }
0xe: {  	[smem:$0x3FAC] =	sst s6  }
0xf: {  	[smem:$0x3FAD] =	sst s7  }
0x10: {  	[smem:$0x3FAE] =	sst s8  }
0x11: {  	[smem:$0x3FAF] =	sst s9;
	s0 =	simm.s32 @!p0 $0x0  }
0x12: {  	s1 =	sld [smem:$0x3F95];
	s0 =	simm.s32 @p0 $0x1  }
0x13: {  	[smem:$0x3FB0] =	sst s0;
	s0 =	simm.s32 @!p1 $0x0  }
0x14: {  	s2 =	sld [smem:$0x3F94];
	s0 =	simm.s32 @p1 $0x1  }
0x15: {  	[smem:$0x3FB1] =	sst s0;
	s0 =	simm.s32 @!p2 $0x0  }
0x16: {  	s3 =	sld [smem:$0x3FDB];
	s0 =	simm.s32 @p2 $0x1  }
0x17: {  	s4 =	simm.s32 $0x1BF5;
	[smem:$0x3FB3] =	sst s0  }
0x18: {  	s0 =	sld [smem:$0x3F96];
	_ =	swait.ge [sflag:s4], $0x0  }
0x19: {  	s7 =	sld [smem:$0x3F97]  }
0x1a: {  	s8 =	sadd.s32 $0xFFFFE003, lr  }
0x1b: {  	s9 =	sadd.s32 $0xFFFFFEF7, lr;
	s5 =	simm.s32 $0xFFFFFFFF;
	p2 =	slt.u32 s8, $0xFFFFF086  }
0x1c: {  	p1 =	slt.u32 s9, $0xF7A;
	s5 =	simm.s32 @!p2 $0x0  }
0x1d: {  	s5 =	simm.s32 @p1 $0x1;
	p0 =	seq.s32 s7, s2  }
0x1e: {  	s7 =	smul.u32 @!p0 $0xF7A, s2;
	p2 =	seq.s32 @!p0 s5, $0x0  }
0x1f: {  	s9 =	smul.u32 $0xF7A, s1;
	s8 =	simm.s32 @!p0 $0x1BF5;
	p2 =	por !p2, p0  }
0x20: {  	[sflag:s8] =	ssyncset.s32 @!p0 $0xFFFFF086;
	s6 =	sadd.s32 @!p0 s3, s7;
	s7 =	simm.s32 @!p0 $0x108  }
0x21: {  	s3 =	sadd.s32 s3, s9;
	s6 =	sadd.s32 @!p0 $0x88, s6;
	s7 =	simm.s32 @p2 $0x1082  }
0x22: {  	[simem:s7], [sflag:s8] =	dma.local @!p0 [hbm:s6], $0xF7A  }
0x23: {  	s9 =	sor.u32 $0xD0000000, s2;
	s6 =	simm.s32 $0x108;
	_ =	swait.ge @!p0 [sflag:s8], $0x0  }
0x24: {  	s3 =	sadd.s32 $0x88, s3;
	s6 =	simm.s32 @!p1 $0x1082;
	[sflag:s4] =	ssyncset.s32 $0xFFFFF086  }
0x25: {  	[simem:s6], [sflag:s4] =	dma.local [hbm:s3], $0xF7A  }
0x26: {  	[smem:$0x3F97] =	sst s1;
	(tag) =	ssettag s2;
	_ =	strace s9  }
0x27: {  	s1 =	sld [smem:$0x3FA7]  }
0x28: {  	s2 =	sld [smem:$0x3FA8]  }
0x29: {  	s4 =	sld [smem:$0x3FAA]  }
0x2a: {  	p0 =	seq.s32 s5, $0x0;
	s5 =	sld [smem:$0x3FAB]  }
0x2b: {  	s6 =	sld [smem:$0x3FAC]  }
0x2c: {  	s7 =	sld [smem:$0x3FAD]  }
0x2d: {  	s3 =	simm.s32 $0x108;
	s8 =	sld [smem:$0x3FAE]  }
0x2e: {  	s3 =	simm.s32 @!p0 $0x1082;
	s9 =	sld [smem:$0x3FAF]  }
0x2f: {  	lr =	sadd.s32 s0, s3;
	s0 =	sld [smem:$0x3FA6]  }
0x30: {  	s3 =	sld [smem:$0x3FA9]  }
0x31: {  	[smem:$0x3FB2] =	sst s10  }
0x32: {  	s10 =	sld [smem:$0x3FB0];
	_ =	sdelay $0x3  }
0x33: {  	p0 =	seq.s32 s10, $0x1;
	s10 =	sld [smem:$0x3FB2];
	_ =	sdelay $0x3  }
0x34: {  	[smem:$0x3FB2] =	sst s10  }
0x35: {  	s10 =	sld [smem:$0x3FB1];
	_ =	sdelay $0x3  }
0x36: {  	p1 =	seq.s32 s10, $0x1;
	s10 =	sld [smem:$0x3FB2];
	_ =	sdelay $0x3  }
0x37: {  	[smem:$0x3FB2] =	sst s10  }
0x38: {  	s10 =	sld [smem:$0x3FB3]  }
0x39: {  	_ = 	snop;
	(pc) =	sbr.ind lr, $3  }
0x3a: {  	_ = 	snop  }
0x3b: {  	_ = 	snop  }
0x3c: {  	p2 =	seq.s32 s10, $0x1;
	s10 =	sld [smem:$0x3FB2]  }
0x3d: {  	_ =	shalt  }
0x3e: {  	_ =	shalt  }
0x3f: {  	_ =	shalt  }
0x40: {  	_ =	shalt  }
0x41: {  	_ =	shalt  }
0x42: {  	_ =	shalt  }
0x43: {  	_ =	shalt  }
0x44: {  	_ =	shalt  }
0x45: {  	_ =	shalt  }
0x46: {  	_ =	shalt  }
0x47: {  	_ =	shalt  }
0x48: {  	_ =	shalt  }
0x49: {  	_ =	shalt  }
0x4a: {  	_ =	shalt  }
0x4b: {  	_ =	shalt  }
0x4c: {  	_ =	shalt  }
0x4d: {  	_ =	shalt  }
0x4e: {  	_ =	shalt  }
0x4f: {  	_ =	shalt  }
0x50: {  	_ =	shalt  }
0x51: {  	_ =	shalt  }
0x52: {  	_ =	shalt  }
0x53: {  	_ =	shalt  }
0x54: {  	_ =	shalt  }
0x55: {  	_ =	shalt  }
0x56: {  	_ =	shalt  }
0x57: {  	_ =	shalt  }
0x58: {  	_ =	shalt  }
0x59: {  	_ =	shalt  }
0x5a: {  	_ =	shalt  }
0x5b: {  	_ =	shalt  }
0x5c: {  	_ =	shalt  }
0x5d: {  	_ =	shalt  }
0x5e: {  	_ =	shalt  }
0x5f: {  	_ =	shalt  }
0x60: {  	_ =	shalt  }
0x61: {  	_ =	shalt  }
0x62: {  	_ =	shalt  }
0x63: {  	_ =	shalt  }
0x64: {  	_ =	shalt  }
0x65: {  	_ =	shalt  }
0x66: {  	_ =	shalt  }
0x67: {  	_ =	shalt  }
0x68: {  	_ =	shalt  }
0x69: {  	_ =	shalt  }
0x6a: {  	_ =	shalt  }
0x6b: {  	_ =	shalt  }
0x6c: {  	_ =	shalt  }
0x6d: {  	_ =	shalt  }
0x6e: {  	_ =	shalt  }
0x6f: {  	_ =	shalt  }
0x70: {  	_ =	shalt  }
0x71: {  	_ =	shalt  }
0x72: {  	_ =	shalt  }
0x73: {  	_ =	shalt  }
0x74: {  	_ =	shalt  }
0x75: {  	_ =	shalt  }
0x76: {  	_ =	shalt  }
0x77: {  	_ =	shalt  }
0x78: {  	_ =	shalt  }
0x79: {  	_ =	shalt  }
0x7a: {  	_ =	shalt  }
0x7b: {  	_ =	shalt  }
0x7c: {  	_ =	shalt  }
0x7d: {  	_ =	shalt  }
0x7e: {  	_ =	shalt  }
0x7f: {  	_ =	shalt  }
0x80: {  	_ =	shalt  }
0x81: {  	_ =	shalt  }
0x82: {  	_ =	shalt  }
0x83: {  	_ =	shalt  }
0x84: {  	_ =	shalt  }
0x85: {  	_ =	shalt  }
0x86: {  	_ =	shalt  }
0x87: {  	_ =	shalt  }
.Lfunc_end0:
.L_simem_size_0:
called_computation_lowered:
.L_overlay_start_0:
0x88: {  	s2 =	sld [smem:$0x3FD9]  }
0x89: {  	s3 =	sld [smem:$0x3FFE];
	_ =	sdelay $0x1  }
0x8a: {  	s1 =	srdreg.scid  }
0x8b: {  	s0 =	sand.u32 $0x1, s1  }
0x8c: {  	s16 =	sshll.u32 s0, $0xA;
	s2 =	sadd.s32 s3, s2  }
0x8d: {  	s2 =	sadd.s32 s2, s16  }
0x8e: {  	[smem:$0x3FBE] =	sst s2  }
0x8f: {  	_ = 	snop  }
0x90: {  	(tm) =	ssettm $0x1  }
0x91: {  	s17 =	sld [smem:$0x3FFB];
	_ =	sdelay $0x3  }
0x92: {  	_ =	strace s17  }
0x93: {  	s2 =	sld [smem:$0x3FFC];
	_ =	sdelay $0x3  }
0x94: {  	_ =	strace s2  }
0x95: {  	s2 =	sld [smem:$0x3FFD];
	_ =	sdelay $0x3  }
0x96: {  	_ =	strace s2  }
0x97: {  	_ =	strace $0x8FFFFFFF  }
0x98: {  	s18 =	sld [smem:$0x3FDB];
	_ =	sdelay $0x1  }
0x99: {  	s19 =	simm.s32 $_scs_section_size  }
0x9a: {  	s4 =	simm.s32 $_size__tile_overlayer_lowered;
	s5 =	simm.s32 $_tile_overlayer_lowered  }
0x9b: {  	s22 =	simm.s32 $0x1BFF;
	s21 =	sshll.u32 s5, $0x1;
	s2 =	sadd.s32 s19, s18  }
0x9c: {  	s6 =	simm.s32 $0x0;
	s20 =	sshll.u32 s4, $0x1;
	s4 =	sadd.s32 s21, s2  }
0x9d: {  	[timem:s6], [sflag:s22] =	dma.local [hbm:s4], s20  }
0x9e: {  	_ =	swait.ge [sflag:s22], s20  }
0x9f: {  	s3 =	ssub.s32 $0x0, s20;
	[sflag:s22] =	ssyncset.done $0x0  }
0xa0: {  	[sflag:s22] =	ssyncadd.s32 s3;
	_ =	sdelay $0x1  }
0xa1: {  	s23 =	simm.s32 $0x1B8B  }
0xa2: {  	_ =	swait.ge [sflag:s23], $0x1  }
0xa3: {  	[sflag:s23] =	ssyncset.done $0x0  }
0xa4: {  	s25 =	simm.s32 $0x1B8E;
	s24 =	sld [smem:$0x3FFE];
	[sflag:s23] =	ssyncadd.s32 $0xFFFFFFFF  }
0xa5: {  	s26 =	simm.s32 $execute0_lowered;
	[smem:$0x3FD2] =	sst s25  }
0xa6: {  	s4 =	sshll.u32 s26, $0x1;
	_ =	strace $0x80000046;
	[dreg:$0x1] =	wrdreg $0xFFFFFFFF  }
0xa7: {  	s28 =	simm.s32 $_size_execute0_lowered;
	s2 =	sadd.s32 s2, s4;
	[dreg:$0x0] =	wrdreg $0x0  }
0xa8: {  	s4 =	sshll.u32 s28, $0x1;
	[dreg:$0x2] =	wrdreg s2  }
0xa9: {  	[dreg:$0x3] =	wrdreg s4  }
0xaa: {  	[dreg:$0x4] =	wrdreg $0xC0  }
0xab: {  	_ =	task [dreg:s6], $0x5FFFF  }
0xac: {  	[dreg:$0x1] =	wrdreg $0xFFFFFFFF  }
0xad: {  	[dreg:$0x0] =	wrdreg $0x60  }
0xae: {  	[dreg:$0x2] =	wrdreg s24  }
0xaf: {  	[dreg:$0x3] =	wrdreg $0x0  }
0xb0: {  	[dreg:$0x4] =	wrdreg $0x9  }
0xb1: {  	_ =	task.clear_ibuf [dreg:s6], $0x5FFFF;
	_ =	strace $0x90000046  }
0xb2: {  	s29 =	simm.s32 $0x9;
	_ =	strace $0x80000048  }
0xb3: {  	_ =	swait.ge [sflag:s29], $0x1  }
0xb4: {  	[sflag:s29] =	ssyncadd.s32 $0xFFFFFFFF  }
0xb5: {  	_ =	strace $0x90000048  }
0xb6: {  	_ =	sfence  }
0xb7: {  	s30 =	sld [smem:$0x0];
	_ =	sdelay $0x2  }
0xb8: {  	s31 =	sshll.u32 s1, $0xD;
	s1 =	sshrl.u32 s1, $0x2  }
0xb9: {  	s3 =	sand.u32 $0x4000, s31;
	s1 =	sadd.s32 s1, s30  }
0xba: {  	s0 =	sor.u32 s3, s0;
	s1 =	sshll.u32 s1, $0x11  }
0xbb: {  	s0 =	sor.u32 s1, s0  }
0xbc: {  	s0 =	sadd.s32 $0x8F2B, s0  }
0xbd: {  	[sflag:s0] =	ssyncadd.remote.s32 $0x1  }
0xbe: {  	_ =	sfence.sel $0xFFFF  }
0xbf: {  	[dreg:$0x0] =	wrdreg $0xFFFFFFFF;
	(pc) =	sbr.abs _section_cstart, $3  }
0xc0: {  	[dreg:$0x1] =	wrdreg $0xFFFFFFFF  }
0xc1: {  	_ =	task.clear_ibuf [dreg:s6], $0x2FFFF;
	_ =	strace $0x9FFFFFFF  }
0xc2: {  	(tm) =	ssettm $0x7FFFFFFF  }
0xc3: {  	_ =	shalt  }
tec
execute0_lowered:
.L_overlay_start_1:
0x0: {  	(tag) =	ssettag $0x1  }
0x1: {  	s4 =	rddreg [dreg:$0x0]  }
0x2: {  	s2 =	rddreg [dreg:$0x1]  }
0x3: {  	s18 =	stileid.u32;
	s0 =	srdreg.scid;
	s3 =	simm.s32 $0x0  }
0x4: {  	s28 =	simm.s32 $0x14280;
	s29 =	simm.s32 $0x1;
	s6 =	smul.u32 $0xA00, s18  }
0x5: {  	s30 =	simm.s32 $0x14300;
	s31 =	simm.s32 $0x1C400;
	s7 =	smul.u32 $0x280, s18  }
0x6: {  	s1 =	sand.u32 $0x1, s0;
	[smem:$0x7FF] =	sst s3;
	s19 =	smul.u32 $0x28000, s18  }
0x7: {  	s11 =	sadd.s32 $0x59E00, s4;
	s5 =	sshll.u32 s1, $0x4;
	s0 =	smul.u32 $0x140, s1  }
0x8: {  	s8 =	ssub.s32 $0x2, s1;
	_ =	strace $0x80000047;
	s23 =	smul.u32 $0x28000, s1  }
0x9: {  	s20 =	sshll.u32 s1, $0xA;
	v0 =	vmov s1;
	s1 =	simm.s32 $0x3;
	s5 =	sor.u32 s18, s5  }
0xa: {  	s9 =	sshrl.u32 s8, $0x1;
	s12 =	sadd.s32 $0x100, s7;
	s13 =	sadd.s32 $0x180, s7  }
0xb: {  	s14 =	sadd.s32 $0x200, s7;
	s21 =	sor.u32 s20, s19;
	s19 =	smul.u32 $0x50000, s18  }
0xc: {  	s6 =	sadd.s32 s6, s4;
	s10 =	smul.u32 $0x500, s5;
	s5 =	ssub.s32 s8, s9  }
0xd: {  	s9 =	sadd.s32 $0x80, s7;
	s8 =	sor.u32 s7, s23;
	s7 =	sadd.s32 s0, s7  }
0xe: {  	s0 =	sor.u32 $0x1EC00, s0;
	s24 =	sshrl.u32 s8, $0x3;
	s15 =	sadd.s32 $0x2800, s8  }
0xf: {  	s16 =	sadd.s32 $0x5000, s8;
	s17 =	sadd.s32 $0x7800, s8;
	s8 =	sadd.s32 $0x14000, s8  }
0x10: {  	s22 =	sshll.u32 s9, $0x8;
	s7 =	sshrl.u32 s7, $0x3;
	[dreg:$0x15] =	wrdreg s0  }
0x11: {  	s10 =	sadd.s32 s11, s10;
	s23 =	sadd.s32 s11, s24;
	s25 =	sshrl.u32 s15, $0x3  }
0x12: {  	s26 =	sshrl.u32 s16, $0x3;
	s8 =	sshrl.u32 s8, $0x3;
	s24 =	sshll.u32 s12, $0x8  }
0x13: {  	s7 =	sadd.s32 s7, s4;
	[dreg:$0x3] =	wrdreg s10;
	s10 =	sadd.s32 s11, s25  }
0x14: {  	s16 =	sadd.s32 s11, s26;
	s8 =	sadd.s32 s11, s8;
	[dreg:$0x4] =	wrdreg s23  }
0x15: {  	s25 =	sshll.u32 s13, $0x8;
	s15 =	sor.u32 s20, s24;
	[dreg:$0x5] =	wrdreg s10  }
0x16: {  	s26 =	sadd.s32 $0x64400, s4;
	s24 =	sshll.u32 s13, $0x7;
	[dreg:$0x6] =	wrdreg s16  }
0x17: {  	s13 =	sadd.s32 $0x3200, s23;
	s10 =	sshrl.u32 s17, $0x3;
	[dreg:$0x8] =	wrdreg s8  }
0x18: {  	s16 =	sor.u32 s20, s25;
	s17 =	sshll.u32 s14, $0x8;
	s8 =	sshrl.u32 s21, $0x3  }
0x19: {  	s21 =	sshll.u32 s9, $0x7;
	s9 =	sadd.s32 $0x1900, s23;
	[dreg:$0x1c] =	wrdreg s13  }
0x1a: {  	s25 =	sshll.u32 s14, $0x7;
	s14 =	sadd.s32 $0x3700, s23;
	[dreg:$0x18] =	wrdreg s9  }
0x1b: {  	s15 =	sshrl.u32 s15, $0x3;
	s10 =	sadd.s32 s11, s10;
	[dreg:$0x1d] =	wrdreg s14  }
0x1c: {  	s11 =	sor.u32 s20, s22;
	s8 =	sadd.s32 s26, s8;
	[dreg:$0x7] =	wrdreg s10  }
0x1d: {  	s22 =	sshll.u32 s12, $0x7;
	s12 =	sadd.s32 $0x2D00, s23;
	[dreg:$0x9] =	wrdreg s8  }
0x1e: {  	s18 =	sadd.s32 s21, s2;
	s10 =	sor.u32 s20, s17;
	[dreg:$0x1b] =	wrdreg s12  }
0x1f: {  	s8 =	sadd.s32 s26, s15;
	s15 =	sadd.s32 $0x1200, s4;
	[dreg:$0x12] =	wrdreg s18  }
0x20: {  	s4 =	sadd.s32 $0x59600, s4;
	s20 =	sshrl.u32 s19, $0x2;
	[dreg:$0xb] =	wrdreg s8  }
0x21: {  	s19 =	sadd.s32 s24, s2;
	s24 =	sadd.s32 $0x4100, s23;
	[dreg:$0xe] =	wrdreg s4  }
0x22: {  	s0 =	simm.s32 $0x5;
	s13 =	simm.s32 $0x14380;
	[dreg:$0x1f] =	wrdreg s24  }
0x23: {  	s11 =	sshrl.u32 s11, $0x3;
	s21 =	sadd.s32 s22, s2;
	[dreg:$0xf] =	wrdreg s19  }
0x24: {  	s16 =	sshrl.u32 s16, $0x3;
	s11 =	sadd.s32 s26, s11;
	[dreg:$0x10] =	wrdreg s21  }
0x25: {  	s14 =	simm.s32 $0x18400;
	s8 =	sadd.s32 s26, s16;
	[dreg:$0xa] =	wrdreg s11  }
0x26: {  	s10 =	sshrl.u32 s10, $0x3;
	s16 =	sadd.s32 $0x3C00, s23;
	[dreg:$0xc] =	wrdreg s8  }
0x27: {  	s9 =	simm.s32 $0x0;
	s17 =	sadd.s32 s26, s10;
	[dreg:$0x1e] =	wrdreg s16  }
0x28: {  	s22 =	sadd.s32 $0x4F400, s6;
	s26 =	sadd.s32 $0x4F420, s6;
	[dreg:$0xd] =	wrdreg s17  }
0x29: {  	s12 =	simm.s32 $0x80;
	s6 =	sadd.s32 $0x63E00, s7;
	[dreg:$0x13] =	wrdreg s26  }
0x2a: {  	s24 =	simm.s32 $0x14100;
	s7 =	smax.u32 s5, $0x1;
	[dreg:$0x14] =	wrdreg s6  }
0x2b: {  	s4 =	simm.s32 $0x2;
	s8 =	sadd.s32 $0x1400, s23;
	[dreg:$0x16] =	wrdreg s7  }
0x2c: {  	s10 =	sadd.s32 $0x1E00, s23;
	s11 =	sadd.s32 $0x2300, s23;
	[dreg:$0x17] =	wrdreg s8  }
0x2d: {  	s16 =	simm.s32 $0x14000;
	s17 =	sadd.s32 s20, s2;
	[dreg:$0x19] =	wrdreg s10  }
0x2e: {  	s20 =	sadd.s32 s25, s2;
	[dreg:$0x1a] =	wrdreg s11;
	s25 =	sadd.s32 $0x4600, s23  }
0x2f: {  	s26 =	sadd.s32 $0x4B00, s23;
	s10 =	simm.s32 $0x14400;
	s11 =	simm.s32 $0x7  }
0x30: {  	s23 =	simm.s32 $0x14200;
	s6 =	simm.s32 $0x1EE80;
	[smem:$0x7FC] =	sst s25  }
0x31: {  	s7 =	simm.s32 $0x400;
	s8 =	simm.s32 $0x800;
	[smem:$0x7FD] =	sst s26  }
0x32: {  	v1 =	vimm.f32 $0.0e+00;
	v2 =	vimm.s32 $0x2710;
	v3 =	vimm.f32 $1.000000000e+00;
	s25 =	simm.s32 $0x6;
	s26 =	simm.s32 $0x4;
	[dreg:$0x11] =	wrdreg s20  }
.LBB2_1:
0x33: {  	s5 =	rddreg [dreg:$0xe]  }
0x34: {  	[tilespmem:s10], [sflag:$0x7] =	stream.linear.gather [hbm4b:s5+s3], $0x4000, $0x38;
	[tilespmem:$0x1F100] =	vst v63  }
0x35: {  	_ =	swait.ge [sflag:s11], $0x4000  }
0x36: {  	[sflag:s11] =	ssyncset.done $0x0  }
0x37: {  	[sflag:s11] =	ssyncadd.s32 $0xFFFFC000  }
0x38: {  	[spmem:s17] =	stream.linear.scatter [tilespmem:s10], [sflag:$0x7], $0x4000, $0x38;
	[tilespmem:$0x1F100] =	vst v63  }
0x39: {  	_ =	swait.ge [sflag:s11], $0x4000  }
0x3a: {  	[sflag:s11] =	ssyncset.done $0x0  }
0x3b: {  	[sflag:s11] =	ssyncadd.s32 $0xFFFFC000  }
0x3c: {  	[spmem:s18] =	stream.linear.scatter [tilespmem:s10], [sflag:$0x7], $0x4000, $0x38;
	[tilespmem:$0x1F100] =	vst v63  }
0x3d: {  	_ =	swait.ge [sflag:s11], $0x4000  }
0x3e: {  	[sflag:s11] =	ssyncset.done $0x0  }
0x3f: {  	s5 =	smov.u32 s21;
	[sflag:s11] =	ssyncadd.s32 $0xFFFFC000  }
0x40: {  	[spmem:s5] =	stream.linear.scatter [tilespmem:s10], [sflag:$0x7], $0x4000, $0x38;
	[tilespmem:$0x1F100] =	vst v63  }
0x41: {  	_ =	swait.ge [sflag:s11], $0x4000  }
0x42: {  	[sflag:s11] =	ssyncset.done $0x0  }
0x43: {  	[sflag:s11] =	ssyncadd.s32 $0xFFFFC000  }
0x44: {  	[spmem:s19] =	stream.linear.scatter [tilespmem:s10], [sflag:$0x7], $0x4000, $0x38;
	[tilespmem:$0x1F100] =	vst v63  }
0x45: {  	_ =	swait.ge [sflag:s11], $0x4000  }
0x46: {  	[sflag:s11] =	ssyncset.done $0x0  }
0x47: {  	[sflag:s11] =	ssyncadd.s32 $0xFFFFC000  }
0x48: {  	[spmem:s20] =	stream.linear.scatter [tilespmem:s10], [sflag:$0x7], $0x4000, $0x38;
	[tilespmem:$0x1F100] =	vst v63  }
0x49: {  	_ =	swait.ge [sflag:s11], $0x4000  }
0x4a: {  	s21 =	smov.u32 s17;
	[sflag:s11] =	ssyncset.done $0x0  }
0x4b: {  	s17 =	simm.s32 $0x0;
	s5 =	simm.s32 $0x40;
	[sflag:s11] =	ssyncadd.s32 $0xFFFFC000  }
.LBB2_2:
0x4c: {  	p0 =	sne.s32 s5, $0x9FC0;
	[tilespmem:s17+$0x1C400] =	vst v1;
	s17 =	smov.u32 s5;
	s5 =	sadd.s32 $0x40, s5  }
.Ltmp0:
0x4d: {  	(pc) =	sbr.rel @p0 .LBB2_2-.Ltmp0, $2  }
0x4e: {  	_ =	sdelay $0x2  }
0x4f: {  	s17 =	sshra.s32 s17, $0x2  }
0x50: {  	[tilespmem:s17+$0x1C400] =	vst v1  }
0x51: {  	[bflag:$0x0] =	sbarrier.arrive $0xFFFF  }
0x52: {  	[tilespmem:$0x14380] =	vst v2  }
0x53: {  	[tilespmem:$0x14390] =	vst v2  }
0x54: {  	[tilespmem:$0x143A0] =	vst v2  }
0x55: {  	[tilespmem:$0x143B0] =	vst v2  }
0x56: {  	[tilespmem:$0x143C0] =	vst v2  }
0x57: {  	[tilespmem:$0x143D0] =	vst v2  }
0x58: {  	[tilespmem:$0x143E0] =	vst v2  }
0x59: {  	[tilespmem:$0x143F0] =	vst v2  }
0x5a: {  	[spmem:s2] =	stream.indirect.scatter.add.f32 [tilespmem:s14], [sflag:$0x4], $0x80, s13, s12, $0xb8;
	[tilespmem:$0x1F100] =	vst v63  }
0x5b: {  	_ = 	snop  }
0x5c: {  	[tilespmem:s16], [sflag:$0x7] =	stream.linear.gather [hbm4b:s22+s3], $0x100, $0x38;
	[tilespmem:$0x1F100] =	vst v63  }
0x5d: {  	_ =	swait.ge [sflag:s11], $0x100  }
0x5e: {  	[sflag:s11] =	ssyncset.done $0x0  }
0x5f: {  	[sflag:s11] =	ssyncadd.s32 $0xFFFFFF00  }
0x60: {  	v4 =	vld [tilespmem:$0x14000]  }
0x61: {  	v5 =	vld [tilespmem:$0x14010]  }
0x62: {  	v58 =	vld [tilespmem:$0x14080]  }
0x63: {  	v59 =	vld [tilespmem:$0x14090]  }
0x64: {  	v60 =	vld [tilespmem:$0x140A0]  }
0x65: {  	v6 =	vld [tilespmem:$0x14020]  }
0x66: {  	v7 =	vld [tilespmem:$0x14030]  }
0x67: {  	v8 =	vld [tilespmem:$0x14040];
	[tilespmem:$0x14300] =	vst v58  }
0x68: {  	v9 =	vld [tilespmem:$0x14050];
	v4 =	vshll.u32 v4, $0x1;
	[tilespmem:$0x14310] =	vst v59  }
0x69: {  	v10 =	vld [tilespmem:$0x14060];
	v5 =	vshll.u32 v5, $0x1;
	[tilespmem:$0x14320] =	vst v60;
	v4 =	vor.u32 v0, v4  }
0x6a: {  	v57 =	vld [tilespmem:$0x14070];
	[tilespmem:$0x14200] =	vst v4;
	v4 =	vor.u32 v0, v5;
	v5 =	vshll.u32 v6, $0x1  }
0x6b: {  	[tilespmem:$0x14210] =	vst v4;
	v4 =	vor.u32 v0, v5;
	v5 =	vshll.u32 v7, $0x1  }
0x6c: {  	[tilespmem:$0x14220] =	vst v4;
	v4 =	vor.u32 v0, v5;
	v5 =	vshll.u32 v8, $0x1  }
0x6d: {  	v61 =	vld [tilespmem:$0x140D0];
	[tilespmem:$0x14230] =	vst v4;
	v4 =	vor.u32 v0, v5;
	v5 =	vshll.u32 v9, $0x1  }
0x6e: {  	v62 =	vld [tilespmem:$0x140E0];
	[tilespmem:$0x14240] =	vst v4;
	v4 =	vor.u32 v0, v5;
	v5 =	vshll.u32 v10, $0x1  }
0x6f: {  	v63 =	vld [tilespmem:$0x140F0];
	[tilespmem:$0x14250] =	vst v4;
	v4 =	vor.u32 v0, v5;
	v5 =	vshll.u32 v57, $0x1  }
0x70: {  	[tilespmem:$0x14260] =	vst v4;
	v4 =	vor.u32 v0, v5;
	v5 =	vld [tilespmem:$0x140B0]  }
0x71: {  	[tilespmem:$0x14270] =	vst v4;
	v4 =	vld [tilespmem:$0x140C0]  }
0x72: {  	[tilespmem:$0x14350] =	vst v61  }
0x73: {  	[tilespmem:$0x14360] =	vst v62  }
0x74: {  	[tilespmem:$0x14370] =	vst v63  }
0x75: {  	[tilespmem:$0x14330] =	vst v5  }
0x76: {  	[tilespmem:$0x14340] =	vst v4  }
0x77: {  	[tilespmem:s10], [sflag:$0x1] =	stream.indirect.gather [hbm4b:s15+s12], $0x80, s23, s12, $0xb8;
	[tilespmem:$0x1F100] =	vst v63  }
0x78: {  	s5 =	rddreg [dreg:$0x13]  }
0x79: {  	[tilespmem:s24], [sflag:$0x6] =	stream.linear.gather [hbm4b:s5+s3], $0x100, $0x38;
	[tilespmem:$0x1F100] =	vst v63  }
0x7a: {  	s5 =	simm.s32 $0xFFFFF600  }
.LBB2_4:
0x7b: {  	_ =	swait.ge [sflag:s25], $0x100  }
0x7c: {  	[sflag:s25] =	ssyncset.done $0x0  }
0x7d: {  	[sflag:s25] =	ssyncadd.s32 $0xFFFFFF00  }
0x7e: {  	v4 =	vld [tilespmem:$0x14100]  }
0x7f: {  	v5 =	vld [tilespmem:$0x14110]  }
0x80: {  	v6 =	vld [tilespmem:$0x14120]  }
0x81: {  	v7 =	vld [tilespmem:$0x14130]  }
0x82: {  	v8 =	vld [tilespmem:$0x14140]  }
0x83: {  	v9 =	vld [tilespmem:$0x14150];
	v4 =	vshll.u32 v4, $0x1  }
0x84: {  	v10 =	vld [tilespmem:$0x14160];
	v5 =	vshll.u32 v5, $0x1;
	v4 =	vor.u32 v0, v4  }
0x85: {  	v49 =	vld [tilespmem:$0x14170];
	[tilespmem:$0x14280] =	vst v4;
	v4 =	vor.u32 v0, v5;
	v5 =	vshll.u32 v6, $0x1  }
0x86: {  	[tilespmem:$0x14290] =	vst v4;
	v4 =	vor.u32 v0, v5;
	v5 =	vshll.u32 v7, $0x1  }
0x87: {  	[tilespmem:$0x142A0] =	vst v4;
	v4 =	vor.u32 v0, v5;
	v5 =	vshll.u32 v8, $0x1  }
0x88: {  	[tilespmem:$0x142B0] =	vst v4;
	v4 =	vor.u32 v0, v5;
	v5 =	vshll.u32 v9, $0x1  }
0x89: {  	[tilespmem:$0x142C0] =	vst v4;
	v4 =	vor.u32 v0, v5;
	v5 =	vshll.u32 v10, $0x1  }
0x8a: {  	[tilespmem:$0x142D0] =	vst v4;
	v4 =	vor.u32 v0, v5;
	v5 =	vshll.u32 v49, $0x1  }
0x8b: {  	[tilespmem:$0x142E0] =	vst v4;
	v4 =	vor.u32 v0, v5  }
0x8c: {  	[tilespmem:$0x142F0] =	vst v4  }
0x8d: {  	_ =	swait.ge [sflag:s26], $0x4000  }
0x8e: {  	[sflag:s26] =	ssyncset.done $0x0  }
0x8f: {  	[sflag:s26] =	ssyncadd.s32 $0xFFFFC000  }
0x90: {  	v4 =	vld [tilespmem:$0x14180]  }
0x91: {  	v5 =	vld [tilespmem:$0x14190]  }
0x92: {  	v50 =	vld [tilespmem:$0x141A0]  }
0x93: {  	v51 =	vld [tilespmem:$0x141B0]  }
0x94: {  	v52 =	vld [tilespmem:$0x141C0]  }
0x95: {  	v53 =	vld [tilespmem:$0x141F0];
	[tilespmem:$0x14380] =	vst v4  }
0x96: {  	v4 =	vld [tilespmem:$0x141D0];
	[tilespmem:$0x14390] =	vst v5  }
0x97: {  	v5 =	vld [tilespmem:$0x141E0];
	[tilespmem:$0x143A0] =	vst v50  }
0x98: {  	[tilespmem:$0x143B0] =	vst v51  }
0x99: {  	[tilespmem:$0x143C0] =	vst v52  }
0x9a: {  	[tilespmem:$0x143F0] =	vst v53  }
0x9b: {  	[tilespmem:$0x143D0] =	vst v4  }
0x9c: {  	s17 =	sadd.s32 s5, s22;
	[tilespmem:$0x143E0] =	vst v5  }
0x9d: {  	[tilespmem:s14], [sflag:$0x2] =	stream.indirect.gather [hbm4b:s15+s12], $0x80, s28, s12, $0xb8;
	[tilespmem:$0x1F100] =	vst v63  }
0x9e: {  	s18 =	sadd.s32 $0xA40, s17  }
0x9f: {  	[tilespmem:s16], [sflag:$0x5] =	stream.linear.gather [hbm4b:s18+s3], $0x100, $0x38;
	[tilespmem:$0x1F100] =	vst v63  }
0xa0: {  	_ =	swait.ge [sflag:s29], $0x4000  }
0xa1: {  	[sflag:s29] =	ssyncset.done $0x0  }
0xa2: {  	[sflag:s29] =	ssyncadd.s32 $0xFFFFC000  }
0xa3: {  	[spmem:s2] =	stream.indirect.scatter.add.f32 [tilespmem:s10], [sflag:$0x3], $0x80, s30, s12, $0xb8;
	[tilespmem:$0x1F100] =	vst v63  }
0xa4: {  	v4 =	vld [tilespmem:$0x14300];
	_ =	sdelay $0x7  }
0xa5: {  	[tilespmem:v4+s31+$0x0] =	vst.idx.add.f32.msk $0xffff, v3  }
0xa6: {  	v4 =	vld [tilespmem:$0x14310];
	_ =	sdelay $0x7  }
0xa7: {  	[tilespmem:v4+s31+$0x0] =	vst.idx.add.f32.msk $0xffff, v3  }
0xa8: {  	v4 =	vld [tilespmem:$0x14320];
	_ =	sdelay $0x7  }
0xa9: {  	[tilespmem:v4+s31+$0x0] =	vst.idx.add.f32.msk $0xffff, v3  }
0xaa: {  	v4 =	vld [tilespmem:$0x14330];
	_ =	sdelay $0x7  }
0xab: {  	[tilespmem:v4+s31+$0x0] =	vst.idx.add.f32.msk $0xffff, v3  }
0xac: {  	v4 =	vld [tilespmem:$0x14340];
	_ =	sdelay $0x7  }
0xad: {  	[tilespmem:v4+s31+$0x0] =	vst.idx.add.f32.msk $0xffff, v3  }
0xae: {  	v4 =	vld [tilespmem:$0x14350];
	_ =	sdelay $0x7  }
0xaf: {  	[tilespmem:v4+s31+$0x0] =	vst.idx.add.f32.msk $0xffff, v3  }
0xb0: {  	v4 =	vld [tilespmem:$0x14360];
	_ =	sdelay $0x7  }
0xb1: {  	[tilespmem:v4+s31+$0x0] =	vst.idx.add.f32.msk $0xffff, v3  }
0xb2: {  	v4 =	vld [tilespmem:$0x14370];
	_ =	sdelay $0x7  }
0xb3: {  	[tilespmem:v4+s31+$0x0] =	vst.idx.add.f32.msk $0xffff, v3  }
0xb4: {  	_ =	swait.ge [sflag:s0], $0x100  }
0xb5: {  	[sflag:s0] =	ssyncset.done $0x0  }
0xb6: {  	[sflag:s0] =	ssyncadd.s32 $0xFFFFFF00  }
0xb7: {  	v4 =	vld [tilespmem:$0x14000]  }
0xb8: {  	v5 =	vld [tilespmem:$0x14010]  }
0xb9: {  	v54 =	vld [tilespmem:$0x14020]  }
0xba: {  	v55 =	vld [tilespmem:$0x14030]  }
0xbb: {  	v56 =	vld [tilespmem:$0x14040]  }
0xbc: {  	v57 =	vld [tilespmem:$0x14050];
	v4 =	vshll.u32 v4, $0x1  }
0xbd: {  	v58 =	vld [tilespmem:$0x14060];
	v5 =	vshll.u32 v5, $0x1;
	v4 =	vor.u32 v0, v4  }
0xbe: {  	v59 =	vld [tilespmem:$0x14070];
	[tilespmem:$0x14200] =	vst v4;
	v4 =	vor.u32 v0, v5;
	v5 =	vshll.u32 v54, $0x1  }
0xbf: {  	[tilespmem:$0x14210] =	vst v4;
	v4 =	vor.u32 v0, v5;
	v5 =	vshll.u32 v55, $0x1  }
0xc0: {  	[tilespmem:$0x14220] =	vst v4;
	v4 =	vor.u32 v0, v5;
	v5 =	vshll.u32 v56, $0x1  }
0xc1: {  	[tilespmem:$0x14230] =	vst v4;
	v4 =	vor.u32 v0, v5;
	v5 =	vshll.u32 v57, $0x1  }
0xc2: {  	[tilespmem:$0x14240] =	vst v4;
	v4 =	vor.u32 v0, v5;
	v5 =	vshll.u32 v58, $0x1  }
0xc3: {  	[tilespmem:$0x14250] =	vst v4;
	v4 =	vor.u32 v0, v5;
	v5 =	vshll.u32 v59, $0x1  }
0xc4: {  	[tilespmem:$0x14260] =	vst v4;
	v4 =	vor.u32 v0, v5  }
0xc5: {  	[tilespmem:$0x14270] =	vst v4  }
0xc6: {  	_ =	swait.ge [sflag:s1], $0x4000  }
0xc7: {  	[sflag:s1] =	ssyncset.done $0x0  }
0xc8: {  	[sflag:s1] =	ssyncadd.s32 $0xFFFFC000  }
0xc9: {  	v4 =	vld [tilespmem:$0x14080]  }
0xca: {  	v5 =	vld [tilespmem:$0x14090]  }
0xcb: {  	v60 =	vld [tilespmem:$0x140A0]  }
0xcc: {  	v61 =	vld [tilespmem:$0x140B0]  }
0xcd: {  	v62 =	vld [tilespmem:$0x140C0]  }
0xce: {  	v63 =	vld [tilespmem:$0x140F0];
	[tilespmem:$0x14300] =	vst v4  }
0xcf: {  	v4 =	vld [tilespmem:$0x140D0];
	[tilespmem:$0x14310] =	vst v5  }
0xd0: {  	v5 =	vld [tilespmem:$0x140E0];
	[tilespmem:$0x14320] =	vst v60  }
0xd1: {  	[tilespmem:$0x14330] =	vst v61  }
0xd2: {  	[tilespmem:$0x14340] =	vst v62  }
0xd3: {  	[tilespmem:$0x14370] =	vst v63  }
0xd4: {  	[tilespmem:$0x14350] =	vst v4  }
0xd5: {  	[tilespmem:$0x14360] =	vst v5  }
0xd6: {  	[tilespmem:s10], [sflag:$0x1] =	stream.indirect.gather [hbm4b:s15+s12], $0x80, s23, s12, $0xb8;
	[tilespmem:$0x1F100] =	vst v63  }
0xd7: {  	s17 =	sadd.s32 $0xA60, s17  }
0xd8: {  	[tilespmem:s24], [sflag:$0x6] =	stream.linear.gather [hbm4b:s17+s3], $0x100, $0x38;
	[tilespmem:$0x1F100] =	vst v63  }
0xd9: {  	_ =	swait.ge [sflag:s4], $0x4000  }
0xda: {  	[sflag:s4] =	ssyncset.done $0x0  }
0xdb: {  	[sflag:s4] =	ssyncadd.s32 $0xFFFFC000  }
0xdc: {  	[spmem:s2] =	stream.indirect.scatter.add.f32 [tilespmem:s14], [sflag:$0x4], $0x80, s13, s12, $0xb8;
	[tilespmem:$0x1F100] =	vst v63  }
0xdd: {  	v4 =	vld [tilespmem:$0x14380];
	_ =	sdelay $0x7  }
0xde: {  	[tilespmem:v4+s31+$0x0] =	vst.idx.add.f32.msk $0xffff, v3  }
0xdf: {  	v4 =	vld [tilespmem:$0x14390];
	_ =	sdelay $0x7  }
0xe0: {  	[tilespmem:v4+s31+$0x0] =	vst.idx.add.f32.msk $0xffff, v3  }
0xe1: {  	v4 =	vld [tilespmem:$0x143A0];
	_ =	sdelay $0x7  }
0xe2: {  	[tilespmem:v4+s31+$0x0] =	vst.idx.add.f32.msk $0xffff, v3  }
0xe3: {  	v4 =	vld [tilespmem:$0x143B0];
	_ =	sdelay $0x7  }
0xe4: {  	[tilespmem:v4+s31+$0x0] =	vst.idx.add.f32.msk $0xffff, v3  }
0xe5: {  	v4 =	vld [tilespmem:$0x143C0];
	_ =	sdelay $0x7  }
0xe6: {  	[tilespmem:v4+s31+$0x0] =	vst.idx.add.f32.msk $0xffff, v3  }
0xe7: {  	v4 =	vld [tilespmem:$0x143D0];
	_ =	sdelay $0x7  }
0xe8: {  	[tilespmem:v4+s31+$0x0] =	vst.idx.add.f32.msk $0xffff, v3  }
0xe9: {  	v4 =	vld [tilespmem:$0x143E0];
	_ =	sdelay $0x7  }
0xea: {  	[tilespmem:v4+s31+$0x0] =	vst.idx.add.f32.msk $0xffff, v3  }
0xeb: {  	v4 =	vld [tilespmem:$0x143F0];
	_ =	sdelay $0x2  }
0xec: {  	p0 =	sne.s32 s5, $0xFFFFFFC0  }
.Ltmp1:
0xed: {  	_ = 	snop;
	(pc) =	sbr.rel @p0 .LBB2_4-.Ltmp1, $2  }
0xee: {  	_ =	sdelay $0x2  }
0xef: {  	s5 =	sadd.s32 $0x40, s5;
	[tilespmem:v4+s31+$0x0] =	vst.idx.add.f32.msk $0xffff, v3  }
0xf0: {  	_ =	swait.ge [sflag:s26], $0x4000  }
0xf1: {  	[sflag:s26] =	ssyncset.done $0x0  }
0xf2: {  	[sflag:s26] =	ssyncadd.s32 $0xFFFFC000  }
0xf3: {  	_ =	swait.ge [sflag:s29], $0x4000  }
0xf4: {  	[sflag:s29] =	ssyncset.done $0x0  }
0xf5: {  	[sflag:s29] =	ssyncadd.s32 $0xFFFFC000  }
0xf6: {  	_ =	swait.ge [sflag:s25], $0x100  }
0xf7: {  	[sflag:s25] =	ssyncset.done $0x0  }
0xf8: {  	s5 =	simm.s32 $0x0;
	s17 =	rddreg [dreg:$0x3];
	[sflag:s25] =	ssyncadd.s32 $0xFFFFFF00  }
0xf9: {  	[hbm4b:s17+s5] =	stream.linear.scatter [tilespmem:s31], [sflag:$0x7], $0x2800, $0x38;
	[tilespmem:$0x1F100] =	vst v63  }
0xfa: {  	_ =	swait.ge [sflag:s11], $0x2800  }
0xfb: {  	[sflag:s11] =	ssyncset.done $0x0  }
0xfc: {  	[sflag:s11] =	ssyncadd.s32 $0xFFFFD800  }
0xfd: {  	[bflag:$0x0] =	sbarrier.arrive $0xFFFF  }
0xfe: {  	[tilespmem:$0x1EC00] =	vst v1  }
0xff: {  	[tilespmem:$0x1EC10] =	vst v1  }
0x100: {  	[tilespmem:$0x1EC20] =	vst v1  }
0x101: {  	[tilespmem:$0x1EC30] =	vst v1  }
0x102: {  	[tilespmem:$0x1EC40] =	vst v1  }
0x103: {  	[tilespmem:$0x1EC50] =	vst v1  }
0x104: {  	[tilespmem:$0x1EC60] =	vst v1  }
0x105: {  	[tilespmem:$0x1EC70] =	vst v1  }
0x106: {  	[tilespmem:$0x1EC80] =	vst v1  }
0x107: {  	[tilespmem:$0x1EC90] =	vst v1  }
0x108: {  	[tilespmem:$0x1ECA0] =	vst v1  }
0x109: {  	[tilespmem:$0x1ECB0] =	vst v1  }
0x10a: {  	[tilespmem:$0x1ECC0] =	vst v1  }
0x10b: {  	[tilespmem:$0x1ECD0] =	vst v1  }
0x10c: {  	[tilespmem:$0x1ECE0] =	vst v1  }
0x10d: {  	[tilespmem:$0x1ECF0] =	vst v1  }
0x10e: {  	[tilespmem:$0x1ED00] =	vst v1  }
0x10f: {  	[tilespmem:$0x1ED10] =	vst v1  }
0x110: {  	[tilespmem:$0x1ED20] =	vst v1  }
0x111: {  	[tilespmem:$0x1ED30] =	vst v1  }
0x112: {  	[tilespmem:$0x1ED40] =	vst v1  }
0x113: {  	[tilespmem:$0x1ED50] =	vst v1  }
0x114: {  	[tilespmem:$0x1ED60] =	vst v1  }
0x115: {  	[tilespmem:$0x1ED70] =	vst v1  }
0x116: {  	[tilespmem:$0x1ED80] =	vst v1  }
0x117: {  	[tilespmem:$0x1ED90] =	vst v1  }
0x118: {  	[tilespmem:$0x1EDA0] =	vst v1  }
0x119: {  	[tilespmem:$0x1EDB0] =	vst v1  }
0x11a: {  	[tilespmem:$0x1EDC0] =	vst v1  }
0x11b: {  	[tilespmem:$0x1EDD0] =	vst v1  }
0x11c: {  	[tilespmem:$0x1EDE0] =	vst v1  }
0x11d: {  	[tilespmem:$0x1EDF0] =	vst v1  }
0x11e: {  	[tilespmem:$0x1EE00] =	vst v1  }
0x11f: {  	[tilespmem:$0x1EE10] =	vst v1  }
0x120: {  	[tilespmem:$0x1EE20] =	vst v1  }
0x121: {  	[tilespmem:$0x1EE30] =	vst v1  }
0x122: {  	[tilespmem:$0x1EE40] =	vst v1  }
0x123: {  	[tilespmem:$0x1EE50] =	vst v1  }
0x124: {  	[tilespmem:$0x1EE60] =	vst v1  }
0x125: {  	[tilespmem:$0x1EE70] =	vst v1;
	s20 =	rddreg [dreg:$0x4]  }
0x126: {  	[tilespmem:s6], [sflag:$0x7] =	stream.linear.gather [hbm4b:s20+s5], $0x280, $0x38;
	[tilespmem:$0x1F100] =	vst v63  }
0x127: {  	_ =	swait.ge [sflag:s11], $0x280  }
0x128: {  	[sflag:s11] =	ssyncset.done $0x0  }
0x129: {  	s5 =	simm.s32 $0x0;
	[sflag:s11] =	ssyncadd.s32 $0xFFFFFD80  }
0x12a: {  	s17 =	simm.s32 $0x40;
	v4 =	vld [tilespmem:s5+$0x1EE80]  }
.LBB2_6:
0x12b: {  	p0 =	sne.s32 s17, $0x9C0;
	v5 =	vld [tilespmem:s5+$0x1EC00];
	_ =	sdelay $0x2  }
.Ltmp2:
0x12c: {  	(pc) =	sbr.rel @p0 .LBB2_6-.Ltmp2, $4  }
0x12d: {  	_ = 	snop  }
0x12e: {  	v5 =	vadd.f32 v4, v5  }
0x12f: {  	s18 =	sshra.s32 s17, $0x2  }
0x130: {  	s17 =	sadd.s32 $0x40, s17;
	v4 =	vld [tilespmem:s18+$0x1EE80];
	[tilespmem:s5+$0x1EC00] =	vst v5;
	s5 =	smov.u32 s18  }
0x131: {  	v5 =	vld [tilespmem:s5+$0x1EC00];
	_ =	sdelay $0x4  }
0x132: {  	v4 =	vadd.f32 v4, v5;
	_ =	sdelay $0x1  }
0x133: {  	s20 =	simm.s32 $0x0;
	s17 =	rddreg [dreg:$0x5];
	[tilespmem:s5+$0x1EC00] =	vst v4  }
0x134: {  	[tilespmem:s6], [sflag:$0x7] =	stream.linear.gather [hbm4b:s17+s20], $0x280, $0x38;
	[tilespmem:$0x1F100] =	vst v63  }
0x135: {  	_ =	swait.ge [sflag:s11], $0x280  }
0x136: {  	[sflag:s11] =	ssyncset.done $0x0  }
0x137: {  	s5 =	simm.s32 $0x0;
	[sflag:s11] =	ssyncadd.s32 $0xFFFFFD80  }
0x138: {  	s17 =	simm.s32 $0x40;
	v4 =	vld [tilespmem:s5+$0x1EE80]  }
.LBB2_8:
0x139: {  	p0 =	sne.s32 s17, $0x9C0;
	v5 =	vld [tilespmem:s5+$0x1EC00];
	_ =	sdelay $0x2  }
.Ltmp3:
0x13a: {  	(pc) =	sbr.rel @p0 .LBB2_8-.Ltmp3, $4  }
0x13b: {  	_ = 	snop  }
0x13c: {  	v5 =	vadd.f32 v4, v5  }
0x13d: {  	s18 =	sshra.s32 s17, $0x2  }
0x13e: {  	s17 =	sadd.s32 $0x40, s17;
	v4 =	vld [tilespmem:s18+$0x1EE80];
	[tilespmem:s5+$0x1EC00] =	vst v5;
	s5 =	smov.u32 s18  }
0x13f: {  	v5 =	vld [tilespmem:s5+$0x1EC00];
	_ =	sdelay $0x4  }
0x140: {  	v4 =	vadd.f32 v4, v5;
	_ =	sdelay $0x1  }
0x141: {  	s20 =	simm.s32 $0x0;
	s17 =	rddreg [dreg:$0x6];
	[tilespmem:s5+$0x1EC00] =	vst v4  }
0x142: {  	[tilespmem:s6], [sflag:$0x7] =	stream.linear.gather [hbm4b:s17+s20], $0x280, $0x38;
	[tilespmem:$0x1F100] =	vst v63  }
0x143: {  	_ =	swait.ge [sflag:s11], $0x280  }
0x144: {  	[sflag:s11] =	ssyncset.done $0x0  }
0x145: {  	s5 =	simm.s32 $0x0;
	[sflag:s11] =	ssyncadd.s32 $0xFFFFFD80  }
0x146: {  	s17 =	simm.s32 $0x40;
	v4 =	vld [tilespmem:s5+$0x1EE80]  }
.LBB2_10:
0x147: {  	p0 =	sne.s32 s17, $0x9C0;
	v5 =	vld [tilespmem:s5+$0x1EC00];
	_ =	sdelay $0x2  }
.Ltmp4:
0x148: {  	(pc) =	sbr.rel @p0 .LBB2_10-.Ltmp4, $4  }
0x149: {  	_ = 	snop  }
0x14a: {  	v5 =	vadd.f32 v4, v5  }
0x14b: {  	s18 =	sshra.s32 s17, $0x2  }
0x14c: {  	s17 =	sadd.s32 $0x40, s17;
	v4 =	vld [tilespmem:s18+$0x1EE80];
	[tilespmem:s5+$0x1EC00] =	vst v5;
	s5 =	smov.u32 s18  }
0x14d: {  	v5 =	vld [tilespmem:s5+$0x1EC00];
	_ =	sdelay $0x4  }
0x14e: {  	v4 =	vadd.f32 v4, v5;
	_ =	sdelay $0x1  }
0x14f: {  	s20 =	simm.s32 $0x0;
	s17 =	rddreg [dreg:$0x7];
	[tilespmem:s5+$0x1EC00] =	vst v4  }
0x150: {  	[tilespmem:s6], [sflag:$0x7] =	stream.linear.gather [hbm4b:s17+s20], $0x280, $0x38;
	[tilespmem:$0x1F100] =	vst v63  }
0x151: {  	_ =	swait.ge [sflag:s11], $0x280  }
0x152: {  	[sflag:s11] =	ssyncset.done $0x0  }
0x153: {  	s5 =	simm.s32 $0x0;
	[sflag:s11] =	ssyncadd.s32 $0xFFFFFD80  }
0x154: {  	s17 =	simm.s32 $0x40;
	v4 =	vld [tilespmem:s5+$0x1EE80]  }
.LBB2_12:
0x155: {  	p0 =	sne.s32 s17, $0x9C0;
	v5 =	vld [tilespmem:s5+$0x1EC00];
	_ =	sdelay $0x2  }
.Ltmp5:
0x156: {  	(pc) =	sbr.rel @p0 .LBB2_12-.Ltmp5, $4  }
0x157: {  	_ = 	snop  }
0x158: {  	v5 =	vadd.f32 v4, v5  }
0x159: {  	s18 =	sshra.s32 s17, $0x2  }
0x15a: {  	s17 =	sadd.s32 $0x40, s17;
	v4 =	vld [tilespmem:s18+$0x1EE80];
	[tilespmem:s5+$0x1EC00] =	vst v5;
	s5 =	smov.u32 s18  }
0x15b: {  	v5 =	vld [tilespmem:s5+$0x1EC00];
	_ =	sdelay $0x4  }
0x15c: {  	v4 =	vadd.f32 v4, v5;
	_ =	sdelay $0x1  }
0x15d: {  	s20 =	simm.s32 $0x0;
	s17 =	rddreg [dreg:$0x17];
	[tilespmem:s5+$0x1EC00] =	vst v4  }
0x15e: {  	[tilespmem:s6], [sflag:$0x7] =	stream.linear.gather [hbm4b:s17+s20], $0x280, $0x38;
	[tilespmem:$0x1F100] =	vst v63  }
0x15f: {  	_ =	swait.ge [sflag:s11], $0x280  }
0x160: {  	[sflag:s11] =	ssyncset.done $0x0  }
0x161: {  	s5 =	simm.s32 $0x0;
	[sflag:s11] =	ssyncadd.s32 $0xFFFFFD80  }
0x162: {  	s17 =	simm.s32 $0x40;
	v4 =	vld [tilespmem:s5+$0x1EE80]  }
.LBB2_14:
0x163: {  	p0 =	sne.s32 s17, $0x9C0;
	v5 =	vld [tilespmem:s5+$0x1EC00];
	_ =	sdelay $0x2  }
.Ltmp6:
0x164: {  	(pc) =	sbr.rel @p0 .LBB2_14-.Ltmp6, $4  }
0x165: {  	_ = 	snop  }
0x166: {  	v5 =	vadd.f32 v4, v5  }
0x167: {  	s18 =	sshra.s32 s17, $0x2  }
0x168: {  	s17 =	sadd.s32 $0x40, s17;
	v4 =	vld [tilespmem:s18+$0x1EE80];
	[tilespmem:s5+$0x1EC00] =	vst v5;
	s5 =	smov.u32 s18  }
0x169: {  	v5 =	vld [tilespmem:s5+$0x1EC00];
	_ =	sdelay $0x4  }
0x16a: {  	v4 =	vadd.f32 v4, v5;
	_ =	sdelay $0x1  }
0x16b: {  	s20 =	simm.s32 $0x0;
	s17 =	rddreg [dreg:$0x18];
	[tilespmem:s5+$0x1EC00] =	vst v4  }
0x16c: {  	[tilespmem:s6], [sflag:$0x7] =	stream.linear.gather [hbm4b:s17+s20], $0x280, $0x38;
	[tilespmem:$0x1F100] =	vst v63  }
0x16d: {  	_ =	swait.ge [sflag:s11], $0x280  }
0x16e: {  	[sflag:s11] =	ssyncset.done $0x0  }
0x16f: {  	s5 =	simm.s32 $0x0;
	[sflag:s11] =	ssyncadd.s32 $0xFFFFFD80  }
0x170: {  	s17 =	simm.s32 $0x40;
	v4 =	vld [tilespmem:s5+$0x1EE80]  }
.LBB2_16:
0x171: {  	p0 =	sne.s32 s17, $0x9C0;
	v5 =	vld [tilespmem:s5+$0x1EC00];
	_ =	sdelay $0x2  }
.Ltmp7:
0x172: {  	(pc) =	sbr.rel @p0 .LBB2_16-.Ltmp7, $4  }
0x173: {  	_ = 	snop  }
0x174: {  	v5 =	vadd.f32 v4, v5  }
0x175: {  	s18 =	sshra.s32 s17, $0x2  }
0x176: {  	s17 =	sadd.s32 $0x40, s17;
	v4 =	vld [tilespmem:s18+$0x1EE80];
	[tilespmem:s5+$0x1EC00] =	vst v5;
	s5 =	smov.u32 s18  }
0x177: {  	v5 =	vld [tilespmem:s5+$0x1EC00];
	_ =	sdelay $0x4  }
0x178: {  	v4 =	vadd.f32 v4, v5;
	_ =	sdelay $0x1  }
0x179: {  	s20 =	simm.s32 $0x0;
	s17 =	rddreg [dreg:$0x19];
	[tilespmem:s5+$0x1EC00] =	vst v4  }
0x17a: {  	[tilespmem:s6], [sflag:$0x7] =	stream.linear.gather [hbm4b:s17+s20], $0x280, $0x38;
	[tilespmem:$0x1F100] =	vst v63  }
0x17b: {  	_ =	swait.ge [sflag:s11], $0x280  }
0x17c: {  	[sflag:s11] =	ssyncset.done $0x0  }
0x17d: {  	s5 =	simm.s32 $0x0;
	[sflag:s11] =	ssyncadd.s32 $0xFFFFFD80  }
0x17e: {  	s17 =	simm.s32 $0x40;
	v4 =	vld [tilespmem:s5+$0x1EE80]  }
.LBB2_18:
0x17f: {  	p0 =	sne.s32 s17, $0x9C0;
	v5 =	vld [tilespmem:s5+$0x1EC00];
	_ =	sdelay $0x2  }
.Ltmp8:
0x180: {  	(pc) =	sbr.rel @p0 .LBB2_18-.Ltmp8, $4  }
0x181: {  	_ = 	snop  }
0x182: {  	v5 =	vadd.f32 v4, v5  }
0x183: {  	s18 =	sshra.s32 s17, $0x2  }
0x184: {  	s17 =	sadd.s32 $0x40, s17;
	v4 =	vld [tilespmem:s18+$0x1EE80];
	[tilespmem:s5+$0x1EC00] =	vst v5;
	s5 =	smov.u32 s18  }
0x185: {  	v5 =	vld [tilespmem:s5+$0x1EC00];
	_ =	sdelay $0x4  }
0x186: {  	v4 =	vadd.f32 v4, v5;
	_ =	sdelay $0x1  }
0x187: {  	s20 =	simm.s32 $0x0;
	s17 =	rddreg [dreg:$0x1a];
	[tilespmem:s5+$0x1EC00] =	vst v4  }
0x188: {  	[tilespmem:s6], [sflag:$0x7] =	stream.linear.gather [hbm4b:s17+s20], $0x280, $0x38;
	[tilespmem:$0x1F100] =	vst v63  }
0x189: {  	_ =	swait.ge [sflag:s11], $0x280  }
0x18a: {  	[sflag:s11] =	ssyncset.done $0x0  }
0x18b: {  	s5 =	simm.s32 $0x0;
	[sflag:s11] =	ssyncadd.s32 $0xFFFFFD80  }
0x18c: {  	s17 =	simm.s32 $0x40;
	v4 =	vld [tilespmem:s5+$0x1EE80]  }
.LBB2_20:
0x18d: {  	p0 =	sne.s32 s17, $0x9C0;
	v5 =	vld [tilespmem:s5+$0x1EC00];
	_ =	sdelay $0x2  }
.Ltmp9:
0x18e: {  	(pc) =	sbr.rel @p0 .LBB2_20-.Ltmp9, $4  }
0x18f: {  	_ = 	snop  }
0x190: {  	v5 =	vadd.f32 v4, v5  }
0x191: {  	s18 =	sshra.s32 s17, $0x2  }
0x192: {  	s17 =	sadd.s32 $0x40, s17;
	v4 =	vld [tilespmem:s18+$0x1EE80];
	[tilespmem:s5+$0x1EC00] =	vst v5;
	s5 =	smov.u32 s18  }
0x193: {  	v5 =	vld [tilespmem:s5+$0x1EC00];
	_ =	sdelay $0x4  }
0x194: {  	v4 =	vadd.f32 v4, v5;
	_ =	sdelay $0x1  }
0x195: {  	s20 =	simm.s32 $0x0;
	s17 =	rddreg [dreg:$0x8];
	[tilespmem:s5+$0x1EC00] =	vst v4  }
0x196: {  	[tilespmem:s6], [sflag:$0x7] =	stream.linear.gather [hbm4b:s17+s20], $0x280, $0x38;
	[tilespmem:$0x1F100] =	vst v63  }
0x197: {  	_ =	swait.ge [sflag:s11], $0x280  }
0x198: {  	[sflag:s11] =	ssyncset.done $0x0  }
0x199: {  	s5 =	simm.s32 $0x0;
	[sflag:s11] =	ssyncadd.s32 $0xFFFFFD80  }
0x19a: {  	s17 =	simm.s32 $0x40;
	v4 =	vld [tilespmem:s5+$0x1EE80]  }
.LBB2_22:
0x19b: {  	p0 =	sne.s32 s17, $0x9C0;
	v5 =	vld [tilespmem:s5+$0x1EC00];
	_ =	sdelay $0x2  }
.Ltmp10:
0x19c: {  	(pc) =	sbr.rel @p0 .LBB2_22-.Ltmp10, $4  }
0x19d: {  	_ = 	snop  }
0x19e: {  	v5 =	vadd.f32 v4, v5  }
0x19f: {  	s18 =	sshra.s32 s17, $0x2  }
0x1a0: {  	s17 =	sadd.s32 $0x40, s17;
	v4 =	vld [tilespmem:s18+$0x1EE80];
	[tilespmem:s5+$0x1EC00] =	vst v5;
	s5 =	smov.u32 s18  }
0x1a1: {  	v5 =	vld [tilespmem:s5+$0x1EC00];
	_ =	sdelay $0x4  }
0x1a2: {  	v4 =	vadd.f32 v4, v5;
	_ =	sdelay $0x1  }
0x1a3: {  	s20 =	simm.s32 $0x0;
	s17 =	rddreg [dreg:$0x1b];
	[tilespmem:s5+$0x1EC00] =	vst v4  }
0x1a4: {  	[tilespmem:s6], [sflag:$0x7] =	stream.linear.gather [hbm4b:s17+s20], $0x280, $0x38;
	[tilespmem:$0x1F100] =	vst v63  }
0x1a5: {  	_ =	swait.ge [sflag:s11], $0x280  }
0x1a6: {  	[sflag:s11] =	ssyncset.done $0x0  }
0x1a7: {  	s5 =	simm.s32 $0x0;
	[sflag:s11] =	ssyncadd.s32 $0xFFFFFD80  }
0x1a8: {  	s17 =	simm.s32 $0x40;
	v4 =	vld [tilespmem:s5+$0x1EE80]  }
.LBB2_24:
0x1a9: {  	p0 =	sne.s32 s17, $0x9C0;
	v5 =	vld [tilespmem:s5+$0x1EC00];
	_ =	sdelay $0x2  }
.Ltmp11:
0x1aa: {  	(pc) =	sbr.rel @p0 .LBB2_24-.Ltmp11, $4  }
0x1ab: {  	_ = 	snop  }
0x1ac: {  	v5 =	vadd.f32 v4, v5  }
0x1ad: {  	s18 =	sshra.s32 s17, $0x2  }
0x1ae: {  	s17 =	sadd.s32 $0x40, s17;
	v4 =	vld [tilespmem:s18+$0x1EE80];
	[tilespmem:s5+$0x1EC00] =	vst v5;
	s5 =	smov.u32 s18  }
0x1af: {  	v5 =	vld [tilespmem:s5+$0x1EC00];
	_ =	sdelay $0x4  }
0x1b0: {  	v4 =	vadd.f32 v4, v5;
	_ =	sdelay $0x1  }
0x1b1: {  	s20 =	simm.s32 $0x0;
	s17 =	rddreg [dreg:$0x1c];
	[tilespmem:s5+$0x1EC00] =	vst v4  }
0x1b2: {  	[tilespmem:s6], [sflag:$0x7] =	stream.linear.gather [hbm4b:s17+s20], $0x280, $0x38;
	[tilespmem:$0x1F100] =	vst v63  }
0x1b3: {  	_ =	swait.ge [sflag:s11], $0x280  }
0x1b4: {  	[sflag:s11] =	ssyncset.done $0x0  }
0x1b5: {  	s5 =	simm.s32 $0x0;
	[sflag:s11] =	ssyncadd.s32 $0xFFFFFD80  }
0x1b6: {  	s17 =	simm.s32 $0x40;
	v4 =	vld [tilespmem:s5+$0x1EE80]  }
.LBB2_26:
0x1b7: {  	p0 =	sne.s32 s17, $0x9C0;
	v5 =	vld [tilespmem:s5+$0x1EC00];
	_ =	sdelay $0x2  }
.Ltmp12:
0x1b8: {  	(pc) =	sbr.rel @p0 .LBB2_26-.Ltmp12, $4  }
0x1b9: {  	_ = 	snop  }
0x1ba: {  	v5 =	vadd.f32 v4, v5  }
0x1bb: {  	s18 =	sshra.s32 s17, $0x2  }
0x1bc: {  	s17 =	sadd.s32 $0x40, s17;
	v4 =	vld [tilespmem:s18+$0x1EE80];
	[tilespmem:s5+$0x1EC00] =	vst v5;
	s5 =	smov.u32 s18  }
0x1bd: {  	v5 =	vld [tilespmem:s5+$0x1EC00];
	_ =	sdelay $0x4  }
0x1be: {  	v4 =	vadd.f32 v4, v5;
	_ =	sdelay $0x1  }
0x1bf: {  	s20 =	simm.s32 $0x0;
	s17 =	rddreg [dreg:$0x1d];
	[tilespmem:s5+$0x1EC00] =	vst v4  }
0x1c0: {  	[tilespmem:s6], [sflag:$0x7] =	stream.linear.gather [hbm4b:s17+s20], $0x280, $0x38;
	[tilespmem:$0x1F100] =	vst v63  }
0x1c1: {  	_ =	swait.ge [sflag:s11], $0x280  }
0x1c2: {  	[sflag:s11] =	ssyncset.done $0x0  }
0x1c3: {  	s5 =	simm.s32 $0x0;
	[sflag:s11] =	ssyncadd.s32 $0xFFFFFD80  }
0x1c4: {  	s17 =	simm.s32 $0x40;
	v4 =	vld [tilespmem:s5+$0x1EE80]  }
.LBB2_28:
0x1c5: {  	p0 =	sne.s32 s17, $0x9C0;
	v5 =	vld [tilespmem:s5+$0x1EC00];
	_ =	sdelay $0x2  }
.Ltmp13:
0x1c6: {  	(pc) =	sbr.rel @p0 .LBB2_28-.Ltmp13, $4  }
0x1c7: {  	_ = 	snop  }
0x1c8: {  	v5 =	vadd.f32 v4, v5  }
0x1c9: {  	s18 =	sshra.s32 s17, $0x2  }
0x1ca: {  	s17 =	sadd.s32 $0x40, s17;
	v4 =	vld [tilespmem:s18+$0x1EE80];
	[tilespmem:s5+$0x1EC00] =	vst v5;
	s5 =	smov.u32 s18  }
0x1cb: {  	v5 =	vld [tilespmem:s5+$0x1EC00];
	_ =	sdelay $0x4  }
0x1cc: {  	v4 =	vadd.f32 v4, v5;
	_ =	sdelay $0x1  }
0x1cd: {  	s20 =	simm.s32 $0x0;
	s17 =	rddreg [dreg:$0x1e];
	[tilespmem:s5+$0x1EC00] =	vst v4  }
0x1ce: {  	[tilespmem:s6], [sflag:$0x7] =	stream.linear.gather [hbm4b:s17+s20], $0x280, $0x38;
	[tilespmem:$0x1F100] =	vst v63  }
0x1cf: {  	_ =	swait.ge [sflag:s11], $0x280  }
0x1d0: {  	[sflag:s11] =	ssyncset.done $0x0  }
0x1d1: {  	s5 =	simm.s32 $0x0;
	[sflag:s11] =	ssyncadd.s32 $0xFFFFFD80  }
0x1d2: {  	s17 =	simm.s32 $0x40;
	v4 =	vld [tilespmem:s5+$0x1EE80]  }
.LBB2_30:
0x1d3: {  	p0 =	sne.s32 s17, $0x9C0;
	v5 =	vld [tilespmem:s5+$0x1EC00];
	_ =	sdelay $0x2  }
.Ltmp14:
0x1d4: {  	(pc) =	sbr.rel @p0 .LBB2_30-.Ltmp14, $4  }
0x1d5: {  	_ = 	snop  }
0x1d6: {  	v5 =	vadd.f32 v4, v5  }
0x1d7: {  	s18 =	sshra.s32 s17, $0x2  }
0x1d8: {  	s17 =	sadd.s32 $0x40, s17;
	v4 =	vld [tilespmem:s18+$0x1EE80];
	[tilespmem:s5+$0x1EC00] =	vst v5;
	s5 =	smov.u32 s18  }
0x1d9: {  	v5 =	vld [tilespmem:s5+$0x1EC00];
	_ =	sdelay $0x4  }
0x1da: {  	v4 =	vadd.f32 v4, v5;
	_ =	sdelay $0x1  }
0x1db: {  	s20 =	simm.s32 $0x0;
	s17 =	rddreg [dreg:$0x1f];
	[tilespmem:s5+$0x1EC00] =	vst v4  }
0x1dc: {  	[tilespmem:s6], [sflag:$0x7] =	stream.linear.gather [hbm4b:s17+s20], $0x280, $0x38;
	[tilespmem:$0x1F100] =	vst v63  }
0x1dd: {  	_ =	swait.ge [sflag:s11], $0x280  }
0x1de: {  	[sflag:s11] =	ssyncset.done $0x0  }
0x1df: {  	s5 =	simm.s32 $0x0;
	[sflag:s11] =	ssyncadd.s32 $0xFFFFFD80  }
0x1e0: {  	s17 =	simm.s32 $0x40;
	v4 =	vld [tilespmem:s5+$0x1EE80]  }
.LBB2_32:
0x1e1: {  	p0 =	sne.s32 s17, $0x9C0;
	v5 =	vld [tilespmem:s5+$0x1EC00];
	_ =	sdelay $0x2  }
.Ltmp15:
0x1e2: {  	(pc) =	sbr.rel @p0 .LBB2_32-.Ltmp15, $4  }
0x1e3: {  	_ = 	snop  }
0x1e4: {  	v5 =	vadd.f32 v4, v5  }
0x1e5: {  	s18 =	sshra.s32 s17, $0x2  }
0x1e6: {  	s17 =	sadd.s32 $0x40, s17;
	v4 =	vld [tilespmem:s18+$0x1EE80];
	[tilespmem:s5+$0x1EC00] =	vst v5;
	s5 =	smov.u32 s18  }
0x1e7: {  	v5 =	vld [tilespmem:s5+$0x1EC00];
	_ =	sdelay $0x4  }
0x1e8: {  	s17 =	sld [smem:$0x7FC];
	v4 =	vadd.f32 v4, v5;
	_ =	sdelay $0x1  }
0x1e9: {  	s20 =	simm.s32 $0x0;
	[tilespmem:s5+$0x1EC00] =	vst v4  }
0x1ea: {  	[tilespmem:s6], [sflag:$0x7] =	stream.linear.gather [hbm4b:s17+s20], $0x280, $0x38;
	[tilespmem:$0x1F100] =	vst v63  }
0x1eb: {  	_ =	swait.ge [sflag:s11], $0x280  }
0x1ec: {  	[sflag:s11] =	ssyncset.done $0x0  }
0x1ed: {  	s5 =	simm.s32 $0x0;
	[sflag:s11] =	ssyncadd.s32 $0xFFFFFD80  }
0x1ee: {  	s17 =	simm.s32 $0x40;
	v4 =	vld [tilespmem:s5+$0x1EE80]  }
.LBB2_34:
0x1ef: {  	p0 =	sne.s32 s17, $0x9C0;
	v5 =	vld [tilespmem:s5+$0x1EC00];
	_ =	sdelay $0x2  }
.Ltmp16:
0x1f0: {  	(pc) =	sbr.rel @p0 .LBB2_34-.Ltmp16, $4  }
0x1f1: {  	_ = 	snop  }
0x1f2: {  	v5 =	vadd.f32 v4, v5  }
0x1f3: {  	s18 =	sshra.s32 s17, $0x2  }
0x1f4: {  	s17 =	sadd.s32 $0x40, s17;
	v4 =	vld [tilespmem:s18+$0x1EE80];
	[tilespmem:s5+$0x1EC00] =	vst v5;
	s5 =	smov.u32 s18  }
0x1f5: {  	v5 =	vld [tilespmem:s5+$0x1EC00];
	_ =	sdelay $0x4  }
0x1f6: {  	s17 =	sld [smem:$0x7FD];
	v4 =	vadd.f32 v4, v5;
	_ =	sdelay $0x1  }
0x1f7: {  	s20 =	simm.s32 $0x0;
	[tilespmem:s5+$0x1EC00] =	vst v4  }
0x1f8: {  	[tilespmem:s6], [sflag:$0x7] =	stream.linear.gather [hbm4b:s17+s20], $0x280, $0x38;
	[tilespmem:$0x1F100] =	vst v63  }
0x1f9: {  	_ =	swait.ge [sflag:s11], $0x280  }
0x1fa: {  	[sflag:s11] =	ssyncset.done $0x0  }
0x1fb: {  	s5 =	simm.s32 $0x0;
	[sflag:s11] =	ssyncadd.s32 $0xFFFFFD80  }
0x1fc: {  	s17 =	simm.s32 $0x40;
	v4 =	vld [tilespmem:s5+$0x1EE80]  }
.LBB2_36:
0x1fd: {  	p0 =	sne.s32 s17, $0x9C0;
	v5 =	vld [tilespmem:s5+$0x1EC00];
	_ =	sdelay $0x2  }
.Ltmp17:
0x1fe: {  	(pc) =	sbr.rel @p0 .LBB2_36-.Ltmp17, $4  }
0x1ff: {  	_ = 	snop  }
0x200: {  	v5 =	vadd.f32 v4, v5  }
0x201: {  	s18 =	sshra.s32 s17, $0x2  }
0x202: {  	s17 =	sadd.s32 $0x40, s17;
	v4 =	vld [tilespmem:s18+$0x1EE80];
	[tilespmem:s5+$0x1EC00] =	vst v5;
	s5 =	smov.u32 s18  }
0x203: {  	v5 =	vld [tilespmem:s5+$0x1EC00];
	_ =	sdelay $0x4  }
0x204: {  	v4 =	vadd.f32 v4, v5  }
0x205: {  	s19 =	rddreg [dreg:$0x14]  }
0x206: {  	s17 =	rddreg [dreg:$0x15];
	[tilespmem:s5+$0x1EC00] =	vst v4  }
0x207: {  	[hbm4b:s19+s3] =	stream.linear.scatter [tilespmem:s17], [sflag:$0x7], $0x140, $0x38;
	[tilespmem:$0x1F100] =	vst v63  }
0x208: {  	_ =	swait.ge [sflag:s11], $0x140  }
0x209: {  	[sflag:s11] =	ssyncset.done $0x0  }
0x20a: {  	[sflag:s11] =	ssyncadd.s32 $0xFFFFFEC0  }
0x20b: {  	[bflag:$0x0] =	sbarrier.arrive $0xFFFF  }
0x20c: {  	[tilespmem:s10], [sflag:$0x7] =	stream.linear.gather [spmem:s21], $0x4000, $0x38;
	[tilespmem:$0x1F100] =	vst v63  }
0x20d: {  	_ =	swait.ge [sflag:s11], $0x4000  }
0x20e: {  	[sflag:s11] =	ssyncset.done $0x0  }
0x20f: {  	s20 =	rddreg [dreg:$0x9];
	[sflag:s11] =	ssyncadd.s32 $0xFFFFC000  }
0x210: {  	[hbm4b:s20+s7] =	stream.strided.scatter [tilespmem:s10], [sflag:$0x7], $0x4000, s8, s7, $0x38;
	[tilespmem:$0x1F100] =	vst v63  }
0x211: {  	_ =	swait.ge [sflag:s11], $0x4000  }
0x212: {  	[sflag:s11] =	ssyncset.done $0x0  }
0x213: {  	s18 =	rddreg [dreg:$0x12];
	[sflag:s11] =	ssyncadd.s32 $0xFFFFC000  }
0x214: {  	[tilespmem:s10], [sflag:$0x7] =	stream.linear.gather [spmem:s18], $0x4000, $0x38;
	[tilespmem:$0x1F100] =	vst v63  }
0x215: {  	_ =	swait.ge [sflag:s11], $0x4000  }
0x216: {  	[sflag:s11] =	ssyncset.done $0x0  }
0x217: {  	s17 =	smov.u32 s21;
	s21 =	rddreg [dreg:$0xa];
	[sflag:s11] =	ssyncadd.s32 $0xFFFFC000  }
0x218: {  	[hbm4b:s21+s7] =	stream.strided.scatter [tilespmem:s10], [sflag:$0x7], $0x4000, s8, s7, $0x38;
	[tilespmem:$0x1F100] =	vst v63  }
0x219: {  	_ =	swait.ge [sflag:s11], $0x4000  }
0x21a: {  	[sflag:s11] =	ssyncset.done $0x0  }
0x21b: {  	s21 =	rddreg [dreg:$0x10];
	[sflag:s11] =	ssyncadd.s32 $0xFFFFC000  }
0x21c: {  	[tilespmem:s10], [sflag:$0x7] =	stream.linear.gather [spmem:s21], $0x4000, $0x38;
	[tilespmem:$0x1F100] =	vst v63  }
0x21d: {  	_ =	swait.ge [sflag:s11], $0x4000  }
0x21e: {  	[sflag:s11] =	ssyncset.done $0x0  }
0x21f: {  	s19 =	rddreg [dreg:$0xb];
	[sflag:s11] =	ssyncadd.s32 $0xFFFFC000  }
0x220: {  	[hbm4b:s19+s7] =	stream.strided.scatter [tilespmem:s10], [sflag:$0x7], $0x4000, s8, s7, $0x38;
	[tilespmem:$0x1F100] =	vst v63  }
0x221: {  	_ =	swait.ge [sflag:s11], $0x4000  }
0x222: {  	[sflag:s11] =	ssyncset.done $0x0  }
0x223: {  	s19 =	rddreg [dreg:$0xf];
	[sflag:s11] =	ssyncadd.s32 $0xFFFFC000  }
0x224: {  	[tilespmem:s10], [sflag:$0x7] =	stream.linear.gather [spmem:s19], $0x4000, $0x38;
	[tilespmem:$0x1F100] =	vst v63  }
0x225: {  	_ =	swait.ge [sflag:s11], $0x4000  }
0x226: {  	[sflag:s11] =	ssyncset.done $0x0  }
0x227: {  	s20 =	rddreg [dreg:$0xc];
	[sflag:s11] =	ssyncadd.s32 $0xFFFFC000  }
0x228: {  	[hbm4b:s20+s7] =	stream.strided.scatter [tilespmem:s10], [sflag:$0x7], $0x4000, s8, s7, $0x38;
	[tilespmem:$0x1F100] =	vst v63  }
0x229: {  	_ =	swait.ge [sflag:s11], $0x4000  }
0x22a: {  	[sflag:s11] =	ssyncset.done $0x0  }
0x22b: {  	s20 =	rddreg [dreg:$0x11];
	[sflag:s11] =	ssyncadd.s32 $0xFFFFC000  }
0x22c: {  	[tilespmem:s10], [sflag:$0x7] =	stream.linear.gather [spmem:s20], $0x4000, $0x38;
	[tilespmem:$0x1F100] =	vst v63  }
0x22d: {  	_ =	swait.ge [sflag:s11], $0x4000  }
0x22e: {  	[sflag:s11] =	ssyncset.done $0x0  }
0x22f: {  	s5 =	rddreg [dreg:$0xd];
	[sflag:s11] =	ssyncadd.s32 $0xFFFFC000  }
0x230: {  	[hbm4b:s5+s7] =	stream.strided.scatter [tilespmem:s10], [sflag:$0x7], $0x4000, s8, s7, $0x38;
	[tilespmem:$0x1F100] =	vst v63  }
0x231: {  	_ =	swait.ge [sflag:s11], $0x4000  }
0x232: {  	s9 =	sadd.s32 $0x1, s9;
	s5 =	rddreg [dreg:$0x16]  }
0x233: {  	p0 =	sne.s32 s9, s5  }
.Ltmp18:
0x234: {  	_ = 	snop;
	(pc) =	sbr.rel @p0 .LBB2_1-.Ltmp18, $3  }
0x235: {  	_ =	sdelay $0x1  }
0x236: {  	[sflag:s11] =	ssyncset.done $0x0  }
0x237: {  	[sflag:s11] =	ssyncadd.s32 $0xFFFFC000  }
0x238: {  	_ =	sfence.sel $0x180000  }
0x239: {  	[bflag:$0x0] =	sbarrier.arrive $0xFFFF  }
0x23a: {  	_ =	strace $0x90000047  }
0x23b: {  	s0 =	stileid.u32;
	[bflag:$0x2] =	sbarrier.arrive $0xFFFF  }
0x23c: {  	p0 =	sne.s32 s0, $0x0;
	s0 =	rddreg [dreg:$0x2]  }
0x23d: {  	s0 =	sadd.s32 @!p0 $0x100000, s0  }
0x23e: {  	[sflag:s0] =	ssyncadd.tile.s32 @!p0 $0x1;
	_ =	shalt  }
.Lfunc_end2:
_tile_overlayer_lowered:
.L_overlay_start_2:
0x23f: {  	(tag) =	ssettag $0x2  }
0x240: {  	s0 =	rddreg [dreg:$0x0];
	s2 =	stileid.u32  }
0x241: {  	s1 =	rddreg [dreg:$0x1];
	p0 =	sne.s32 s2, $0x0  }
0x242: {  	s3 =	rddreg [dreg:$0x2];
	[bflag:$0x3] =	sbarrier.arrive $0xFFFF;
	s2 =	simm.s32 @!p0 $0x1C07  }
0x243: {  	[timem:s3], [sflag:s2] =	dma.local @!p0 [hbm:s0], s1  }
0x244: {  	s0 =	simm.s32 @!p0 $0x7  }
0x245: {  	_ =	swait.ge @!p0 [sflag:s0], s1  }
0x246: {  	s1 =	ssub.s32 @!p0 $0x0, s1;
	[sflag:s0] =	ssyncset.done @!p0 $0x0  }
0x247: {  	[sflag:s0] =	ssyncadd.s32 @!p0 s1  }
0x248: {  	[bflag:$0x3] =	sbarrier.arrive $0xFFFF  }
0x249: {  	_ =	shalt  }

// kernel: kernel.9.cloned.1.call-start
scs
__scs_entry_jumppad:
0x0: {  	(pc) =	sbr.rel $0x88, $3  }
0x1: {  	(tag) =	ssettag $0x0;
	lr =	simm.s32 $0x1  }
0x2: {  	[smem:$0x3F97] =	sst lr;
	_ =	strace $0xD0000000  }
0x3: {  	_ = 	snop  }
0x4: {  	_ = 	snop  }
0x5: {  	_ = 	snop  }
0x6: {  	_ = 	snop  }
0x7: {  	_ = 	snop  }
__scs_overlays_trampoline_lowered:
0x8: {  	[smem:$0x3FA6] =	sst s0  }
0x9: {  	[smem:$0x3FA7] =	sst s1  }
0xa: {  	[smem:$0x3FA8] =	sst s2  }
0xb: {  	[smem:$0x3FA9] =	sst s3  }
0xc: {  	[smem:$0x3FAA] =	sst s4  }
0xd: {  	[smem:$0x3FAB] =	sst s5  }
0xe: {  	[smem:$0x3FAC] =	sst s6  }
0xf: {  	[smem:$0x3FAD] =	sst s7  }
0x10: {  	[smem:$0x3FAE] =	sst s8  }
0x11: {  	[smem:$0x3FAF] =	sst s9;
	s0 =	simm.s32 @!p0 $0x0  }
0x12: {  	s1 =	sld [smem:$0x3F95];
	s0 =	simm.s32 @p0 $0x1  }
0x13: {  	[smem:$0x3FB0] =	sst s0;
	s0 =	simm.s32 @!p1 $0x0  }
0x14: {  	s2 =	sld [smem:$0x3F94];
	s0 =	simm.s32 @p1 $0x1  }
0x15: {  	[smem:$0x3FB1] =	sst s0;
	s0 =	simm.s32 @!p2 $0x0  }
0x16: {  	s3 =	sld [smem:$0x3FDB];
	s0 =	simm.s32 @p2 $0x1  }
0x17: {  	s4 =	simm.s32 $0x1BF5;
	[smem:$0x3FB3] =	sst s0  }
0x18: {  	s0 =	sld [smem:$0x3F96];
	_ =	swait.ge [sflag:s4], $0x0  }
0x19: {  	s7 =	sld [smem:$0x3F97]  }
0x1a: {  	s8 =	sadd.s32 $0xFFFFE003, lr  }
0x1b: {  	s9 =	sadd.s32 $0xFFFFFEF7, lr;
	s5 =	simm.s32 $0xFFFFFFFF;
	p2 =	slt.u32 s8, $0xFFFFF086  }
0x1c: {  	p1 =	slt.u32 s9, $0xF7A;
	s5 =	simm.s32 @!p2 $0x0  }
0x1d: {  	s5 =	simm.s32 @p1 $0x1;
	p0 =	seq.s32 s7, s2  }
0x1e: {  	s7 =	smul.u32 @!p0 $0xF7A, s2;
	p2 =	seq.s32 @!p0 s5, $0x0  }
0x1f: {  	s9 =	smul.u32 $0xF7A, s1;
	s8 =	simm.s32 @!p0 $0x1BF5;
	p2 =	por !p2, p0  }
0x20: {  	[sflag:s8] =	ssyncset.s32 @!p0 $0xFFFFF086;
	s6 =	sadd.s32 @!p0 s3, s7;
	s7 =	simm.s32 @!p0 $0x108  }
0x21: {  	s3 =	sadd.s32 s3, s9;
	s6 =	sadd.s32 @!p0 $0x88, s6;
	s7 =	simm.s32 @p2 $0x1082  }
0x22: {  	[simem:s7], [sflag:s8] =	dma.local @!p0 [hbm:s6], $0xF7A  }
0x23: {  	s9 =	sor.u32 $0xD0000000, s2;
	s6 =	simm.s32 $0x108;
	_ =	swait.ge @!p0 [sflag:s8], $0x0  }
0x24: {  	s3 =	sadd.s32 $0x88, s3;
	s6 =	simm.s32 @!p1 $0x1082;
	[sflag:s4] =	ssyncset.s32 $0xFFFFF086  }
0x25: {  	[simem:s6], [sflag:s4] =	dma.local [hbm:s3], $0xF7A  }
0x26: {  	[smem:$0x3F97] =	sst s1;
	(tag) =	ssettag s2;
	_ =	strace s9  }
0x27: {  	s1 =	sld [smem:$0x3FA7]  }
0x28: {  	s2 =	sld [smem:$0x3FA8]  }
0x29: {  	s4 =	sld [smem:$0x3FAA]  }
0x2a: {  	p0 =	seq.s32 s5, $0x0;
	s5 =	sld [smem:$0x3FAB]  }
0x2b: {  	s6 =	sld [smem:$0x3FAC]  }
0x2c: {  	s7 =	sld [smem:$0x3FAD]  }
0x2d: {  	s3 =	simm.s32 $0x108;
	s8 =	sld [smem:$0x3FAE]  }
0x2e: {  	s3 =	simm.s32 @!p0 $0x1082;
	s9 =	sld [smem:$0x3FAF]  }
0x2f: {  	lr =	sadd.s32 s0, s3;
	s0 =	sld [smem:$0x3FA6]  }
0x30: {  	s3 =	sld [smem:$0x3FA9]  }
0x31: {  	[smem:$0x3FB2] =	sst s10  }
0x32: {  	s10 =	sld [smem:$0x3FB0];
	_ =	sdelay $0x3  }
0x33: {  	p0 =	seq.s32 s10, $0x1;
	s10 =	sld [smem:$0x3FB2];
	_ =	sdelay $0x3  }
0x34: {  	[smem:$0x3FB2] =	sst s10  }
0x35: {  	s10 =	sld [smem:$0x3FB1];
	_ =	sdelay $0x3  }
0x36: {  	p1 =	seq.s32 s10, $0x1;
	s10 =	sld [smem:$0x3FB2];
	_ =	sdelay $0x3  }
0x37: {  	[smem:$0x3FB2] =	sst s10  }
0x38: {  	s10 =	sld [smem:$0x3FB3]  }
0x39: {  	_ = 	snop;
	(pc) =	sbr.ind lr, $3  }
0x3a: {  	_ = 	snop  }
0x3b: {  	_ = 	snop  }
0x3c: {  	p2 =	seq.s32 s10, $0x1;
	s10 =	sld [smem:$0x3FB2]  }
0x3d: {  	_ =	shalt  }
0x3e: {  	_ =	shalt  }
0x3f: {  	_ =	shalt  }
0x40: {  	_ =	shalt  }
0x41: {  	_ =	shalt  }
0x42: {  	_ =	shalt  }
0x43: {  	_ =	shalt  }
0x44: {  	_ =	shalt  }
0x45: {  	_ =	shalt  }
0x46: {  	_ =	shalt  }
0x47: {  	_ =	shalt  }
0x48: {  	_ =	shalt  }
0x49: {  	_ =	shalt  }
0x4a: {  	_ =	shalt  }
0x4b: {  	_ =	shalt  }
0x4c: {  	_ =	shalt  }
0x4d: {  	_ =	shalt  }
0x4e: {  	_ =	shalt  }
0x4f: {  	_ =	shalt  }
0x50: {  	_ =	shalt  }
0x51: {  	_ =	shalt  }
0x52: {  	_ =	shalt  }
0x53: {  	_ =	shalt  }
0x54: {  	_ =	shalt  }
0x55: {  	_ =	shalt  }
0x56: {  	_ =	shalt  }
0x57: {  	_ =	shalt  }
0x58: {  	_ =	shalt  }
0x59: {  	_ =	shalt  }
0x5a: {  	_ =	shalt  }
0x5b: {  	_ =	shalt  }
0x5c: {  	_ =	shalt  }
0x5d: {  	_ =	shalt  }
0x5e: {  	_ =	shalt  }
0x5f: {  	_ =	shalt  }
0x60: {  	_ =	shalt  }
0x61: {  	_ =	shalt  }
0x62: {  	_ =	shalt  }
0x63: {  	_ =	shalt  }
0x64: {  	_ =	shalt  }
0x65: {  	_ =	shalt  }
0x66: {  	_ =	shalt  }
0x67: {  	_ =	shalt  }
0x68: {  	_ =	shalt  }
0x69: {  	_ =	shalt  }
0x6a: {  	_ =	shalt  }
0x6b: {  	_ =	shalt  }
0x6c: {  	_ =	shalt  }
0x6d: {  	_ =	shalt  }
0x6e: {  	_ =	shalt  }
0x6f: {  	_ =	shalt  }
0x70: {  	_ =	shalt  }
0x71: {  	_ =	shalt  }
0x72: {  	_ =	shalt  }
0x73: {  	_ =	shalt  }
0x74: {  	_ =	shalt  }
0x75: {  	_ =	shalt  }
0x76: {  	_ =	shalt  }
0x77: {  	_ =	shalt  }
0x78: {  	_ =	shalt  }
0x79: {  	_ =	shalt  }
0x7a: {  	_ =	shalt  }
0x7b: {  	_ =	shalt  }
0x7c: {  	_ =	shalt  }
0x7d: {  	_ =	shalt  }
0x7e: {  	_ =	shalt  }
0x7f: {  	_ =	shalt  }
0x80: {  	_ =	shalt  }
0x81: {  	_ =	shalt  }
0x82: {  	_ =	shalt  }
0x83: {  	_ =	shalt  }
0x84: {  	_ =	shalt  }
0x85: {  	_ =	shalt  }
0x86: {  	_ =	shalt  }
0x87: {  	_ =	shalt  }
.Lfunc_end0:
.L_simem_size_0:
called_computation.1_lowered:
.L_overlay_start_0:
0x88: {  	s2 =	sld [smem:$0x3FD9]  }
0x89: {  	s3 =	sld [smem:$0x3FFE];
	_ =	sdelay $0x1  }
0x8a: {  	s1 =	srdreg.scid  }
0x8b: {  	s0 =	sand.u32 $0x1, s1  }
0x8c: {  	s16 =	sshll.u32 s0, $0xA;
	s2 =	sadd.s32 s3, s2  }
0x8d: {  	s2 =	sadd.s32 s2, s16  }
0x8e: {  	[smem:$0x3FBE] =	sst s2  }
0x8f: {  	_ = 	snop  }
0x90: {  	(tm) =	ssettm $0x1  }
0x91: {  	s17 =	sld [smem:$0x3FFB];
	_ =	sdelay $0x3  }
0x92: {  	_ =	strace s17  }
0x93: {  	s2 =	sld [smem:$0x3FFC];
	_ =	sdelay $0x3  }
0x94: {  	_ =	strace s2  }
0x95: {  	s2 =	sld [smem:$0x3FFD];
	_ =	sdelay $0x3  }
0x96: {  	_ =	strace s2  }
0x97: {  	_ =	strace $0x8FFFFFFF  }
0x98: {  	s18 =	sld [smem:$0x3FDB];
	_ =	sdelay $0x1  }
0x99: {  	s19 =	simm.s32 $_scs_section_size  }
0x9a: {  	s4 =	simm.s32 $_size__tile_overlayer_lowered;
	s5 =	simm.s32 $_tile_overlayer_lowered  }
0x9b: {  	s22 =	simm.s32 $0x1BFF;
	s21 =	sshll.u32 s5, $0x1;
	s2 =	sadd.s32 s19, s18  }
0x9c: {  	s6 =	simm.s32 $0x0;
	s20 =	sshll.u32 s4, $0x1;
	s4 =	sadd.s32 s21, s2  }
0x9d: {  	[timem:s6], [sflag:s22] =	dma.local [hbm:s4], s20  }
0x9e: {  	_ =	swait.ge [sflag:s22], s20  }
0x9f: {  	s3 =	ssub.s32 $0x0, s20;
	[sflag:s22] =	ssyncset.done $0x0  }
0xa0: {  	[sflag:s22] =	ssyncadd.s32 s3;
	_ =	sdelay $0x1  }
0xa1: {  	s23 =	simm.s32 $0x1B8B  }
0xa2: {  	_ =	swait.ge [sflag:s23], $0x1  }
0xa3: {  	[sflag:s23] =	ssyncset.done $0x0  }
0xa4: {  	s25 =	simm.s32 $0x1B8E;
	s24 =	sld [smem:$0x3FFE];
	[sflag:s23] =	ssyncadd.s32 $0xFFFFFFFF  }
0xa5: {  	s26 =	simm.s32 $execute0_lowered;
	[smem:$0x3FD2] =	sst s25  }
0xa6: {  	s4 =	sshll.u32 s26, $0x1;
	_ =	strace $0x80000049;
	[dreg:$0x1] =	wrdreg $0xFFFFFFFF  }
0xa7: {  	s28 =	simm.s32 $_size_execute0_lowered;
	s2 =	sadd.s32 s2, s4;
	[dreg:$0x0] =	wrdreg $0x0  }
0xa8: {  	s4 =	sshll.u32 s28, $0x1;
	[dreg:$0x2] =	wrdreg s2  }
0xa9: {  	[dreg:$0x3] =	wrdreg s4  }
0xaa: {  	[dreg:$0x4] =	wrdreg $0xC0  }
0xab: {  	_ =	task [dreg:s6], $0x5FFFF  }
0xac: {  	[dreg:$0x1] =	wrdreg $0xFFFFFFFF  }
0xad: {  	[dreg:$0x0] =	wrdreg $0x60  }
0xae: {  	[dreg:$0x2] =	wrdreg s24  }
0xaf: {  	[dreg:$0x3] =	wrdreg $0x0  }
0xb0: {  	[dreg:$0x4] =	wrdreg $0x9  }
0xb1: {  	_ =	task.clear_ibuf [dreg:s6], $0x5FFFF;
	_ =	strace $0x90000049  }
0xb2: {  	s29 =	simm.s32 $0x9;
	_ =	strace $0x8000004B  }
0xb3: {  	_ =	swait.ge [sflag:s29], $0x1  }
0xb4: {  	[sflag:s29] =	ssyncadd.s32 $0xFFFFFFFF  }
0xb5: {  	_ =	strace $0x9000004B  }
0xb6: {  	_ =	sfence  }
0xb7: {  	s30 =	sld [smem:$0x0];
	_ =	sdelay $0x2  }
0xb8: {  	s31 =	sshll.u32 s1, $0xD;
	s1 =	sshrl.u32 s1, $0x2  }
0xb9: {  	s3 =	sand.u32 $0x4000, s31;
	s1 =	sadd.s32 s1, s30  }
0xba: {  	s0 =	sor.u32 s3, s0;
	s1 =	sshll.u32 s1, $0x11  }
0xbb: {  	s0 =	sor.u32 s1, s0  }
0xbc: {  	s0 =	sadd.s32 $0x8F2B, s0  }
0xbd: {  	[sflag:s0] =	ssyncadd.remote.s32 $0x1  }
0xbe: {  	_ =	sfence.sel $0xFFFF  }
0xbf: {  	[dreg:$0x0] =	wrdreg $0xFFFFFFFF;
	(pc) =	sbr.abs _section_cstart, $3  }
0xc0: {  	[dreg:$0x1] =	wrdreg $0xFFFFFFFF  }
0xc1: {  	_ =	task.clear_ibuf [dreg:s6], $0x2FFFF;
	_ =	strace $0x9FFFFFFF  }
0xc2: {  	(tm) =	ssettm $0x7FFFFFFF  }
0xc3: {  	_ =	shalt  }
tec
execute0_lowered:
.L_overlay_start_1:
0x0: {  	(tag) =	ssettag $0x1  }
0x1: {  	s0 =	rddreg [dreg:$0x0]  }
0x2: {  	s2 =	rddreg [dreg:$0x1]  }
0x3: {  	s3 =	simm.s32 $0x0;
	s16 =	stileid.u32;
	s1 =	srdreg.scid  }
0x4: {  	s28 =	simm.s32 $0x6;
	s29 =	simm.s32 $0x4;
	s5 =	smul.u32 $0xA00, s16  }
0x5: {  	s30 =	simm.s32 $0x14280;
	s31 =	simm.s32 $0x1;
	s9 =	smul.u32 $0x280, s16  }
0x6: {  	[smem:$0x7FF] =	sst s3;
	s13 =	sand.u32 $0x1, s1;
	s7 =	smul.u32 $0x50000, s16  }
0x7: {  	s4 =	sadd.s32 $0x1200, s0;
	s8 =	sadd.s32 $0x59600, s0;
	s16 =	smul.u32 $0x28000, s16  }
0x8: {  	_ =	strace $0x8000004A;
	s1 =	ssub.s32 $0x2, s13;
	[dreg:$0x3] =	wrdreg s8  }
0x9: {  	s5 =	sadd.s32 s5, s0;
	s6 =	sshrl.u32 s1, $0x1;
	s0 =	sadd.s32 $0x59E00, s0  }
0xa: {  	s14 =	sshrl.u32 s7, $0x2;
	s11 =	sadd.s32 $0x80, s9;
	s12 =	sadd.s32 $0x100, s9  }
0xb: {  	s1 =	ssub.s32 s1, s6;
	s6 =	sadd.s32 s14, s2;
	s15 =	sshll.u32 s11, $0x7  }
0xc: {  	s17 =	sshll.u32 s12, $0x7;
	s14 =	sadd.s32 $0x180, s9;
	s21 =	sshll.u32 s12, $0x8  }
0xd: {  	s7 =	sadd.s32 s15, s2;
	s8 =	sadd.s32 s17, s2;
	s10 =	sshll.u32 s14, $0x7  }
0xe: {  	s15 =	sadd.s32 $0x200, s9;
	s17 =	sshll.u32 s13, $0xA;
	s22 =	sshll.u32 s14, $0x8  }
0xf: {  	v0 =	vmov s13;
	s26 =	smax.u32 s1, $0x1;
	s1 =	simm.s32 $0x5;
	s13 =	simm.s32 $0x400  }
0x10: {  	s9 =	sadd.s32 s10, s2;
	s18 =	sshll.u32 s15, $0x7;
	s16 =	sor.u32 s17, s16  }
0x11: {  	s12 =	sor.u32 s17, s22;
	s23 =	sshll.u32 s15, $0x8;
	[dreg:$0xa] =	wrdreg s26  }
0x12: {  	s22 =	simm.s32 $0x14380;
	s26 =	simm.s32 $0x14100;
	s15 =	simm.s32 $0x0  }
0x13: {  	s10 =	sadd.s32 s18, s2;
	s18 =	sshll.u32 s11, $0x8;
	s11 =	sadd.s32 $0x4F400, s5  }
0x14: {  	s16 =	sshrl.u32 s16, $0x3;
	s5 =	sadd.s32 $0x4F420, s5;
	s12 =	sshrl.u32 s12, $0x3  }
0x15: {  	s14 =	sor.u32 s17, s23;
	s23 =	simm.s32 $0x18400;
	s18 =	sor.u32 s17, s18  }
0x16: {  	[dreg:$0x4] =	wrdreg s5;
	s19 =	sadd.s32 s0, s16;
	s24 =	sadd.s32 s0, s12  }
0x17: {  	s25 =	sshrl.u32 s14, $0x3;
	[dreg:$0x5] =	wrdreg s19;
	s20 =	sshrl.u32 s18, $0x3  }
0x18: {  	s12 =	simm.s32 $0x2;
	[dreg:$0x8] =	wrdreg s24;
	s5 =	sadd.s32 s0, s20  }
0x19: {  	s14 =	simm.s32 $0x800;
	[dreg:$0x6] =	wrdreg s5;
	s5 =	sor.u32 s17, s21  }
0x1a: {  	s19 =	simm.s32 $0x14400;
	s24 =	simm.s32 $0x14000;
	s5 =	sshrl.u32 s5, $0x3  }
0x1b: {  	s20 =	simm.s32 $0x7;
	s21 =	simm.s32 $0x80;
	s5 =	sadd.s32 s0, s5  }
0x1c: {  	s0 =	sadd.s32 s0, s25;
	s25 =	simm.s32 $0x14200;
	[dreg:$0x7] =	wrdreg s5  }
0x1d: {  	v1 =	vimm.s32 $0x2710;
	[dreg:$0x9] =	wrdreg s0;
	s0 =	simm.s32 $0x14300;
	s5 =	simm.s32 $0x3  }
.LBB2_1:
0x1e: {  	s16 =	rddreg [dreg:$0x3]  }
0x1f: {  	[tilespmem:s19], [sflag:$0x7] =	stream.linear.gather [hbm4b:s16+s3], $0x4000, $0x38;
	[tilespmem:$0x1C400] =	vst v63  }
0x20: {  	_ =	swait.ge [sflag:s20], $0x4000  }
0x21: {  	[sflag:s20] =	ssyncset.done $0x0  }
0x22: {  	[sflag:s20] =	ssyncadd.s32 $0xFFFFC000  }
0x23: {  	[spmem:s6] =	stream.linear.scatter [tilespmem:s19], [sflag:$0x7], $0x4000, $0x38;
	[tilespmem:$0x1C400] =	vst v63  }
0x24: {  	_ =	swait.ge [sflag:s20], $0x4000  }
0x25: {  	[sflag:s20] =	ssyncset.done $0x0  }
0x26: {  	[sflag:s20] =	ssyncadd.s32 $0xFFFFC000  }
0x27: {  	[spmem:s7] =	stream.linear.scatter [tilespmem:s19], [sflag:$0x7], $0x4000, $0x38;
	[tilespmem:$0x1C400] =	vst v63  }
0x28: {  	_ =	swait.ge [sflag:s20], $0x4000  }
0x29: {  	[sflag:s20] =	ssyncset.done $0x0  }
0x2a: {  	[sflag:s20] =	ssyncadd.s32 $0xFFFFC000  }
0x2b: {  	[spmem:s8] =	stream.linear.scatter [tilespmem:s19], [sflag:$0x7], $0x4000, $0x38;
	[tilespmem:$0x1C400] =	vst v63  }
0x2c: {  	_ =	swait.ge [sflag:s20], $0x4000  }
0x2d: {  	[sflag:s20] =	ssyncset.done $0x0  }
0x2e: {  	[sflag:s20] =	ssyncadd.s32 $0xFFFFC000  }
0x2f: {  	[spmem:s9] =	stream.linear.scatter [tilespmem:s19], [sflag:$0x7], $0x4000, $0x38;
	[tilespmem:$0x1C400] =	vst v63  }
0x30: {  	_ =	swait.ge [sflag:s20], $0x4000  }
0x31: {  	[sflag:s20] =	ssyncset.done $0x0  }
0x32: {  	[sflag:s20] =	ssyncadd.s32 $0xFFFFC000  }
0x33: {  	[spmem:s10] =	stream.linear.scatter [tilespmem:s19], [sflag:$0x7], $0x4000, $0x38;
	[tilespmem:$0x1C400] =	vst v63  }
0x34: {  	_ =	swait.ge [sflag:s20], $0x4000  }
0x35: {  	[sflag:s20] =	ssyncset.done $0x0  }
0x36: {  	[sflag:s20] =	ssyncadd.s32 $0xFFFFC000  }
0x37: {  	[bflag:$0x0] =	sbarrier.arrive $0xFFFF  }
0x38: {  	[tilespmem:$0x14380] =	vst v1  }
0x39: {  	[tilespmem:$0x14390] =	vst v1  }
0x3a: {  	[tilespmem:$0x143A0] =	vst v1  }
0x3b: {  	[tilespmem:$0x143B0] =	vst v1  }
0x3c: {  	[tilespmem:$0x143C0] =	vst v1  }
0x3d: {  	[tilespmem:$0x143D0] =	vst v1  }
0x3e: {  	[tilespmem:$0x143E0] =	vst v1  }
0x3f: {  	[tilespmem:$0x143F0] =	vst v1  }
0x40: {  	[spmem:s2] =	stream.indirect.scatter.add.f32 [tilespmem:s23], [sflag:$0x4], $0x80, s22, s21, $0xb8;
	[tilespmem:$0x1C400] =	vst v63  }
0x41: {  	_ = 	snop  }
0x42: {  	[tilespmem:s24], [sflag:$0x7] =	stream.linear.gather [hbm4b:s11+s3], $0x100, $0x38;
	[tilespmem:$0x1C400] =	vst v63  }
0x43: {  	_ =	swait.ge [sflag:s20], $0x100  }
0x44: {  	[sflag:s20] =	ssyncset.done $0x0  }
0x45: {  	[sflag:s20] =	ssyncadd.s32 $0xFFFFFF00  }
0x46: {  	v2 =	vld [tilespmem:$0x14000]  }
0x47: {  	v3 =	vld [tilespmem:$0x14010]  }
0x48: {  	v4 =	vld [tilespmem:$0x14020]  }
0x49: {  	v5 =	vld [tilespmem:$0x14030]  }
0x4a: {  	v6 =	vld [tilespmem:$0x14040]  }
0x4b: {  	v7 =	vld [tilespmem:$0x14050];
	v2 =	vshll.u32 v2, $0x1  }
0x4c: {  	v8 =	vld [tilespmem:$0x14060];
	v3 =	vshll.u32 v3, $0x1;
	v2 =	vor.u32 v0, v2  }
0x4d: {  	[tilespmem:$0x14200] =	vst v2;
	v2 =	vor.u32 v0, v3;
	v3 =	vshll.u32 v4, $0x1;
	v4 =	vld [tilespmem:$0x14070]  }
0x4e: {  	[tilespmem:$0x14210] =	vst v2;
	v2 =	vor.u32 v0, v3;
	v3 =	vshll.u32 v5, $0x1  }
0x4f: {  	v5 =	vld [tilespmem:$0x14080];
	[tilespmem:$0x14220] =	vst v2;
	v2 =	vor.u32 v0, v3;
	v3 =	vshll.u32 v6, $0x1  }
0x50: {  	[tilespmem:$0x14230] =	vst v2;
	v2 =	vor.u32 v0, v3;
	v3 =	vshll.u32 v7, $0x1  }
0x51: {  	v6 =	vld [tilespmem:$0x14090];
	[tilespmem:$0x14240] =	vst v2;
	v2 =	vor.u32 v0, v3;
	v3 =	vshll.u32 v8, $0x1  }
0x52: {  	[tilespmem:$0x14250] =	vst v2;
	v2 =	vor.u32 v0, v3;
	v3 =	vshll.u32 v4, $0x1;
	v4 =	vld [tilespmem:$0x140A0]  }
0x53: {  	[tilespmem:$0x14260] =	vst v2;
	v2 =	vor.u32 v0, v3;
	v3 =	vld [tilespmem:$0x140B0]  }
0x54: {  	[tilespmem:$0x14300] =	vst v5;
	v5 =	vld [tilespmem:$0x140D0]  }
0x55: {  	[tilespmem:$0x14270] =	vst v2;
	v2 =	vld [tilespmem:$0x140C0]  }
0x56: {  	[tilespmem:$0x14310] =	vst v6;
	v6 =	vld [tilespmem:$0x140E0]  }
0x57: {  	[tilespmem:$0x14320] =	vst v4;
	v4 =	vld [tilespmem:$0x140F0]  }
0x58: {  	[tilespmem:$0x14330] =	vst v3  }
0x59: {  	[tilespmem:$0x14350] =	vst v5  }
0x5a: {  	[tilespmem:$0x14340] =	vst v2  }
0x5b: {  	[tilespmem:$0x14360] =	vst v6  }
0x5c: {  	[tilespmem:$0x14370] =	vst v4  }
0x5d: {  	[tilespmem:s19], [sflag:$0x1] =	stream.indirect.gather [hbm4b:s4+s21], $0x80, s25, s21, $0xb8;
	[tilespmem:$0x1C400] =	vst v63  }
0x5e: {  	s17 =	rddreg [dreg:$0x4]  }
0x5f: {  	[tilespmem:s26], [sflag:$0x6] =	stream.linear.gather [hbm4b:s17+s3], $0x100, $0x38;
	[tilespmem:$0x1C400] =	vst v63  }
0x60: {  	_ =	swait.ge [sflag:s28], $0x100  }
0x61: {  	[sflag:s28] =	ssyncset.done $0x0  }
0x62: {  	[sflag:s28] =	ssyncadd.s32 $0xFFFFFF00  }
0x63: {  	v2 =	vld [tilespmem:$0x14170]  }
0x64: {  	v3 =	vld [tilespmem:$0x14160]  }
0x65: {  	v4 =	vld [tilespmem:$0x14130]  }
0x66: {  	v5 =	vld [tilespmem:$0x14120]  }
0x67: {  	v7 =	vld [tilespmem:$0x14110]  }
0x68: {  	v6 =	vld [tilespmem:$0x14140];
	v2 =	vshll.u32 v2, $0x1  }
0x69: {  	v8 =	vld [tilespmem:$0x14100];
	v3 =	vshll.u32 v3, $0x1;
	v2 =	vor.u32 v0, v2  }
0x6a: {  	v9 =	vld [tilespmem:$0x14150];
	v4 =	vshll.u32 v4, $0x1;
	v3 =	vor.u32 v0, v3;
	[tilespmem:$0x142F0] =	vst v2  }
0x6b: {  	v4 =	vor.u32 v0, v4;
	v2 =	vshll.u32 v5, $0x1;
	[tilespmem:$0x142E0] =	vst v3  }
0x6c: {  	[tilespmem:$0x142B0] =	vst v4;
	v4 =	vshll.u32 v7, $0x1;
	v2 =	vor.u32 v0, v2  }
0x6d: {  	v3 =	vshll.u32 v6, $0x1;
	v4 =	vor.u32 v0, v4;
	[tilespmem:$0x142A0] =	vst v2  }
0x6e: {  	v2 =	vor.u32 v0, v3;
	v3 =	vshll.u32 v8, $0x1;
	[tilespmem:$0x14290] =	vst v4  }
0x6f: {  	[tilespmem:$0x142C0] =	vst v2;
	v2 =	vor.u32 v0, v3;
	v3 =	vshll.u32 v9, $0x1  }
0x70: {  	[tilespmem:$0x14280] =	vst v2;
	v2 =	vor.u32 v0, v3  }
0x71: {  	[tilespmem:$0x142D0] =	vst v2  }
0x72: {  	_ =	swait.ge [sflag:s29], $0x4000  }
0x73: {  	[sflag:s29] =	ssyncset.done $0x0  }
0x74: {  	[sflag:s29] =	ssyncadd.s32 $0xFFFFC000  }
0x75: {  	v2 =	vld [tilespmem:$0x141F0]  }
0x76: {  	v3 =	vld [tilespmem:$0x141C0]  }
0x77: {  	v4 =	vld [tilespmem:$0x141E0]  }
0x78: {  	v5 =	vld [tilespmem:$0x141D0]  }
0x79: {  	v6 =	vld [tilespmem:$0x14180]  }
0x7a: {  	v7 =	vld [tilespmem:$0x141A0];
	[tilespmem:$0x143F0] =	vst v2  }
0x7b: {  	v2 =	vld [tilespmem:$0x14190];
	[tilespmem:$0x143C0] =	vst v3  }
0x7c: {  	v3 =	vld [tilespmem:$0x141B0];
	[tilespmem:$0x143E0] =	vst v4  }
0x7d: {  	[tilespmem:$0x143D0] =	vst v5  }
0x7e: {  	[tilespmem:$0x14380] =	vst v6  }
0x7f: {  	[tilespmem:$0x143A0] =	vst v7  }
0x80: {  	[tilespmem:$0x14390] =	vst v2  }
0x81: {  	s17 =	sadd.s32 $0xFFFFF600, s11;
	[tilespmem:$0x143B0] =	vst v3  }
0x82: {  	[tilespmem:s23], [sflag:$0x2] =	stream.indirect.gather [hbm4b:s4+s21], $0x80, s30, s21, $0xb8;
	[tilespmem:$0x1C400] =	vst v63  }
0x83: {  	s18 =	sadd.s32 $0xA40, s17  }
0x84: {  	[tilespmem:s24], [sflag:$0x5] =	stream.linear.gather [hbm4b:s18+s3], $0x100, $0x38;
	[tilespmem:$0x1C400] =	vst v63  }
0x85: {  	_ =	swait.ge [sflag:s31], $0x4000  }
0x86: {  	[sflag:s31] =	ssyncset.done $0x0  }
0x87: {  	[sflag:s31] =	ssyncadd.s32 $0xFFFFC000  }
0x88: {  	[spmem:s2] =	stream.indirect.scatter.add.f32 [tilespmem:s19], [sflag:$0x3], $0x80, s0, s21, $0xb8;
	[tilespmem:$0x1C400] =	vst v63  }
0x89: {  	_ =	swait.ge [sflag:s1], $0x100  }
0x8a: {  	[sflag:s1] =	ssyncset.done $0x0  }
0x8b: {  	[sflag:s1] =	ssyncadd.s32 $0xFFFFFF00  }
0x8c: {  	v6 =	vld [tilespmem:$0x14030]  }
0x8d: {  	v2 =	vld [tilespmem:$0x14020]  }
0x8e: {  	v7 =	vld [tilespmem:$0x14060]  }
0x8f: {  	v8 =	vld [tilespmem:$0x14010]  }
0x90: {  	v5 =	vld [tilespmem:$0x14040]  }
0x91: {  	v4 =	vld [tilespmem:$0x14000]  }
0x92: {  	v3 =	vld [tilespmem:$0x14050]  }
0x93: {  	v9 =	vshll.u32 v2, $0x1;
	v7 =	vshll.u32 v7, $0x1;
	v2 =	vld [tilespmem:$0x14070]  }
0x94: {  	s16 =	simm.s32 $0xFFFFF640;
	v8 =	vshll.u32 v8, $0x1;
	v6 =	vshll.u32 v6, $0x1;
	v9 =	vor.u32 v0, v9  }
.LBB2_2:
0x95: {  	p0 =	sne.s32 s16, $0xFFFFFFC0;
	v8 =	vor.u32 v0, v8;
	[tilespmem:$0x14220] =	vst v9;
	v5 =	vshll.u32 v5, $0x1;
	v7 =	vor.u32 v0, v7;
	s18 =	smov.u32 s16;
	s16 =	sadd.s32 $0x40, s16  }
0x96: {  	v6 =	vor.u32 v0, v6;
	v4 =	vshll.u32 v4, $0x1;
	v5 =	vor.u32 v0, v5;
	[tilespmem:$0x14260] =	vst v7  }
0x97: {  	v4 =	vor.u32 v0, v4;
	[tilespmem:$0x14210] =	vst v8;
	v3 =	vshll.u32 v3, $0x1  }
0x98: {  	[tilespmem:$0x14240] =	vst v5;
	v3 =	vor.u32 v0, v3;
	v2 =	vshll.u32 v2, $0x1  }
0x99: {  	[tilespmem:$0x14200] =	vst v4;
	v2 =	vor.u32 v0, v2  }
0x9a: {  	[tilespmem:$0x14250] =	vst v3  }
0x9b: {  	[tilespmem:$0x14230] =	vst v6  }
0x9c: {  	[tilespmem:$0x14270] =	vst v2  }
0x9d: {  	_ =	swait.ge [sflag:s5], $0x4000  }
0x9e: {  	[sflag:s5] =	ssyncset.done $0x0  }
0x9f: {  	[sflag:s5] =	ssyncadd.s32 $0xFFFFC000  }
0xa0: {  	v2 =	vld [tilespmem:$0x14080]  }
0xa1: {  	v3 =	vld [tilespmem:$0x140E0]  }
0xa2: {  	v4 =	vld [tilespmem:$0x140D0]  }
0xa3: {  	v5 =	vld [tilespmem:$0x140B0]  }
0xa4: {  	v6 =	vld [tilespmem:$0x14090]  }
0xa5: {  	[tilespmem:$0x14300] =	vst v2;
	v2 =	vld [tilespmem:$0x140C0]  }
0xa6: {  	[tilespmem:$0x14360] =	vst v3;
	v3 =	vld [tilespmem:$0x140F0]  }
0xa7: {  	v7 =	vld [tilespmem:$0x140A0];
	[tilespmem:$0x14350] =	vst v4  }
0xa8: {  	[tilespmem:$0x14330] =	vst v5  }
0xa9: {  	[tilespmem:$0x14310] =	vst v6  }
0xaa: {  	[tilespmem:$0x14340] =	vst v2  }
0xab: {  	[tilespmem:$0x14370] =	vst v3  }
0xac: {  	s17 =	sadd.s32 $0xA60, s17;
	[tilespmem:$0x14320] =	vst v7  }
0xad: {  	[tilespmem:s19], [sflag:$0x1] =	stream.indirect.gather [hbm4b:s4+s21], $0x80, s25, s21, $0xb8;
	[tilespmem:$0x1C400] =	vst v63  }
0xae: {  	_ = 	snop  }
0xaf: {  	[tilespmem:s26], [sflag:$0x6] =	stream.linear.gather [hbm4b:s17+s3], $0x100, $0x38;
	[tilespmem:$0x1C400] =	vst v63  }
0xb0: {  	_ =	swait.ge [sflag:s12], $0x4000  }
0xb1: {  	[sflag:s12] =	ssyncset.done $0x0  }
0xb2: {  	[sflag:s12] =	ssyncadd.s32 $0xFFFFC000  }
0xb3: {  	[spmem:s2] =	stream.indirect.scatter.add.f32 [tilespmem:s23], [sflag:$0x4], $0x80, s22, s21, $0xb8;
	[tilespmem:$0x1C400] =	vst v63  }
0xb4: {  	_ =	swait.ge [sflag:s28], $0x100  }
0xb5: {  	[sflag:s28] =	ssyncset.done $0x0  }
0xb6: {  	[sflag:s28] =	ssyncadd.s32 $0xFFFFFF00  }
0xb7: {  	v2 =	vld [tilespmem:$0x14170]  }
0xb8: {  	v3 =	vld [tilespmem:$0x14160]  }
0xb9: {  	v4 =	vld [tilespmem:$0x14130]  }
0xba: {  	v5 =	vld [tilespmem:$0x14120]  }
0xbb: {  	v6 =	vld [tilespmem:$0x14140]  }
0xbc: {  	v7 =	vld [tilespmem:$0x14110];
	v2 =	vshll.u32 v2, $0x1  }
0xbd: {  	v8 =	vld [tilespmem:$0x14100];
	v3 =	vshll.u32 v3, $0x1;
	v2 =	vor.u32 v0, v2  }
0xbe: {  	v4 =	vshll.u32 v4, $0x1;
	v9 =	vld [tilespmem:$0x14150];
	v3 =	vor.u32 v0, v3;
	[tilespmem:$0x142F0] =	vst v2  }
0xbf: {  	v2 =	vshll.u32 v5, $0x1;
	v4 =	vor.u32 v0, v4;
	[tilespmem:$0x142E0] =	vst v3  }
0xc0: {  	v2 =	vor.u32 v0, v2;
	[tilespmem:$0x142B0] =	vst v4;
	v3 =	vshll.u32 v6, $0x1  }
0xc1: {  	v4 =	vshll.u32 v7, $0x1;
	[tilespmem:$0x142A0] =	vst v2;
	v2 =	vor.u32 v0, v3  }
0xc2: {  	v3 =	vshll.u32 v8, $0x1;
	v4 =	vor.u32 v0, v4;
	[tilespmem:$0x142C0] =	vst v2  }
0xc3: {  	v2 =	vor.u32 v0, v3;
	[tilespmem:$0x14290] =	vst v4;
	v3 =	vshll.u32 v9, $0x1  }
0xc4: {  	[tilespmem:$0x14280] =	vst v2;
	v2 =	vor.u32 v0, v3  }
0xc5: {  	[tilespmem:$0x142D0] =	vst v2  }
0xc6: {  	_ =	swait.ge [sflag:s29], $0x4000  }
0xc7: {  	[sflag:s29] =	ssyncset.done $0x0  }
0xc8: {  	[sflag:s29] =	ssyncadd.s32 $0xFFFFC000  }
0xc9: {  	v2 =	vld [tilespmem:$0x141F0]  }
0xca: {  	v3 =	vld [tilespmem:$0x141C0]  }
0xcb: {  	v4 =	vld [tilespmem:$0x141E0]  }
0xcc: {  	v5 =	vld [tilespmem:$0x141D0]  }
0xcd: {  	v6 =	vld [tilespmem:$0x14180]  }
0xce: {  	v7 =	vld [tilespmem:$0x141A0];
	[tilespmem:$0x143F0] =	vst v2  }
0xcf: {  	v2 =	vld [tilespmem:$0x14190];
	[tilespmem:$0x143C0] =	vst v3  }
0xd0: {  	v3 =	vld [tilespmem:$0x141B0];
	[tilespmem:$0x143E0] =	vst v4  }
0xd1: {  	[tilespmem:$0x143D0] =	vst v5  }
0xd2: {  	[tilespmem:$0x14380] =	vst v6  }
0xd3: {  	[tilespmem:$0x143A0] =	vst v7  }
0xd4: {  	[tilespmem:$0x14390] =	vst v2  }
0xd5: {  	s17 =	sadd.s32 s18, s11;
	[tilespmem:$0x143B0] =	vst v3  }
0xd6: {  	[tilespmem:s23], [sflag:$0x2] =	stream.indirect.gather [hbm4b:s4+s21], $0x80, s30, s21, $0xb8;
	[tilespmem:$0x1C400] =	vst v63  }
0xd7: {  	s18 =	sadd.s32 $0xA40, s17  }
0xd8: {  	[tilespmem:s24], [sflag:$0x5] =	stream.linear.gather [hbm4b:s18+s3], $0x100, $0x38;
	[tilespmem:$0x1C400] =	vst v63  }
0xd9: {  	_ =	swait.ge [sflag:s31], $0x4000  }
0xda: {  	[sflag:s31] =	ssyncset.done $0x0  }
0xdb: {  	[sflag:s31] =	ssyncadd.s32 $0xFFFFC000  }
0xdc: {  	[spmem:s2] =	stream.indirect.scatter.add.f32 [tilespmem:s19], [sflag:$0x3], $0x80, s0, s21, $0xb8;
	[tilespmem:$0x1C400] =	vst v63  }
0xdd: {  	_ =	swait.ge [sflag:s1], $0x100  }
0xde: {  	[sflag:s1] =	ssyncset.done $0x0  }
0xdf: {  	[sflag:s1] =	ssyncadd.s32 $0xFFFFFF00  }
0xe0: {  	v6 =	vld [tilespmem:$0x14030]  }
0xe1: {  	v2 =	vld [tilespmem:$0x14020]  }
0xe2: {  	v7 =	vld [tilespmem:$0x14060]  }
0xe3: {  	v8 =	vld [tilespmem:$0x14010]  }
.Ltmp0:
0xe4: {  	v5 =	vld [tilespmem:$0x14040];
	(pc) =	sbr.rel @p0 .LBB2_2-.Ltmp0, $4  }
0xe5: {  	v4 =	vld [tilespmem:$0x14000]  }
0xe6: {  	v3 =	vld [tilespmem:$0x14050]  }
0xe7: {  	v9 =	vshll.u32 v2, $0x1;
	v7 =	vshll.u32 v7, $0x1;
	v2 =	vld [tilespmem:$0x14070]  }
0xe8: {  	v6 =	vshll.u32 v6, $0x1;
	v9 =	vor.u32 v0, v9;
	v8 =	vshll.u32 v8, $0x1  }
0xe9: {  	[tilespmem:$0x14220] =	vst v9;
	v7 =	vor.u32 v0, v7  }
0xea: {  	v8 =	vor.u32 v0, v8;
	[tilespmem:$0x14260] =	vst v7  }
0xeb: {  	v5 =	vshll.u32 v5, $0x1;
	v59 =	vor.u32 v0, v6;
	[tilespmem:$0x14210] =	vst v8  }
0xec: {  	v4 =	vshll.u32 v4, $0x1;
	v5 =	vor.u32 v0, v5;
	[tilespmem:$0x14230] =	vst v59  }
0xed: {  	v4 =	vor.u32 v0, v4;
	v3 =	vshll.u32 v3, $0x1;
	[tilespmem:$0x14240] =	vst v5  }
0xee: {  	v3 =	vor.u32 v0, v3;
	[tilespmem:$0x14200] =	vst v4;
	v2 =	vshll.u32 v2, $0x1  }
0xef: {  	[tilespmem:$0x14250] =	vst v3;
	v2 =	vor.u32 v0, v2  }
0xf0: {  	[tilespmem:$0x14270] =	vst v2  }
0xf1: {  	_ =	swait.ge [sflag:s5], $0x4000  }
0xf2: {  	[sflag:s5] =	ssyncset.done $0x0  }
0xf3: {  	[sflag:s5] =	ssyncadd.s32 $0xFFFFC000  }
0xf4: {  	v2 =	vld [tilespmem:$0x14080]  }
0xf5: {  	v3 =	vld [tilespmem:$0x140E0]  }
0xf6: {  	v60 =	vld [tilespmem:$0x140D0]  }
0xf7: {  	v61 =	vld [tilespmem:$0x140B0]  }
0xf8: {  	v62 =	vld [tilespmem:$0x14090]  }
0xf9: {  	v63 =	vld [tilespmem:$0x140A0];
	[tilespmem:$0x14300] =	vst v2  }
0xfa: {  	v2 =	vld [tilespmem:$0x140C0];
	[tilespmem:$0x14360] =	vst v3  }
0xfb: {  	v3 =	vld [tilespmem:$0x140F0];
	[tilespmem:$0x14350] =	vst v60  }
0xfc: {  	[tilespmem:$0x14330] =	vst v61  }
0xfd: {  	[tilespmem:$0x14310] =	vst v62  }
0xfe: {  	[tilespmem:$0x14320] =	vst v63  }
0xff: {  	[tilespmem:$0x14340] =	vst v2  }
0x100: {  	[tilespmem:$0x14370] =	vst v3  }
0x101: {  	[tilespmem:s19], [sflag:$0x1] =	stream.indirect.gather [hbm4b:s4+s21], $0x80, s25, s21, $0xb8;
	[tilespmem:$0x1C400] =	vst v63  }
0x102: {  	s16 =	sadd.s32 $0xA60, s17  }
0x103: {  	[tilespmem:s26], [sflag:$0x6] =	stream.linear.gather [hbm4b:s16+s3], $0x100, $0x38;
	[tilespmem:$0x1C400] =	vst v63  }
0x104: {  	_ =	swait.ge [sflag:s12], $0x4000  }
0x105: {  	[sflag:s12] =	ssyncset.done $0x0  }
0x106: {  	[sflag:s12] =	ssyncadd.s32 $0xFFFFC000  }
0x107: {  	[spmem:s2] =	stream.indirect.scatter.add.f32 [tilespmem:s23], [sflag:$0x4], $0x80, s22, s21, $0xb8;
	[tilespmem:$0x1C400] =	vst v63  }
0x108: {  	_ =	swait.ge [sflag:s29], $0x4000  }
0x109: {  	[sflag:s29] =	ssyncset.done $0x0  }
0x10a: {  	[sflag:s29] =	ssyncadd.s32 $0xFFFFC000  }
0x10b: {  	_ =	swait.ge [sflag:s31], $0x4000  }
0x10c: {  	[sflag:s31] =	ssyncset.done $0x0  }
0x10d: {  	[sflag:s31] =	ssyncadd.s32 $0xFFFFC000  }
0x10e: {  	_ =	swait.ge [sflag:s28], $0x100  }
0x10f: {  	[sflag:s28] =	ssyncset.done $0x0  }
0x110: {  	[sflag:s28] =	ssyncadd.s32 $0xFFFFFF00  }
0x111: {  	[bflag:$0x0] =	sbarrier.arrive $0xFFFF  }
0x112: {  	[tilespmem:s19], [sflag:$0x7] =	stream.linear.gather [spmem:s6], $0x4000, $0x38;
	[tilespmem:$0x1C400] =	vst v63  }
0x113: {  	_ =	swait.ge [sflag:s20], $0x4000  }
0x114: {  	[sflag:s20] =	ssyncset.done $0x0  }
0x115: {  	s17 =	rddreg [dreg:$0x5];
	[sflag:s20] =	ssyncadd.s32 $0xFFFFC000  }
0x116: {  	[hbm4b:s17+s13] =	stream.strided.scatter [tilespmem:s19], [sflag:$0x7], $0x4000, s14, s13, $0x38;
	[tilespmem:$0x1C400] =	vst v63  }
0x117: {  	_ =	swait.ge [sflag:s20], $0x4000  }
0x118: {  	[sflag:s20] =	ssyncset.done $0x0  }
0x119: {  	[sflag:s20] =	ssyncadd.s32 $0xFFFFC000  }
0x11a: {  	[tilespmem:s19], [sflag:$0x7] =	stream.linear.gather [spmem:s7], $0x4000, $0x38;
	[tilespmem:$0x1C400] =	vst v63  }
0x11b: {  	_ =	swait.ge [sflag:s20], $0x4000  }
0x11c: {  	[sflag:s20] =	ssyncset.done $0x0  }
0x11d: {  	s18 =	rddreg [dreg:$0x6];
	[sflag:s20] =	ssyncadd.s32 $0xFFFFC000  }
0x11e: {  	[hbm4b:s18+s13] =	stream.strided.scatter [tilespmem:s19], [sflag:$0x7], $0x4000, s14, s13, $0x38;
	[tilespmem:$0x1C400] =	vst v63  }
0x11f: {  	_ =	swait.ge [sflag:s20], $0x4000  }
0x120: {  	[sflag:s20] =	ssyncset.done $0x0  }
0x121: {  	[sflag:s20] =	ssyncadd.s32 $0xFFFFC000  }
0x122: {  	[tilespmem:s19], [sflag:$0x7] =	stream.linear.gather [spmem:s8], $0x4000, $0x38;
	[tilespmem:$0x1C400] =	vst v63  }
0x123: {  	_ =	swait.ge [sflag:s20], $0x4000  }
0x124: {  	[sflag:s20] =	ssyncset.done $0x0  }
0x125: {  	s17 =	rddreg [dreg:$0x7];
	[sflag:s20] =	ssyncadd.s32 $0xFFFFC000  }
0x126: {  	[hbm4b:s17+s13] =	stream.strided.scatter [tilespmem:s19], [sflag:$0x7], $0x4000, s14, s13, $0x38;
	[tilespmem:$0x1C400] =	vst v63  }
0x127: {  	_ =	swait.ge [sflag:s20], $0x4000  }
0x128: {  	[sflag:s20] =	ssyncset.done $0x0  }
0x129: {  	[sflag:s20] =	ssyncadd.s32 $0xFFFFC000  }
0x12a: {  	[tilespmem:s19], [sflag:$0x7] =	stream.linear.gather [spmem:s9], $0x4000, $0x38;
	[tilespmem:$0x1C400] =	vst v63  }
0x12b: {  	_ =	swait.ge [sflag:s20], $0x4000  }
0x12c: {  	[sflag:s20] =	ssyncset.done $0x0  }
0x12d: {  	s18 =	rddreg [dreg:$0x8];
	[sflag:s20] =	ssyncadd.s32 $0xFFFFC000  }
0x12e: {  	[hbm4b:s18+s13] =	stream.strided.scatter [tilespmem:s19], [sflag:$0x7], $0x4000, s14, s13, $0x38;
	[tilespmem:$0x1C400] =	vst v63  }
0x12f: {  	_ =	swait.ge [sflag:s20], $0x4000  }
0x130: {  	[sflag:s20] =	ssyncset.done $0x0  }
0x131: {  	[sflag:s20] =	ssyncadd.s32 $0xFFFFC000  }
0x132: {  	[tilespmem:s19], [sflag:$0x7] =	stream.linear.gather [spmem:s10], $0x4000, $0x38;
	[tilespmem:$0x1C400] =	vst v63  }
0x133: {  	_ =	swait.ge [sflag:s20], $0x4000  }
0x134: {  	[sflag:s20] =	ssyncset.done $0x0  }
0x135: {  	s17 =	rddreg [dreg:$0x9];
	[sflag:s20] =	ssyncadd.s32 $0xFFFFC000  }
0x136: {  	[hbm4b:s17+s13] =	stream.strided.scatter [tilespmem:s19], [sflag:$0x7], $0x4000, s14, s13, $0x38;
	[tilespmem:$0x1C400] =	vst v63  }
0x137: {  	_ =	swait.ge [sflag:s20], $0x4000  }
0x138: {  	s15 =	sadd.s32 $0x1, s15;
	s18 =	rddreg [dreg:$0xa]  }
0x139: {  	p0 =	sne.s32 s15, s18  }
.Ltmp1:
0x13a: {  	_ = 	snop;
	(pc) =	sbr.rel @p0 .LBB2_1-.Ltmp1, $3  }
0x13b: {  	_ =	sdelay $0x1  }
0x13c: {  	[sflag:s20] =	ssyncset.done $0x0  }
0x13d: {  	[sflag:s20] =	ssyncadd.s32 $0xFFFFC000  }
0x13e: {  	_ =	sfence.sel $0x180000  }
0x13f: {  	[bflag:$0x0] =	sbarrier.arrive $0xFFFF  }
0x140: {  	_ =	strace $0x9000004A  }
0x141: {  	s0 =	stileid.u32;
	[bflag:$0x2] =	sbarrier.arrive $0xFFFF  }
0x142: {  	p0 =	sne.s32 s0, $0x0;
	s0 =	rddreg [dreg:$0x2]  }
0x143: {  	s0 =	sadd.s32 @!p0 $0x100000, s0  }
0x144: {  	[sflag:s0] =	ssyncadd.tile.s32 @!p0 $0x1;
	_ =	shalt  }
.Lfunc_end2:
_tile_overlayer_lowered:
.L_overlay_start_2:
0x145: {  	(tag) =	ssettag $0x2  }
0x146: {  	s0 =	rddreg [dreg:$0x0];
	s2 =	stileid.u32  }
0x147: {  	s1 =	rddreg [dreg:$0x1];
	p0 =	sne.s32 s2, $0x0  }
0x148: {  	s3 =	rddreg [dreg:$0x2];
	[bflag:$0x3] =	sbarrier.arrive $0xFFFF;
	s2 =	simm.s32 @!p0 $0x1C07  }
0x149: {  	[timem:s3], [sflag:s2] =	dma.local @!p0 [hbm:s0], s1  }
0x14a: {  	s0 =	simm.s32 @!p0 $0x7  }
0x14b: {  	_ =	swait.ge @!p0 [sflag:s0], s1  }
0x14c: {  	s1 =	ssub.s32 @!p0 $0x0, s1;
	[sflag:s0] =	ssyncset.done @!p0 $0x0  }
0x14d: {  	[sflag:s0] =	ssyncadd.s32 @!p0 s1  }
0x14e: {  	[bflag:$0x3] =	sbarrier.arrive $0xFFFF  }
0x14f: {  	_ =	shalt  }

</sc_bundles>
